<compile_context>
chip_gen: v7x
topology: tpu7x:2x2x1
jax: 0.10.2.dev20260603
libtpu: 0.0.44.dev20260713+nightly
codegen_flags: <defaults>
</compile_context>

<pallas_src>
import functools
import jax
import jax.numpy as jnp
from jax import lax
from jax.experimental import pallas as pl
from jax.experimental.pallas import tpu as pltpu
from jax.experimental.pallas import tpu_sc as plsc

N = 20000
D = 256
NH = 16
DH = 16
DFF = 512
WIN = 12
GC = 64
KS = 13
PAD = KS // 2
B = 2
GH = 256
GW = 256
NUM_WIN = 1024
EPS = 1e-6

NP = 20480
T = 256
KVW = NH * DH * DH



def _ln(x, g, b):
    mu = jnp.mean(x, axis=-1, keepdims=True)
    var = jnp.mean((x - mu) ** 2, axis=-1, keepdims=True)
    return (x - mu) / jnp.sqrt(var + 1e-5) * g + b


def _gelu(x):
    return 0.5 * x * (1.0 + jax.lax.erf(x / jnp.sqrt(2.0).astype(x.dtype)))



def _qkv_kernel(pidx_ref, src_ref, pe_ref, wqkv_ref, bqkv_ref, r_ref,
                q_ref, k_ref, v_ref, kvp_ref):
    src = src_ref[...]
    pidx = pidx_ref[...]
    onehot = (pidx == jax.lax.broadcasted_iota(jnp.int32, (T, WIN * WIN), 1)
              ).astype(jnp.float32)
    h = src + jnp.dot(onehot, pe_ref[...], preferred_element_type=jnp.float32)
    qkv = jnp.dot(h, wqkv_ref[...], preferred_element_type=jnp.float32)
    qkv = qkv + bqkv_ref[...]
    q = qkv[:, :D]
    k = qkv[:, D:2 * D]
    v = qkv[:, 2 * D:]
    q = jnp.where(q > 0, q + 1.0, jnp.exp(q))
    k = jnp.where(k > 0, k + 1.0, jnp.exp(k))
    q_ref[...] = q
    k_ref[...] = k
    v_ref[...] = v
    krep = jnp.dot(k, r_ref[...], preferred_element_type=jnp.float32)
    vrep = jnp.concatenate([v] * DH, axis=1)
    kvp_ref[...] = krep * vrep


def _rep_matrix():
    col = jnp.arange(KVW)
    d = col // D
    rem = col % D
    h = rem // DH
    row = h * DH + d
    return (row[None, :] == jnp.arange(D)[:, None]).astype(jnp.float32)


def _den_matrix():
    i = jnp.arange(D)
    return ((i[:, None] // DH) == (i[None, :] // DH)).astype(jnp.float32)


def _run_qkv(pidx, src, pe_table, Wqkv, bqkv):
    nt = NP // T
    full = lambda i: (0, 0)
    row = lambda i: (i, 0)
    out_shapes = (
        jax.ShapeDtypeStruct((NP, D), jnp.float32),
        jax.ShapeDtypeStruct((NP, D), jnp.float32),
        jax.ShapeDtypeStruct((NP, D), jnp.float32),
        jax.ShapeDtypeStruct((NP, KVW), jnp.float32),
    )
    return pl.pallas_call(
        _qkv_kernel,
        grid=(nt,),
        in_specs=[
            pl.BlockSpec((T, 1), row),
            pl.BlockSpec((T, D), row),
            pl.BlockSpec((WIN * WIN, D), full),
            pl.BlockSpec((D, 3 * D), full),
            pl.BlockSpec((1, 3 * D), full),
            pl.BlockSpec((D, KVW), full),
        ],
        out_specs=(
            pl.BlockSpec((T, D), row),
            pl.BlockSpec((T, D), row),
            pl.BlockSpec((T, D), row),
            pl.BlockSpec((T, KVW), row),
        ),
        out_shape=out_shapes,
    )(pidx, src, pe_table, Wqkv, bqkv.reshape(1, 3 * D), _rep_matrix())



def _attn_ffn_kernel(q_ref, kvg_ref, ksg_ref, src_ref, r_ref, rden_ref,
                     wo_ref, bo_ref, ln0g_ref, ln0b_ref,
                     w1_ref, b1_ref, w2_ref, b2_ref, ln1g_ref, ln1b_ref,
                     x_ref, xc1_ref, xc2_ref):
    q = q_ref[...]
    ksg = ksg_ref[...]
    qrep = jnp.dot(q, r_ref[...], preferred_element_type=jnp.float32)
    p = qrep * kvg_ref[...]
    num = jnp.zeros((T, D), jnp.float32)
    for d in range(DH):
        num = num + p[:, d * D:(d + 1) * D]
    den = jnp.dot(q * ksg, rden_ref[...],
                  preferred_element_type=jnp.float32) + EPS
    o = num / den
    attn = jnp.dot(o, wo_ref[...], preferred_element_type=jnp.float32)
    attn = attn + bo_ref[...]
    x = _ln(src_ref[...] + attn, ln0g_ref[...], ln0b_ref[...])
    ffn = _gelu(jnp.dot(x, w1_ref[...], preferred_element_type=jnp.float32)
                + b1_ref[...])
    ffn = jnp.dot(ffn, w2_ref[...], preferred_element_type=jnp.float32)
    ffn = ffn + b2_ref[...]
    xo = _ln(x + ffn, ln1g_ref[...], ln1b_ref[...])
    x_ref[...] = xo
    xc1_ref[...] = xo[:, D - 3 * GC: D - GC]
    xc2_ref[...] = jnp.concatenate(
        [xo[:, D - GC:], jnp.zeros((T, GC), jnp.float32)], axis=1)


def _run_attn_ffn(q, kvg, ksg, src, Wo, bo, ln0_g, ln0_b, W1, b1, W2, b2,
                  ln1_g, ln1_b):
    nt = NP // T
    full = lambda i: (0, 0)
    row = lambda i: (i, 0)
    return pl.pallas_call(
        _attn_ffn_kernel,
        grid=(nt,),
        in_specs=[
            pl.BlockSpec((T, D), row),
            pl.BlockSpec((T, KVW), row),
            pl.BlockSpec((T, D), row),
            pl.BlockSpec((T, D), row),
            pl.BlockSpec((D, KVW), full),
            pl.BlockSpec((D, D), full),
            pl.BlockSpec((D, D), full),
            pl.BlockSpec((1, D), full),
            pl.BlockSpec((1, D), full),
            pl.BlockSpec((1, D), full),
            pl.BlockSpec((D, DFF), full),
            pl.BlockSpec((1, DFF), full),
            pl.BlockSpec((DFF, D), full),
            pl.BlockSpec((1, D), full),
            pl.BlockSpec((1, D), full),
            pl.BlockSpec((1, D), full),
        ],
        out_specs=(pl.BlockSpec((T, D), row), pl.BlockSpec((T, CP), row),
                   pl.BlockSpec((T, CP), row)),
        out_shape=(jax.ShapeDtypeStruct((NP, D), jnp.float32),
                   jax.ShapeDtypeStruct((NP, CP), jnp.float32),
                   jax.ShapeDtypeStruct((NP, CP), jnp.float32)),
    )(q, kvg, ksg, src, _rep_matrix(), _den_matrix(),
      Wo, bo.reshape(1, D), ln0_g.reshape(1, D), ln0_b.reshape(1, D),
      W1, b1.reshape(1, DFF), W2, b2.reshape(1, D),
      ln1_g.reshape(1, D), ln1_b.reshape(1, D))



NG = B * GH * GW
CP = 128
LWP = GW * CP
HT3 = 8
NHT3 = GH // HT3
HAL = PAD

SC_W1 = 16
SCH = 10
SCL = 128
ZR = 64
NZ = NG // SC_W1 // ZR
GCH = 5
GCL = 128

TAPS1 = sorted({(dy, dx) for dy in (-1, 0, 1) for dx in (-1, 0, 1)}
               | {(0, dx) for dx in range(-PAD, PAD + 1)})
TAPS2 = [(dy, 0) for dy in range(-PAD, PAD + 1)]


def _tap_weights(w_hw, w_w, w_h):
    z64 = jnp.zeros((GC,), jnp.float32)
    seg1 = {k: [z64, z64] for k in TAPS1}
    whw = w_hw.reshape(3, 3, GC)
    for iy in range(3):
        for ix in range(3):
            seg1[(iy - 1, ix - 1)][0] = whw[iy, ix]
    ww = w_w.reshape(KS, GC)
    for ix in range(KS):
        seg1[(0, ix - PAD)][1] = ww[ix]
    wh = w_h.reshape(KS, GC)
    w1 = jnp.stack([jnp.concatenate(seg1[k]) for k in TAPS1])
    w2 = jnp.stack([jnp.concatenate([wh[i], z64]) for i in range(KS)])
    return jnp.tile(w1, (1, GW)), jnp.tile(w2, (1, GW))


def _shift_lanes(x, s):
    if s == 0:
        return x
    c = abs(s) * CP
    rows = x.shape[0]
    z = jnp.zeros((rows, c), jnp.float32)
    if s > 0:
        return jnp.concatenate([z, x[:, :-c]], axis=1)
    return jnp.concatenate([x[:, c:], z], axis=1)


def _conv_pack_kernel(taps, prev_ref, cur_ref, next_ref, w_ref, b_ref,
                      out_ref):
    t = pl.program_id(1)
    x = cur_ref[0]
    top = jnp.where(t == 0, 0.0, prev_ref[0, HT3 - HAL:, :])
    bot = jnp.where(t == NHT3 - 1, 0.0, next_ref[0, :HAL, :])
    xe = jnp.concatenate([top, x, bot], axis=0)
    acc = jnp.broadcast_to(b_ref[...], (HT3, LWP))
    for i, (dy, dx) in enumerate(taps):
        sh = _shift_lanes(xe[HAL + dy:HAL + dy + HT3, :], -dx)
        acc = acc + sh * w_ref[i, :]
    out_ref[0] = acc


def _run_conv_pack(grid_arr, taps, w_tiled, b_tiled):
    kern = functools.partial(_conv_pack_kernel, taps)
    nt = len(taps)
    full = lambda b, t: (0, 0)
    row = lambda b, t: (b, t, 0)
    prev = lambda b, t: (b, jnp.maximum(t - 1, 0), 0)
    nxt = lambda b, t: (b, jnp.minimum(t + 1, NHT3 - 1), 0)
    return pl.pallas_call(
        kern,
        grid=(B, NHT3),
        in_specs=[
            pl.BlockSpec((1, HT3, LWP), prev),
            pl.BlockSpec((1, HT3, LWP), row),
            pl.BlockSpec((1, HT3, LWP), nxt),
            pl.BlockSpec((nt, LWP), full),
            pl.BlockSpec((1, LWP), full),
        ],
        out_specs=pl.BlockSpec((1, HT3, LWP), row),
        out_shape=jax.ShapeDtypeStruct((B, GH, LWP), jnp.float32),
    )(grid_arr, grid_arr, grid_arr, w_tiled, b_tiled)



def _sc_scatter_pack(x1, x2, sidx):
    mesh = plsc.VectorSubcoreMesh(core_axis_name="c", subcore_axis_name="s",
                                  num_cores=1)

    def body(x1_ref, x2_ref, sidx_ref, g1_ref, g2_ref, zbuf, vidx, dbuf):
        w = lax.axis_index("s")

        def zfill(r, carry):
            for c in range(CP // 16):
                zbuf[r, pl.ds(c * 16, 16)] = jnp.zeros((16,), jnp.float32)
            return carry
        lax.fori_loop(0, ZR, zfill, 0)

        def zcopy(i, carry):
            dst = w * (NG // SC_W1) + i * ZR
            pltpu.sync_copy(zbuf, g1_ref.at[pl.ds(dst, ZR)])
            pltpu.sync_copy(zbuf, g2_ref.at[pl.ds(dst, ZR)])
            return carry
        lax.fori_loop(0, NZ, zcopy, 0)

        plsc.subcore_barrier()

        pltpu.sync_copy(sidx_ref.at[w], vidx)

        def schunk(c, carry):
            base = w * (SCH * SCL) + c * SCL
            pltpu.sync_copy(x1_ref.at[pl.ds(base, SCL)], dbuf)
            pltpu.sync_copy(dbuf, g1_ref.at[vidx.at[c]])
            pltpu.sync_copy(x2_ref.at[pl.ds(base, SCL)], dbuf)
            pltpu.sync_copy(dbuf, g2_ref.at[vidx.at[c]])
            return carry
        lax.fori_loop(0, SCH, schunk, 0)

    f = pl.kernel(body,
                  out_type=[jax.ShapeDtypeStruct((NG, CP), jnp.float32)] * 2,
                  mesh=mesh,
                  scratch_types=[
                      pltpu.VMEM((ZR, CP), jnp.float32),
                      pltpu.VMEM((SCH, SCL), jnp.int32),
                      pltpu.VMEM((SCL, CP), jnp.float32),
                  ])
    return f(x1, x2, sidx)


def _sc_gather_pack(d1, d2, gidx):
    mesh = plsc.VectorSubcoreMesh(core_axis_name="c", subcore_axis_name="s")

    def body(d1_ref, d2_ref, gidx_ref, o1_ref, o2_ref, vidx, rows, sem):
        w = lax.axis_index("s") * 2 + lax.axis_index("c")
        pltpu.sync_copy(gidx_ref.at[w], vidx)
        for dref, oref in ((d1_ref, o1_ref), (d2_ref, o2_ref)):
            for j in range(GCH):
                pltpu.async_copy(dref.at[vidx.at[j]], rows, sem).wait()
                pltpu.sync_copy(rows, oref.at[w, j])

    f = pl.kernel(body,
                  out_type=[jax.ShapeDtypeStruct((32, GCH, GCL, CP),
                                                 jnp.float32)] * 2,
                  mesh=mesh,
                  scratch_types=[
                      pltpu.VMEM((GCH, GCL), jnp.int32),
                      pltpu.VMEM((GCL, CP), jnp.float32),
                      pltpu.SemaphoreType.DMA,
                  ])
    o1, o2 = f(d1, d2, gidx)
    return o1.reshape(NP, CP), o2.reshape(NP, CP)



KGH = 40
KGL = 16


def _sc_gather_kv(kv_seg, ks_seg, sidx3):
    mesh = plsc.VectorSubcoreMesh(core_axis_name="c", subcore_axis_name="s")

    def body(kv_ref, ks_ref, sidx_ref, okv_ref, oks_ref, cidx, buf, kbuf,
             sem):
        w = lax.axis_index("s") * 2 + lax.axis_index("c")

        def chunk(c, carry):
            pltpu.sync_copy(sidx_ref.at[w, c], cidx)
            pltpu.async_copy(kv_ref.at[cidx], buf, sem).wait()
            pltpu.sync_copy(buf, okv_ref.at[w, c])
            pltpu.async_copy(ks_ref.at[cidx], kbuf, sem).wait()
            pltpu.sync_copy(kbuf, oks_ref.at[w, c])
            return carry
        lax.fori_loop(0, KGH, chunk, 0)

    f = pl.kernel(
        body,
        out_type=[jax.ShapeDtypeStruct((32, KGH, KGL, KVW), jnp.float32),
                  jax.ShapeDtypeStruct((32, KGH, KGL, D), jnp.float32)],
        mesh=mesh,
        scratch_types=[
            pltpu.VMEM((KGL,), jnp.int32),
            pltpu.VMEM((KGL, KVW), jnp.float32),
            pltpu.VMEM((KGL, D), jnp.float32),
            pltpu.SemaphoreType.DMA,
        ])
    okv, oks = f(kv_seg, ks_seg, sidx3)
    return okv.reshape(NP, KVW), oks.reshape(NP, D)



def _final_kernel(x_ref, g1_ref, g2_ref,
                  lncg_ref, lncb_ref, cw1_ref, cb1_ref, cw2_ref, cb2_ref,
                  ln2g_ref, ln2b_ref, out_ref):
    x = x_ref[...]
    cat = jnp.concatenate(
        [x[:, :D - 3 * GC], g1_ref[...], g2_ref[...][:, :GC]], axis=1)
    z = _ln(cat, lncg_ref[...], lncb_ref[...])
    f = _gelu(jnp.dot(z, cw1_ref[...], preferred_element_type=jnp.float32)
              + cb1_ref[...])
    f = jnp.dot(f, cw2_ref[...], preferred_element_type=jnp.float32)
    f = f + cb2_ref[...]
    out_ref[...] = _ln(x + f, ln2g_ref[...], ln2b_ref[...])


def _run_final(x, g1, g2, lnc_g, lnc_b, cW1, cb1, cW2, cb2, ln2_g, ln2_b):
    nt = NP // T
    full = lambda i: (0, 0)
    row = lambda i: (i, 0)
    return pl.pallas_call(
        _final_kernel,
        grid=(nt,),
        in_specs=[
            pl.BlockSpec((T, D), row),
            pl.BlockSpec((T, CP), row),
            pl.BlockSpec((T, CP), row),
            pl.BlockSpec((1, D), full),
            pl.BlockSpec((1, D), full),
            pl.BlockSpec((D, DFF), full),
            pl.BlockSpec((1, DFF), full),
            pl.BlockSpec((DFF, D), full),
            pl.BlockSpec((1, D), full),
            pl.BlockSpec((1, D), full),
            pl.BlockSpec((1, D), full),
        ],
        out_specs=pl.BlockSpec((T, D), row),
        out_shape=jax.ShapeDtypeStruct((NP, D), jnp.float32),
    )(x, g1, g2,
      lnc_g.reshape(1, D), lnc_b.reshape(1, D), cW1, cb1.reshape(1, DFF),
      cW2, cb2.reshape(1, D), ln2_g.reshape(1, D), ln2_b.reshape(1, D))



def kernel(src, pe_table, Wqkv, bqkv, Wo, bo, ln0_g, ln0_b, W1, b1, W2, b2,
           ln1_g, ln1_b, w_hw, b_hw, w_w, b_w, w_h, b_h, lnc_g, lnc_b,
           cW1, cb1, cW2, cb2, ln2_g, ln2_b, batch_win_inds, win_pos, coords):
    pad = NP - N
    pidx = (win_pos[:, 0] * WIN + win_pos[:, 1]).astype(jnp.int32)
    pidx = jnp.pad(pidx, (0, pad))[:, None]
    srcp = jnp.pad(src, ((0, pad), (0, 0)))
    seg = jnp.pad(batch_win_inds.astype(jnp.int32), (0, pad),
                  constant_values=NUM_WIN)

    q, k, v, kvp = _run_qkv(pidx, srcp, pe_table, Wqkv, bqkv)

    kv_seg = jax.ops.segment_sum(kvp, seg, num_segments=NUM_WIN)
    ks_seg = jax.ops.segment_sum(k, seg, num_segments=NUM_WIN)
    segc = jnp.minimum(seg, NUM_WIN - 1)
    sidx3 = segc.reshape(32, KGH, KGL)
    kvg, ksg = _sc_gather_kv(kv_seg, ks_seg, sidx3)

    x, xc1, xc2 = _run_attn_ffn(q, kvg, ksg, srcp, Wo, bo, ln0_g, ln0_b,
                                W1, b1, W2, b2, ln1_g, ln1_b)

    bi = coords[:, 0]
    yy = coords[:, 1]
    xx = coords[:, 2]
    flat = (bi * (GH * GW) + yy * GW + xx).astype(jnp.int32)
    flat_e = jnp.pad(flat, (0, pad), mode='edge')
    sidx = flat_e.reshape(SC_W1, SCH, SCL)
    gidx = jnp.pad(flat, (0, pad)).reshape(32, GCH, GCL)
    xc1_e = jnp.pad(xc1[:N], ((0, pad), (0, 0)), mode='edge')
    xc2_e = jnp.pad(xc2[:N], ((0, pad), (0, 0)), mode='edge')

    w1t, w2t = _tap_weights(w_hw, w_w, w_h)
    z64 = jnp.zeros((GC,), jnp.float32)
    b1t = jnp.tile(jnp.concatenate([b_hw, b_w]), GW).reshape(1, LWP)
    b2t = jnp.tile(jnp.concatenate([b_h, z64]), GW).reshape(1, LWP)

    g1d, g2d = _sc_scatter_pack(xc1_e, xc2_e, sidx)
    d1 = _run_conv_pack(g1d.reshape(B, GH, LWP), TAPS1, w1t, b1t)
    d2 = _run_conv_pack(g2d.reshape(B, GH, LWP), TAPS2, w2t, b2t)
    g1, g2 = _sc_gather_pack(d1.reshape(NG, CP), d2.reshape(NG, CP), gidx)

    out = _run_final(x, g1, g2,
                     lnc_g, lnc_b, cW1, cb1, cW2, cb2, ln2_g, ln2_b)
    return out[:N]

# --- scband reference (transcript-rebuilt; emitter-appended) ---
"""Pipeline reference for scband-scatter-former-80049600463069 (READ-ONLY COPY).

The authoritative reference and input builder live on the scoring server;
editing this copy changes nothing except your own understanding.
"""

import jax, jax.numpy as jnp
import numpy as np

N = 20000
D = 256
NH = 16
DH = D // NH
DFF = 512
WIN = 12
GC = 64
KS = 13
PAD = KS // 2
B = 2
GH = 256
GW = 256
NUM_WIN = 1024
EPS = 1e-6

def layer_norm(x, g, b):
    mu = jnp.mean(x, axis=-1, keepdims=True)
    var = jnp.mean((x - mu) ** 2, axis=-1, keepdims=True)
    return (x - mu) / jnp.sqrt(var + 1e-5) * g + b

def depthwise_conv(x, w, bias, pad):
    out = jax.lax.conv_general_dilated(x, w, window_strides=(1, 1), padding=((pad[0], pad[0]), (pad[1], pad[1])), dimension_numbers=('NHWC', 'HWIO', 'NHWC'), feature_group_count=GC)
    return out + bias

def _forward(fs, seg, win_pos, coords):
    (src, pe_table, Wqkv, bqkv, Wo, bo, ln0_g, ln0_b, W1, b1, W2, b2, ln1_g, ln1_b, w_hw, b_hw, w_w, b_w, w_h, b_h, lnc_g, lnc_b, cW1, cb1, cW2, cb2, ln2_g, ln2_b) = fs
    pe = pe_table[win_pos[:, 0] * WIN + win_pos[:, 1]]
    h = src + pe
    qkv = h @ Wqkv + bqkv
    q, k, v = jnp.split(qkv, 3, axis=1)
    q = (jax.nn.elu(q) + 1.0).reshape(N, NH, DH)
    k = (jax.nn.elu(k) + 1.0).reshape(N, NH, DH)
    v = v.reshape(N, NH, DH)
    outs = []
    for hh in range(NH):
        kv_h = jax.ops.segment_sum(k[:, hh, :, None] * v[:, hh, None, :], seg, num_segments=NUM_WIN)
        ks_h = jax.ops.segment_sum(k[:, hh, :], seg, num_segments=NUM_WIN)
        num_h = jnp.einsum('nd,nde->ne', q[:, hh, :], kv_h[seg])
        den_h = jnp.einsum('nd,nd->n', q[:, hh, :], ks_h[seg]) + EPS
        outs.append(num_h / den_h[:, None])
    attn = jnp.concatenate(outs, axis=1) @ Wo + bo
    x = layer_norm(src + attn, ln0_g, ln0_b)
    ffn = jax.nn.gelu(x @ W1 + b1, approximate=False) @ W2 + b2
    x = layer_norm(x + ffn, ln1_g, ln1_b)
    x_id = x[:, : D - 3 * GC]
    x_hw = x[:, D - 3 * GC : D - 2 * GC]
    x_w = x[:, D - 2 * GC : D - GC]
    x_h = x[:, D - GC :]
    bi = coords[:, 0]
    yy = coords[:, 1]
    xx = coords[:, 2]
    def to_dense(feat):
        return jnp.zeros((B, GH, GW, GC), feat.dtype).at[bi, yy, xx].set(feat)
    d_hw = depthwise_conv(to_dense(x_hw), w_hw, b_hw, (1, 1))
    d_w = depthwise_conv(to_dense(x_w), w_w, b_w, (0, PAD))
    d_h = depthwise_conv(to_dense(x_h), w_h, b_h, (PAD, 0))
    flat = bi * GH * GW + yy * GW + xx
    g_hw = d_hw.reshape(-1, GC)[flat]
    g_w = d_w.reshape(-1, GC)[flat]
    g_h = d_h.reshape(-1, GC)[flat]
    cat = jnp.concatenate([x_id, g_hw, g_w, g_h], axis=1)
    z = layer_norm(cat, lnc_g, lnc_b)
    conv_out = jax.nn.gelu(z @ cW1 + cb1, approximate=False) @ cW2 + cb2
    return layer_norm(x + conv_out, ln2_g, ln2_b)

def setup_inputs(seed: int = 0):
    key = jax.random.key(seed)
    ks = [jax.random.fold_in(key, i) for i in range(16)]
    rng = np.random.default_rng(0)
    flat = rng.choice(B * GH * GW, size=N, replace=False)
    bi = flat // (GH * GW)
    yy = (flat % (GH * GW)) // GW
    xx = flat % GW
    s = 0.02
    inp = {}
    inp['src'] = jax.random.normal(ks[0], (N, D), jnp.float32)
    inp['pe_table'] = jax.random.normal(ks[1], (WIN * WIN, D)) * s
    inp['Wqkv'] = jax.random.normal(ks[2], (D, 3 * D)) * s
    inp['bqkv'] = jnp.zeros((3 * D,))
    inp['Wo'] = jax.random.normal(ks[3], (D, D)) * s
    inp['bo'] = jnp.zeros((D,))
    inp['ln0_g'] = jnp.ones((D,))
    inp['ln0_b'] = jnp.zeros((D,))
    inp['W1'] = jax.random.normal(ks[4], (D, DFF)) * s
    inp['b1'] = jnp.zeros((DFF,))
    inp['W2'] = jax.random.normal(ks[5], (DFF, D)) * s
    inp['b2'] = jnp.zeros((D,))
    inp['ln1_g'] = jnp.ones((D,))
    inp['ln1_b'] = jnp.zeros((D,))
    inp['w_hw'] = jax.random.normal(ks[6], (3, 3, 1, GC)) * 0.1
    inp['b_hw'] = jnp.zeros((GC,))
    inp['w_w'] = jax.random.normal(ks[7], (1, KS, 1, GC)) * 0.1
    inp['b_w'] = jnp.zeros((GC,))
    inp['w_h'] = jax.random.normal(ks[8], (KS, 1, 1, GC)) * 0.1
    inp['b_h'] = jnp.zeros((GC,))
    inp['lnc_g'] = jnp.ones((D,))
    inp['lnc_b'] = jnp.zeros((D,))
    inp['cW1'] = jax.random.normal(ks[9], (D, DFF)) * s
    inp['cb1'] = jnp.zeros((DFF,))
    inp['cW2'] = jax.random.normal(ks[10], (DFF, D)) * s
    inp['cb2'] = jnp.zeros((D,))
    inp['ln2_g'] = jnp.ones((D,))
    inp['ln2_b'] = jnp.zeros((D,))
    inp['batch_win_inds'] = jnp.sort(jax.random.randint(ks[11], (N,), 0, NUM_WIN))
    inp['win_pos'] = jax.random.randint(ks[12], (N, 2), 0, WIN)
    inp['coords'] = jnp.asarray(np.stack([bi, yy, xx], axis=1), dtype=jnp.int32)
    return inp

def reference(src, pe_table, Wqkv, bqkv, Wo, bo, ln0_g, ln0_b, W1, b1, W2, b2, ln1_g, ln1_b, w_hw, b_hw, w_w, b_w, w_h, b_h, lnc_g, lnc_b, cW1, cb1, cW2, cb2, ln2_g, ln2_b, batch_win_inds, win_pos, coords):
    fs = (src, pe_table, Wqkv, bqkv, Wo, bo, ln0_g, ln0_b, W1, b1, W2, b2, ln1_g, ln1_b, w_hw, b_hw, w_w, b_w, w_h, b_h, lnc_g, lnc_b, cW1, cb1, cW2, cb2, ln2_g, ln2_b)
    return _forward(fs, batch_win_inds, win_pos, coords)

if __name__ == "__main__":
    import jax
    _d = setup_inputs()
    print(jax.jit(kernel)(*tuple(_d.values())))

</pallas_src>

<mosaic_0001>
#map = affine_map<(d0, d1) -> (0, 0)>
#map1 = affine_map<(d0, d1) -> (0, 0, 0)>
module attributes {stable_mosaic.version = 14 : i64} {
  func.func @body(%arg0: i32, %arg1: i32, %arg2: memref<20480x128xf32, #tpu.memory_space<hbm>>, %arg3: memref<20480x128xf32, #tpu.memory_space<hbm>>, %arg4: memref<16x10x128xi32, #tpu.memory_space<hbm>>, %arg5: memref<131072x128xf32, #tpu.memory_space<hbm>>, %arg6: memref<131072x128xf32, #tpu.memory_space<hbm>>, %arg7: memref<64x128xf32, #tpu.memory_space<vmem>>, %arg8: memref<10x128xi32, #tpu.memory_space<vmem>>, %arg9: memref<128x128xf32, #tpu.memory_space<vmem>>) attributes {dimension_semantics = [#tpu.dimension_semantics<core_parallel>, #tpu.dimension_semantics<subcore_parallel>], iteration_bounds = array<i64: 1, 16>, scalar_prefetch = 0 : i64, scratch_operands = 3 : i64, tpu.core_type = #tpu.core_type<sc_vector_subcore>, window_params = [{transform_indices = #map}, {transform_indices = #map}, {transform_indices = #map1}, {transform_indices = #map}, {transform_indices = #map}]} {
    %scan3A = arith.constant 0 : i32
    %scan3A_0 = arith.constant 0 : i32
    %scan3A_1 = arith.constant 64 : i32
    %scan3A_2 = arith.addi %scan3A_0, %scan3A_1 : i32
    %scan3A_3 = arith.constant 1 : i32
    scf.for %scan3A_17 = %scan3A_0 to %scan3A_2 step %scan3A_3  : i32 {
      %broadcast_in_dim3A = arith.constant 0.000000e+00 : f32
      %broadcast_in_dim3A_18 = vector.broadcast %broadcast_in_dim3A : f32 to vector<16xf32>
      %swap3A = arith.index_cast %scan3A_17 : i32 to index
      %swap3A_19 = arith.constant 0 : index
      %swap3A_20 = tpu.vector_load %arg7[%swap3A, %swap3A_19] {strides = array<i32>} : memref<64x128xf32, #tpu.memory_space<vmem>>, vector<1x16xf32>,
      %swap3A_21 = vector.shape_cast %swap3A_20 : vector<1x16xf32> to vector<16xf32>
      %swap3A_22 = vector.shape_cast %broadcast_in_dim3A_18 : vector<16xf32> to vector<1x16xf32>
      tpu.vector_store %arg7[%swap3A, %swap3A_19], %swap3A_22 {strides = array<i32>} : memref<64x128xf32, #tpu.memory_space<vmem>>, vector<1x16xf32>,
      %broadcast_in_dim3A_23 = arith.constant 0.000000e+00 : f32
      %broadcast_in_dim3A_24 = vector.broadcast %broadcast_in_dim3A_23 : f32 to vector<16xf32>
      %swap3A_25 = arith.index_cast %scan3A_17 : i32 to index
      %swap3A_26 = arith.constant 16 : index
      %swap3A_27 = tpu.vector_load %arg7[%swap3A_25, %swap3A_26] {strides = array<i32>} : memref<64x128xf32, #tpu.memory_space<vmem>>, vector<1x16xf32>,
      %swap3A_28 = vector.shape_cast %swap3A_27 : vector<1x16xf32> to vector<16xf32>
      %swap3A_29 = vector.shape_cast %broadcast_in_dim3A_24 : vector<16xf32> to vector<1x16xf32>
      tpu.vector_store %arg7[%swap3A_25, %swap3A_26], %swap3A_29 {strides = array<i32>} : memref<64x128xf32, #tpu.memory_space<vmem>>, vector<1x16xf32>,
      %broadcast_in_dim3A_30 = arith.constant 0.000000e+00 : f32
      %broadcast_in_dim3A_31 = vector.broadcast %broadcast_in_dim3A_30 : f32 to vector<16xf32>
      %swap3A_32 = arith.index_cast %scan3A_17 : i32 to index
      %swap3A_33 = arith.constant 32 : index
      %swap3A_34 = tpu.vector_load %arg7[%swap3A_32, %swap3A_33] {strides = array<i32>} : memref<64x128xf32, #tpu.memory_space<vmem>>, vector<1x16xf32>,
      %swap3A_35 = vector.shape_cast %swap3A_34 : vector<1x16xf32> to vector<16xf32>
      %swap3A_36 = vector.shape_cast %broadcast_in_dim3A_31 : vector<16xf32> to vector<1x16xf32>
      tpu.vector_store %arg7[%swap3A_32, %swap3A_33], %swap3A_36 {strides = array<i32>} : memref<64x128xf32, #tpu.memory_space<vmem>>, vector<1x16xf32>,
      %broadcast_in_dim3A_37 = arith.constant 0.000000e+00 : f32
      %broadcast_in_dim3A_38 = vector.broadcast %broadcast_in_dim3A_37 : f32 to vector<16xf32>
      %swap3A_39 = arith.index_cast %scan3A_17 : i32 to index
      %swap3A_40 = arith.constant 48 : index
      %swap3A_41 = tpu.vector_load %arg7[%swap3A_39, %swap3A_40] {strides = array<i32>} : memref<64x128xf32, #tpu.memory_space<vmem>>, vector<1x16xf32>,
      %swap3A_42 = vector.shape_cast %swap3A_41 : vector<1x16xf32> to vector<16xf32>
      %swap3A_43 = vector.shape_cast %broadcast_in_dim3A_38 : vector<16xf32> to vector<1x16xf32>
      tpu.vector_store %arg7[%swap3A_39, %swap3A_40], %swap3A_43 {strides = array<i32>} : memref<64x128xf32, #tpu.memory_space<vmem>>, vector<1x16xf32>,
      %broadcast_in_dim3A_44 = arith.constant 0.000000e+00 : f32
      %broadcast_in_dim3A_45 = vector.broadcast %broadcast_in_dim3A_44 : f32 to vector<16xf32>
      %swap3A_46 = arith.index_cast %scan3A_17 : i32 to index
      %swap3A_47 = arith.constant 64 : index
      %swap3A_48 = tpu.vector_load %arg7[%swap3A_46, %swap3A_47] {strides = array<i32>} : memref<64x128xf32, #tpu.memory_space<vmem>>, vector<1x16xf32>,
      %swap3A_49 = vector.shape_cast %swap3A_48 : vector<1x16xf32> to vector<16xf32>
      %swap3A_50 = vector.shape_cast %broadcast_in_dim3A_45 : vector<16xf32> to vector<1x16xf32>
      tpu.vector_store %arg7[%swap3A_46, %swap3A_47], %swap3A_50 {strides = array<i32>} : memref<64x128xf32, #tpu.memory_space<vmem>>, vector<1x16xf32>,
      %broadcast_in_dim3A_51 = arith.constant 0.000000e+00 : f32
      %broadcast_in_dim3A_52 = vector.broadcast %broadcast_in_dim3A_51 : f32 to vector<16xf32>
      %swap3A_53 = arith.index_cast %scan3A_17 : i32 to index
      %swap3A_54 = arith.constant 80 : index
      %swap3A_55 = tpu.vector_load %arg7[%swap3A_53, %swap3A_54] {strides = array<i32>} : memref<64x128xf32, #tpu.memory_space<vmem>>, vector<1x16xf32>,
      %swap3A_56 = vector.shape_cast %swap3A_55 : vector<1x16xf32> to vector<16xf32>
      %swap3A_57 = vector.shape_cast %broadcast_in_dim3A_52 : vector<16xf32> to vector<1x16xf32>
      tpu.vector_store %arg7[%swap3A_53, %swap3A_54], %swap3A_57 {strides = array<i32>} : memref<64x128xf32, #tpu.memory_space<vmem>>, vector<1x16xf32>,
      %broadcast_in_dim3A_58 = arith.constant 0.000000e+00 : f32
      %broadcast_in_dim3A_59 = vector.broadcast %broadcast_in_dim3A_58 : f32 to vector<16xf32>
      %swap3A_60 = arith.index_cast %scan3A_17 : i32 to index
      %swap3A_61 = arith.constant 96 : index
      %swap3A_62 = tpu.vector_load %arg7[%swap3A_60, %swap3A_61] {strides = array<i32>} : memref<64x128xf32, #tpu.memory_space<vmem>>, vector<1x16xf32>,
      %swap3A_63 = vector.shape_cast %swap3A_62 : vector<1x16xf32> to vector<16xf32>
      %swap3A_64 = vector.shape_cast %broadcast_in_dim3A_59 : vector<16xf32> to vector<1x16xf32>
      tpu.vector_store %arg7[%swap3A_60, %swap3A_61], %swap3A_64 {strides = array<i32>} : memref<64x128xf32, #tpu.memory_space<vmem>>, vector<1x16xf32>,
      %broadcast_in_dim3A_65 = arith.constant 0.000000e+00 : f32
      %broadcast_in_dim3A_66 = vector.broadcast %broadcast_in_dim3A_65 : f32 to vector<16xf32>
      %swap3A_67 = arith.index_cast %scan3A_17 : i32 to index
      %swap3A_68 = arith.constant 112 : index
      %swap3A_69 = tpu.vector_load %arg7[%swap3A_67, %swap3A_68] {strides = array<i32>} : memref<64x128xf32, #tpu.memory_space<vmem>>, vector<1x16xf32>,
      %swap3A_70 = vector.shape_cast %swap3A_69 : vector<1x16xf32> to vector<16xf32>
      %swap3A_71 = vector.shape_cast %broadcast_in_dim3A_66 : vector<16xf32> to vector<1x16xf32>
      tpu.vector_store %arg7[%swap3A_67, %swap3A_68], %swap3A_71 {strides = array<i32>} : memref<64x128xf32, #tpu.memory_space<vmem>>, vector<1x16xf32>,
    }
    %scan3A_4 = arith.constant 64 : i32
    %scan3A_5 = arith.constant 0 : i32
    %scan3A_6 = arith.constant 0 : i32
    %scan3A_7 = arith.constant 128 : i32
    %scan3A_8 = arith.addi %scan3A_6, %scan3A_7 : i32
    %scan3A_9 = arith.constant 1 : i32
    scf.for %scan3A_17 = %scan3A_6 to %scan3A_8 step %scan3A_9  : i32 {
      %mul3A = arith.constant 8192 : i32
      %mul3A_18 = arith.muli %arg1, %mul3A : i32
      %mul3A_19 = arith.constant 64 : i32
      %mul3A_20 = arith.muli %scan3A_17, %mul3A_19 : i32
      %add3A = arith.addi %mul3A_18, %mul3A_20 : i32
      "tpu.region"() ({
        %run_scoped3A = tpu.sem_alloc : memref<!tpu.dma_semaphore, #tpu.memory_space<semaphore_mem>>
        %dma_start3A = arith.constant 0 : i32
        %dma_start3A_21 = tpu.memref_slice %arg5[%add3A, %dma_start3A] : memref<131072x128xf32, #tpu.memory_space<hbm>> -> memref<64x128xf32, #tpu.memory_space<hbm>>
        %dma_start3A_22 = arith.constant 0 : i32
        %dma_start3A_23 = tpu.memref_slice %arg5[%add3A, %dma_start3A_22] : memref<131072x128xf32, #tpu.memory_space<hbm>> -> memref<64x128xf32, #tpu.memory_space<hbm>>
        tpu.enqueue_dma source(%arg7 : memref<64x128xf32, #tpu.memory_space<vmem>>) target(%dma_start3A_23 : memref<64x128xf32, #tpu.memory_space<hbm>>) target_semaphore(%run_scoped3A : memref<!tpu.dma_semaphore, #tpu.memory_space<semaphore_mem>>)
        %dma_wait3A = arith.constant 0 : i32
        %dma_wait3A_24 = tpu.memref_slice %arg5[%add3A, %dma_wait3A] : memref<131072x128xf32, #tpu.memory_space<hbm>> -> memref<64x128xf32, #tpu.memory_space<hbm>>
        %dma_wait3A_25 = arith.constant 0 : i32
        %dma_wait3A_26 = tpu.memref_slice %arg5[%add3A, %dma_wait3A_25] : memref<131072x128xf32, #tpu.memory_space<hbm>> -> memref<64x128xf32, #tpu.memory_space<hbm>>
        tpu.wait_dma2 semaphore(%run_scoped3A : memref<!tpu.dma_semaphore, #tpu.memory_space<semaphore_mem>>) src(%arg7 : memref<64x128xf32, #tpu.memory_space<vmem>>) dst(%dma_wait3A_26 : memref<64x128xf32, #tpu.memory_space<hbm>>)
        tpu.yield
      }) : () -> ()
      "tpu.region"() ({
        %run_scoped3A = tpu.sem_alloc : memref<!tpu.dma_semaphore, #tpu.memory_space<semaphore_mem>>
        %dma_start3A = arith.constant 0 : i32
        %dma_start3A_21 = tpu.memref_slice %arg6[%add3A, %dma_start3A] : memref<131072x128xf32, #tpu.memory_space<hbm>> -> memref<64x128xf32, #tpu.memory_space<hbm>>
        %dma_start3A_22 = arith.constant 0 : i32
        %dma_start3A_23 = tpu.memref_slice %arg6[%add3A, %dma_start3A_22] : memref<131072x128xf32, #tpu.memory_space<hbm>> -> memref<64x128xf32, #tpu.memory_space<hbm>>
        tpu.enqueue_dma source(%arg7 : memref<64x128xf32, #tpu.memory_space<vmem>>) target(%dma_start3A_23 : memref<64x128xf32, #tpu.memory_space<hbm>>) target_semaphore(%run_scoped3A : memref<!tpu.dma_semaphore, #tpu.memory_space<semaphore_mem>>)
        %dma_wait3A = arith.constant 0 : i32
        %dma_wait3A_24 = tpu.memref_slice %arg6[%add3A, %dma_wait3A] : memref<131072x128xf32, #tpu.memory_space<hbm>> -> memref<64x128xf32, #tpu.memory_space<hbm>>
        %dma_wait3A_25 = arith.constant 0 : i32
        %dma_wait3A_26 = tpu.memref_slice %arg6[%add3A, %dma_wait3A_25] : memref<131072x128xf32, #tpu.memory_space<hbm>> -> memref<64x128xf32, #tpu.memory_space<hbm>>
        tpu.wait_dma2 semaphore(%run_scoped3A : memref<!tpu.dma_semaphore, #tpu.memory_space<semaphore_mem>>) src(%arg7 : memref<64x128xf32, #tpu.memory_space<vmem>>) dst(%dma_wait3A_26 : memref<64x128xf32, #tpu.memory_space<hbm>>)
        tpu.yield
      }) : () -> ()
    }
    %scan3A_10 = arith.constant 128 : i32
    %barrier3A = arith.constant 0 : index
    tpu.barrier barrier_id(%barrier3A)
    "tpu.region"() ({
      %run_scoped3A = tpu.sem_alloc : memref<!tpu.dma_semaphore, #tpu.memory_space<semaphore_mem>>
      %dma_start3A = arith.constant 0 : i32
      %dma_start3A_17 = arith.constant 0 : i32
      %dma_start3A_18 = tpu.memref_slice %arg4[%arg1, %dma_start3A, %dma_start3A_17] : memref<16x10x128xi32, #tpu.memory_space<hbm>> -> memref<1x10x128xi32, #tpu.memory_space<hbm>>
      %dma_start3A_19 = tpu.memref_squeeze %dma_start3A_18 : memref<1x10x128xi32, #tpu.memory_space<hbm>> -> memref<10x128xi32, #tpu.memory_space<hbm>>
      %dma_start3A_20 = arith.constant 0 : i32
      %dma_start3A_21 = arith.constant 0 : i32
      %dma_start3A_22 = tpu.memref_slice %arg4[%arg1, %dma_start3A_20, %dma_start3A_21] : memref<16x10x128xi32, #tpu.memory_space<hbm>> -> memref<1x10x128xi32, #tpu.memory_space<hbm>>
      %dma_start3A_23 = tpu.memref_squeeze %dma_start3A_22 : memref<1x10x128xi32, #tpu.memory_space<hbm>> -> memref<10x128xi32, #tpu.memory_space<hbm>>
      tpu.enqueue_dma source(%dma_start3A_23 : memref<10x128xi32, #tpu.memory_space<hbm>>) target(%arg8 : memref<10x128xi32, #tpu.memory_space<vmem>>) target_semaphore(%run_scoped3A : memref<!tpu.dma_semaphore, #tpu.memory_space<semaphore_mem>>)
      %dma_wait3A = arith.constant 0 : i32
      %dma_wait3A_24 = arith.constant 0 : i32
      %dma_wait3A_25 = tpu.memref_slice %arg4[%arg1, %dma_wait3A, %dma_wait3A_24] : memref<16x10x128xi32, #tpu.memory_space<hbm>> -> memref<1x10x128xi32, #tpu.memory_space<hbm>>
      %dma_wait3A_26 = tpu.memref_squeeze %dma_wait3A_25 : memref<1x10x128xi32, #tpu.memory_space<hbm>> -> memref<10x128xi32, #tpu.memory_space<hbm>>
      %dma_wait3A_27 = arith.constant 0 : i32
      %dma_wait3A_28 = arith.constant 0 : i32
      %dma_wait3A_29 = tpu.memref_slice %arg4[%arg1, %dma_wait3A_27, %dma_wait3A_28] : memref<16x10x128xi32, #tpu.memory_space<hbm>> -> memref<1x10x128xi32, #tpu.memory_space<hbm>>
      %dma_wait3A_30 = tpu.memref_squeeze %dma_wait3A_29 : memref<1x10x128xi32, #tpu.memory_space<hbm>> -> memref<10x128xi32, #tpu.memory_space<hbm>>
      tpu.wait_dma2 semaphore(%run_scoped3A : memref<!tpu.dma_semaphore, #tpu.memory_space<semaphore_mem>>) src(%dma_wait3A_30 : memref<10x128xi32, #tpu.memory_space<hbm>>) dst(%arg8 : memref<10x128xi32, #tpu.memory_space<vmem>>)
      tpu.yield
    }) : () -> ()
    %scan3A_11 = arith.constant 0 : i32
    %scan3A_12 = arith.constant 0 : i32
    %scan3A_13 = arith.constant 10 : i32
    %scan3A_14 = arith.addi %scan3A_12, %scan3A_13 : i32
    %scan3A_15 = arith.constant 1 : i32
    scf.for %scan3A_17 = %scan3A_12 to %scan3A_14 step %scan3A_15  : i32 {
      %mul3A = arith.constant 1280 : i32
      %mul3A_18 = arith.muli %arg1, %mul3A : i32
      %mul3A_19 = arith.constant 128 : i32
      %mul3A_20 = arith.muli %scan3A_17, %mul3A_19 : i32
      %add3A = arith.addi %mul3A_18, %mul3A_20 : i32
      "tpu.region"() ({
        %run_scoped3A = tpu.sem_alloc : memref<!tpu.dma_semaphore, #tpu.memory_space<semaphore_mem>>
        %dma_start3A = arith.constant 0 : i32
        %dma_start3A_21 = tpu.memref_slice %arg2[%add3A, %dma_start3A] : memref<20480x128xf32, #tpu.memory_space<hbm>> -> memref<128x128xf32, #tpu.memory_space<hbm>>
        %dma_start3A_22 = arith.constant 0 : i32
        %dma_start3A_23 = tpu.memref_slice %arg2[%add3A, %dma_start3A_22] : memref<20480x128xf32, #tpu.memory_space<hbm>> -> memref<128x128xf32, #tpu.memory_space<hbm>>
        tpu.enqueue_dma source(%dma_start3A_23 : memref<128x128xf32, #tpu.memory_space<hbm>>) target(%arg9 : memref<128x128xf32, #tpu.memory_space<vmem>>) target_semaphore(%run_scoped3A : memref<!tpu.dma_semaphore, #tpu.memory_space<semaphore_mem>>)
        %dma_wait3A = arith.constant 0 : i32
        %dma_wait3A_24 = tpu.memref_slice %arg2[%add3A, %dma_wait3A] : memref<20480x128xf32, #tpu.memory_space<hbm>> -> memref<128x128xf32, #tpu.memory_space<hbm>>
        %dma_wait3A_25 = arith.constant 0 : i32
        %dma_wait3A_26 = tpu.memref_slice %arg2[%add3A, %dma_wait3A_25] : memref<20480x128xf32, #tpu.memory_space<hbm>> -> memref<128x128xf32, #tpu.memory_space<hbm>>
        tpu.wait_dma2 semaphore(%run_scoped3A : memref<!tpu.dma_semaphore, #tpu.memory_space<semaphore_mem>>) src(%dma_wait3A_26 : memref<128x128xf32, #tpu.memory_space<hbm>>) dst(%arg9 : memref<128x128xf32, #tpu.memory_space<vmem>>)
        tpu.yield
      }) : () -> ()
      "tpu.region"() ({
        %run_scoped3A = tpu.sem_alloc : memref<!tpu.dma_semaphore, #tpu.memory_space<semaphore_mem>>
        %dma_start3A = arith.constant 0 : i32
        %dma_start3A_21 = tpu.memref_slice %arg8[%scan3A_17, %dma_start3A] : memref<10x128xi32, #tpu.memory_space<vmem>> -> memref<1x128xi32, #tpu.memory_space<vmem>>
        %dma_start3A_22 = tpu.memref_squeeze %dma_start3A_21 : memref<1x128xi32, #tpu.memory_space<vmem>> -> memref<128xi32, #tpu.memory_space<vmem>>
        %dma_start3A_23 = arith.constant 0 : i32
        %dma_start3A_24 = arith.constant 0 : i32
        %dma_start3A_25 = tpu.memref_slice %arg5[%dma_start3A_23, %dma_start3A_24] : memref<131072x128xf32, #tpu.memory_space<hbm>> -> memref<131072x128xf32, #tpu.memory_space<hbm>>
        tpu.enqueue_indirect_dma source(%arg9 : memref<128x128xf32, #tpu.memory_space<vmem>>) target(%dma_start3A_25 : memref<131072x128xf32, #tpu.memory_space<hbm>>) offsets(%dma_start3A_22 : memref<128xi32, #tpu.memory_space<vmem>>) semaphore(%run_scoped3A : memref<!tpu.dma_semaphore, #tpu.memory_space<semaphore_mem>>)
        %dma_wait3A = arith.constant 0 : i32
        %dma_wait3A_26 = tpu.memref_slice %arg8[%scan3A_17, %dma_wait3A] : memref<10x128xi32, #tpu.memory_space<vmem>> -> memref<1x128xi32, #tpu.memory_space<vmem>>
        %dma_wait3A_27 = tpu.memref_squeeze %dma_wait3A_26 : memref<1x128xi32, #tpu.memory_space<vmem>> -> memref<128xi32, #tpu.memory_space<vmem>>
        %dma_wait3A_28 = arith.constant 0 : i32
        %dma_wait3A_29 = arith.constant 0 : i32
        %dma_wait3A_30 = tpu.memref_slice %arg5[%dma_wait3A_28, %dma_wait3A_29] : memref<131072x128xf32, #tpu.memory_space<hbm>> -> memref<131072x128xf32, #tpu.memory_space<hbm>>
        tpu.wait_indirect_dma semaphore(%run_scoped3A : memref<!tpu.dma_semaphore, #tpu.memory_space<semaphore_mem>>) src(%arg9 : memref<128x128xf32, #tpu.memory_space<vmem>>) dst(%dma_wait3A_30 : memref<131072x128xf32, #tpu.memory_space<hbm>>)
        tpu.yield
      }) : () -> ()
      "tpu.region"() ({
        %run_scoped3A = tpu.sem_alloc : memref<!tpu.dma_semaphore, #tpu.memory_space<semaphore_mem>>
        %dma_start3A = arith.constant 0 : i32
        %dma_start3A_21 = tpu.memref_slice %arg3[%add3A, %dma_start3A] : memref<20480x128xf32, #tpu.memory_space<hbm>> -> memref<128x128xf32, #tpu.memory_space<hbm>>
        %dma_start3A_22 = arith.constant 0 : i32
        %dma_start3A_23 = tpu.memref_slice %arg3[%add3A, %dma_start3A_22] : memref<20480x128xf32, #tpu.memory_space<hbm>> -> memref<128x128xf32, #tpu.memory_space<hbm>>
        tpu.enqueue_dma source(%dma_start3A_23 : memref<128x128xf32, #tpu.memory_space<hbm>>) target(%arg9 : memref<128x128xf32, #tpu.memory_space<vmem>>) target_semaphore(%run_scoped3A : memref<!tpu.dma_semaphore, #tpu.memory_space<semaphore_mem>>)
        %dma_wait3A = arith.constant 0 : i32
        %dma_wait3A_24 = tpu.memref_slice %arg3[%add3A, %dma_wait3A] : memref<20480x128xf32, #tpu.memory_space<hbm>> -> memref<128x128xf32, #tpu.memory_space<hbm>>
        %dma_wait3A_25 = arith.constant 0 : i32
        %dma_wait3A_26 = tpu.memref_slice %arg3[%add3A, %dma_wait3A_25] : memref<20480x128xf32, #tpu.memory_space<hbm>> -> memref<128x128xf32, #tpu.memory_space<hbm>>
        tpu.wait_dma2 semaphore(%run_scoped3A : memref<!tpu.dma_semaphore, #tpu.memory_space<semaphore_mem>>) src(%dma_wait3A_26 : memref<128x128xf32, #tpu.memory_space<hbm>>) dst(%arg9 : memref<128x128xf32, #tpu.memory_space<vmem>>)
        tpu.yield
      }) : () -> ()
      "tpu.region"() ({
        %run_scoped3A = tpu.sem_alloc : memref<!tpu.dma_semaphore, #tpu.memory_space<semaphore_mem>>
        %dma_start3A = arith.constant 0 : i32
        %dma_start3A_21 = tpu.memref_slice %arg8[%scan3A_17, %dma_start3A] : memref<10x128xi32, #tpu.memory_space<vmem>> -> memref<1x128xi32, #tpu.memory_space<vmem>>
        %dma_start3A_22 = tpu.memref_squeeze %dma_start3A_21 : memref<1x128xi32, #tpu.memory_space<vmem>> -> memref<128xi32, #tpu.memory_space<vmem>>
        %dma_start3A_23 = arith.constant 0 : i32
        %dma_start3A_24 = arith.constant 0 : i32
        %dma_start3A_25 = tpu.memref_slice %arg6[%dma_start3A_23, %dma_start3A_24] : memref<131072x128xf32, #tpu.memory_space<hbm>> -> memref<131072x128xf32, #tpu.memory_space<hbm>>
        tpu.enqueue_indirect_dma source(%arg9 : memref<128x128xf32, #tpu.memory_space<vmem>>) target(%dma_start3A_25 : memref<131072x128xf32, #tpu.memory_space<hbm>>) offsets(%dma_start3A_22 : memref<128xi32, #tpu.memory_space<vmem>>) semaphore(%run_scoped3A : memref<!tpu.dma_semaphore, #tpu.memory_space<semaphore_mem>>)
        %dma_wait3A = arith.constant 0 : i32
        %dma_wait3A_26 = tpu.memref_slice %arg8[%scan3A_17, %dma_wait3A] : memref<10x128xi32, #tpu.memory_space<vmem>> -> memref<1x128xi32, #tpu.memory_space<vmem>>
        %dma_wait3A_27 = tpu.memref_squeeze %dma_wait3A_26 : memref<1x128xi32, #tpu.memory_space<vmem>> -> memref<128xi32, #tpu.memory_space<vmem>>
        %dma_wait3A_28 = arith.constant 0 : i32
        %dma_wait3A_29 = arith.constant 0 : i32
        %dma_wait3A_30 = tpu.memref_slice %arg6[%dma_wait3A_28, %dma_wait3A_29] : memref<131072x128xf32, #tpu.memory_space<hbm>> -> memref<131072x128xf32, #tpu.memory_space<hbm>>
        tpu.wait_indirect_dma semaphore(%run_scoped3A : memref<!tpu.dma_semaphore, #tpu.memory_space<semaphore_mem>>) src(%arg9 : memref<128x128xf32, #tpu.memory_space<vmem>>) dst(%dma_wait3A_30 : memref<131072x128xf32, #tpu.memory_space<hbm>>)
        tpu.yield
      }) : () -> ()
    }
    %scan3A_16 = arith.constant 10 : i32
    return
  }
}

#map = affine_map<(d0, d1) -> (0, 0)>
#map1 = affine_map<(d0, d1) -> (0, 0, 0)>
#map2 = affine_map<(d0, d1) -> (0, 0, 0, 0)>
module attributes {stable_mosaic.version = 14 : i64} {
  func.func @body(%arg0: i32, %arg1: i32, %arg2: memref<131072x128xf32, #tpu.memory_space<hbm>>, %arg3: memref<131072x128xf32, #tpu.memory_space<hbm>>, %arg4: memref<32x5x128xi32, #tpu.memory_space<hbm>>, %arg5: memref<32x5x128x128xf32, #tpu.memory_space<hbm>>, %arg6: memref<32x5x128x128xf32, #tpu.memory_space<hbm>>, %arg7: memref<5x128xi32, #tpu.memory_space<vmem>>, %arg8: memref<128x128xf32, #tpu.memory_space<vmem>>, %arg9: memref<!tpu.dma_semaphore, #tpu.memory_space<semaphore_mem>>) attributes {dimension_semantics = [#tpu.dimension_semantics<core_parallel>, #tpu.dimension_semantics<subcore_parallel>], iteration_bounds = array<i64: 2, 16>, scalar_prefetch = 0 : i64, scratch_operands = 3 : i64, tpu.core_type = #tpu.core_type<sc_vector_subcore>, window_params = [{transform_indices = #map}, {transform_indices = #map}, {transform_indices = #map1}, {transform_indices = #map2}, {transform_indices = #map2}]} {
    %mul3A = arith.constant 2 : i32
    %mul3A_0 = arith.muli %arg1, %mul3A : i32
    %add3A = arith.addi %mul3A_0, %arg0 : i32
    "tpu.region"() ({
      %run_scoped3A_148 = tpu.sem_alloc : memref<!tpu.dma_semaphore, #tpu.memory_space<semaphore_mem>>
      %dma_start3A_149 = arith.constant 0 : i32
      %dma_start3A_150 = arith.constant 0 : i32
      %dma_start3A_151 = tpu.memref_slice %arg4[%add3A, %dma_start3A_149, %dma_start3A_150] : memref<32x5x128xi32, #tpu.memory_space<hbm>> -> memref<1x5x128xi32, #tpu.memory_space<hbm>>
      %dma_start3A_152 = tpu.memref_squeeze %dma_start3A_151 : memref<1x5x128xi32, #tpu.memory_space<hbm>> -> memref<5x128xi32, #tpu.memory_space<hbm>>
      %dma_start3A_153 = arith.constant 0 : i32
      %dma_start3A_154 = arith.constant 0 : i32
      %dma_start3A_155 = tpu.memref_slice %arg4[%add3A, %dma_start3A_153, %dma_start3A_154] : memref<32x5x128xi32, #tpu.memory_space<hbm>> -> memref<1x5x128xi32, #tpu.memory_space<hbm>>
      %dma_start3A_156 = tpu.memref_squeeze %dma_start3A_155 : memref<1x5x128xi32, #tpu.memory_space<hbm>> -> memref<5x128xi32, #tpu.memory_space<hbm>>
      tpu.enqueue_dma source(%dma_start3A_156 : memref<5x128xi32, #tpu.memory_space<hbm>>) target(%arg7 : memref<5x128xi32, #tpu.memory_space<vmem>>) target_semaphore(%run_scoped3A_148 : memref<!tpu.dma_semaphore, #tpu.memory_space<semaphore_mem>>)
      %dma_wait3A_157 = arith.constant 0 : i32
      %dma_wait3A_158 = arith.constant 0 : i32
      %dma_wait3A_159 = tpu.memref_slice %arg4[%add3A, %dma_wait3A_157, %dma_wait3A_158] : memref<32x5x128xi32, #tpu.memory_space<hbm>> -> memref<1x5x128xi32, #tpu.memory_space<hbm>>
      %dma_wait3A_160 = tpu.memref_squeeze %dma_wait3A_159 : memref<1x5x128xi32, #tpu.memory_space<hbm>> -> memref<5x128xi32, #tpu.memory_space<hbm>>
      %dma_wait3A_161 = arith.constant 0 : i32
      %dma_wait3A_162 = arith.constant 0 : i32
      %dma_wait3A_163 = tpu.memref_slice %arg4[%add3A, %dma_wait3A_161, %dma_wait3A_162] : memref<32x5x128xi32, #tpu.memory_space<hbm>> -> memref<1x5x128xi32, #tpu.memory_space<hbm>>
      %dma_wait3A_164 = tpu.memref_squeeze %dma_wait3A_163 : memref<1x5x128xi32, #tpu.memory_space<hbm>> -> memref<5x128xi32, #tpu.memory_space<hbm>>
      tpu.wait_dma2 semaphore(%run_scoped3A_148 : memref<!tpu.dma_semaphore, #tpu.memory_space<semaphore_mem>>) src(%dma_wait3A_164 : memref<5x128xi32, #tpu.memory_space<hbm>>) dst(%arg7 : memref<5x128xi32, #tpu.memory_space<vmem>>)
      tpu.yield
    }) : () -> ()
    %dma_start3A = arith.constant 0 : i32
    %dma_start3A_1 = arith.constant 0 : i32
    %dma_start3A_2 = tpu.memref_slice %arg7[%dma_start3A, %dma_start3A_1] : memref<5x128xi32, #tpu.memory_space<vmem>> -> memref<1x128xi32, #tpu.memory_space<vmem>>
    %dma_start3A_3 = tpu.memref_squeeze %dma_start3A_2 : memref<1x128xi32, #tpu.memory_space<vmem>> -> memref<128xi32, #tpu.memory_space<vmem>>
    %dma_start3A_4 = arith.constant 0 : i32
    %dma_start3A_5 = arith.constant 0 : i32
    %dma_start3A_6 = tpu.memref_slice %arg2[%dma_start3A_4, %dma_start3A_5] : memref<131072x128xf32, #tpu.memory_space<hbm>> -> memref<131072x128xf32, #tpu.memory_space<hbm>>
    tpu.enqueue_indirect_dma source(%dma_start3A_6 : memref<131072x128xf32, #tpu.memory_space<hbm>>) target(%arg8 : memref<128x128xf32, #tpu.memory_space<vmem>>) offsets(%dma_start3A_3 : memref<128xi32, #tpu.memory_space<vmem>>) semaphore(%arg9 : memref<!tpu.dma_semaphore, #tpu.memory_space<semaphore_mem>>)
    %dma_wait3A = arith.constant 0 : i32
    %dma_wait3A_7 = arith.constant 0 : i32
    %dma_wait3A_8 = tpu.memref_slice %arg7[%dma_wait3A, %dma_wait3A_7] : memref<5x128xi32, #tpu.memory_space<vmem>> -> memref<1x128xi32, #tpu.memory_space<vmem>>
    %dma_wait3A_9 = tpu.memref_squeeze %dma_wait3A_8 : memref<1x128xi32, #tpu.memory_space<vmem>> -> memref<128xi32, #tpu.memory_space<vmem>>
    %dma_wait3A_10 = arith.constant 0 : i32
    %dma_wait3A_11 = arith.constant 0 : i32
    %dma_wait3A_12 = tpu.memref_slice %arg2[%dma_wait3A_10, %dma_wait3A_11] : memref<131072x128xf32, #tpu.memory_space<hbm>> -> memref<131072x128xf32, #tpu.memory_space<hbm>>
    tpu.wait_indirect_dma semaphore(%arg9 : memref<!tpu.dma_semaphore, #tpu.memory_space<semaphore_mem>>) src(%dma_wait3A_12 : memref<131072x128xf32, #tpu.memory_space<hbm>>) dst(%arg8 : memref<128x128xf32, #tpu.memory_space<vmem>>)
    %run_scoped3A = arith.constant 0 : i32
    "tpu.region"() ({
      %run_scoped3A_148 = tpu.sem_alloc : memref<!tpu.dma_semaphore, #tpu.memory_space<semaphore_mem>>
      %dma_start3A_149 = arith.constant 0 : i32
      %dma_start3A_150 = arith.constant 0 : i32
      %dma_start3A_151 = tpu.memref_slice %arg5[%add3A, %run_scoped3A, %dma_start3A_149, %dma_start3A_150] : memref<32x5x128x128xf32, #tpu.memory_space<hbm>> -> memref<1x1x128x128xf32, #tpu.memory_space<hbm>>
      %dma_start3A_152 = tpu.memref_squeeze %dma_start3A_151 : memref<1x1x128x128xf32, #tpu.memory_space<hbm>> -> memref<128x128xf32, #tpu.memory_space<hbm>>
      %dma_start3A_153 = arith.constant 0 : i32
      %dma_start3A_154 = arith.constant 0 : i32
      %dma_start3A_155 = tpu.memref_slice %arg5[%add3A, %run_scoped3A, %dma_start3A_153, %dma_start3A_154] : memref<32x5x128x128xf32, #tpu.memory_space<hbm>> -> memref<1x1x128x128xf32, #tpu.memory_space<hbm>>
      %dma_start3A_156 = tpu.memref_squeeze %dma_start3A_155 : memref<1x1x128x128xf32, #tpu.memory_space<hbm>> -> memref<128x128xf32, #tpu.memory_space<hbm>>
      tpu.enqueue_dma source(%arg8 : memref<128x128xf32, #tpu.memory_space<vmem>>) target(%dma_start3A_156 : memref<128x128xf32, #tpu.memory_space<hbm>>) target_semaphore(%run_scoped3A_148 : memref<!tpu.dma_semaphore, #tpu.memory_space<semaphore_mem>>)
      %dma_wait3A_157 = arith.constant 0 : i32
      %dma_wait3A_158 = arith.constant 0 : i32
      %dma_wait3A_159 = tpu.memref_slice %arg5[%add3A, %run_scoped3A, %dma_wait3A_157, %dma_wait3A_158] : memref<32x5x128x128xf32, #tpu.memory_space<hbm>> -> memref<1x1x128x128xf32, #tpu.memory_space<hbm>>
      %dma_wait3A_160 = tpu.memref_squeeze %dma_wait3A_159 : memref<1x1x128x128xf32, #tpu.memory_space<hbm>> -> memref<128x128xf32, #tpu.memory_space<hbm>>
      %dma_wait3A_161 = arith.constant 0 : i32
      %dma_wait3A_162 = arith.constant 0 : i32
      %dma_wait3A_163 = tpu.memref_slice %arg5[%add3A, %run_scoped3A, %dma_wait3A_161, %dma_wait3A_162] : memref<32x5x128x128xf32, #tpu.memory_space<hbm>> -> memref<1x1x128x128xf32, #tpu.memory_space<hbm>>
      %dma_wait3A_164 = tpu.memref_squeeze %dma_wait3A_163 : memref<1x1x128x128xf32, #tpu.memory_space<hbm>> -> memref<128x128xf32, #tpu.memory_space<hbm>>
      tpu.wait_dma2 semaphore(%run_scoped3A_148 : memref<!tpu.dma_semaphore, #tpu.memory_space<semaphore_mem>>) src(%arg8 : memref<128x128xf32, #tpu.memory_space<vmem>>) dst(%dma_wait3A_164 : memref<128x128xf32, #tpu.memory_space<hbm>>)
      tpu.yield
    }) : () -> ()
    %dma_start3A_13 = arith.constant 1 : i32
    %dma_start3A_14 = arith.constant 0 : i32
    %dma_start3A_15 = tpu.memref_slice %arg7[%dma_start3A_13, %dma_start3A_14] : memref<5x128xi32, #tpu.memory_space<vmem>> -> memref<1x128xi32, #tpu.memory_space<vmem>>
    %dma_start3A_16 = tpu.memref_squeeze %dma_start3A_15 : memref<1x128xi32, #tpu.memory_space<vmem>> -> memref<128xi32, #tpu.memory_space<vmem>>
    %dma_start3A_17 = arith.constant 0 : i32
    %dma_start3A_18 = arith.constant 0 : i32
    %dma_start3A_19 = tpu.memref_slice %arg2[%dma_start3A_17, %dma_start3A_18] : memref<131072x128xf32, #tpu.memory_space<hbm>> -> memref<131072x128xf32, #tpu.memory_space<hbm>>
    tpu.enqueue_indirect_dma source(%dma_start3A_19 : memref<131072x128xf32, #tpu.memory_space<hbm>>) target(%arg8 : memref<128x128xf32, #tpu.memory_space<vmem>>) offsets(%dma_start3A_16 : memref<128xi32, #tpu.memory_space<vmem>>) semaphore(%arg9 : memref<!tpu.dma_semaphore, #tpu.memory_space<semaphore_mem>>)
    %dma_wait3A_20 = arith.constant 1 : i32
    %dma_wait3A_21 = arith.constant 0 : i32
    %dma_wait3A_22 = tpu.memref_slice %arg7[%dma_wait3A_20, %dma_wait3A_21] : memref<5x128xi32, #tpu.memory_space<vmem>> -> memref<1x128xi32, #tpu.memory_space<vmem>>
    %dma_wait3A_23 = tpu.memref_squeeze %dma_wait3A_22 : memref<1x128xi32, #tpu.memory_space<vmem>> -> memref<128xi32, #tpu.memory_space<vmem>>
    %dma_wait3A_24 = arith.constant 0 : i32
    %dma_wait3A_25 = arith.constant 0 : i32
    %dma_wait3A_26 = tpu.memref_slice %arg2[%dma_wait3A_24, %dma_wait3A_25] : memref<131072x128xf32, #tpu.memory_space<hbm>> -> memref<131072x128xf32, #tpu.memory_space<hbm>>
    tpu.wait_indirect_dma semaphore(%arg9 : memref<!tpu.dma_semaphore, #tpu.memory_space<semaphore_mem>>) src(%dma_wait3A_26 : memref<131072x128xf32, #tpu.memory_space<hbm>>) dst(%arg8 : memref<128x128xf32, #tpu.memory_space<vmem>>)
    %run_scoped3A_27 = arith.constant 1 : i32
    "tpu.region"() ({
      %run_scoped3A_148 = tpu.sem_alloc : memref<!tpu.dma_semaphore, #tpu.memory_space<semaphore_mem>>
      %dma_start3A_149 = arith.constant 0 : i32
      %dma_start3A_150 = arith.constant 0 : i32
      %dma_start3A_151 = tpu.memref_slice %arg5[%add3A, %run_scoped3A_27, %dma_start3A_149, %dma_start3A_150] : memref<32x5x128x128xf32, #tpu.memory_space<hbm>> -> memref<1x1x128x128xf32, #tpu.memory_space<hbm>>
      %dma_start3A_152 = tpu.memref_squeeze %dma_start3A_151 : memref<1x1x128x128xf32, #tpu.memory_space<hbm>> -> memref<128x128xf32, #tpu.memory_space<hbm>>
      %dma_start3A_153 = arith.constant 0 : i32
      %dma_start3A_154 = arith.constant 0 : i32
      %dma_start3A_155 = tpu.memref_slice %arg5[%add3A, %run_scoped3A_27, %dma_start3A_153, %dma_start3A_154] : memref<32x5x128x128xf32, #tpu.memory_space<hbm>> -> memref<1x1x128x128xf32, #tpu.memory_space<hbm>>
      %dma_start3A_156 = tpu.memref_squeeze %dma_start3A_155 : memref<1x1x128x128xf32, #tpu.memory_space<hbm>> -> memref<128x128xf32, #tpu.memory_space<hbm>>
      tpu.enqueue_dma source(%arg8 : memref<128x128xf32, #tpu.memory_space<vmem>>) target(%dma_start3A_156 : memref<128x128xf32, #tpu.memory_space<hbm>>) target_semaphore(%run_scoped3A_148 : memref<!tpu.dma_semaphore, #tpu.memory_space<semaphore_mem>>)
      %dma_wait3A_157 = arith.constant 0 : i32
      %dma_wait3A_158 = arith.constant 0 : i32
      %dma_wait3A_159 = tpu.memref_slice %arg5[%add3A, %run_scoped3A_27, %dma_wait3A_157, %dma_wait3A_158] : memref<32x5x128x128xf32, #tpu.memory_space<hbm>> -> memref<1x1x128x128xf32, #tpu.memory_space<hbm>>
      %dma_wait3A_160 = tpu.memref_squeeze %dma_wait3A_159 : memref<1x1x128x128xf32, #tpu.memory_space<hbm>> -> memref<128x128xf32, #tpu.memory_space<hbm>>
      %dma_wait3A_161 = arith.constant 0 : i32
      %dma_wait3A_162 = arith.constant 0 : i32
      %dma_wait3A_163 = tpu.memref_slice %arg5[%add3A, %run_scoped3A_27, %dma_wait3A_161, %dma_wait3A_162] : memref<32x5x128x128xf32, #tpu.memory_space<hbm>> -> memref<1x1x128x128xf32, #tpu.memory_space<hbm>>
      %dma_wait3A_164 = tpu.memref_squeeze %dma_wait3A_163 : memref<1x1x128x128xf32, #tpu.memory_space<hbm>> -> memref<128x128xf32, #tpu.memory_space<hbm>>
      tpu.wait_dma2 semaphore(%run_scoped3A_148 : memref<!tpu.dma_semaphore, #tpu.memory_space<semaphore_mem>>) src(%arg8 : memref<128x128xf32, #tpu.memory_space<vmem>>) dst(%dma_wait3A_164 : memref<128x128xf32, #tpu.memory_space<hbm>>)
      tpu.yield
    }) : () -> ()
    %dma_start3A_28 = arith.constant 2 : i32
    %dma_start3A_29 = arith.constant 0 : i32
    %dma_start3A_30 = tpu.memref_slice %arg7[%dma_start3A_28, %dma_start3A_29] : memref<5x128xi32, #tpu.memory_space<vmem>> -> memref<1x128xi32, #tpu.memory_space<vmem>>
    %dma_start3A_31 = tpu.memref_squeeze %dma_start3A_30 : memref<1x128xi32, #tpu.memory_space<vmem>> -> memref<128xi32, #tpu.memory_space<vmem>>
    %dma_start3A_32 = arith.constant 0 : i32
    %dma_start3A_33 = arith.constant 0 : i32
    %dma_start3A_34 = tpu.memref_slice %arg2[%dma_start3A_32, %dma_start3A_33] : memref<131072x128xf32, #tpu.memory_space<hbm>> -> memref<131072x128xf32, #tpu.memory_space<hbm>>
    tpu.enqueue_indirect_dma source(%dma_start3A_34 : memref<131072x128xf32, #tpu.memory_space<hbm>>) target(%arg8 : memref<128x128xf32, #tpu.memory_space<vmem>>) offsets(%dma_start3A_31 : memref<128xi32, #tpu.memory_space<vmem>>) semaphore(%arg9 : memref<!tpu.dma_semaphore, #tpu.memory_space<semaphore_mem>>)
    %dma_wait3A_35 = arith.constant 2 : i32
    %dma_wait3A_36 = arith.constant 0 : i32
    %dma_wait3A_37 = tpu.memref_slice %arg7[%dma_wait3A_35, %dma_wait3A_36] : memref<5x128xi32, #tpu.memory_space<vmem>> -> memref<1x128xi32, #tpu.memory_space<vmem>>
    %dma_wait3A_38 = tpu.memref_squeeze %dma_wait3A_37 : memref<1x128xi32, #tpu.memory_space<vmem>> -> memref<128xi32, #tpu.memory_space<vmem>>
    %dma_wait3A_39 = arith.constant 0 : i32
    %dma_wait3A_40 = arith.constant 0 : i32
    %dma_wait3A_41 = tpu.memref_slice %arg2[%dma_wait3A_39, %dma_wait3A_40] : memref<131072x128xf32, #tpu.memory_space<hbm>> -> memref<131072x128xf32, #tpu.memory_space<hbm>>
    tpu.wait_indirect_dma semaphore(%arg9 : memref<!tpu.dma_semaphore, #tpu.memory_space<semaphore_mem>>) src(%dma_wait3A_41 : memref<131072x128xf32, #tpu.memory_space<hbm>>) dst(%arg8 : memref<128x128xf32, #tpu.memory_space<vmem>>)
    %run_scoped3A_42 = arith.constant 2 : i32
    "tpu.region"() ({
      %run_scoped3A_148 = tpu.sem_alloc : memref<!tpu.dma_semaphore, #tpu.memory_space<semaphore_mem>>
      %dma_start3A_149 = arith.constant 0 : i32
      %dma_start3A_150 = arith.constant 0 : i32
      %dma_start3A_151 = tpu.memref_slice %arg5[%add3A, %run_scoped3A_42, %dma_start3A_149, %dma_start3A_150] : memref<32x5x128x128xf32, #tpu.memory_space<hbm>> -> memref<1x1x128x128xf32, #tpu.memory_space<hbm>>
      %dma_start3A_152 = tpu.memref_squeeze %dma_start3A_151 : memref<1x1x128x128xf32, #tpu.memory_space<hbm>> -> memref<128x128xf32, #tpu.memory_space<hbm>>
      %dma_start3A_153 = arith.constant 0 : i32
      %dma_start3A_154 = arith.constant 0 : i32
      %dma_start3A_155 = tpu.memref_slice %arg5[%add3A, %run_scoped3A_42, %dma_start3A_153, %dma_start3A_154] : memref<32x5x128x128xf32, #tpu.memory_space<hbm>> -> memref<1x1x128x128xf32, #tpu.memory_space<hbm>>
      %dma_start3A_156 = tpu.memref_squeeze %dma_start3A_155 : memref<1x1x128x128xf32, #tpu.memory_space<hbm>> -> memref<128x128xf32, #tpu.memory_space<hbm>>
      tpu.enqueue_dma source(%arg8 : memref<128x128xf32, #tpu.memory_space<vmem>>) target(%dma_start3A_156 : memref<128x128xf32, #tpu.memory_space<hbm>>) target_semaphore(%run_scoped3A_148 : memref<!tpu.dma_semaphore, #tpu.memory_space<semaphore_mem>>)
      %dma_wait3A_157 = arith.constant 0 : i32
      %dma_wait3A_158 = arith.constant 0 : i32
      %dma_wait3A_159 = tpu.memref_slice %arg5[%add3A, %run_scoped3A_42, %dma_wait3A_157, %dma_wait3A_158] : memref<32x5x128x128xf32, #tpu.memory_space<hbm>> -> memref<1x1x128x128xf32, #tpu.memory_space<hbm>>
      %dma_wait3A_160 = tpu.memref_squeeze %dma_wait3A_159 : memref<1x1x128x128xf32, #tpu.memory_space<hbm>> -> memref<128x128xf32, #tpu.memory_space<hbm>>
      %dma_wait3A_161 = arith.constant 0 : i32
      %dma_wait3A_162 = arith.constant 0 : i32
      %dma_wait3A_163 = tpu.memref_slice %arg5[%add3A, %run_scoped3A_42, %dma_wait3A_161, %dma_wait3A_162] : memref<32x5x128x128xf32, #tpu.memory_space<hbm>> -> memref<1x1x128x128xf32, #tpu.memory_space<hbm>>
      %dma_wait3A_164 = tpu.memref_squeeze %dma_wait3A_163 : memref<1x1x128x128xf32, #tpu.memory_space<hbm>> -> memref<128x128xf32, #tpu.memory_space<hbm>>
      tpu.wait_dma2 semaphore(%run_scoped3A_148 : memref<!tpu.dma_semaphore, #tpu.memory_space<semaphore_mem>>) src(%arg8 : memref<128x128xf32, #tpu.memory_space<vmem>>) dst(%dma_wait3A_164 : memref<128x128xf32, #tpu.memory_space<hbm>>)
      tpu.yield
    }) : () -> ()
    %dma_start3A_43 = arith.constant 3 : i32
    %dma_start3A_44 = arith.constant 0 : i32
    %dma_start3A_45 = tpu.memref_slice %arg7[%dma_start3A_43, %dma_start3A_44] : memref<5x128xi32, #tpu.memory_space<vmem>> -> memref<1x128xi32, #tpu.memory_space<vmem>>
    %dma_start3A_46 = tpu.memref_squeeze %dma_start3A_45 : memref<1x128xi32, #tpu.memory_space<vmem>> -> memref<128xi32, #tpu.memory_space<vmem>>
    %dma_start3A_47 = arith.constant 0 : i32
    %dma_start3A_48 = arith.constant 0 : i32
    %dma_start3A_49 = tpu.memref_slice %arg2[%dma_start3A_47, %dma_start3A_48] : memref<131072x128xf32, #tpu.memory_space<hbm>> -> memref<131072x128xf32, #tpu.memory_space<hbm>>
    tpu.enqueue_indirect_dma source(%dma_start3A_49 : memref<131072x128xf32, #tpu.memory_space<hbm>>) target(%arg8 : memref<128x128xf32, #tpu.memory_space<vmem>>) offsets(%dma_start3A_46 : memref<128xi32, #tpu.memory_space<vmem>>) semaphore(%arg9 : memref<!tpu.dma_semaphore, #tpu.memory_space<semaphore_mem>>)
    %dma_wait3A_50 = arith.constant 3 : i32
    %dma_wait3A_51 = arith.constant 0 : i32
    %dma_wait3A_52 = tpu.memref_slice %arg7[%dma_wait3A_50, %dma_wait3A_51] : memref<5x128xi32, #tpu.memory_space<vmem>> -> memref<1x128xi32, #tpu.memory_space<vmem>>
    %dma_wait3A_53 = tpu.memref_squeeze %dma_wait3A_52 : memref<1x128xi32, #tpu.memory_space<vmem>> -> memref<128xi32, #tpu.memory_space<vmem>>
    %dma_wait3A_54 = arith.constant 0 : i32
    %dma_wait3A_55 = arith.constant 0 : i32
    %dma_wait3A_56 = tpu.memref_slice %arg2[%dma_wait3A_54, %dma_wait3A_55] : memref<131072x128xf32, #tpu.memory_space<hbm>> -> memref<131072x128xf32, #tpu.memory_space<hbm>>
    tpu.wait_indirect_dma semaphore(%arg9 : memref<!tpu.dma_semaphore, #tpu.memory_space<semaphore_mem>>) src(%dma_wait3A_56 : memref<131072x128xf32, #tpu.memory_space<hbm>>) dst(%arg8 : memref<128x128xf32, #tpu.memory_space<vmem>>)
    %run_scoped3A_57 = arith.constant 3 : i32
    "tpu.region"() ({
      %run_scoped3A_148 = tpu.sem_alloc : memref<!tpu.dma_semaphore, #tpu.memory_space<semaphore_mem>>
      %dma_start3A_149 = arith.constant 0 : i32
      %dma_start3A_150 = arith.constant 0 : i32
      %dma_start3A_151 = tpu.memref_slice %arg5[%add3A, %run_scoped3A_57, %dma_start3A_149, %dma_start3A_150] : memref<32x5x128x128xf32, #tpu.memory_space<hbm>> -> memref<1x1x128x128xf32, #tpu.memory_space<hbm>>
      %dma_start3A_152 = tpu.memref_squeeze %dma_start3A_151 : memref<1x1x128x128xf32, #tpu.memory_space<hbm>> -> memref<128x128xf32, #tpu.memory_space<hbm>>
      %dma_start3A_153 = arith.constant 0 : i32
      %dma_start3A_154 = arith.constant 0 : i32
      %dma_start3A_155 = tpu.memref_slice %arg5[%add3A, %run_scoped3A_57, %dma_start3A_153, %dma_start3A_154] : memref<32x5x128x128xf32, #tpu.memory_space<hbm>> -> memref<1x1x128x128xf32, #tpu.memory_space<hbm>>
      %dma_start3A_156 = tpu.memref_squeeze %dma_start3A_155 : memref<1x1x128x128xf32, #tpu.memory_space<hbm>> -> memref<128x128xf32, #tpu.memory_space<hbm>>
      tpu.enqueue_dma source(%arg8 : memref<128x128xf32, #tpu.memory_space<vmem>>) target(%dma_start3A_156 : memref<128x128xf32, #tpu.memory_space<hbm>>) target_semaphore(%run_scoped3A_148 : memref<!tpu.dma_semaphore, #tpu.memory_space<semaphore_mem>>)
      %dma_wait3A_157 = arith.constant 0 : i32
      %dma_wait3A_158 = arith.constant 0 : i32
      %dma_wait3A_159 = tpu.memref_slice %arg5[%add3A, %run_scoped3A_57, %dma_wait3A_157, %dma_wait3A_158] : memref<32x5x128x128xf32, #tpu.memory_space<hbm>> -> memref<1x1x128x128xf32, #tpu.memory_space<hbm>>
      %dma_wait3A_160 = tpu.memref_squeeze %dma_wait3A_159 : memref<1x1x128x128xf32, #tpu.memory_space<hbm>> -> memref<128x128xf32, #tpu.memory_space<hbm>>
      %dma_wait3A_161 = arith.constant 0 : i32
      %dma_wait3A_162 = arith.constant 0 : i32
      %dma_wait3A_163 = tpu.memref_slice %arg5[%add3A, %run_scoped3A_57, %dma_wait3A_161, %dma_wait3A_162] : memref<32x5x128x128xf32, #tpu.memory_space<hbm>> -> memref<1x1x128x128xf32, #tpu.memory_space<hbm>>
      %dma_wait3A_164 = tpu.memref_squeeze %dma_wait3A_163 : memref<1x1x128x128xf32, #tpu.memory_space<hbm>> -> memref<128x128xf32, #tpu.memory_space<hbm>>
      tpu.wait_dma2 semaphore(%run_scoped3A_148 : memref<!tpu.dma_semaphore, #tpu.memory_space<semaphore_mem>>) src(%arg8 : memref<128x128xf32, #tpu.memory_space<vmem>>) dst(%dma_wait3A_164 : memref<128x128xf32, #tpu.memory_space<hbm>>)
      tpu.yield
    }) : () -> ()
    %dma_start3A_58 = arith.constant 4 : i32
    %dma_start3A_59 = arith.constant 0 : i32
    %dma_start3A_60 = tpu.memref_slice %arg7[%dma_start3A_58, %dma_start3A_59] : memref<5x128xi32, #tpu.memory_space<vmem>> -> memref<1x128xi32, #tpu.memory_space<vmem>>
    %dma_start3A_61 = tpu.memref_squeeze %dma_start3A_60 : memref<1x128xi32, #tpu.memory_space<vmem>> -> memref<128xi32, #tpu.memory_space<vmem>>
    %dma_start3A_62 = arith.constant 0 : i32
    %dma_start3A_63 = arith.constant 0 : i32
    %dma_start3A_64 = tpu.memref_slice %arg2[%dma_start3A_62, %dma_start3A_63] : memref<131072x128xf32, #tpu.memory_space<hbm>> -> memref<131072x128xf32, #tpu.memory_space<hbm>>
    tpu.enqueue_indirect_dma source(%dma_start3A_64 : memref<131072x128xf32, #tpu.memory_space<hbm>>) target(%arg8 : memref<128x128xf32, #tpu.memory_space<vmem>>) offsets(%dma_start3A_61 : memref<128xi32, #tpu.memory_space<vmem>>) semaphore(%arg9 : memref<!tpu.dma_semaphore, #tpu.memory_space<semaphore_mem>>)
    %dma_wait3A_65 = arith.constant 4 : i32
    %dma_wait3A_66 = arith.constant 0 : i32
    %dma_wait3A_67 = tpu.memref_slice %arg7[%dma_wait3A_65, %dma_wait3A_66] : memref<5x128xi32, #tpu.memory_space<vmem>> -> memref<1x128xi32, #tpu.memory_space<vmem>>
    %dma_wait3A_68 = tpu.memref_squeeze %dma_wait3A_67 : memref<1x128xi32, #tpu.memory_space<vmem>> -> memref<128xi32, #tpu.memory_space<vmem>>
    %dma_wait3A_69 = arith.constant 0 : i32
    %dma_wait3A_70 = arith.constant 0 : i32
    %dma_wait3A_71 = tpu.memref_slice %arg2[%dma_wait3A_69, %dma_wait3A_70] : memref<131072x128xf32, #tpu.memory_space<hbm>> -> memref<131072x128xf32, #tpu.memory_space<hbm>>
    tpu.wait_indirect_dma semaphore(%arg9 : memref<!tpu.dma_semaphore, #tpu.memory_space<semaphore_mem>>) src(%dma_wait3A_71 : memref<131072x128xf32, #tpu.memory_space<hbm>>) dst(%arg8 : memref<128x128xf32, #tpu.memory_space<vmem>>)
    %run_scoped3A_72 = arith.constant 4 : i32
    "tpu.region"() ({
      %run_scoped3A_148 = tpu.sem_alloc : memref<!tpu.dma_semaphore, #tpu.memory_space<semaphore_mem>>
      %dma_start3A_149 = arith.constant 0 : i32
      %dma_start3A_150 = arith.constant 0 : i32
      %dma_start3A_151 = tpu.memref_slice %arg5[%add3A, %run_scoped3A_72, %dma_start3A_149, %dma_start3A_150] : memref<32x5x128x128xf32, #tpu.memory_space<hbm>> -> memref<1x1x128x128xf32, #tpu.memory_space<hbm>>
      %dma_start3A_152 = tpu.memref_squeeze %dma_start3A_151 : memref<1x1x128x128xf32, #tpu.memory_space<hbm>> -> memref<128x128xf32, #tpu.memory_space<hbm>>
      %dma_start3A_153 = arith.constant 0 : i32
      %dma_start3A_154 = arith.constant 0 : i32
      %dma_start3A_155 = tpu.memref_slice %arg5[%add3A, %run_scoped3A_72, %dma_start3A_153, %dma_start3A_154] : memref<32x5x128x128xf32, #tpu.memory_space<hbm>> -> memref<1x1x128x128xf32, #tpu.memory_space<hbm>>
      %dma_start3A_156 = tpu.memref_squeeze %dma_start3A_155 : memref<1x1x128x128xf32, #tpu.memory_space<hbm>> -> memref<128x128xf32, #tpu.memory_space<hbm>>
      tpu.enqueue_dma source(%arg8 : memref<128x128xf32, #tpu.memory_space<vmem>>) target(%dma_start3A_156 : memref<128x128xf32, #tpu.memory_space<hbm>>) target_semaphore(%run_scoped3A_148 : memref<!tpu.dma_semaphore, #tpu.memory_space<semaphore_mem>>)
      %dma_wait3A_157 = arith.constant 0 : i32
      %dma_wait3A_158 = arith.constant 0 : i32
      %dma_wait3A_159 = tpu.memref_slice %arg5[%add3A, %run_scoped3A_72, %dma_wait3A_157, %dma_wait3A_158] : memref<32x5x128x128xf32, #tpu.memory_space<hbm>> -> memref<1x1x128x128xf32, #tpu.memory_space<hbm>>
      %dma_wait3A_160 = tpu.memref_squeeze %dma_wait3A_159 : memref<1x1x128x128xf32, #tpu.memory_space<hbm>> -> memref<128x128xf32, #tpu.memory_space<hbm>>
      %dma_wait3A_161 = arith.constant 0 : i32
      %dma_wait3A_162 = arith.constant 0 : i32
      %dma_wait3A_163 = tpu.memref_slice %arg5[%add3A, %run_scoped3A_72, %dma_wait3A_161, %dma_wait3A_162] : memref<32x5x128x128xf32, #tpu.memory_space<hbm>> -> memref<1x1x128x128xf32, #tpu.memory_space<hbm>>
      %dma_wait3A_164 = tpu.memref_squeeze %dma_wait3A_163 : memref<1x1x128x128xf32, #tpu.memory_space<hbm>> -> memref<128x128xf32, #tpu.memory_space<hbm>>
      tpu.wait_dma2 semaphore(%run_scoped3A_148 : memref<!tpu.dma_semaphore, #tpu.memory_space<semaphore_mem>>) src(%arg8 : memref<128x128xf32, #tpu.memory_space<vmem>>) dst(%dma_wait3A_164 : memref<128x128xf32, #tpu.memory_space<hbm>>)
      tpu.yield
    }) : () -> ()
    %dma_start3A_73 = arith.constant 0 : i32
    %dma_start3A_74 = arith.constant 0 : i32
    %dma_start3A_75 = tpu.memref_slice %arg7[%dma_start3A_73, %dma_start3A_74] : memref<5x128xi32, #tpu.memory_space<vmem>> -> memref<1x128xi32, #tpu.memory_space<vmem>>
    %dma_start3A_76 = tpu.memref_squeeze %dma_start3A_75 : memref<1x128xi32, #tpu.memory_space<vmem>> -> memref<128xi32, #tpu.memory_space<vmem>>
    %dma_start3A_77 = arith.constant 0 : i32
    %dma_start3A_78 = arith.constant 0 : i32
    %dma_start3A_79 = tpu.memref_slice %arg3[%dma_start3A_77, %dma_start3A_78] : memref<131072x128xf32, #tpu.memory_space<hbm>> -> memref<131072x128xf32, #tpu.memory_space<hbm>>
    tpu.enqueue_indirect_dma source(%dma_start3A_79 : memref<131072x128xf32, #tpu.memory_space<hbm>>) target(%arg8 : memref<128x128xf32, #tpu.memory_space<vmem>>) offsets(%dma_start3A_76 : memref<128xi32, #tpu.memory_space<vmem>>) semaphore(%arg9 : memref<!tpu.dma_semaphore, #tpu.memory_space<semaphore_mem>>)
    %dma_wait3A_80 = arith.constant 0 : i32
    %dma_wait3A_81 = arith.constant 0 : i32
    %dma_wait3A_82 = tpu.memref_slice %arg7[%dma_wait3A_80, %dma_wait3A_81] : memref<5x128xi32, #tpu.memory_space<vmem>> -> memref<1x128xi32, #tpu.memory_space<vmem>>
    %dma_wait3A_83 = tpu.memref_squeeze %dma_wait3A_82 : memref<1x128xi32, #tpu.memory_space<vmem>> -> memref<128xi32, #tpu.memory_space<vmem>>
    %dma_wait3A_84 = arith.constant 0 : i32
    %dma_wait3A_85 = arith.constant 0 : i32
    %dma_wait3A_86 = tpu.memref_slice %arg3[%dma_wait3A_84, %dma_wait3A_85] : memref<131072x128xf32, #tpu.memory_space<hbm>> -> memref<131072x128xf32, #tpu.memory_space<hbm>>
    tpu.wait_indirect_dma semaphore(%arg9 : memref<!tpu.dma_semaphore, #tpu.memory_space<semaphore_mem>>) src(%dma_wait3A_86 : memref<131072x128xf32, #tpu.memory_space<hbm>>) dst(%arg8 : memref<128x128xf32, #tpu.memory_space<vmem>>)
    %run_scoped3A_87 = arith.constant 0 : i32
    "tpu.region"() ({
      %run_scoped3A_148 = tpu.sem_alloc : memref<!tpu.dma_semaphore, #tpu.memory_space<semaphore_mem>>
      %dma_start3A_149 = arith.constant 0 : i32
      %dma_start3A_150 = arith.constant 0 : i32
      %dma_start3A_151 = tpu.memref_slice %arg6[%add3A, %run_scoped3A_87, %dma_start3A_149, %dma_start3A_150] : memref<32x5x128x128xf32, #tpu.memory_space<hbm>> -> memref<1x1x128x128xf32, #tpu.memory_space<hbm>>
      %dma_start3A_152 = tpu.memref_squeeze %dma_start3A_151 : memref<1x1x128x128xf32, #tpu.memory_space<hbm>> -> memref<128x128xf32, #tpu.memory_space<hbm>>
      %dma_start3A_153 = arith.constant 0 : i32
      %dma_start3A_154 = arith.constant 0 : i32
      %dma_start3A_155 = tpu.memref_slice %arg6[%add3A, %run_scoped3A_87, %dma_start3A_153, %dma_start3A_154] : memref<32x5x128x128xf32, #tpu.memory_space<hbm>> -> memref<1x1x128x128xf32, #tpu.memory_space<hbm>>
      %dma_start3A_156 = tpu.memref_squeeze %dma_start3A_155 : memref<1x1x128x128xf32, #tpu.memory_space<hbm>> -> memref<128x128xf32, #tpu.memory_space<hbm>>
      tpu.enqueue_dma source(%arg8 : memref<128x128xf32, #tpu.memory_space<vmem>>) target(%dma_start3A_156 : memref<128x128xf32, #tpu.memory_space<hbm>>) target_semaphore(%run_scoped3A_148 : memref<!tpu.dma_semaphore, #tpu.memory_space<semaphore_mem>>)
      %dma_wait3A_157 = arith.constant 0 : i32
      %dma_wait3A_158 = arith.constant 0 : i32
      %dma_wait3A_159 = tpu.memref_slice %arg6[%add3A, %run_scoped3A_87, %dma_wait3A_157, %dma_wait3A_158] : memref<32x5x128x128xf32, #tpu.memory_space<hbm>> -> memref<1x1x128x128xf32, #tpu.memory_space<hbm>>
      %dma_wait3A_160 = tpu.memref_squeeze %dma_wait3A_159 : memref<1x1x128x128xf32, #tpu.memory_space<hbm>> -> memref<128x128xf32, #tpu.memory_space<hbm>>
      %dma_wait3A_161 = arith.constant 0 : i32
      %dma_wait3A_162 = arith.constant 0 : i32
      %dma_wait3A_163 = tpu.memref_slice %arg6[%add3A, %run_scoped3A_87, %dma_wait3A_161, %dma_wait3A_162] : memref<32x5x128x128xf32, #tpu.memory_space<hbm>> -> memref<1x1x128x128xf32, #tpu.memory_space<hbm>>
      %dma_wait3A_164 = tpu.memref_squeeze %dma_wait3A_163 : memref<1x1x128x128xf32, #tpu.memory_space<hbm>> -> memref<128x128xf32, #tpu.memory_space<hbm>>
      tpu.wait_dma2 semaphore(%run_scoped3A_148 : memref<!tpu.dma_semaphore, #tpu.memory_space<semaphore_mem>>) src(%arg8 : memref<128x128xf32, #tpu.memory_space<vmem>>) dst(%dma_wait3A_164 : memref<128x128xf32, #tpu.memory_space<hbm>>)
      tpu.yield
    }) : () -> ()
    %dma_start3A_88 = arith.constant 1 : i32
    %dma_start3A_89 = arith.constant 0 : i32
    %dma_start3A_90 = tpu.memref_slice %arg7[%dma_start3A_88, %dma_start3A_89] : memref<5x128xi32, #tpu.memory_space<vmem>> -> memref<1x128xi32, #tpu.memory_space<vmem>>
    %dma_start3A_91 = tpu.memref_squeeze %dma_start3A_90 : memref<1x128xi32, #tpu.memory_space<vmem>> -> memref<128xi32, #tpu.memory_space<vmem>>
    %dma_start3A_92 = arith.constant 0 : i32
    %dma_start3A_93 = arith.constant 0 : i32
    %dma_start3A_94 = tpu.memref_slice %arg3[%dma_start3A_92, %dma_start3A_93] : memref<131072x128xf32, #tpu.memory_space<hbm>> -> memref<131072x128xf32, #tpu.memory_space<hbm>>
    tpu.enqueue_indirect_dma source(%dma_start3A_94 : memref<131072x128xf32, #tpu.memory_space<hbm>>) target(%arg8 : memref<128x128xf32, #tpu.memory_space<vmem>>) offsets(%dma_start3A_91 : memref<128xi32, #tpu.memory_space<vmem>>) semaphore(%arg9 : memref<!tpu.dma_semaphore, #tpu.memory_space<semaphore_mem>>)
    %dma_wait3A_95 = arith.constant 1 : i32
    %dma_wait3A_96 = arith.constant 0 : i32
    %dma_wait3A_97 = tpu.memref_slice %arg7[%dma_wait3A_95, %dma_wait3A_96] : memref<5x128xi32, #tpu.memory_space<vmem>> -> memref<1x128xi32, #tpu.memory_space<vmem>>
    %dma_wait3A_98 = tpu.memref_squeeze %dma_wait3A_97 : memref<1x128xi32, #tpu.memory_space<vmem>> -> memref<128xi32, #tpu.memory_space<vmem>>
    %dma_wait3A_99 = arith.constant 0 : i32
    %dma_wait3A_100 = arith.constant 0 : i32
    %dma_wait3A_101 = tpu.memref_slice %arg3[%dma_wait3A_99, %dma_wait3A_100] : memref<131072x128xf32, #tpu.memory_space<hbm>> -> memref<131072x128xf32, #tpu.memory_space<hbm>>
    tpu.wait_indirect_dma semaphore(%arg9 : memref<!tpu.dma_semaphore, #tpu.memory_space<semaphore_mem>>) src(%dma_wait3A_101 : memref<131072x128xf32, #tpu.memory_space<hbm>>) dst(%arg8 : memref<128x128xf32, #tpu.memory_space<vmem>>)
    %run_scoped3A_102 = arith.constant 1 : i32
    "tpu.region"() ({
      %run_scoped3A_148 = tpu.sem_alloc : memref<!tpu.dma_semaphore, #tpu.memory_space<semaphore_mem>>
      %dma_start3A_149 = arith.constant 0 : i32
      %dma_start3A_150 = arith.constant 0 : i32
      %dma_start3A_151 = tpu.memref_slice %arg6[%add3A, %run_scoped3A_102, %dma_start3A_149, %dma_start3A_150] : memref<32x5x128x128xf32, #tpu.memory_space<hbm>> -> memref<1x1x128x128xf32, #tpu.memory_space<hbm>>
      %dma_start3A_152 = tpu.memref_squeeze %dma_start3A_151 : memref<1x1x128x128xf32, #tpu.memory_space<hbm>> -> memref<128x128xf32, #tpu.memory_space<hbm>>
      %dma_start3A_153 = arith.constant 0 : i32
      %dma_start3A_154 = arith.constant 0 : i32
      %dma_start3A_155 = tpu.memref_slice %arg6[%add3A, %run_scoped3A_102, %dma_start3A_153, %dma_start3A_154] : memref<32x5x128x128xf32, #tpu.memory_space<hbm>> -> memref<1x1x128x128xf32, #tpu.memory_space<hbm>>
      %dma_start3A_156 = tpu.memref_squeeze %dma_start3A_155 : memref<1x1x128x128xf32, #tpu.memory_space<hbm>> -> memref<128x128xf32, #tpu.memory_space<hbm>>
      tpu.enqueue_dma source(%arg8 : memref<128x128xf32, #tpu.memory_space<vmem>>) target(%dma_start3A_156 : memref<128x128xf32, #tpu.memory_space<hbm>>) target_semaphore(%run_scoped3A_148 : memref<!tpu.dma_semaphore, #tpu.memory_space<semaphore_mem>>)
      %dma_wait3A_157 = arith.constant 0 : i32
      %dma_wait3A_158 = arith.constant 0 : i32
      %dma_wait3A_159 = tpu.memref_slice %arg6[%add3A, %run_scoped3A_102, %dma_wait3A_157, %dma_wait3A_158] : memref<32x5x128x128xf32, #tpu.memory_space<hbm>> -> memref<1x1x128x128xf32, #tpu.memory_space<hbm>>
      %dma_wait3A_160 = tpu.memref_squeeze %dma_wait3A_159 : memref<1x1x128x128xf32, #tpu.memory_space<hbm>> -> memref<128x128xf32, #tpu.memory_space<hbm>>
      %dma_wait3A_161 = arith.constant 0 : i32
      %dma_wait3A_162 = arith.constant 0 : i32
      %dma_wait3A_163 = tpu.memref_slice %arg6[%add3A, %run_scoped3A_102, %dma_wait3A_161, %dma_wait3A_162] : memref<32x5x128x128xf32, #tpu.memory_space<hbm>> -> memref<1x1x128x128xf32, #tpu.memory_space<hbm>>
      %dma_wait3A_164 = tpu.memref_squeeze %dma_wait3A_163 : memref<1x1x128x128xf32, #tpu.memory_space<hbm>> -> memref<128x128xf32, #tpu.memory_space<hbm>>
      tpu.wait_dma2 semaphore(%run_scoped3A_148 : memref<!tpu.dma_semaphore, #tpu.memory_space<semaphore_mem>>) src(%arg8 : memref<128x128xf32, #tpu.memory_space<vmem>>) dst(%dma_wait3A_164 : memref<128x128xf32, #tpu.memory_space<hbm>>)
      tpu.yield
    }) : () -> ()
    %dma_start3A_103 = arith.constant 2 : i32
    %dma_start3A_104 = arith.constant 0 : i32
    %dma_start3A_105 = tpu.memref_slice %arg7[%dma_start3A_103, %dma_start3A_104] : memref<5x128xi32, #tpu.memory_space<vmem>> -> memref<1x128xi32, #tpu.memory_space<vmem>>
    %dma_start3A_106 = tpu.memref_squeeze %dma_start3A_105 : memref<1x128xi32, #tpu.memory_space<vmem>> -> memref<128xi32, #tpu.memory_space<vmem>>
    %dma_start3A_107 = arith.constant 0 : i32
    %dma_start3A_108 = arith.constant 0 : i32
    %dma_start3A_109 = tpu.memref_slice %arg3[%dma_start3A_107, %dma_start3A_108] : memref<131072x128xf32, #tpu.memory_space<hbm>> -> memref<131072x128xf32, #tpu.memory_space<hbm>>
    tpu.enqueue_indirect_dma source(%dma_start3A_109 : memref<131072x128xf32, #tpu.memory_space<hbm>>) target(%arg8 : memref<128x128xf32, #tpu.memory_space<vmem>>) offsets(%dma_start3A_106 : memref<128xi32, #tpu.memory_space<vmem>>) semaphore(%arg9 : memref<!tpu.dma_semaphore, #tpu.memory_space<semaphore_mem>>)
    %dma_wait3A_110 = arith.constant 2 : i32
    %dma_wait3A_111 = arith.constant 0 : i32
    %dma_wait3A_112 = tpu.memref_slice %arg7[%dma_wait3A_110, %dma_wait3A_111] : memref<5x128xi32, #tpu.memory_space<vmem>> -> memref<1x128xi32, #tpu.memory_space<vmem>>
    %dma_wait3A_113 = tpu.memref_squeeze %dma_wait3A_112 : memref<1x128xi32, #tpu.memory_space<vmem>> -> memref<128xi32, #tpu.memory_space<vmem>>
    %dma_wait3A_114 = arith.constant 0 : i32
    %dma_wait3A_115 = arith.constant 0 : i32
    %dma_wait3A_116 = tpu.memref_slice %arg3[%dma_wait3A_114, %dma_wait3A_115] : memref<131072x128xf32, #tpu.memory_space<hbm>> -> memref<131072x128xf32, #tpu.memory_space<hbm>>
    tpu.wait_indirect_dma semaphore(%arg9 : memref<!tpu.dma_semaphore, #tpu.memory_space<semaphore_mem>>) src(%dma_wait3A_116 : memref<131072x128xf32, #tpu.memory_space<hbm>>) dst(%arg8 : memref<128x128xf32, #tpu.memory_space<vmem>>)
    %run_scoped3A_117 = arith.constant 2 : i32
    "tpu.region"() ({
      %run_scoped3A_148 = tpu.sem_alloc : memref<!tpu.dma_semaphore, #tpu.memory_space<semaphore_mem>>
      %dma_start3A_149 = arith.constant 0 : i32
      %dma_start3A_150 = arith.constant 0 : i32
      %dma_start3A_151 = tpu.memref_slice %arg6[%add3A, %run_scoped3A_117, %dma_start3A_149, %dma_start3A_150] : memref<32x5x128x128xf32, #tpu.memory_space<hbm>> -> memref<1x1x128x128xf32, #tpu.memory_space<hbm>>
      %dma_start3A_152 = tpu.memref_squeeze %dma_start3A_151 : memref<1x1x128x128xf32, #tpu.memory_space<hbm>> -> memref<128x128xf32, #tpu.memory_space<hbm>>
      %dma_start3A_153 = arith.constant 0 : i32
      %dma_start3A_154 = arith.constant 0 : i32
      %dma_start3A_155 = tpu.memref_slice %arg6[%add3A, %run_scoped3A_117, %dma_start3A_153, %dma_start3A_154] : memref<32x5x128x128xf32, #tpu.memory_space<hbm>> -> memref<1x1x128x128xf32, #tpu.memory_space<hbm>>
      %dma_start3A_156 = tpu.memref_squeeze %dma_start3A_155 : memref<1x1x128x128xf32, #tpu.memory_space<hbm>> -> memref<128x128xf32, #tpu.memory_space<hbm>>
      tpu.enqueue_dma source(%arg8 : memref<128x128xf32, #tpu.memory_space<vmem>>) target(%dma_start3A_156 : memref<128x128xf32, #tpu.memory_space<hbm>>) target_semaphore(%run_scoped3A_148 : memref<!tpu.dma_semaphore, #tpu.memory_space<semaphore_mem>>)
      %dma_wait3A_157 = arith.constant 0 : i32
      %dma_wait3A_158 = arith.constant 0 : i32
      %dma_wait3A_159 = tpu.memref_slice %arg6[%add3A, %run_scoped3A_117, %dma_wait3A_157, %dma_wait3A_158] : memref<32x5x128x128xf32, #tpu.memory_space<hbm>> -> memref<1x1x128x128xf32, #tpu.memory_space<hbm>>
      %dma_wait3A_160 = tpu.memref_squeeze %dma_wait3A_159 : memref<1x1x128x128xf32, #tpu.memory_space<hbm>> -> memref<128x128xf32, #tpu.memory_space<hbm>>
      %dma_wait3A_161 = arith.constant 0 : i32
      %dma_wait3A_162 = arith.constant 0 : i32
      %dma_wait3A_163 = tpu.memref_slice %arg6[%add3A, %run_scoped3A_117, %dma_wait3A_161, %dma_wait3A_162] : memref<32x5x128x128xf32, #tpu.memory_space<hbm>> -> memref<1x1x128x128xf32, #tpu.memory_space<hbm>>
      %dma_wait3A_164 = tpu.memref_squeeze %dma_wait3A_163 : memref<1x1x128x128xf32, #tpu.memory_space<hbm>> -> memref<128x128xf32, #tpu.memory_space<hbm>>
      tpu.wait_dma2 semaphore(%run_scoped3A_148 : memref<!tpu.dma_semaphore, #tpu.memory_space<semaphore_mem>>) src(%arg8 : memref<128x128xf32, #tpu.memory_space<vmem>>) dst(%dma_wait3A_164 : memref<128x128xf32, #tpu.memory_space<hbm>>)
      tpu.yield
    }) : () -> ()
    %dma_start3A_118 = arith.constant 3 : i32
    %dma_start3A_119 = arith.constant 0 : i32
    %dma_start3A_120 = tpu.memref_slice %arg7[%dma_start3A_118, %dma_start3A_119] : memref<5x128xi32, #tpu.memory_space<vmem>> -> memref<1x128xi32, #tpu.memory_space<vmem>>
    %dma_start3A_121 = tpu.memref_squeeze %dma_start3A_120 : memref<1x128xi32, #tpu.memory_space<vmem>> -> memref<128xi32, #tpu.memory_space<vmem>>
    %dma_start3A_122 = arith.constant 0 : i32
    %dma_start3A_123 = arith.constant 0 : i32
    %dma_start3A_124 = tpu.memref_slice %arg3[%dma_start3A_122, %dma_start3A_123] : memref<131072x128xf32, #tpu.memory_space<hbm>> -> memref<131072x128xf32, #tpu.memory_space<hbm>>
    tpu.enqueue_indirect_dma source(%dma_start3A_124 : memref<131072x128xf32, #tpu.memory_space<hbm>>) target(%arg8 : memref<128x128xf32, #tpu.memory_space<vmem>>) offsets(%dma_start3A_121 : memref<128xi32, #tpu.memory_space<vmem>>) semaphore(%arg9 : memref<!tpu.dma_semaphore, #tpu.memory_space<semaphore_mem>>)
    %dma_wait3A_125 = arith.constant 3 : i32
    %dma_wait3A_126 = arith.constant 0 : i32
    %dma_wait3A_127 = tpu.memref_slice %arg7[%dma_wait3A_125, %dma_wait3A_126] : memref<5x128xi32, #tpu.memory_space<vmem>> -> memref<1x128xi32, #tpu.memory_space<vmem>>
    %dma_wait3A_128 = tpu.memref_squeeze %dma_wait3A_127 : memref<1x128xi32, #tpu.memory_space<vmem>> -> memref<128xi32, #tpu.memory_space<vmem>>
    %dma_wait3A_129 = arith.constant 0 : i32
    %dma_wait3A_130 = arith.constant 0 : i32
    %dma_wait3A_131 = tpu.memref_slice %arg3[%dma_wait3A_129, %dma_wait3A_130] : memref<131072x128xf32, #tpu.memory_space<hbm>> -> memref<131072x128xf32, #tpu.memory_space<hbm>>
    tpu.wait_indirect_dma semaphore(%arg9 : memref<!tpu.dma_semaphore, #tpu.memory_space<semaphore_mem>>) src(%dma_wait3A_131 : memref<131072x128xf32, #tpu.memory_space<hbm>>) dst(%arg8 : memref<128x128xf32, #tpu.memory_space<vmem>>)
    %run_scoped3A_132 = arith.constant 3 : i32
    "tpu.region"() ({
      %run_scoped3A_148 = tpu.sem_alloc : memref<!tpu.dma_semaphore, #tpu.memory_space<semaphore_mem>>
      %dma_start3A_149 = arith.constant 0 : i32
      %dma_start3A_150 = arith.constant 0 : i32
      %dma_start3A_151 = tpu.memref_slice %arg6[%add3A, %run_scoped3A_132, %dma_start3A_149, %dma_start3A_150] : memref<32x5x128x128xf32, #tpu.memory_space<hbm>> -> memref<1x1x128x128xf32, #tpu.memory_space<hbm>>
      %dma_start3A_152 = tpu.memref_squeeze %dma_start3A_151 : memref<1x1x128x128xf32, #tpu.memory_space<hbm>> -> memref<128x128xf32, #tpu.memory_space<hbm>>
      %dma_start3A_153 = arith.constant 0 : i32
      %dma_start3A_154 = arith.constant 0 : i32
      %dma_start3A_155 = tpu.memref_slice %arg6[%add3A, %run_scoped3A_132, %dma_start3A_153, %dma_start3A_154] : memref<32x5x128x128xf32, #tpu.memory_space<hbm>> -> memref<1x1x128x128xf32, #tpu.memory_space<hbm>>
      %dma_start3A_156 = tpu.memref_squeeze %dma_start3A_155 : memref<1x1x128x128xf32, #tpu.memory_space<hbm>> -> memref<128x128xf32, #tpu.memory_space<hbm>>
      tpu.enqueue_dma source(%arg8 : memref<128x128xf32, #tpu.memory_space<vmem>>) target(%dma_start3A_156 : memref<128x128xf32, #tpu.memory_space<hbm>>) target_semaphore(%run_scoped3A_148 : memref<!tpu.dma_semaphore, #tpu.memory_space<semaphore_mem>>)
      %dma_wait3A_157 = arith.constant 0 : i32
      %dma_wait3A_158 = arith.constant 0 : i32
      %dma_wait3A_159 = tpu.memref_slice %arg6[%add3A, %run_scoped3A_132, %dma_wait3A_157, %dma_wait3A_158] : memref<32x5x128x128xf32, #tpu.memory_space<hbm>> -> memref<1x1x128x128xf32, #tpu.memory_space<hbm>>
      %dma_wait3A_160 = tpu.memref_squeeze %dma_wait3A_159 : memref<1x1x128x128xf32, #tpu.memory_space<hbm>> -> memref<128x128xf32, #tpu.memory_space<hbm>>
      %dma_wait3A_161 = arith.constant 0 : i32
      %dma_wait3A_162 = arith.constant 0 : i32
      %dma_wait3A_163 = tpu.memref_slice %arg6[%add3A, %run_scoped3A_132, %dma_wait3A_161, %dma_wait3A_162] : memref<32x5x128x128xf32, #tpu.memory_space<hbm>> -> memref<1x1x128x128xf32, #tpu.memory_space<hbm>>
      %dma_wait3A_164 = tpu.memref_squeeze %dma_wait3A_163 : memref<1x1x128x128xf32, #tpu.memory_space<hbm>> -> memref<128x128xf32, #tpu.memory_space<hbm>>
      tpu.wait_dma2 semaphore(%run_scoped3A_148 : memref<!tpu.dma_semaphore, #tpu.memory_space<semaphore_mem>>) src(%arg8 : memref<128x128xf32, #tpu.memory_space<vmem>>) dst(%dma_wait3A_164 : memref<128x128xf32, #tpu.memory_space<hbm>>)
      tpu.yield
    }) : () -> ()
    %dma_start3A_133 = arith.constant 4 : i32
    %dma_start3A_134 = arith.constant 0 : i32
    %dma_start3A_135 = tpu.memref_slice %arg7[%dma_start3A_133, %dma_start3A_134] : memref<5x128xi32, #tpu.memory_space<vmem>> -> memref<1x128xi32, #tpu.memory_space<vmem>>
    %dma_start3A_136 = tpu.memref_squeeze %dma_start3A_135 : memref<1x128xi32, #tpu.memory_space<vmem>> -> memref<128xi32, #tpu.memory_space<vmem>>
    %dma_start3A_137 = arith.constant 0 : i32
    %dma_start3A_138 = arith.constant 0 : i32
    %dma_start3A_139 = tpu.memref_slice %arg3[%dma_start3A_137, %dma_start3A_138] : memref<131072x128xf32, #tpu.memory_space<hbm>> -> memref<131072x128xf32, #tpu.memory_space<hbm>>
    tpu.enqueue_indirect_dma source(%dma_start3A_139 : memref<131072x128xf32, #tpu.memory_space<hbm>>) target(%arg8 : memref<128x128xf32, #tpu.memory_space<vmem>>) offsets(%dma_start3A_136 : memref<128xi32, #tpu.memory_space<vmem>>) semaphore(%arg9 : memref<!tpu.dma_semaphore, #tpu.memory_space<semaphore_mem>>)
    %dma_wait3A_140 = arith.constant 4 : i32
    %dma_wait3A_141 = arith.constant 0 : i32
    %dma_wait3A_142 = tpu.memref_slice %arg7[%dma_wait3A_140, %dma_wait3A_141] : memref<5x128xi32, #tpu.memory_space<vmem>> -> memref<1x128xi32, #tpu.memory_space<vmem>>
    %dma_wait3A_143 = tpu.memref_squeeze %dma_wait3A_142 : memref<1x128xi32, #tpu.memory_space<vmem>> -> memref<128xi32, #tpu.memory_space<vmem>>
    %dma_wait3A_144 = arith.constant 0 : i32
    %dma_wait3A_145 = arith.constant 0 : i32
    %dma_wait3A_146 = tpu.memref_slice %arg3[%dma_wait3A_144, %dma_wait3A_145] : memref<131072x128xf32, #tpu.memory_space<hbm>> -> memref<131072x128xf32, #tpu.memory_space<hbm>>
    tpu.wait_indirect_dma semaphore(%arg9 : memref<!tpu.dma_semaphore, #tpu.memory_space<semaphore_mem>>) src(%dma_wait3A_146 : memref<131072x128xf32, #tpu.memory_space<hbm>>) dst(%arg8 : memref<128x128xf32, #tpu.memory_space<vmem>>)
    %run_scoped3A_147 = arith.constant 4 : i32
    "tpu.region"() ({
      %run_scoped3A_148 = tpu.sem_alloc : memref<!tpu.dma_semaphore, #tpu.memory_space<semaphore_mem>>
      %dma_start3A_149 = arith.constant 0 : i32
      %dma_start3A_150 = arith.constant 0 : i32
      %dma_start3A_151 = tpu.memref_slice %arg6[%add3A, %run_scoped3A_147, %dma_start3A_149, %dma_start3A_150] : memref<32x5x128x128xf32, #tpu.memory_space<hbm>> -> memref<1x1x128x128xf32, #tpu.memory_space<hbm>>
      %dma_start3A_152 = tpu.memref_squeeze %dma_start3A_151 : memref<1x1x128x128xf32, #tpu.memory_space<hbm>> -> memref<128x128xf32, #tpu.memory_space<hbm>>
      %dma_start3A_153 = arith.constant 0 : i32
      %dma_start3A_154 = arith.constant 0 : i32
      %dma_start3A_155 = tpu.memref_slice %arg6[%add3A, %run_scoped3A_147, %dma_start3A_153, %dma_start3A_154] : memref<32x5x128x128xf32, #tpu.memory_space<hbm>> -> memref<1x1x128x128xf32, #tpu.memory_space<hbm>>
      %dma_start3A_156 = tpu.memref_squeeze %dma_start3A_155 : memref<1x1x128x128xf32, #tpu.memory_space<hbm>> -> memref<128x128xf32, #tpu.memory_space<hbm>>
      tpu.enqueue_dma source(%arg8 : memref<128x128xf32, #tpu.memory_space<vmem>>) target(%dma_start3A_156 : memref<128x128xf32, #tpu.memory_space<hbm>>) target_semaphore(%run_scoped3A_148 : memref<!tpu.dma_semaphore, #tpu.memory_space<semaphore_mem>>)
      %dma_wait3A_157 = arith.constant 0 : i32
      %dma_wait3A_158 = arith.constant 0 : i32
      %dma_wait3A_159 = tpu.memref_slice %arg6[%add3A, %run_scoped3A_147, %dma_wait3A_157, %dma_wait3A_158] : memref<32x5x128x128xf32, #tpu.memory_space<hbm>> -> memref<1x1x128x128xf32, #tpu.memory_space<hbm>>
      %dma_wait3A_160 = tpu.memref_squeeze %dma_wait3A_159 : memref<1x1x128x128xf32, #tpu.memory_space<hbm>> -> memref<128x128xf32, #tpu.memory_space<hbm>>
      %dma_wait3A_161 = arith.constant 0 : i32
      %dma_wait3A_162 = arith.constant 0 : i32
      %dma_wait3A_163 = tpu.memref_slice %arg6[%add3A, %run_scoped3A_147, %dma_wait3A_161, %dma_wait3A_162] : memref<32x5x128x128xf32, #tpu.memory_space<hbm>> -> memref<1x1x128x128xf32, #tpu.memory_space<hbm>>
      %dma_wait3A_164 = tpu.memref_squeeze %dma_wait3A_163 : memref<1x1x128x128xf32, #tpu.memory_space<hbm>> -> memref<128x128xf32, #tpu.memory_space<hbm>>
      tpu.wait_dma2 semaphore(%run_scoped3A_148 : memref<!tpu.dma_semaphore, #tpu.memory_space<semaphore_mem>>) src(%arg8 : memref<128x128xf32, #tpu.memory_space<vmem>>) dst(%dma_wait3A_164 : memref<128x128xf32, #tpu.memory_space<hbm>>)
      tpu.yield
    }) : () -> ()
    return
  }
}

#map = affine_map<(d0, d1) -> (0, 0)>
#map1 = affine_map<(d0, d1) -> (0, 0, 0)>
#map2 = affine_map<(d0, d1) -> (0, 0, 0, 0)>
module attributes {stable_mosaic.version = 14 : i64} {
  func.func @body(%arg0: i32, %arg1: i32, %arg2: memref<1024x4096xf32, #tpu.memory_space<hbm>>, %arg3: memref<1024x256xf32, #tpu.memory_space<hbm>>, %arg4: memref<32x40x16xi32, #tpu.memory_space<hbm>>, %arg5: memref<32x40x16x4096xf32, #tpu.memory_space<hbm>>, %arg6: memref<32x40x16x256xf32, #tpu.memory_space<hbm>>, %arg7: memref<16xi32, #tpu.memory_space<vmem>>, %arg8: memref<16x4096xf32, #tpu.memory_space<vmem>>, %arg9: memref<16x256xf32, #tpu.memory_space<vmem>>, %arg10: memref<!tpu.dma_semaphore, #tpu.memory_space<semaphore_mem>>) attributes {dimension_semantics = [#tpu.dimension_semantics<core_parallel>, #tpu.dimension_semantics<subcore_parallel>], iteration_bounds = array<i64: 2, 16>, scalar_prefetch = 0 : i64, scratch_operands = 4 : i64, tpu.core_type = #tpu.core_type<sc_vector_subcore>, window_params = [{transform_indices = #map}, {transform_indices = #map}, {transform_indices = #map1}, {transform_indices = #map2}, {transform_indices = #map2}]} {
    %mul3A = arith.constant 2 : i32
    %mul3A_0 = arith.muli %arg1, %mul3A : i32
    %add3A = arith.addi %mul3A_0, %arg0 : i32
    %scan3A = arith.constant 0 : i32
    %scan3A_1 = arith.constant 0 : i32
    %scan3A_2 = arith.constant 40 : i32
    %scan3A_3 = arith.addi %scan3A_1, %scan3A_2 : i32
    %scan3A_4 = arith.constant 1 : i32
    scf.for %scan3A_6 = %scan3A_1 to %scan3A_3 step %scan3A_4  : i32 {
      "tpu.region"() ({
        %run_scoped3A = tpu.sem_alloc : memref<!tpu.dma_semaphore, #tpu.memory_space<semaphore_mem>>
        %dma_start3A_17 = arith.constant 0 : i32
        %dma_start3A_18 = tpu.memref_slice %arg4[%add3A, %scan3A_6, %dma_start3A_17] : memref<32x40x16xi32, #tpu.memory_space<hbm>> -> memref<1x1x16xi32, #tpu.memory_space<hbm>>
        %dma_start3A_19 = tpu.memref_squeeze %dma_start3A_18 : memref<1x1x16xi32, #tpu.memory_space<hbm>> -> memref<16xi32, #tpu.memory_space<hbm>>
        %dma_start3A_20 = arith.constant 0 : i32
        %dma_start3A_21 = tpu.memref_slice %arg4[%add3A, %scan3A_6, %dma_start3A_20] : memref<32x40x16xi32, #tpu.memory_space<hbm>> -> memref<1x1x16xi32, #tpu.memory_space<hbm>>
        %dma_start3A_22 = tpu.memref_squeeze %dma_start3A_21 : memref<1x1x16xi32, #tpu.memory_space<hbm>> -> memref<16xi32, #tpu.memory_space<hbm>>
        tpu.enqueue_dma source(%dma_start3A_22 : memref<16xi32, #tpu.memory_space<hbm>>) target(%arg7 : memref<16xi32, #tpu.memory_space<vmem>>) target_semaphore(%run_scoped3A : memref<!tpu.dma_semaphore, #tpu.memory_space<semaphore_mem>>)
        %dma_wait3A_23 = arith.constant 0 : i32
        %dma_wait3A_24 = tpu.memref_slice %arg4[%add3A, %scan3A_6, %dma_wait3A_23] : memref<32x40x16xi32, #tpu.memory_space<hbm>> -> memref<1x1x16xi32, #tpu.memory_space<hbm>>
        %dma_wait3A_25 = tpu.memref_squeeze %dma_wait3A_24 : memref<1x1x16xi32, #tpu.memory_space<hbm>> -> memref<16xi32, #tpu.memory_space<hbm>>
        %dma_wait3A_26 = arith.constant 0 : i32
        %dma_wait3A_27 = tpu.memref_slice %arg4[%add3A, %scan3A_6, %dma_wait3A_26] : memref<32x40x16xi32, #tpu.memory_space<hbm>> -> memref<1x1x16xi32, #tpu.memory_space<hbm>>
        %dma_wait3A_28 = tpu.memref_squeeze %dma_wait3A_27 : memref<1x1x16xi32, #tpu.memory_space<hbm>> -> memref<16xi32, #tpu.memory_space<hbm>>
        tpu.wait_dma2 semaphore(%run_scoped3A : memref<!tpu.dma_semaphore, #tpu.memory_space<semaphore_mem>>) src(%dma_wait3A_28 : memref<16xi32, #tpu.memory_space<hbm>>) dst(%arg7 : memref<16xi32, #tpu.memory_space<vmem>>)
        tpu.yield
      }) : () -> ()
      %dma_start3A = arith.constant 0 : i32
      %dma_start3A_7 = arith.constant 0 : i32
      %dma_start3A_8 = tpu.memref_slice %arg2[%dma_start3A, %dma_start3A_7] : memref<1024x4096xf32, #tpu.memory_space<hbm>> -> memref<1024x4096xf32, #tpu.memory_space<hbm>>
      tpu.enqueue_indirect_dma source(%dma_start3A_8 : memref<1024x4096xf32, #tpu.memory_space<hbm>>) target(%arg8 : memref<16x4096xf32, #tpu.memory_space<vmem>>) offsets(%arg7 : memref<16xi32, #tpu.memory_space<vmem>>) semaphore(%arg10 : memref<!tpu.dma_semaphore, #tpu.memory_space<semaphore_mem>>)
      %dma_wait3A = arith.constant 0 : i32
      %dma_wait3A_9 = arith.constant 0 : i32
      %dma_wait3A_10 = tpu.memref_slice %arg2[%dma_wait3A, %dma_wait3A_9] : memref<1024x4096xf32, #tpu.memory_space<hbm>> -> memref<1024x4096xf32, #tpu.memory_space<hbm>>
      tpu.wait_indirect_dma semaphore(%arg10 : memref<!tpu.dma_semaphore, #tpu.memory_space<semaphore_mem>>) src(%dma_wait3A_10 : memref<1024x4096xf32, #tpu.memory_space<hbm>>) dst(%arg8 : memref<16x4096xf32, #tpu.memory_space<vmem>>)
      "tpu.region"() ({
        %run_scoped3A = tpu.sem_alloc : memref<!tpu.dma_semaphore, #tpu.memory_space<semaphore_mem>>
        %dma_start3A_17 = arith.constant 0 : i32
        %dma_start3A_18 = arith.constant 0 : i32
        %dma_start3A_19 = tpu.memref_slice %arg5[%add3A, %scan3A_6, %dma_start3A_17, %dma_start3A_18] : memref<32x40x16x4096xf32, #tpu.memory_space<hbm>> -> memref<1x1x16x4096xf32, #tpu.memory_space<hbm>>
        %dma_start3A_20 = tpu.memref_squeeze %dma_start3A_19 : memref<1x1x16x4096xf32, #tpu.memory_space<hbm>> -> memref<16x4096xf32, #tpu.memory_space<hbm>>
        %dma_start3A_21 = arith.constant 0 : i32
        %dma_start3A_22 = arith.constant 0 : i32
        %dma_start3A_23 = tpu.memref_slice %arg5[%add3A, %scan3A_6, %dma_start3A_21, %dma_start3A_22] : memref<32x40x16x4096xf32, #tpu.memory_space<hbm>> -> memref<1x1x16x4096xf32, #tpu.memory_space<hbm>>
        %dma_start3A_24 = tpu.memref_squeeze %dma_start3A_23 : memref<1x1x16x4096xf32, #tpu.memory_space<hbm>> -> memref<16x4096xf32, #tpu.memory_space<hbm>>
        tpu.enqueue_dma source(%arg8 : memref<16x4096xf32, #tpu.memory_space<vmem>>) target(%dma_start3A_24 : memref<16x4096xf32, #tpu.memory_space<hbm>>) target_semaphore(%run_scoped3A : memref<!tpu.dma_semaphore, #tpu.memory_space<semaphore_mem>>)
        %dma_wait3A_25 = arith.constant 0 : i32
        %dma_wait3A_26 = arith.constant 0 : i32
        %dma_wait3A_27 = tpu.memref_slice %arg5[%add3A, %scan3A_6, %dma_wait3A_25, %dma_wait3A_26] : memref<32x40x16x4096xf32, #tpu.memory_space<hbm>> -> memref<1x1x16x4096xf32, #tpu.memory_space<hbm>>
        %dma_wait3A_28 = tpu.memref_squeeze %dma_wait3A_27 : memref<1x1x16x4096xf32, #tpu.memory_space<hbm>> -> memref<16x4096xf32, #tpu.memory_space<hbm>>
        %dma_wait3A_29 = arith.constant 0 : i32
        %dma_wait3A_30 = arith.constant 0 : i32
        %dma_wait3A_31 = tpu.memref_slice %arg5[%add3A, %scan3A_6, %dma_wait3A_29, %dma_wait3A_30] : memref<32x40x16x4096xf32, #tpu.memory_space<hbm>> -> memref<1x1x16x4096xf32, #tpu.memory_space<hbm>>
        %dma_wait3A_32 = tpu.memref_squeeze %dma_wait3A_31 : memref<1x1x16x4096xf32, #tpu.memory_space<hbm>> -> memref<16x4096xf32, #tpu.memory_space<hbm>>
        tpu.wait_dma2 semaphore(%run_scoped3A : memref<!tpu.dma_semaphore, #tpu.memory_space<semaphore_mem>>) src(%arg8 : memref<16x4096xf32, #tpu.memory_space<vmem>>) dst(%dma_wait3A_32 : memref<16x4096xf32, #tpu.memory_space<hbm>>)
        tpu.yield
      }) : () -> ()
      %dma_start3A_11 = arith.constant 0 : i32
      %dma_start3A_12 = arith.constant 0 : i32
      %dma_start3A_13 = tpu.memref_slice %arg3[%dma_start3A_11, %dma_start3A_12] : memref<1024x256xf32, #tpu.memory_space<hbm>> -> memref<1024x256xf32, #tpu.memory_space<hbm>>
      tpu.enqueue_indirect_dma source(%dma_start3A_13 : memref<1024x256xf32, #tpu.memory_space<hbm>>) target(%arg9 : memref<16x256xf32, #tpu.memory_space<vmem>>) offsets(%arg7 : memref<16xi32, #tpu.memory_space<vmem>>) semaphore(%arg10 : memref<!tpu.dma_semaphore, #tpu.memory_space<semaphore_mem>>)
      %dma_wait3A_14 = arith.constant 0 : i32
      %dma_wait3A_15 = arith.constant 0 : i32
      %dma_wait3A_16 = tpu.memref_slice %arg3[%dma_wait3A_14, %dma_wait3A_15] : memref<1024x256xf32, #tpu.memory_space<hbm>> -> memref<1024x256xf32, #tpu.memory_space<hbm>>
      tpu.wait_indirect_dma semaphore(%arg10 : memref<!tpu.dma_semaphore, #tpu.memory_space<semaphore_mem>>) src(%dma_wait3A_16 : memref<1024x256xf32, #tpu.memory_space<hbm>>) dst(%arg9 : memref<16x256xf32, #tpu.memory_space<vmem>>)
      "tpu.region"() ({
        %run_scoped3A = tpu.sem_alloc : memref<!tpu.dma_semaphore, #tpu.memory_space<semaphore_mem>>
        %dma_start3A_17 = arith.constant 0 : i32
        %dma_start3A_18 = arith.constant 0 : i32
        %dma_start3A_19 = tpu.memref_slice %arg6[%add3A, %scan3A_6, %dma_start3A_17, %dma_start3A_18] : memref<32x40x16x256xf32, #tpu.memory_space<hbm>> -> memref<1x1x16x256xf32, #tpu.memory_space<hbm>>
        %dma_start3A_20 = tpu.memref_squeeze %dma_start3A_19 : memref<1x1x16x256xf32, #tpu.memory_space<hbm>> -> memref<16x256xf32, #tpu.memory_space<hbm>>
        %dma_start3A_21 = arith.constant 0 : i32
        %dma_start3A_22 = arith.constant 0 : i32
        %dma_start3A_23 = tpu.memref_slice %arg6[%add3A, %scan3A_6, %dma_start3A_21, %dma_start3A_22] : memref<32x40x16x256xf32, #tpu.memory_space<hbm>> -> memref<1x1x16x256xf32, #tpu.memory_space<hbm>>
        %dma_start3A_24 = tpu.memref_squeeze %dma_start3A_23 : memref<1x1x16x256xf32, #tpu.memory_space<hbm>> -> memref<16x256xf32, #tpu.memory_space<hbm>>
        tpu.enqueue_dma source(%arg9 : memref<16x256xf32, #tpu.memory_space<vmem>>) target(%dma_start3A_24 : memref<16x256xf32, #tpu.memory_space<hbm>>) target_semaphore(%run_scoped3A : memref<!tpu.dma_semaphore, #tpu.memory_space<semaphore_mem>>)
        %dma_wait3A_25 = arith.constant 0 : i32
        %dma_wait3A_26 = arith.constant 0 : i32
        %dma_wait3A_27 = tpu.memref_slice %arg6[%add3A, %scan3A_6, %dma_wait3A_25, %dma_wait3A_26] : memref<32x40x16x256xf32, #tpu.memory_space<hbm>> -> memref<1x1x16x256xf32, #tpu.memory_space<hbm>>
        %dma_wait3A_28 = tpu.memref_squeeze %dma_wait3A_27 : memref<1x1x16x256xf32, #tpu.memory_space<hbm>> -> memref<16x256xf32, #tpu.memory_space<hbm>>
        %dma_wait3A_29 = arith.constant 0 : i32
        %dma_wait3A_30 = arith.constant 0 : i32
        %dma_wait3A_31 = tpu.memref_slice %arg6[%add3A, %scan3A_6, %dma_wait3A_29, %dma_wait3A_30] : memref<32x40x16x256xf32, #tpu.memory_space<hbm>> -> memref<1x1x16x256xf32, #tpu.memory_space<hbm>>
        %dma_wait3A_32 = tpu.memref_squeeze %dma_wait3A_31 : memref<1x1x16x256xf32, #tpu.memory_space<hbm>> -> memref<16x256xf32, #tpu.memory_space<hbm>>
        tpu.wait_dma2 semaphore(%run_scoped3A : memref<!tpu.dma_semaphore, #tpu.memory_space<semaphore_mem>>) src(%arg9 : memref<16x256xf32, #tpu.memory_space<vmem>>) dst(%dma_wait3A_32 : memref<16x256xf32, #tpu.memory_space<hbm>>)
        tpu.yield
      }) : () -> ()
    }
    %scan3A_5 = arith.constant 40 : i32
    return
  }
}

module attributes {stable_mosaic.version = 14 : i64} {
  func.func @_qkv_kernel(%arg0: i32, %arg1: memref<256x1xi32, #tpu.memory_space<vmem>>, %arg2: memref<256x256xf32, #tpu.memory_space<vmem>>, %arg3: memref<144x256xf32, #tpu.memory_space<vmem>>, %arg4: memref<256x768xf32, #tpu.memory_space<vmem>>, %arg5: memref<1x768xf32, #tpu.memory_space<vmem>>, %arg6: memref<256x4096xf32, #tpu.memory_space<vmem>>, %arg7: memref<256x256xf32, #tpu.memory_space<vmem>>, %arg8: memref<256x256xf32, #tpu.memory_space<vmem>>, %arg9: memref<256x256xf32, #tpu.memory_space<vmem>>, %arg10: memref<256x4096xf32, #tpu.memory_space<vmem>>) attributes {dimension_semantics = [#tpu.dimension_semantics<arbitrary>], iteration_bounds = array<i64: 80>, scalar_prefetch = 0 : i64, scratch_operands = 0 : i64, tpu.core_type = #tpu.core_type<tc>, window_params = [{transform_indices = @transform_0, window_bounds = array<i64: 256, 1>}, {transform_indices = @transform_1, window_bounds = array<i64: 256, 256>}, {pipeline_mode = #tpu.pipeline_mode<synchronous>, transform_indices = @transform_2, window_bounds = array<i64: 144, 256>}, {pipeline_mode = #tpu.pipeline_mode<synchronous>, transform_indices = @transform_3, window_bounds = array<i64: 256, 768>}, {pipeline_mode = #tpu.pipeline_mode<synchronous>, transform_indices = @transform_4, window_bounds = array<i64: 1, 768>}, {pipeline_mode = #tpu.pipeline_mode<synchronous>, transform_indices = @transform_5, window_bounds = array<i64: 256, 4096>}, {transform_indices = @transform_6, window_bounds = array<i64: 256, 256>}, {transform_indices = @transform_7, window_bounds = array<i64: 256, 256>}, {transform_indices = @transform_8, window_bounds = array<i64: 256, 256>}, {transform_indices = @transform_9, window_bounds = array<i64: 256, 4096>}]} {
    %get3A = arith.constant 0 : index
    %get3A_0 = arith.constant 0 : index
    %get3A_1 = vector.load %arg2[%get3A, %get3A_0] : memref<256x256xf32, #tpu.memory_space<vmem>>, vector<256x256xf32>
    %get3A_2 = arith.constant 0 : index
    %get3A_3 = arith.constant 0 : index
    %get3A_4 = vector.load %arg1[%get3A_2, %get3A_3] : memref<256x1xi32, #tpu.memory_space<vmem>>, vector<256x1xi32>
    %iota3A = tpu.iota {dimensions = array<i32: 1>} : vector<256x144xi32>
    %eq3A = vector.broadcast %get3A_4 : vector<256x1xi32> to vector<256x144xi32>
    %eq3A_5 = arith.cmpi eq, %eq3A, %iota3A : vector<256x144xi32>
    %convert_element_type3A = arith.extui %eq3A_5 : vector<256x144xi1> to vector<256x144xi32>
    %convert_element_type3A_6 = arith.sitofp %convert_element_type3A : vector<256x144xi32> to vector<256x144xf32>
    %get3A_7 = arith.constant 0 : index
    %get3A_8 = arith.constant 0 : index
    %get3A_9 = vector.load %arg3[%get3A_7, %get3A_8] : memref<144x256xf32, #tpu.memory_space<vmem>>, vector<144x256xf32>
    %dot_general3A = arith.constant dense<0.000000e+00> : vector<256x256xf32>
    %dot_general3A_10 = tpu.matmul %convert_element_type3A_6, %get3A_9, %dot_general3A {dimension_numbers = #tpu.dot_dimension_numbers<[1], [0], [0], [1], [0, 0, 1, 1], [], []>, transpose_lhs_hint = false} : vector<256x144xf32>, vector<144x256xf32>, vector<256x256xf32> -> vector<256x256xf32>
    %add3A = arith.addf %get3A_1, %dot_general3A_10 : vector<256x256xf32>
    %get3A_11 = arith.constant 0 : index
    %get3A_12 = arith.constant 0 : index
    %get3A_13 = vector.load %arg4[%get3A_11, %get3A_12] : memref<256x768xf32, #tpu.memory_space<vmem>>, vector<256x768xf32>
    %dot_general3A_14 = arith.constant dense<0.000000e+00> : vector<256x768xf32>
    %dot_general3A_15 = tpu.matmul %add3A, %get3A_13, %dot_general3A_14 {dimension_numbers = #tpu.dot_dimension_numbers<[1], [0], [0], [1], [0, 0, 1, 1], [], []>, transpose_lhs_hint = false} : vector<256x256xf32>, vector<256x768xf32>, vector<256x768xf32> -> vector<256x768xf32>
    %get3A_16 = arith.constant 0 : index
    %get3A_17 = arith.constant 0 : index
    %get3A_18 = vector.load %arg5[%get3A_16, %get3A_17] : memref<1x768xf32, #tpu.memory_space<vmem>>, vector<1x768xf32>
    %add3A_19 = vector.broadcast %get3A_18 : vector<1x768xf32> to vector<256x768xf32>
    %add3A_20 = arith.addf %dot_general3A_15, %add3A_19 : vector<256x768xf32>
    %slice3A = vector.extract_strided_slice %add3A_20 {offsets = [0, 0], sizes = [256, 256], strides = [1, 1]} : vector<256x768xf32> to vector<256x256xf32>
    %slice3A_21 = vector.extract_strided_slice %add3A_20 {offsets = [0, 256], sizes = [256, 256], strides = [1, 1]} : vector<256x768xf32> to vector<256x256xf32>
    %slice3A_22 = vector.extract_strided_slice %add3A_20 {offsets = [0, 512], sizes = [256, 256], strides = [1, 1]} : vector<256x768xf32> to vector<256x256xf32>
    %gt3A = arith.constant 0.000000e+00 : f32
    %gt3A_23 = vector.broadcast %gt3A : f32 to vector<256x256xf32>
    %gt3A_24 = arith.cmpf ogt, %slice3A, %gt3A_23 : vector<256x256xf32>
    %add3A_25 = arith.constant 1.000000e+00 : f32
    %add3A_26 = vector.broadcast %add3A_25 : f32 to vector<256x256xf32>
    %add3A_27 = arith.addf %slice3A, %add3A_26 : vector<256x256xf32>
    %exp3A = math.exp %slice3A : vector<256x256xf32>
    %select_n3A = arith.select %gt3A_24, %add3A_27, %exp3A : vector<256x256xi1>, vector<256x256xf32>
    %gt3A_28 = arith.constant 0.000000e+00 : f32
    %gt3A_29 = vector.broadcast %gt3A_28 : f32 to vector<256x256xf32>
    %gt3A_30 = arith.cmpf ogt, %slice3A_21, %gt3A_29 : vector<256x256xf32>
    %add3A_31 = arith.constant 1.000000e+00 : f32
    %add3A_32 = vector.broadcast %add3A_31 : f32 to vector<256x256xf32>
    %add3A_33 = arith.addf %slice3A_21, %add3A_32 : vector<256x256xf32>
    %exp3A_34 = math.exp %slice3A_21 : vector<256x256xf32>
    %select_n3A_35 = arith.select %gt3A_30, %add3A_33, %exp3A_34 : vector<256x256xi1>, vector<256x256xf32>
    %swap3A = arith.constant 0 : index
    %swap3A_36 = arith.constant 0 : index
    %swap3A_37 = vector.load %arg7[%swap3A, %swap3A_36] : memref<256x256xf32, #tpu.memory_space<vmem>>, vector<256x256xf32>
    tpu.vector_store %arg7[%swap3A, %swap3A_36], %select_n3A {strides = array<i32>} : memref<256x256xf32, #tpu.memory_space<vmem>>, vector<256x256xf32>,
    %swap3A_38 = arith.constant 0 : index
    %swap3A_39 = arith.constant 0 : index
    %swap3A_40 = vector.load %arg8[%swap3A_38, %swap3A_39] : memref<256x256xf32, #tpu.memory_space<vmem>>, vector<256x256xf32>
    tpu.vector_store %arg8[%swap3A_38, %swap3A_39], %select_n3A_35 {strides = array<i32>} : memref<256x256xf32, #tpu.memory_space<vmem>>, vector<256x256xf32>,
    %swap3A_41 = arith.constant 0 : index
    %swap3A_42 = arith.constant 0 : index
    %swap3A_43 = vector.load %arg9[%swap3A_41, %swap3A_42] : memref<256x256xf32, #tpu.memory_space<vmem>>, vector<256x256xf32>
    tpu.vector_store %arg9[%swap3A_41, %swap3A_42], %slice3A_22 {strides = array<i32>} : memref<256x256xf32, #tpu.memory_space<vmem>>, vector<256x256xf32>,
    %get3A_44 = arith.constant 0 : index
    %get3A_45 = arith.constant 0 : index
    %get3A_46 = vector.load %arg6[%get3A_44, %get3A_45] : memref<256x4096xf32, #tpu.memory_space<vmem>>, vector<256x4096xf32>
    %dot_general3A_47 = arith.constant dense<0.000000e+00> : vector<256x4096xf32>
    %dot_general3A_48 = tpu.matmul %select_n3A_35, %get3A_46, %dot_general3A_47 {dimension_numbers = #tpu.dot_dimension_numbers<[1], [0], [0], [1], [0, 0, 1, 1], [], []>, transpose_lhs_hint = false} : vector<256x256xf32>, vector<256x4096xf32>, vector<256x4096xf32> -> vector<256x4096xf32>
    %concatenate3A = tpu.concatenate %slice3A_22, %slice3A_22, %slice3A_22, %slice3A_22, %slice3A_22, %slice3A_22, %slice3A_22, %slice3A_22, %slice3A_22, %slice3A_22, %slice3A_22, %slice3A_22, %slice3A_22, %slice3A_22, %slice3A_22, %slice3A_22 in 1 : vector<256x256xf32>, vector<256x256xf32>, vector<256x256xf32>, vector<256x256xf32>, vector<256x256xf32>, vector<256x256xf32>, vector<256x256xf32>, vector<256x256xf32>, vector<256x256xf32>, vector<256x256xf32>, vector<256x256xf32>, vector<256x256xf32>, vector<256x256xf32>, vector<256x256xf32>, vector<256x256xf32>, vector<256x256xf32> -> vector<256x4096xf32>
    %mul3A = arith.mulf %dot_general3A_48, %concatenate3A : vector<256x4096xf32>
    %swap3A_49 = arith.constant 0 : index
    %swap3A_50 = arith.constant 0 : index
    %swap3A_51 = vector.load %arg10[%swap3A_49, %swap3A_50] : memref<256x4096xf32, #tpu.memory_space<vmem>>, vector<256x4096xf32>
    tpu.vector_store %arg10[%swap3A_49, %swap3A_50], %mul3A {strides = array<i32>} : memref<256x4096xf32, #tpu.memory_space<vmem>>, vector<256x4096xf32>,
    return
  }
  func.func @transform_0(%arg0: i32) -> (i32, i32) {
    %c0_i32 = arith.constant 0 : i32
    %c0_i32_0 = arith.constant 0 : i32
    return %arg0, %c0_i32 : i32, i32
  }
  func.func @transform_1(%arg0: i32) -> (i32, i32) {
    %c0_i32 = arith.constant 0 : i32
    %c0_i32_0 = arith.constant 0 : i32
    return %arg0, %c0_i32 : i32, i32
  }
  func.func @transform_2(%arg0: i32) -> (i32, i32) {
    %c0_i32 = arith.constant 0 : i32
    %c0_i32_0 = arith.constant 0 : i32
    %c0_i32_1 = arith.constant 0 : i32
    return %c0_i32, %c0_i32_0 : i32, i32
  }
  func.func @transform_3(%arg0: i32) -> (i32, i32) {
    %c0_i32 = arith.constant 0 : i32
    %c0_i32_0 = arith.constant 0 : i32
    %c0_i32_1 = arith.constant 0 : i32
    return %c0_i32, %c0_i32_0 : i32, i32
  }
  func.func @transform_4(%arg0: i32) -> (i32, i32) {
    %c0_i32 = arith.constant 0 : i32
    %c0_i32_0 = arith.constant 0 : i32
    %c0_i32_1 = arith.constant 0 : i32
    return %c0_i32, %c0_i32_0 : i32, i32
  }
  func.func @transform_5(%arg0: i32) -> (i32, i32) {
    %c0_i32 = arith.constant 0 : i32
    %c0_i32_0 = arith.constant 0 : i32
    %c0_i32_1 = arith.constant 0 : i32
    return %c0_i32, %c0_i32_0 : i32, i32
  }
  func.func @transform_6(%arg0: i32) -> (i32, i32) {
    %c0_i32 = arith.constant 0 : i32
    %c0_i32_0 = arith.constant 0 : i32
    return %arg0, %c0_i32 : i32, i32
  }
  func.func @transform_7(%arg0: i32) -> (i32, i32) {
    %c0_i32 = arith.constant 0 : i32
    %c0_i32_0 = arith.constant 0 : i32
    return %arg0, %c0_i32 : i32, i32
  }
  func.func @transform_8(%arg0: i32) -> (i32, i32) {
    %c0_i32 = arith.constant 0 : i32
    %c0_i32_0 = arith.constant 0 : i32
    return %arg0, %c0_i32 : i32, i32
  }
  func.func @transform_9(%arg0: i32) -> (i32, i32) {
    %c0_i32 = arith.constant 0 : i32
    %c0_i32_0 = arith.constant 0 : i32
    return %arg0, %c0_i32 : i32, i32
  }
}

module attributes {stable_mosaic.version = 14 : i64} {
  func.func @_attn_ffn_kernel(%arg0: i32, %arg1: memref<256x256xf32, #tpu.memory_space<vmem>>, %arg2: memref<256x4096xf32, #tpu.memory_space<vmem>>, %arg3: memref<256x256xf32, #tpu.memory_space<vmem>>, %arg4: memref<256x256xf32, #tpu.memory_space<vmem>>, %arg5: memref<256x4096xf32, #tpu.memory_space<vmem>>, %arg6: memref<256x256xf32, #tpu.memory_space<vmem>>, %arg7: memref<256x256xf32, #tpu.memory_space<vmem>>, %arg8: memref<1x256xf32, #tpu.memory_space<vmem>>, %arg9: memref<1x256xf32, #tpu.memory_space<vmem>>, %arg10: memref<1x256xf32, #tpu.memory_space<vmem>>, %arg11: memref<256x512xf32, #tpu.memory_space<vmem>>, %arg12: memref<1x512xf32, #tpu.memory_space<vmem>>, %arg13: memref<512x256xf32, #tpu.memory_space<vmem>>, %arg14: memref<1x256xf32, #tpu.memory_space<vmem>>, %arg15: memref<1x256xf32, #tpu.memory_space<vmem>>, %arg16: memref<1x256xf32, #tpu.memory_space<vmem>>, %arg17: memref<256x256xf32, #tpu.memory_space<vmem>>, %arg18: memref<256x128xf32, #tpu.memory_space<vmem>>, %arg19: memref<256x128xf32, #tpu.memory_space<vmem>>) attributes {dimension_semantics = [#tpu.dimension_semantics<arbitrary>], iteration_bounds = array<i64: 80>, scalar_prefetch = 0 : i64, scratch_operands = 0 : i64, tpu.core_type = #tpu.core_type<tc>, window_params = [{transform_indices = @transform_0, window_bounds = array<i64: 256, 256>}, {transform_indices = @transform_1, window_bounds = array<i64: 256, 4096>}, {transform_indices = @transform_2, window_bounds = array<i64: 256, 256>}, {transform_indices = @transform_3, window_bounds = array<i64: 256, 256>}, {pipeline_mode = #tpu.pipeline_mode<synchronous>, transform_indices = @transform_4, window_bounds = array<i64: 256, 4096>}, {pipeline_mode = #tpu.pipeline_mode<synchronous>, transform_indices = @transform_5, window_bounds = array<i64: 256, 256>}, {pipeline_mode = #tpu.pipeline_mode<synchronous>, transform_indices = @transform_6, window_bounds = array<i64: 256, 256>}, {pipeline_mode = #tpu.pipeline_mode<synchronous>, transform_indices = @transform_7, window_bounds = array<i64: 1, 256>}, {pipeline_mode = #tpu.pipeline_mode<synchronous>, transform_indices = @transform_8, window_bounds = array<i64: 1, 256>}, {pipeline_mode = #tpu.pipeline_mode<synchronous>, transform_indices = @transform_9, window_bounds = array<i64: 1, 256>}, {pipeline_mode = #tpu.pipeline_mode<synchronous>, transform_indices = @transform_10, window_bounds = array<i64: 256, 512>}, {pipeline_mode = #tpu.pipeline_mode<synchronous>, transform_indices = @transform_11, window_bounds = array<i64: 1, 512>}, {pipeline_mode = #tpu.pipeline_mode<synchronous>, transform_indices = @transform_12, window_bounds = array<i64: 512, 256>}, {pipeline_mode = #tpu.pipeline_mode<synchronous>, transform_indices = @transform_13, window_bounds = array<i64: 1, 256>}, {pipeline_mode = #tpu.pipeline_mode<synchronous>, transform_indices = @transform_14, window_bounds = array<i64: 1, 256>}, {pipeline_mode = #tpu.pipeline_mode<synchronous>, transform_indices = @transform_15, window_bounds = array<i64: 1, 256>}, {transform_indices = @transform_16, window_bounds = array<i64: 256, 256>}, {transform_indices = @transform_17, window_bounds = array<i64: 256, 128>}, {transform_indices = @transform_18, window_bounds = array<i64: 256, 128>}]} {
    %get3A = arith.constant 0 : index
    %get3A_0 = arith.constant 0 : index
    %get3A_1 = vector.load %arg1[%get3A, %get3A_0] : memref<256x256xf32, #tpu.memory_space<vmem>>, vector<256x256xf32>
    %get3A_2 = arith.constant 0 : index
    %get3A_3 = arith.constant 0 : index
    %get3A_4 = vector.load %arg3[%get3A_2, %get3A_3] : memref<256x256xf32, #tpu.memory_space<vmem>>, vector<256x256xf32>
    %get3A_5 = arith.constant 0 : index
    %get3A_6 = arith.constant 0 : index
    %get3A_7 = vector.load %arg5[%get3A_5, %get3A_6] : memref<256x4096xf32, #tpu.memory_space<vmem>>, vector<256x4096xf32>
    %dot_general3A = arith.constant dense<0.000000e+00> : vector<256x4096xf32>
    %dot_general3A_8 = tpu.matmul %get3A_1, %get3A_7, %dot_general3A {dimension_numbers = #tpu.dot_dimension_numbers<[1], [0], [0], [1], [0, 0, 1, 1], [], []>, transpose_lhs_hint = false} : vector<256x256xf32>, vector<256x4096xf32>, vector<256x4096xf32> -> vector<256x4096xf32>
    %get3A_9 = arith.constant 0 : index
    %get3A_10 = arith.constant 0 : index
    %get3A_11 = vector.load %arg2[%get3A_9, %get3A_10] : memref<256x4096xf32, #tpu.memory_space<vmem>>, vector<256x4096xf32>
    %mul3A = arith.mulf %dot_general3A_8, %get3A_11 : vector<256x4096xf32>
    %broadcast_in_dim3A = arith.constant 0.000000e+00 : f32
    %broadcast_in_dim3A_12 = vector.broadcast %broadcast_in_dim3A : f32 to vector<256x256xf32>
    %slice3A = vector.extract_strided_slice %mul3A {offsets = [0, 0], sizes = [256, 256], strides = [1, 1]} : vector<256x4096xf32> to vector<256x256xf32>
    %add3A = arith.addf %broadcast_in_dim3A_12, %slice3A : vector<256x256xf32>
    %slice3A_13 = vector.extract_strided_slice %mul3A {offsets = [0, 256], sizes = [256, 256], strides = [1, 1]} : vector<256x4096xf32> to vector<256x256xf32>
    %add3A_14 = arith.addf %add3A, %slice3A_13 : vector<256x256xf32>
    %slice3A_15 = vector.extract_strided_slice %mul3A {offsets = [0, 512], sizes = [256, 256], strides = [1, 1]} : vector<256x4096xf32> to vector<256x256xf32>
    %add3A_16 = arith.addf %add3A_14, %slice3A_15 : vector<256x256xf32>
    %slice3A_17 = vector.extract_strided_slice %mul3A {offsets = [0, 768], sizes = [256, 256], strides = [1, 1]} : vector<256x4096xf32> to vector<256x256xf32>
    %add3A_18 = arith.addf %add3A_16, %slice3A_17 : vector<256x256xf32>
    %slice3A_19 = vector.extract_strided_slice %mul3A {offsets = [0, 1024], sizes = [256, 256], strides = [1, 1]} : vector<256x4096xf32> to vector<256x256xf32>
    %add3A_20 = arith.addf %add3A_18, %slice3A_19 : vector<256x256xf32>
    %slice3A_21 = vector.extract_strided_slice %mul3A {offsets = [0, 1280], sizes = [256, 256], strides = [1, 1]} : vector<256x4096xf32> to vector<256x256xf32>
    %add3A_22 = arith.addf %add3A_20, %slice3A_21 : vector<256x256xf32>
    %slice3A_23 = vector.extract_strided_slice %mul3A {offsets = [0, 1536], sizes = [256, 256], strides = [1, 1]} : vector<256x4096xf32> to vector<256x256xf32>
    %add3A_24 = arith.addf %add3A_22, %slice3A_23 : vector<256x256xf32>
    %slice3A_25 = vector.extract_strided_slice %mul3A {offsets = [0, 1792], sizes = [256, 256], strides = [1, 1]} : vector<256x4096xf32> to vector<256x256xf32>
    %add3A_26 = arith.addf %add3A_24, %slice3A_25 : vector<256x256xf32>
    %slice3A_27 = vector.extract_strided_slice %mul3A {offsets = [0, 2048], sizes = [256, 256], strides = [1, 1]} : vector<256x4096xf32> to vector<256x256xf32>
    %add3A_28 = arith.addf %add3A_26, %slice3A_27 : vector<256x256xf32>
    %slice3A_29 = vector.extract_strided_slice %mul3A {offsets = [0, 2304], sizes = [256, 256], strides = [1, 1]} : vector<256x4096xf32> to vector<256x256xf32>
    %add3A_30 = arith.addf %add3A_28, %slice3A_29 : vector<256x256xf32>
    %slice3A_31 = vector.extract_strided_slice %mul3A {offsets = [0, 2560], sizes = [256, 256], strides = [1, 1]} : vector<256x4096xf32> to vector<256x256xf32>
    %add3A_32 = arith.addf %add3A_30, %slice3A_31 : vector<256x256xf32>
    %slice3A_33 = vector.extract_strided_slice %mul3A {offsets = [0, 2816], sizes = [256, 256], strides = [1, 1]} : vector<256x4096xf32> to vector<256x256xf32>
    %add3A_34 = arith.addf %add3A_32, %slice3A_33 : vector<256x256xf32>
    %slice3A_35 = vector.extract_strided_slice %mul3A {offsets = [0, 3072], sizes = [256, 256], strides = [1, 1]} : vector<256x4096xf32> to vector<256x256xf32>
    %add3A_36 = arith.addf %add3A_34, %slice3A_35 : vector<256x256xf32>
    %slice3A_37 = vector.extract_strided_slice %mul3A {offsets = [0, 3328], sizes = [256, 256], strides = [1, 1]} : vector<256x4096xf32> to vector<256x256xf32>
    %add3A_38 = arith.addf %add3A_36, %slice3A_37 : vector<256x256xf32>
    %slice3A_39 = vector.extract_strided_slice %mul3A {offsets = [0, 3584], sizes = [256, 256], strides = [1, 1]} : vector<256x4096xf32> to vector<256x256xf32>
    %add3A_40 = arith.addf %add3A_38, %slice3A_39 : vector<256x256xf32>
    %slice3A_41 = vector.extract_strided_slice %mul3A {offsets = [0, 3840], sizes = [256, 256], strides = [1, 1]} : vector<256x4096xf32> to vector<256x256xf32>
    %add3A_42 = arith.addf %add3A_40, %slice3A_41 : vector<256x256xf32>
    %mul3A_43 = arith.mulf %get3A_1, %get3A_4 : vector<256x256xf32>
    %get3A_44 = arith.constant 0 : index
    %get3A_45 = arith.constant 0 : index
    %get3A_46 = vector.load %arg6[%get3A_44, %get3A_45] : memref<256x256xf32, #tpu.memory_space<vmem>>, vector<256x256xf32>
    %dot_general3A_47 = arith.constant dense<0.000000e+00> : vector<256x256xf32>
    %dot_general3A_48 = tpu.matmul %mul3A_43, %get3A_46, %dot_general3A_47 {dimension_numbers = #tpu.dot_dimension_numbers<[1], [0], [0], [1], [0, 0, 1, 1], [], []>, transpose_lhs_hint = false} : vector<256x256xf32>, vector<256x256xf32>, vector<256x256xf32> -> vector<256x256xf32>
    %add3A_49 = arith.constant 9.99999997E-7 : f32
    %add3A_50 = vector.broadcast %add3A_49 : f32 to vector<256x256xf32>
    %add3A_51 = arith.addf %dot_general3A_48, %add3A_50 : vector<256x256xf32>
    %div3A = arith.divf %add3A_42, %add3A_51 : vector<256x256xf32>
    %get3A_52 = arith.constant 0 : index
    %get3A_53 = arith.constant 0 : index
    %get3A_54 = vector.load %arg7[%get3A_52, %get3A_53] : memref<256x256xf32, #tpu.memory_space<vmem>>, vector<256x256xf32>
    %dot_general3A_55 = arith.constant dense<0.000000e+00> : vector<256x256xf32>
    %dot_general3A_56 = tpu.matmul %div3A, %get3A_54, %dot_general3A_55 {dimension_numbers = #tpu.dot_dimension_numbers<[1], [0], [0], [1], [0, 0, 1, 1], [], []>, transpose_lhs_hint = false} : vector<256x256xf32>, vector<256x256xf32>, vector<256x256xf32> -> vector<256x256xf32>
    %get3A_57 = arith.constant 0 : index
    %get3A_58 = arith.constant 0 : index
    %get3A_59 = vector.load %arg8[%get3A_57, %get3A_58] : memref<1x256xf32, #tpu.memory_space<vmem>>, vector<1x256xf32>
    %add3A_60 = vector.broadcast %get3A_59 : vector<1x256xf32> to vector<256x256xf32>
    %add3A_61 = arith.addf %dot_general3A_56, %add3A_60 : vector<256x256xf32>
    %get3A_62 = arith.constant 0 : index
    %get3A_63 = arith.constant 0 : index
    %get3A_64 = vector.load %arg4[%get3A_62, %get3A_63] : memref<256x256xf32, #tpu.memory_space<vmem>>, vector<256x256xf32>
    %add3A_65 = arith.addf %get3A_64, %add3A_61 : vector<256x256xf32>
    %get3A_66 = arith.constant 0 : index
    %get3A_67 = arith.constant 0 : index
    %get3A_68 = vector.load %arg9[%get3A_66, %get3A_67] : memref<1x256xf32, #tpu.memory_space<vmem>>, vector<1x256xf32>
    %get3A_69 = arith.constant 0 : index
    %get3A_70 = arith.constant 0 : index
    %get3A_71 = vector.load %arg10[%get3A_69, %get3A_70] : memref<1x256xf32, #tpu.memory_space<vmem>>, vector<1x256xf32>
    %reduce_sum3A = arith.constant dense<0.000000e+00> : vector<256xf32>
    %reduce_sum3A_72 = vector.multi_reduction <add>, %add3A_65, %reduce_sum3A [1] : vector<256x256xf32> to vector<256xf32>
    %broadcast_in_dim3A_73 = vector.shape_cast %reduce_sum3A_72 : vector<256xf32> to vector<256x1xf32>
    %div3A_74 = arith.constant 2.560000e+02 : f32
    %div3A_75 = vector.broadcast %div3A_74 : f32 to vector<256x1xf32>
    %div3A_76 = arith.divf %broadcast_in_dim3A_73, %div3A_75 : vector<256x1xf32>
    %sub3A = vector.broadcast %div3A_76 : vector<256x1xf32> to vector<256x256xf32>
    %sub3A_77 = arith.subf %add3A_65, %sub3A : vector<256x256xf32>
    %integer_pow3A = arith.mulf %sub3A_77, %sub3A_77 : vector<256x256xf32>
    %reduce_sum3A_78 = arith.constant dense<0.000000e+00> : vector<256xf32>
    %reduce_sum3A_79 = vector.multi_reduction <add>, %integer_pow3A, %reduce_sum3A_78 [1] : vector<256x256xf32> to vector<256xf32>
    %broadcast_in_dim3A_80 = vector.shape_cast %reduce_sum3A_79 : vector<256xf32> to vector<256x1xf32>
    %div3A_81 = arith.constant 2.560000e+02 : f32
    %div3A_82 = vector.broadcast %div3A_81 : f32 to vector<256x1xf32>
    %div3A_83 = arith.divf %broadcast_in_dim3A_80, %div3A_82 : vector<256x1xf32>
    %sub3A_84 = vector.broadcast %div3A_76 : vector<256x1xf32> to vector<256x256xf32>
    %sub3A_85 = arith.subf %add3A_65, %sub3A_84 : vector<256x256xf32>
    %add3A_86 = arith.constant 9.99999974E-6 : f32
    %add3A_87 = vector.broadcast %add3A_86 : f32 to vector<256x1xf32>
    %add3A_88 = arith.addf %div3A_83, %add3A_87 : vector<256x1xf32>
    %sqrt3A = math.sqrt %add3A_88 : vector<256x1xf32>
    %div3A_89 = vector.broadcast %sqrt3A : vector<256x1xf32> to vector<256x256xf32>
    %div3A_90 = arith.divf %sub3A_85, %div3A_89 : vector<256x256xf32>
    %mul3A_91 = vector.broadcast %get3A_68 : vector<1x256xf32> to vector<256x256xf32>
    %mul3A_92 = arith.mulf %div3A_90, %mul3A_91 : vector<256x256xf32>
    %add3A_93 = vector.broadcast %get3A_71 : vector<1x256xf32> to vector<256x256xf32>
    %add3A_94 = arith.addf %mul3A_92, %add3A_93 : vector<256x256xf32>
    %get3A_95 = arith.constant 0 : index
    %get3A_96 = arith.constant 0 : index
    %get3A_97 = vector.load %arg11[%get3A_95, %get3A_96] : memref<256x512xf32, #tpu.memory_space<vmem>>, vector<256x512xf32>
    %dot_general3A_98 = arith.constant dense<0.000000e+00> : vector<256x512xf32>
    %dot_general3A_99 = tpu.matmul %add3A_94, %get3A_97, %dot_general3A_98 {dimension_numbers = #tpu.dot_dimension_numbers<[1], [0], [0], [1], [0, 0, 1, 1], [], []>, transpose_lhs_hint = false} : vector<256x256xf32>, vector<256x512xf32>, vector<256x512xf32> -> vector<256x512xf32>
    %get3A_100 = arith.constant 0 : index
    %get3A_101 = arith.constant 0 : index
    %get3A_102 = vector.load %arg12[%get3A_100, %get3A_101] : memref<1x512xf32, #tpu.memory_space<vmem>>, vector<1x512xf32>
    %add3A_103 = vector.broadcast %get3A_102 : vector<1x512xf32> to vector<256x512xf32>
    %add3A_104 = arith.addf %dot_general3A_99, %add3A_103 : vector<256x512xf32>
    %mul3A_105 = arith.constant 5.000000e-01 : f32
    %mul3A_106 = vector.broadcast %mul3A_105 : f32 to vector<256x512xf32>
    %mul3A_107 = arith.mulf %mul3A_106, %add3A_104 : vector<256x512xf32>
    %sqrt3A_108 = arith.constant 2.000000e+00 : f32
    %sqrt3A_109 = math.sqrt %sqrt3A_108 : f32
    %div3A_110 = vector.broadcast %sqrt3A_109 : f32 to vector<256x512xf32>
    %div3A_111 = arith.divf %add3A_104, %div3A_110 : vector<256x512xf32>
    %erf3A = math.erf %div3A_111 : vector<256x512xf32>
    %add3A_112 = arith.constant 1.000000e+00 : f32
    %add3A_113 = vector.broadcast %add3A_112 : f32 to vector<256x512xf32>
    %add3A_114 = arith.addf %add3A_113, %erf3A : vector<256x512xf32>
    %mul3A_115 = arith.mulf %mul3A_107, %add3A_114 : vector<256x512xf32>
    %get3A_116 = arith.constant 0 : index
    %get3A_117 = arith.constant 0 : index
    %get3A_118 = vector.load %arg13[%get3A_116, %get3A_117] : memref<512x256xf32, #tpu.memory_space<vmem>>, vector<512x256xf32>
    %dot_general3A_119 = arith.constant dense<0.000000e+00> : vector<256x256xf32>
    %dot_general3A_120 = tpu.matmul %mul3A_115, %get3A_118, %dot_general3A_119 {dimension_numbers = #tpu.dot_dimension_numbers<[1], [0], [0], [1], [0, 0, 1, 1], [], []>, transpose_lhs_hint = false} : vector<256x512xf32>, vector<512x256xf32>, vector<256x256xf32> -> vector<256x256xf32>
    %get3A_121 = arith.constant 0 : index
    %get3A_122 = arith.constant 0 : index
    %get3A_123 = vector.load %arg14[%get3A_121, %get3A_122] : memref<1x256xf32, #tpu.memory_space<vmem>>, vector<1x256xf32>
    %add3A_124 = vector.broadcast %get3A_123 : vector<1x256xf32> to vector<256x256xf32>
    %add3A_125 = arith.addf %dot_general3A_120, %add3A_124 : vector<256x256xf32>
    %add3A_126 = arith.addf %add3A_94, %add3A_125 : vector<256x256xf32>
    %get3A_127 = arith.constant 0 : index
    %get3A_128 = arith.constant 0 : index
    %get3A_129 = vector.load %arg15[%get3A_127, %get3A_128] : memref<1x256xf32, #tpu.memory_space<vmem>>, vector<1x256xf32>
    %get3A_130 = arith.constant 0 : index
    %get3A_131 = arith.constant 0 : index
    %get3A_132 = vector.load %arg16[%get3A_130, %get3A_131] : memref<1x256xf32, #tpu.memory_space<vmem>>, vector<1x256xf32>
    %reduce_sum3A_133 = arith.constant dense<0.000000e+00> : vector<256xf32>
    %reduce_sum3A_134 = vector.multi_reduction <add>, %add3A_126, %reduce_sum3A_133 [1] : vector<256x256xf32> to vector<256xf32>
    %broadcast_in_dim3A_135 = vector.shape_cast %reduce_sum3A_134 : vector<256xf32> to vector<256x1xf32>
    %div3A_136 = arith.constant 2.560000e+02 : f32
    %div3A_137 = vector.broadcast %div3A_136 : f32 to vector<256x1xf32>
    %div3A_138 = arith.divf %broadcast_in_dim3A_135, %div3A_137 : vector<256x1xf32>
    %sub3A_139 = vector.broadcast %div3A_138 : vector<256x1xf32> to vector<256x256xf32>
    %sub3A_140 = arith.subf %add3A_126, %sub3A_139 : vector<256x256xf32>
    %integer_pow3A_141 = arith.mulf %sub3A_140, %sub3A_140 : vector<256x256xf32>
    %reduce_sum3A_142 = arith.constant dense<0.000000e+00> : vector<256xf32>
    %reduce_sum3A_143 = vector.multi_reduction <add>, %integer_pow3A_141, %reduce_sum3A_142 [1] : vector<256x256xf32> to vector<256xf32>
    %broadcast_in_dim3A_144 = vector.shape_cast %reduce_sum3A_143 : vector<256xf32> to vector<256x1xf32>
    %div3A_145 = arith.constant 2.560000e+02 : f32
    %div3A_146 = vector.broadcast %div3A_145 : f32 to vector<256x1xf32>
    %div3A_147 = arith.divf %broadcast_in_dim3A_144, %div3A_146 : vector<256x1xf32>
    %sub3A_148 = vector.broadcast %div3A_138 : vector<256x1xf32> to vector<256x256xf32>
    %sub3A_149 = arith.subf %add3A_126, %sub3A_148 : vector<256x256xf32>
    %add3A_150 = arith.constant 9.99999974E-6 : f32
    %add3A_151 = vector.broadcast %add3A_150 : f32 to vector<256x1xf32>
    %add3A_152 = arith.addf %div3A_147, %add3A_151 : vector<256x1xf32>
    %sqrt3A_153 = math.sqrt %add3A_152 : vector<256x1xf32>
    %div3A_154 = vector.broadcast %sqrt3A_153 : vector<256x1xf32> to vector<256x256xf32>
    %div3A_155 = arith.divf %sub3A_149, %div3A_154 : vector<256x256xf32>
    %mul3A_156 = vector.broadcast %get3A_129 : vector<1x256xf32> to vector<256x256xf32>
    %mul3A_157 = arith.mulf %div3A_155, %mul3A_156 : vector<256x256xf32>
    %add3A_158 = vector.broadcast %get3A_132 : vector<1x256xf32> to vector<256x256xf32>
    %add3A_159 = arith.addf %mul3A_157, %add3A_158 : vector<256x256xf32>
    %swap3A = arith.constant 0 : index
    %swap3A_160 = arith.constant 0 : index
    %swap3A_161 = vector.load %arg17[%swap3A, %swap3A_160] : memref<256x256xf32, #tpu.memory_space<vmem>>, vector<256x256xf32>
    tpu.vector_store %arg17[%swap3A, %swap3A_160], %add3A_159 {strides = array<i32>} : memref<256x256xf32, #tpu.memory_space<vmem>>, vector<256x256xf32>,
    %slice3A_162 = vector.extract_strided_slice %add3A_159 {offsets = [0, 64], sizes = [256, 128], strides = [1, 1]} : vector<256x256xf32> to vector<256x128xf32>
    %swap3A_163 = arith.constant 0 : index
    %swap3A_164 = arith.constant 0 : index
    %swap3A_165 = vector.load %arg18[%swap3A_163, %swap3A_164] : memref<256x128xf32, #tpu.memory_space<vmem>>, vector<256x128xf32>
    tpu.vector_store %arg18[%swap3A_163, %swap3A_164], %slice3A_162 {strides = array<i32>} : memref<256x128xf32, #tpu.memory_space<vmem>>, vector<256x128xf32>,
    %slice3A_166 = vector.extract_strided_slice %add3A_159 {offsets = [0, 192], sizes = [256, 64], strides = [1, 1]} : vector<256x256xf32> to vector<256x64xf32>
    %broadcast_in_dim3A_167 = arith.constant 0.000000e+00 : f32
    %broadcast_in_dim3A_168 = vector.broadcast %broadcast_in_dim3A_167 : f32 to vector<256x64xf32>
    %concatenate3A = tpu.concatenate %slice3A_166, %broadcast_in_dim3A_168 in 1 : vector<256x64xf32>, vector<256x64xf32> -> vector<256x128xf32>
    %swap3A_169 = arith.constant 0 : index
    %swap3A_170 = arith.constant 0 : index
    %swap3A_171 = vector.load %arg19[%swap3A_169, %swap3A_170] : memref<256x128xf32, #tpu.memory_space<vmem>>, vector<256x128xf32>
    tpu.vector_store %arg19[%swap3A_169, %swap3A_170], %concatenate3A {strides = array<i32>} : memref<256x128xf32, #tpu.memory_space<vmem>>, vector<256x128xf32>,
    return
  }
  func.func @transform_0(%arg0: i32) -> (i32, i32) {
    %c0_i32 = arith.constant 0 : i32
    %c0_i32_0 = arith.constant 0 : i32
    return %arg0, %c0_i32 : i32, i32
  }
  func.func @transform_1(%arg0: i32) -> (i32, i32) {
    %c0_i32 = arith.constant 0 : i32
    %c0_i32_0 = arith.constant 0 : i32
    return %arg0, %c0_i32 : i32, i32
  }
  func.func @transform_2(%arg0: i32) -> (i32, i32) {
    %c0_i32 = arith.constant 0 : i32
    %c0_i32_0 = arith.constant 0 : i32
    return %arg0, %c0_i32 : i32, i32
  }
  func.func @transform_3(%arg0: i32) -> (i32, i32) {
    %c0_i32 = arith.constant 0 : i32
    %c0_i32_0 = arith.constant 0 : i32
    return %arg0, %c0_i32 : i32, i32
  }
  func.func @transform_4(%arg0: i32) -> (i32, i32) {
    %c0_i32 = arith.constant 0 : i32
    %c0_i32_0 = arith.constant 0 : i32
    %c0_i32_1 = arith.constant 0 : i32
    return %c0_i32, %c0_i32_0 : i32, i32
  }
  func.func @transform_5(%arg0: i32) -> (i32, i32) {
    %c0_i32 = arith.constant 0 : i32
    %c0_i32_0 = arith.constant 0 : i32
    %c0_i32_1 = arith.constant 0 : i32
    return %c0_i32, %c0_i32_0 : i32, i32
  }
  func.func @transform_6(%arg0: i32) -> (i32, i32) {
    %c0_i32 = arith.constant 0 : i32
    %c0_i32_0 = arith.constant 0 : i32
    %c0_i32_1 = arith.constant 0 : i32
    return %c0_i32, %c0_i32_0 : i32, i32
  }
  func.func @transform_7(%arg0: i32) -> (i32, i32) {
    %c0_i32 = arith.constant 0 : i32
    %c0_i32_0 = arith.constant 0 : i32
    %c0_i32_1 = arith.constant 0 : i32
    return %c0_i32, %c0_i32_0 : i32, i32
  }
  func.func @transform_8(%arg0: i32) -> (i32, i32) {
    %c0_i32 = arith.constant 0 : i32
    %c0_i32_0 = arith.constant 0 : i32
    %c0_i32_1 = arith.constant 0 : i32
    return %c0_i32, %c0_i32_0 : i32, i32
  }
  func.func @transform_9(%arg0: i32) -> (i32, i32) {
    %c0_i32 = arith.constant 0 : i32
    %c0_i32_0 = arith.constant 0 : i32
    %c0_i32_1 = arith.constant 0 : i32
    return %c0_i32, %c0_i32_0 : i32, i32
  }
  func.func @transform_10(%arg0: i32) -> (i32, i32) {
    %c0_i32 = arith.constant 0 : i32
    %c0_i32_0 = arith.constant 0 : i32
    %c0_i32_1 = arith.constant 0 : i32
    return %c0_i32, %c0_i32_0 : i32, i32
  }
  func.func @transform_11(%arg0: i32) -> (i32, i32) {
    %c0_i32 = arith.constant 0 : i32
    %c0_i32_0 = arith.constant 0 : i32
    %c0_i32_1 = arith.constant 0 : i32
    return %c0_i32, %c0_i32_0 : i32, i32
  }
  func.func @transform_12(%arg0: i32) -> (i32, i32) {
    %c0_i32 = arith.constant 0 : i32
    %c0_i32_0 = arith.constant 0 : i32
    %c0_i32_1 = arith.constant 0 : i32
    return %c0_i32, %c0_i32_0 : i32, i32
  }
  func.func @transform_13(%arg0: i32) -> (i32, i32) {
    %c0_i32 = arith.constant 0 : i32
    %c0_i32_0 = arith.constant 0 : i32
    %c0_i32_1 = arith.constant 0 : i32
    return %c0_i32, %c0_i32_0 : i32, i32
  }
  func.func @transform_14(%arg0: i32) -> (i32, i32) {
    %c0_i32 = arith.constant 0 : i32
    %c0_i32_0 = arith.constant 0 : i32
    %c0_i32_1 = arith.constant 0 : i32
    return %c0_i32, %c0_i32_0 : i32, i32
  }
  func.func @transform_15(%arg0: i32) -> (i32, i32) {
    %c0_i32 = arith.constant 0 : i32
    %c0_i32_0 = arith.constant 0 : i32
    %c0_i32_1 = arith.constant 0 : i32
    return %c0_i32, %c0_i32_0 : i32, i32
  }
  func.func @transform_16(%arg0: i32) -> (i32, i32) {
    %c0_i32 = arith.constant 0 : i32
    %c0_i32_0 = arith.constant 0 : i32
    return %arg0, %c0_i32 : i32, i32
  }
  func.func @transform_17(%arg0: i32) -> (i32, i32) {
    %c0_i32 = arith.constant 0 : i32
    %c0_i32_0 = arith.constant 0 : i32
    return %arg0, %c0_i32 : i32, i32
  }
  func.func @transform_18(%arg0: i32) -> (i32, i32) {
    %c0_i32 = arith.constant 0 : i32
    %c0_i32_0 = arith.constant 0 : i32
    return %arg0, %c0_i32 : i32, i32
  }
}

module attributes {stable_mosaic.version = 14 : i64} {
  func.func @_conv_pack_kernel(%arg0: i32, %arg1: i32, %arg2: memref<1x8x32768xf32, #tpu.memory_space<vmem>>, %arg3: memref<1x8x32768xf32, #tpu.memory_space<vmem>>, %arg4: memref<1x8x32768xf32, #tpu.memory_space<vmem>>, %arg5: memref<19x32768xf32, #tpu.memory_space<vmem>>, %arg6: memref<1x32768xf32, #tpu.memory_space<vmem>>, %arg7: memref<1x8x32768xf32, #tpu.memory_space<vmem>>) attributes {dimension_semantics = [#tpu.dimension_semantics<arbitrary>, #tpu.dimension_semantics<arbitrary>], iteration_bounds = array<i64: 2, 32>, scalar_prefetch = 0 : i64, scratch_operands = 0 : i64, tpu.core_type = #tpu.core_type<tc>, window_params = [{transform_indices = @transform_0, window_bounds = array<i64: 1, 8, 32768>}, {transform_indices = @transform_1, window_bounds = array<i64: 1, 8, 32768>}, {transform_indices = @transform_2, window_bounds = array<i64: 1, 8, 32768>}, {pipeline_mode = #tpu.pipeline_mode<synchronous>, transform_indices = @transform_3, window_bounds = array<i64: 19, 32768>}, {pipeline_mode = #tpu.pipeline_mode<synchronous>, transform_indices = @transform_4, window_bounds = array<i64: 1, 32768>}, {transform_indices = @transform_5, window_bounds = array<i64: 1, 8, 32768>}]} {
    %get3A = arith.constant 0 : index
    %get3A_0 = arith.constant 0 : index
    %get3A_1 = arith.constant 0 : index
    %get3A_2 = vector.load %arg3[%get3A, %get3A_0, %get3A_1] : memref<1x8x32768xf32, #tpu.memory_space<vmem>>, vector<1x8x32768xf32>
    %get3A_3 = vector.shape_cast %get3A_2 : vector<1x8x32768xf32> to vector<8x32768xf32>
    %eq3A = arith.constant 0 : i32
    %eq3A_4 = arith.cmpi eq, %arg1, %eq3A : i32
    %get3A_5 = arith.constant 0 : index
    %get3A_6 = arith.constant 2 : index
    %get3A_7 = arith.constant 0 : index
    %get3A_8 = vector.load %arg2[%get3A_5, %get3A_6, %get3A_7] : memref<1x8x32768xf32, #tpu.memory_space<vmem>>, vector<1x6x32768xf32>
    %get3A_9 = vector.shape_cast %get3A_8 : vector<1x6x32768xf32> to vector<6x32768xf32>
    %jit3A = arith.constant 0.000000e+00 : f32
    %broadcast_in_dim3A = vector.broadcast %jit3A : f32 to vector<6x32768xf32>
    %select_n3A = arith.select %eq3A_4, %broadcast_in_dim3A, %get3A_9 : vector<6x32768xf32>
    %eq3A_10 = arith.constant 31 : i32
    %eq3A_11 = arith.cmpi eq, %arg1, %eq3A_10 : i32
    %get3A_12 = arith.constant 0 : index
    %get3A_13 = arith.constant 0 : index
    %get3A_14 = arith.constant 0 : index
    %get3A_15 = vector.load %arg4[%get3A_12, %get3A_13, %get3A_14] : memref<1x8x32768xf32, #tpu.memory_space<vmem>>, vector<1x6x32768xf32>
    %get3A_16 = vector.shape_cast %get3A_15 : vector<1x6x32768xf32> to vector<6x32768xf32>
    %jit3A_17 = arith.constant 0.000000e+00 : f32
    %broadcast_in_dim3A_18 = vector.broadcast %jit3A_17 : f32 to vector<6x32768xf32>
    %select_n3A_19 = arith.select %eq3A_11, %broadcast_in_dim3A_18, %get3A_16 : vector<6x32768xf32>
    %concatenate3A = tpu.concatenate %select_n3A, %get3A_3, %select_n3A_19 in 0 : vector<6x32768xf32>, vector<8x32768xf32>, vector<6x32768xf32> -> vector<20x32768xf32>
    %get3A_20 = arith.constant 0 : index
    %get3A_21 = arith.constant 0 : index
    %get3A_22 = vector.load %arg6[%get3A_20, %get3A_21] : memref<1x32768xf32, #tpu.memory_space<vmem>>, vector<1x32768xf32>
    %broadcast_in_dim3A_23 = vector.shape_cast %get3A_22 : vector<1x32768xf32> to vector<1x32768xf32>
    %broadcast_in_dim3A_24 = vector.broadcast %broadcast_in_dim3A_23 : vector<1x32768xf32> to vector<8x32768xf32>
    %slice3A = vector.extract_strided_slice %concatenate3A {offsets = [5, 0], sizes = [8, 32768], strides = [1, 1]} : vector<20x32768xf32> to vector<8x32768xf32>
    %broadcast_in_dim3A_25 = arith.constant 0.000000e+00 : f32
    %broadcast_in_dim3A_26 = vector.broadcast %broadcast_in_dim3A_25 : f32 to vector<8x128xf32>
    %slice3A_27 = vector.extract_strided_slice %slice3A {offsets = [0, 0], sizes = [8, 32640], strides = [1, 1]} : vector<8x32768xf32> to vector<8x32640xf32>
    %concatenate3A_28 = tpu.concatenate %broadcast_in_dim3A_26, %slice3A_27 in 1 : vector<8x128xf32>, vector<8x32640xf32> -> vector<8x32768xf32>
    %get3A_29 = arith.constant 0 : index
    %get3A_30 = arith.constant 0 : index
    %get3A_31 = vector.load %arg5[%get3A_29, %get3A_30] : memref<19x32768xf32, #tpu.memory_space<vmem>>, vector<1x32768xf32>
    %get3A_32 = vector.shape_cast %get3A_31 : vector<1x32768xf32> to vector<32768xf32>
    %broadcast_in_dim3A_33 = vector.shape_cast %get3A_32 : vector<32768xf32> to vector<1x32768xf32>
    %mul3A = vector.broadcast %broadcast_in_dim3A_33 : vector<1x32768xf32> to vector<8x32768xf32>
    %mul3A_34 = arith.mulf %concatenate3A_28, %mul3A : vector<8x32768xf32>
    %add3A = arith.addf %broadcast_in_dim3A_24, %mul3A_34 : vector<8x32768xf32>
    %slice3A_35 = vector.extract_strided_slice %concatenate3A {offsets = [5, 0], sizes = [8, 32768], strides = [1, 1]} : vector<20x32768xf32> to vector<8x32768xf32>
    %get3A_36 = arith.constant 1 : index
    %get3A_37 = arith.constant 0 : index
    %get3A_38 = vector.load %arg5[%get3A_36, %get3A_37] : memref<19x32768xf32, #tpu.memory_space<vmem>>, vector<1x32768xf32>
    %get3A_39 = vector.shape_cast %get3A_38 : vector<1x32768xf32> to vector<32768xf32>
    %broadcast_in_dim3A_40 = vector.shape_cast %get3A_39 : vector<32768xf32> to vector<1x32768xf32>
    %mul3A_41 = vector.broadcast %broadcast_in_dim3A_40 : vector<1x32768xf32> to vector<8x32768xf32>
    %mul3A_42 = arith.mulf %slice3A_35, %mul3A_41 : vector<8x32768xf32>
    %add3A_43 = arith.addf %add3A, %mul3A_42 : vector<8x32768xf32>
    %slice3A_44 = vector.extract_strided_slice %concatenate3A {offsets = [5, 0], sizes = [8, 32768], strides = [1, 1]} : vector<20x32768xf32> to vector<8x32768xf32>
    %broadcast_in_dim3A_45 = arith.constant 0.000000e+00 : f32
    %broadcast_in_dim3A_46 = vector.broadcast %broadcast_in_dim3A_45 : f32 to vector<8x128xf32>
    %slice3A_47 = vector.extract_strided_slice %slice3A_44 {offsets = [0, 128], sizes = [8, 32640], strides = [1, 1]} : vector<8x32768xf32> to vector<8x32640xf32>
    %concatenate3A_48 = tpu.concatenate %slice3A_47, %broadcast_in_dim3A_46 in 1 : vector<8x32640xf32>, vector<8x128xf32> -> vector<8x32768xf32>
    %get3A_49 = arith.constant 2 : index
    %get3A_50 = arith.constant 0 : index
    %get3A_51 = vector.load %arg5[%get3A_49, %get3A_50] : memref<19x32768xf32, #tpu.memory_space<vmem>>, vector<1x32768xf32>
    %get3A_52 = vector.shape_cast %get3A_51 : vector<1x32768xf32> to vector<32768xf32>
    %broadcast_in_dim3A_53 = vector.shape_cast %get3A_52 : vector<32768xf32> to vector<1x32768xf32>
    %mul3A_54 = vector.broadcast %broadcast_in_dim3A_53 : vector<1x32768xf32> to vector<8x32768xf32>
    %mul3A_55 = arith.mulf %concatenate3A_48, %mul3A_54 : vector<8x32768xf32>
    %add3A_56 = arith.addf %add3A_43, %mul3A_55 : vector<8x32768xf32>
    %slice3A_57 = vector.extract_strided_slice %concatenate3A {offsets = [6, 0], sizes = [8, 32768], strides = [1, 1]} : vector<20x32768xf32> to vector<8x32768xf32>
    %broadcast_in_dim3A_58 = arith.constant 0.000000e+00 : f32
    %broadcast_in_dim3A_59 = vector.broadcast %broadcast_in_dim3A_58 : f32 to vector<8x768xf32>
    %slice3A_60 = vector.extract_strided_slice %slice3A_57 {offsets = [0, 0], sizes = [8, 32000], strides = [1, 1]} : vector<8x32768xf32> to vector<8x32000xf32>
    %concatenate3A_61 = tpu.concatenate %broadcast_in_dim3A_59, %slice3A_60 in 1 : vector<8x768xf32>, vector<8x32000xf32> -> vector<8x32768xf32>
    %get3A_62 = arith.constant 3 : index
    %get3A_63 = arith.constant 0 : index
    %get3A_64 = vector.load %arg5[%get3A_62, %get3A_63] : memref<19x32768xf32, #tpu.memory_space<vmem>>, vector<1x32768xf32>
    %get3A_65 = vector.shape_cast %get3A_64 : vector<1x32768xf32> to vector<32768xf32>
    %broadcast_in_dim3A_66 = vector.shape_cast %get3A_65 : vector<32768xf32> to vector<1x32768xf32>
    %mul3A_67 = vector.broadcast %broadcast_in_dim3A_66 : vector<1x32768xf32> to vector<8x32768xf32>
    %mul3A_68 = arith.mulf %concatenate3A_61, %mul3A_67 : vector<8x32768xf32>
    %add3A_69 = arith.addf %add3A_56, %mul3A_68 : vector<8x32768xf32>
    %slice3A_70 = vector.extract_strided_slice %concatenate3A {offsets = [6, 0], sizes = [8, 32768], strides = [1, 1]} : vector<20x32768xf32> to vector<8x32768xf32>
    %broadcast_in_dim3A_71 = arith.constant 0.000000e+00 : f32
    %broadcast_in_dim3A_72 = vector.broadcast %broadcast_in_dim3A_71 : f32 to vector<8x640xf32>
    %slice3A_73 = vector.extract_strided_slice %slice3A_70 {offsets = [0, 0], sizes = [8, 32128], strides = [1, 1]} : vector<8x32768xf32> to vector<8x32128xf32>
    %concatenate3A_74 = tpu.concatenate %broadcast_in_dim3A_72, %slice3A_73 in 1 : vector<8x640xf32>, vector<8x32128xf32> -> vector<8x32768xf32>
    %get3A_75 = arith.constant 4 : index
    %get3A_76 = arith.constant 0 : index
    %get3A_77 = vector.load %arg5[%get3A_75, %get3A_76] : memref<19x32768xf32, #tpu.memory_space<vmem>>, vector<1x32768xf32>
    %get3A_78 = vector.shape_cast %get3A_77 : vector<1x32768xf32> to vector<32768xf32>
    %broadcast_in_dim3A_79 = vector.shape_cast %get3A_78 : vector<32768xf32> to vector<1x32768xf32>
    %mul3A_80 = vector.broadcast %broadcast_in_dim3A_79 : vector<1x32768xf32> to vector<8x32768xf32>
    %mul3A_81 = arith.mulf %concatenate3A_74, %mul3A_80 : vector<8x32768xf32>
    %add3A_82 = arith.addf %add3A_69, %mul3A_81 : vector<8x32768xf32>
    %slice3A_83 = vector.extract_strided_slice %concatenate3A {offsets = [6, 0], sizes = [8, 32768], strides = [1, 1]} : vector<20x32768xf32> to vector<8x32768xf32>
    %broadcast_in_dim3A_84 = arith.constant 0.000000e+00 : f32
    %broadcast_in_dim3A_85 = vector.broadcast %broadcast_in_dim3A_84 : f32 to vector<8x512xf32>
    %slice3A_86 = vector.extract_strided_slice %slice3A_83 {offsets = [0, 0], sizes = [8, 32256], strides = [1, 1]} : vector<8x32768xf32> to vector<8x32256xf32>
    %concatenate3A_87 = tpu.concatenate %broadcast_in_dim3A_85, %slice3A_86 in 1 : vector<8x512xf32>, vector<8x32256xf32> -> vector<8x32768xf32>
    %get3A_88 = arith.constant 5 : index
    %get3A_89 = arith.constant 0 : index
    %get3A_90 = vector.load %arg5[%get3A_88, %get3A_89] : memref<19x32768xf32, #tpu.memory_space<vmem>>, vector<1x32768xf32>
    %get3A_91 = vector.shape_cast %get3A_90 : vector<1x32768xf32> to vector<32768xf32>
    %broadcast_in_dim3A_92 = vector.shape_cast %get3A_91 : vector<32768xf32> to vector<1x32768xf32>
    %mul3A_93 = vector.broadcast %broadcast_in_dim3A_92 : vector<1x32768xf32> to vector<8x32768xf32>
    %mul3A_94 = arith.mulf %concatenate3A_87, %mul3A_93 : vector<8x32768xf32>
    %add3A_95 = arith.addf %add3A_82, %mul3A_94 : vector<8x32768xf32>
    %slice3A_96 = vector.extract_strided_slice %concatenate3A {offsets = [6, 0], sizes = [8, 32768], strides = [1, 1]} : vector<20x32768xf32> to vector<8x32768xf32>
    %broadcast_in_dim3A_97 = arith.constant 0.000000e+00 : f32
    %broadcast_in_dim3A_98 = vector.broadcast %broadcast_in_dim3A_97 : f32 to vector<8x384xf32>
    %slice3A_99 = vector.extract_strided_slice %slice3A_96 {offsets = [0, 0], sizes = [8, 32384], strides = [1, 1]} : vector<8x32768xf32> to vector<8x32384xf32>
    %concatenate3A_100 = tpu.concatenate %broadcast_in_dim3A_98, %slice3A_99 in 1 : vector<8x384xf32>, vector<8x32384xf32> -> vector<8x32768xf32>
    %get3A_101 = arith.constant 6 : index
    %get3A_102 = arith.constant 0 : index
    %get3A_103 = vector.load %arg5[%get3A_101, %get3A_102] : memref<19x32768xf32, #tpu.memory_space<vmem>>, vector<1x32768xf32>
    %get3A_104 = vector.shape_cast %get3A_103 : vector<1x32768xf32> to vector<32768xf32>
    %broadcast_in_dim3A_105 = vector.shape_cast %get3A_104 : vector<32768xf32> to vector<1x32768xf32>
    %mul3A_106 = vector.broadcast %broadcast_in_dim3A_105 : vector<1x32768xf32> to vector<8x32768xf32>
    %mul3A_107 = arith.mulf %concatenate3A_100, %mul3A_106 : vector<8x32768xf32>
    %add3A_108 = arith.addf %add3A_95, %mul3A_107 : vector<8x32768xf32>
    %slice3A_109 = vector.extract_strided_slice %concatenate3A {offsets = [6, 0], sizes = [8, 32768], strides = [1, 1]} : vector<20x32768xf32> to vector<8x32768xf32>
    %broadcast_in_dim3A_110 = arith.constant 0.000000e+00 : f32
    %broadcast_in_dim3A_111 = vector.broadcast %broadcast_in_dim3A_110 : f32 to vector<8x256xf32>
    %slice3A_112 = vector.extract_strided_slice %slice3A_109 {offsets = [0, 0], sizes = [8, 32512], strides = [1, 1]} : vector<8x32768xf32> to vector<8x32512xf32>
    %concatenate3A_113 = tpu.concatenate %broadcast_in_dim3A_111, %slice3A_112 in 1 : vector<8x256xf32>, vector<8x32512xf32> -> vector<8x32768xf32>
    %get3A_114 = arith.constant 7 : index
    %get3A_115 = arith.constant 0 : index
    %get3A_116 = vector.load %arg5[%get3A_114, %get3A_115] : memref<19x32768xf32, #tpu.memory_space<vmem>>, vector<1x32768xf32>
    %get3A_117 = vector.shape_cast %get3A_116 : vector<1x32768xf32> to vector<32768xf32>
    %broadcast_in_dim3A_118 = vector.shape_cast %get3A_117 : vector<32768xf32> to vector<1x32768xf32>
    %mul3A_119 = vector.broadcast %broadcast_in_dim3A_118 : vector<1x32768xf32> to vector<8x32768xf32>
    %mul3A_120 = arith.mulf %concatenate3A_113, %mul3A_119 : vector<8x32768xf32>
    %add3A_121 = arith.addf %add3A_108, %mul3A_120 : vector<8x32768xf32>
    %slice3A_122 = vector.extract_strided_slice %concatenate3A {offsets = [6, 0], sizes = [8, 32768], strides = [1, 1]} : vector<20x32768xf32> to vector<8x32768xf32>
    %broadcast_in_dim3A_123 = arith.constant 0.000000e+00 : f32
    %broadcast_in_dim3A_124 = vector.broadcast %broadcast_in_dim3A_123 : f32 to vector<8x128xf32>
    %slice3A_125 = vector.extract_strided_slice %slice3A_122 {offsets = [0, 0], sizes = [8, 32640], strides = [1, 1]} : vector<8x32768xf32> to vector<8x32640xf32>
    %concatenate3A_126 = tpu.concatenate %broadcast_in_dim3A_124, %slice3A_125 in 1 : vector<8x128xf32>, vector<8x32640xf32> -> vector<8x32768xf32>
    %get3A_127 = arith.constant 8 : index
    %get3A_128 = arith.constant 0 : index
    %get3A_129 = vector.load %arg5[%get3A_127, %get3A_128] : memref<19x32768xf32, #tpu.memory_space<vmem>>, vector<1x32768xf32>
    %get3A_130 = vector.shape_cast %get3A_129 : vector<1x32768xf32> to vector<32768xf32>
    %broadcast_in_dim3A_131 = vector.shape_cast %get3A_130 : vector<32768xf32> to vector<1x32768xf32>
    %mul3A_132 = vector.broadcast %broadcast_in_dim3A_131 : vector<1x32768xf32> to vector<8x32768xf32>
    %mul3A_133 = arith.mulf %concatenate3A_126, %mul3A_132 : vector<8x32768xf32>
    %add3A_134 = arith.addf %add3A_121, %mul3A_133 : vector<8x32768xf32>
    %slice3A_135 = vector.extract_strided_slice %concatenate3A {offsets = [6, 0], sizes = [8, 32768], strides = [1, 1]} : vector<20x32768xf32> to vector<8x32768xf32>
    %get3A_136 = arith.constant 9 : index
    %get3A_137 = arith.constant 0 : index
    %get3A_138 = vector.load %arg5[%get3A_136, %get3A_137] : memref<19x32768xf32, #tpu.memory_space<vmem>>, vector<1x32768xf32>
    %get3A_139 = vector.shape_cast %get3A_138 : vector<1x32768xf32> to vector<32768xf32>
    %broadcast_in_dim3A_140 = vector.shape_cast %get3A_139 : vector<32768xf32> to vector<1x32768xf32>
    %mul3A_141 = vector.broadcast %broadcast_in_dim3A_140 : vector<1x32768xf32> to vector<8x32768xf32>
    %mul3A_142 = arith.mulf %slice3A_135, %mul3A_141 : vector<8x32768xf32>
    %add3A_143 = arith.addf %add3A_134, %mul3A_142 : vector<8x32768xf32>
    %slice3A_144 = vector.extract_strided_slice %concatenate3A {offsets = [6, 0], sizes = [8, 32768], strides = [1, 1]} : vector<20x32768xf32> to vector<8x32768xf32>
    %broadcast_in_dim3A_145 = arith.constant 0.000000e+00 : f32
    %broadcast_in_dim3A_146 = vector.broadcast %broadcast_in_dim3A_145 : f32 to vector<8x128xf32>
    %slice3A_147 = vector.extract_strided_slice %slice3A_144 {offsets = [0, 128], sizes = [8, 32640], strides = [1, 1]} : vector<8x32768xf32> to vector<8x32640xf32>
    %concatenate3A_148 = tpu.concatenate %slice3A_147, %broadcast_in_dim3A_146 in 1 : vector<8x32640xf32>, vector<8x128xf32> -> vector<8x32768xf32>
    %get3A_149 = arith.constant 10 : index
    %get3A_150 = arith.constant 0 : index
    %get3A_151 = vector.load %arg5[%get3A_149, %get3A_150] : memref<19x32768xf32, #tpu.memory_space<vmem>>, vector<1x32768xf32>
    %get3A_152 = vector.shape_cast %get3A_151 : vector<1x32768xf32> to vector<32768xf32>
    %broadcast_in_dim3A_153 = vector.shape_cast %get3A_152 : vector<32768xf32> to vector<1x32768xf32>
    %mul3A_154 = vector.broadcast %broadcast_in_dim3A_153 : vector<1x32768xf32> to vector<8x32768xf32>
    %mul3A_155 = arith.mulf %concatenate3A_148, %mul3A_154 : vector<8x32768xf32>
    %add3A_156 = arith.addf %add3A_143, %mul3A_155 : vector<8x32768xf32>
    %slice3A_157 = vector.extract_strided_slice %concatenate3A {offsets = [6, 0], sizes = [8, 32768], strides = [1, 1]} : vector<20x32768xf32> to vector<8x32768xf32>
    %broadcast_in_dim3A_158 = arith.constant 0.000000e+00 : f32
    %broadcast_in_dim3A_159 = vector.broadcast %broadcast_in_dim3A_158 : f32 to vector<8x256xf32>
    %slice3A_160 = vector.extract_strided_slice %slice3A_157 {offsets = [0, 256], sizes = [8, 32512], strides = [1, 1]} : vector<8x32768xf32> to vector<8x32512xf32>
    %concatenate3A_161 = tpu.concatenate %slice3A_160, %broadcast_in_dim3A_159 in 1 : vector<8x32512xf32>, vector<8x256xf32> -> vector<8x32768xf32>
    %get3A_162 = arith.constant 11 : index
    %get3A_163 = arith.constant 0 : index
    %get3A_164 = vector.load %arg5[%get3A_162, %get3A_163] : memref<19x32768xf32, #tpu.memory_space<vmem>>, vector<1x32768xf32>
    %get3A_165 = vector.shape_cast %get3A_164 : vector<1x32768xf32> to vector<32768xf32>
    %broadcast_in_dim3A_166 = vector.shape_cast %get3A_165 : vector<32768xf32> to vector<1x32768xf32>
    %mul3A_167 = vector.broadcast %broadcast_in_dim3A_166 : vector<1x32768xf32> to vector<8x32768xf32>
    %mul3A_168 = arith.mulf %concatenate3A_161, %mul3A_167 : vector<8x32768xf32>
    %add3A_169 = arith.addf %add3A_156, %mul3A_168 : vector<8x32768xf32>
    %slice3A_170 = vector.extract_strided_slice %concatenate3A {offsets = [6, 0], sizes = [8, 32768], strides = [1, 1]} : vector<20x32768xf32> to vector<8x32768xf32>
    %broadcast_in_dim3A_171 = arith.constant 0.000000e+00 : f32
    %broadcast_in_dim3A_172 = vector.broadcast %broadcast_in_dim3A_171 : f32 to vector<8x384xf32>
    %slice3A_173 = vector.extract_strided_slice %slice3A_170 {offsets = [0, 384], sizes = [8, 32384], strides = [1, 1]} : vector<8x32768xf32> to vector<8x32384xf32>
    %concatenate3A_174 = tpu.concatenate %slice3A_173, %broadcast_in_dim3A_172 in 1 : vector<8x32384xf32>, vector<8x384xf32> -> vector<8x32768xf32>
    %get3A_175 = arith.constant 12 : index
    %get3A_176 = arith.constant 0 : index
    %get3A_177 = vector.load %arg5[%get3A_175, %get3A_176] : memref<19x32768xf32, #tpu.memory_space<vmem>>, vector<1x32768xf32>
    %get3A_178 = vector.shape_cast %get3A_177 : vector<1x32768xf32> to vector<32768xf32>
    %broadcast_in_dim3A_179 = vector.shape_cast %get3A_178 : vector<32768xf32> to vector<1x32768xf32>
    %mul3A_180 = vector.broadcast %broadcast_in_dim3A_179 : vector<1x32768xf32> to vector<8x32768xf32>
    %mul3A_181 = arith.mulf %concatenate3A_174, %mul3A_180 : vector<8x32768xf32>
    %add3A_182 = arith.addf %add3A_169, %mul3A_181 : vector<8x32768xf32>
    %slice3A_183 = vector.extract_strided_slice %concatenate3A {offsets = [6, 0], sizes = [8, 32768], strides = [1, 1]} : vector<20x32768xf32> to vector<8x32768xf32>
    %broadcast_in_dim3A_184 = arith.constant 0.000000e+00 : f32
    %broadcast_in_dim3A_185 = vector.broadcast %broadcast_in_dim3A_184 : f32 to vector<8x512xf32>
    %slice3A_186 = vector.extract_strided_slice %slice3A_183 {offsets = [0, 512], sizes = [8, 32256], strides = [1, 1]} : vector<8x32768xf32> to vector<8x32256xf32>
    %concatenate3A_187 = tpu.concatenate %slice3A_186, %broadcast_in_dim3A_185 in 1 : vector<8x32256xf32>, vector<8x512xf32> -> vector<8x32768xf32>
    %get3A_188 = arith.constant 13 : index
    %get3A_189 = arith.constant 0 : index
    %get3A_190 = vector.load %arg5[%get3A_188, %get3A_189] : memref<19x32768xf32, #tpu.memory_space<vmem>>, vector<1x32768xf32>
    %get3A_191 = vector.shape_cast %get3A_190 : vector<1x32768xf32> to vector<32768xf32>
    %broadcast_in_dim3A_192 = vector.shape_cast %get3A_191 : vector<32768xf32> to vector<1x32768xf32>
    %mul3A_193 = vector.broadcast %broadcast_in_dim3A_192 : vector<1x32768xf32> to vector<8x32768xf32>
    %mul3A_194 = arith.mulf %concatenate3A_187, %mul3A_193 : vector<8x32768xf32>
    %add3A_195 = arith.addf %add3A_182, %mul3A_194 : vector<8x32768xf32>
    %slice3A_196 = vector.extract_strided_slice %concatenate3A {offsets = [6, 0], sizes = [8, 32768], strides = [1, 1]} : vector<20x32768xf32> to vector<8x32768xf32>
    %broadcast_in_dim3A_197 = arith.constant 0.000000e+00 : f32
    %broadcast_in_dim3A_198 = vector.broadcast %broadcast_in_dim3A_197 : f32 to vector<8x640xf32>
    %slice3A_199 = vector.extract_strided_slice %slice3A_196 {offsets = [0, 640], sizes = [8, 32128], strides = [1, 1]} : vector<8x32768xf32> to vector<8x32128xf32>
    %concatenate3A_200 = tpu.concatenate %slice3A_199, %broadcast_in_dim3A_198 in 1 : vector<8x32128xf32>, vector<8x640xf32> -> vector<8x32768xf32>
    %get3A_201 = arith.constant 14 : index
    %get3A_202 = arith.constant 0 : index
    %get3A_203 = vector.load %arg5[%get3A_201, %get3A_202] : memref<19x32768xf32, #tpu.memory_space<vmem>>, vector<1x32768xf32>
    %get3A_204 = vector.shape_cast %get3A_203 : vector<1x32768xf32> to vector<32768xf32>
    %broadcast_in_dim3A_205 = vector.shape_cast %get3A_204 : vector<32768xf32> to vector<1x32768xf32>
    %mul3A_206 = vector.broadcast %broadcast_in_dim3A_205 : vector<1x32768xf32> to vector<8x32768xf32>
    %mul3A_207 = arith.mulf %concatenate3A_200, %mul3A_206 : vector<8x32768xf32>
    %add3A_208 = arith.addf %add3A_195, %mul3A_207 : vector<8x32768xf32>
    %slice3A_209 = vector.extract_strided_slice %concatenate3A {offsets = [6, 0], sizes = [8, 32768], strides = [1, 1]} : vector<20x32768xf32> to vector<8x32768xf32>
    %broadcast_in_dim3A_210 = arith.constant 0.000000e+00 : f32
    %broadcast_in_dim3A_211 = vector.broadcast %broadcast_in_dim3A_210 : f32 to vector<8x768xf32>
    %slice3A_212 = vector.extract_strided_slice %slice3A_209 {offsets = [0, 768], sizes = [8, 32000], strides = [1, 1]} : vector<8x32768xf32> to vector<8x32000xf32>
    %concatenate3A_213 = tpu.concatenate %slice3A_212, %broadcast_in_dim3A_211 in 1 : vector<8x32000xf32>, vector<8x768xf32> -> vector<8x32768xf32>
    %get3A_214 = arith.constant 15 : index
    %get3A_215 = arith.constant 0 : index
    %get3A_216 = vector.load %arg5[%get3A_214, %get3A_215] : memref<19x32768xf32, #tpu.memory_space<vmem>>, vector<1x32768xf32>
    %get3A_217 = vector.shape_cast %get3A_216 : vector<1x32768xf32> to vector<32768xf32>
    %broadcast_in_dim3A_218 = vector.shape_cast %get3A_217 : vector<32768xf32> to vector<1x32768xf32>
    %mul3A_219 = vector.broadcast %broadcast_in_dim3A_218 : vector<1x32768xf32> to vector<8x32768xf32>
    %mul3A_220 = arith.mulf %concatenate3A_213, %mul3A_219 : vector<8x32768xf32>
    %add3A_221 = arith.addf %add3A_208, %mul3A_220 : vector<8x32768xf32>
    %slice3A_222 = vector.extract_strided_slice %concatenate3A {offsets = [7, 0], sizes = [8, 32768], strides = [1, 1]} : vector<20x32768xf32> to vector<8x32768xf32>
    %broadcast_in_dim3A_223 = arith.constant 0.000000e+00 : f32
    %broadcast_in_dim3A_224 = vector.broadcast %broadcast_in_dim3A_223 : f32 to vector<8x128xf32>
    %slice3A_225 = vector.extract_strided_slice %slice3A_222 {offsets = [0, 0], sizes = [8, 32640], strides = [1, 1]} : vector<8x32768xf32> to vector<8x32640xf32>
    %concatenate3A_226 = tpu.concatenate %broadcast_in_dim3A_224, %slice3A_225 in 1 : vector<8x128xf32>, vector<8x32640xf32> -> vector<8x32768xf32>
    %get3A_227 = arith.constant 16 : index
    %get3A_228 = arith.constant 0 : index
    %get3A_229 = vector.load %arg5[%get3A_227, %get3A_228] : memref<19x32768xf32, #tpu.memory_space<vmem>>, vector<1x32768xf32>
    %get3A_230 = vector.shape_cast %get3A_229 : vector<1x32768xf32> to vector<32768xf32>
    %broadcast_in_dim3A_231 = vector.shape_cast %get3A_230 : vector<32768xf32> to vector<1x32768xf32>
    %mul3A_232 = vector.broadcast %broadcast_in_dim3A_231 : vector<1x32768xf32> to vector<8x32768xf32>
    %mul3A_233 = arith.mulf %concatenate3A_226, %mul3A_232 : vector<8x32768xf32>
    %add3A_234 = arith.addf %add3A_221, %mul3A_233 : vector<8x32768xf32>
    %slice3A_235 = vector.extract_strided_slice %concatenate3A {offsets = [7, 0], sizes = [8, 32768], strides = [1, 1]} : vector<20x32768xf32> to vector<8x32768xf32>
    %get3A_236 = arith.constant 17 : index
    %get3A_237 = arith.constant 0 : index
    %get3A_238 = vector.load %arg5[%get3A_236, %get3A_237] : memref<19x32768xf32, #tpu.memory_space<vmem>>, vector<1x32768xf32>
    %get3A_239 = vector.shape_cast %get3A_238 : vector<1x32768xf32> to vector<32768xf32>
    %broadcast_in_dim3A_240 = vector.shape_cast %get3A_239 : vector<32768xf32> to vector<1x32768xf32>
    %mul3A_241 = vector.broadcast %broadcast_in_dim3A_240 : vector<1x32768xf32> to vector<8x32768xf32>
    %mul3A_242 = arith.mulf %slice3A_235, %mul3A_241 : vector<8x32768xf32>
    %add3A_243 = arith.addf %add3A_234, %mul3A_242 : vector<8x32768xf32>
    %slice3A_244 = vector.extract_strided_slice %concatenate3A {offsets = [7, 0], sizes = [8, 32768], strides = [1, 1]} : vector<20x32768xf32> to vector<8x32768xf32>
    %broadcast_in_dim3A_245 = arith.constant 0.000000e+00 : f32
    %broadcast_in_dim3A_246 = vector.broadcast %broadcast_in_dim3A_245 : f32 to vector<8x128xf32>
    %slice3A_247 = vector.extract_strided_slice %slice3A_244 {offsets = [0, 128], sizes = [8, 32640], strides = [1, 1]} : vector<8x32768xf32> to vector<8x32640xf32>
    %concatenate3A_248 = tpu.concatenate %slice3A_247, %broadcast_in_dim3A_246 in 1 : vector<8x32640xf32>, vector<8x128xf32> -> vector<8x32768xf32>
    %get3A_249 = arith.constant 18 : index
    %get3A_250 = arith.constant 0 : index
    %get3A_251 = vector.load %arg5[%get3A_249, %get3A_250] : memref<19x32768xf32, #tpu.memory_space<vmem>>, vector<1x32768xf32>
    %get3A_252 = vector.shape_cast %get3A_251 : vector<1x32768xf32> to vector<32768xf32>
    %broadcast_in_dim3A_253 = vector.shape_cast %get3A_252 : vector<32768xf32> to vector<1x32768xf32>
    %mul3A_254 = vector.broadcast %broadcast_in_dim3A_253 : vector<1x32768xf32> to vector<8x32768xf32>
    %mul3A_255 = arith.mulf %concatenate3A_248, %mul3A_254 : vector<8x32768xf32>
    %add3A_256 = arith.addf %add3A_243, %mul3A_255 : vector<8x32768xf32>
    %swap3A = arith.constant 0 : index
    %swap3A_257 = arith.constant 0 : index
    %swap3A_258 = arith.constant 0 : index
    %swap3A_259 = vector.load %arg7[%swap3A, %swap3A_257, %swap3A_258] : memref<1x8x32768xf32, #tpu.memory_space<vmem>>, vector<1x8x32768xf32>
    %swap3A_260 = vector.shape_cast %swap3A_259 : vector<1x8x32768xf32> to vector<8x32768xf32>
    %swap3A_261 = vector.shape_cast %add3A_256 : vector<8x32768xf32> to vector<1x8x32768xf32>
    tpu.vector_store %arg7[%swap3A, %swap3A_257, %swap3A_258], %swap3A_261 {strides = array<i32>} : memref<1x8x32768xf32, #tpu.memory_space<vmem>>, vector<1x8x32768xf32>,
    return
  }
  func.func @transform_0(%arg0: i32, %arg1: i32) -> (i32, i32, i32) {
    %sub3A = arith.constant 1 : i32
    %sub3A_0 = arith.subi %arg1, %sub3A : i32
    %max3A = arith.constant 0 : i32
    %max3A_1 = arith.maxsi %sub3A_0, %max3A : i32
    %c0_i32 = arith.constant 0 : i32
    %c0_i32_2 = arith.constant 0 : i32
    return %arg0, %max3A_1, %c0_i32 : i32, i32, i32
  }
  func.func @transform_1(%arg0: i32, %arg1: i32) -> (i32, i32, i32) {
    %c0_i32 = arith.constant 0 : i32
    %c0_i32_0 = arith.constant 0 : i32
    return %arg0, %arg1, %c0_i32 : i32, i32, i32
  }
  func.func @transform_2(%arg0: i32, %arg1: i32) -> (i32, i32, i32) {
    %add3A = arith.constant 1 : i32
    %add3A_0 = arith.addi %arg1, %add3A : i32
    %min3A = arith.constant 31 : i32
    %min3A_1 = arith.minsi %add3A_0, %min3A : i32
    %c0_i32 = arith.constant 0 : i32
    %c0_i32_2 = arith.constant 0 : i32
    return %arg0, %min3A_1, %c0_i32 : i32, i32, i32
  }
  func.func @transform_3(%arg0: i32, %arg1: i32) -> (i32, i32) {
    %c0_i32 = arith.constant 0 : i32
    %c0_i32_0 = arith.constant 0 : i32
    %c0_i32_1 = arith.constant 0 : i32
    return %c0_i32, %c0_i32_0 : i32, i32
  }
  func.func @transform_4(%arg0: i32, %arg1: i32) -> (i32, i32) {
    %c0_i32 = arith.constant 0 : i32
    %c0_i32_0 = arith.constant 0 : i32
    %c0_i32_1 = arith.constant 0 : i32
    return %c0_i32, %c0_i32_0 : i32, i32
  }
  func.func @transform_5(%arg0: i32, %arg1: i32) -> (i32, i32, i32) {
    %c0_i32 = arith.constant 0 : i32
    %c0_i32_0 = arith.constant 0 : i32
    return %arg0, %arg1, %c0_i32 : i32, i32, i32
  }
}

module attributes {stable_mosaic.version = 14 : i64} {
  func.func @_conv_pack_kernel(%arg0: i32, %arg1: i32, %arg2: memref<1x8x32768xf32, #tpu.memory_space<vmem>>, %arg3: memref<1x8x32768xf32, #tpu.memory_space<vmem>>, %arg4: memref<1x8x32768xf32, #tpu.memory_space<vmem>>, %arg5: memref<13x32768xf32, #tpu.memory_space<vmem>>, %arg6: memref<1x32768xf32, #tpu.memory_space<vmem>>, %arg7: memref<1x8x32768xf32, #tpu.memory_space<vmem>>) attributes {dimension_semantics = [#tpu.dimension_semantics<arbitrary>, #tpu.dimension_semantics<arbitrary>], iteration_bounds = array<i64: 2, 32>, scalar_prefetch = 0 : i64, scratch_operands = 0 : i64, tpu.core_type = #tpu.core_type<tc>, window_params = [{transform_indices = @transform_0, window_bounds = array<i64: 1, 8, 32768>}, {transform_indices = @transform_1, window_bounds = array<i64: 1, 8, 32768>}, {transform_indices = @transform_2, window_bounds = array<i64: 1, 8, 32768>}, {pipeline_mode = #tpu.pipeline_mode<synchronous>, transform_indices = @transform_3, window_bounds = array<i64: 13, 32768>}, {pipeline_mode = #tpu.pipeline_mode<synchronous>, transform_indices = @transform_4, window_bounds = array<i64: 1, 32768>}, {transform_indices = @transform_5, window_bounds = array<i64: 1, 8, 32768>}]} {
    %get3A = arith.constant 0 : index
    %get3A_0 = arith.constant 0 : index
    %get3A_1 = arith.constant 0 : index
    %get3A_2 = vector.load %arg3[%get3A, %get3A_0, %get3A_1] : memref<1x8x32768xf32, #tpu.memory_space<vmem>>, vector<1x8x32768xf32>
    %get3A_3 = vector.shape_cast %get3A_2 : vector<1x8x32768xf32> to vector<8x32768xf32>
    %eq3A = arith.constant 0 : i32
    %eq3A_4 = arith.cmpi eq, %arg1, %eq3A : i32
    %get3A_5 = arith.constant 0 : index
    %get3A_6 = arith.constant 2 : index
    %get3A_7 = arith.constant 0 : index
    %get3A_8 = vector.load %arg2[%get3A_5, %get3A_6, %get3A_7] : memref<1x8x32768xf32, #tpu.memory_space<vmem>>, vector<1x6x32768xf32>
    %get3A_9 = vector.shape_cast %get3A_8 : vector<1x6x32768xf32> to vector<6x32768xf32>
    %jit3A = arith.constant 0.000000e+00 : f32
    %broadcast_in_dim3A = vector.broadcast %jit3A : f32 to vector<6x32768xf32>
    %select_n3A = arith.select %eq3A_4, %broadcast_in_dim3A, %get3A_9 : vector<6x32768xf32>
    %eq3A_10 = arith.constant 31 : i32
    %eq3A_11 = arith.cmpi eq, %arg1, %eq3A_10 : i32
    %get3A_12 = arith.constant 0 : index
    %get3A_13 = arith.constant 0 : index
    %get3A_14 = arith.constant 0 : index
    %get3A_15 = vector.load %arg4[%get3A_12, %get3A_13, %get3A_14] : memref<1x8x32768xf32, #tpu.memory_space<vmem>>, vector<1x6x32768xf32>
    %get3A_16 = vector.shape_cast %get3A_15 : vector<1x6x32768xf32> to vector<6x32768xf32>
    %jit3A_17 = arith.constant 0.000000e+00 : f32
    %broadcast_in_dim3A_18 = vector.broadcast %jit3A_17 : f32 to vector<6x32768xf32>
    %select_n3A_19 = arith.select %eq3A_11, %broadcast_in_dim3A_18, %get3A_16 : vector<6x32768xf32>
    %concatenate3A = tpu.concatenate %select_n3A, %get3A_3, %select_n3A_19 in 0 : vector<6x32768xf32>, vector<8x32768xf32>, vector<6x32768xf32> -> vector<20x32768xf32>
    %get3A_20 = arith.constant 0 : index
    %get3A_21 = arith.constant 0 : index
    %get3A_22 = vector.load %arg6[%get3A_20, %get3A_21] : memref<1x32768xf32, #tpu.memory_space<vmem>>, vector<1x32768xf32>
    %broadcast_in_dim3A_23 = vector.shape_cast %get3A_22 : vector<1x32768xf32> to vector<1x32768xf32>
    %broadcast_in_dim3A_24 = vector.broadcast %broadcast_in_dim3A_23 : vector<1x32768xf32> to vector<8x32768xf32>
    %slice3A = vector.extract_strided_slice %concatenate3A {offsets = [0, 0], sizes = [8, 32768], strides = [1, 1]} : vector<20x32768xf32> to vector<8x32768xf32>
    %get3A_25 = arith.constant 0 : index
    %get3A_26 = arith.constant 0 : index
    %get3A_27 = vector.load %arg5[%get3A_25, %get3A_26] : memref<13x32768xf32, #tpu.memory_space<vmem>>, vector<1x32768xf32>
    %get3A_28 = vector.shape_cast %get3A_27 : vector<1x32768xf32> to vector<32768xf32>
    %broadcast_in_dim3A_29 = vector.shape_cast %get3A_28 : vector<32768xf32> to vector<1x32768xf32>
    %mul3A = vector.broadcast %broadcast_in_dim3A_29 : vector<1x32768xf32> to vector<8x32768xf32>
    %mul3A_30 = arith.mulf %slice3A, %mul3A : vector<8x32768xf32>
    %add3A = arith.addf %broadcast_in_dim3A_24, %mul3A_30 : vector<8x32768xf32>
    %slice3A_31 = vector.extract_strided_slice %concatenate3A {offsets = [1, 0], sizes = [8, 32768], strides = [1, 1]} : vector<20x32768xf32> to vector<8x32768xf32>
    %get3A_32 = arith.constant 1 : index
    %get3A_33 = arith.constant 0 : index
    %get3A_34 = vector.load %arg5[%get3A_32, %get3A_33] : memref<13x32768xf32, #tpu.memory_space<vmem>>, vector<1x32768xf32>
    %get3A_35 = vector.shape_cast %get3A_34 : vector<1x32768xf32> to vector<32768xf32>
    %broadcast_in_dim3A_36 = vector.shape_cast %get3A_35 : vector<32768xf32> to vector<1x32768xf32>
    %mul3A_37 = vector.broadcast %broadcast_in_dim3A_36 : vector<1x32768xf32> to vector<8x32768xf32>
    %mul3A_38 = arith.mulf %slice3A_31, %mul3A_37 : vector<8x32768xf32>
    %add3A_39 = arith.addf %add3A, %mul3A_38 : vector<8x32768xf32>
    %slice3A_40 = vector.extract_strided_slice %concatenate3A {offsets = [2, 0], sizes = [8, 32768], strides = [1, 1]} : vector<20x32768xf32> to vector<8x32768xf32>
    %get3A_41 = arith.constant 2 : index
    %get3A_42 = arith.constant 0 : index
    %get3A_43 = vector.load %arg5[%get3A_41, %get3A_42] : memref<13x32768xf32, #tpu.memory_space<vmem>>, vector<1x32768xf32>
    %get3A_44 = vector.shape_cast %get3A_43 : vector<1x32768xf32> to vector<32768xf32>
    %broadcast_in_dim3A_45 = vector.shape_cast %get3A_44 : vector<32768xf32> to vector<1x32768xf32>
    %mul3A_46 = vector.broadcast %broadcast_in_dim3A_45 : vector<1x32768xf32> to vector<8x32768xf32>
    %mul3A_47 = arith.mulf %slice3A_40, %mul3A_46 : vector<8x32768xf32>
    %add3A_48 = arith.addf %add3A_39, %mul3A_47 : vector<8x32768xf32>
    %slice3A_49 = vector.extract_strided_slice %concatenate3A {offsets = [3, 0], sizes = [8, 32768], strides = [1, 1]} : vector<20x32768xf32> to vector<8x32768xf32>
    %get3A_50 = arith.constant 3 : index
    %get3A_51 = arith.constant 0 : index
    %get3A_52 = vector.load %arg5[%get3A_50, %get3A_51] : memref<13x32768xf32, #tpu.memory_space<vmem>>, vector<1x32768xf32>
    %get3A_53 = vector.shape_cast %get3A_52 : vector<1x32768xf32> to vector<32768xf32>
    %broadcast_in_dim3A_54 = vector.shape_cast %get3A_53 : vector<32768xf32> to vector<1x32768xf32>
    %mul3A_55 = vector.broadcast %broadcast_in_dim3A_54 : vector<1x32768xf32> to vector<8x32768xf32>
    %mul3A_56 = arith.mulf %slice3A_49, %mul3A_55 : vector<8x32768xf32>
    %add3A_57 = arith.addf %add3A_48, %mul3A_56 : vector<8x32768xf32>
    %slice3A_58 = vector.extract_strided_slice %concatenate3A {offsets = [4, 0], sizes = [8, 32768], strides = [1, 1]} : vector<20x32768xf32> to vector<8x32768xf32>
    %get3A_59 = arith.constant 4 : index
    %get3A_60 = arith.constant 0 : index
    %get3A_61 = vector.load %arg5[%get3A_59, %get3A_60] : memref<13x32768xf32, #tpu.memory_space<vmem>>, vector<1x32768xf32>
    %get3A_62 = vector.shape_cast %get3A_61 : vector<1x32768xf32> to vector<32768xf32>
    %broadcast_in_dim3A_63 = vector.shape_cast %get3A_62 : vector<32768xf32> to vector<1x32768xf32>
    %mul3A_64 = vector.broadcast %broadcast_in_dim3A_63 : vector<1x32768xf32> to vector<8x32768xf32>
    %mul3A_65 = arith.mulf %slice3A_58, %mul3A_64 : vector<8x32768xf32>
    %add3A_66 = arith.addf %add3A_57, %mul3A_65 : vector<8x32768xf32>
    %slice3A_67 = vector.extract_strided_slice %concatenate3A {offsets = [5, 0], sizes = [8, 32768], strides = [1, 1]} : vector<20x32768xf32> to vector<8x32768xf32>
    %get3A_68 = arith.constant 5 : index
    %get3A_69 = arith.constant 0 : index
    %get3A_70 = vector.load %arg5[%get3A_68, %get3A_69] : memref<13x32768xf32, #tpu.memory_space<vmem>>, vector<1x32768xf32>
    %get3A_71 = vector.shape_cast %get3A_70 : vector<1x32768xf32> to vector<32768xf32>
    %broadcast_in_dim3A_72 = vector.shape_cast %get3A_71 : vector<32768xf32> to vector<1x32768xf32>
    %mul3A_73 = vector.broadcast %broadcast_in_dim3A_72 : vector<1x32768xf32> to vector<8x32768xf32>
    %mul3A_74 = arith.mulf %slice3A_67, %mul3A_73 : vector<8x32768xf32>
    %add3A_75 = arith.addf %add3A_66, %mul3A_74 : vector<8x32768xf32>
    %slice3A_76 = vector.extract_strided_slice %concatenate3A {offsets = [6, 0], sizes = [8, 32768], strides = [1, 1]} : vector<20x32768xf32> to vector<8x32768xf32>
    %get3A_77 = arith.constant 6 : index
    %get3A_78 = arith.constant 0 : index
    %get3A_79 = vector.load %arg5[%get3A_77, %get3A_78] : memref<13x32768xf32, #tpu.memory_space<vmem>>, vector<1x32768xf32>
    %get3A_80 = vector.shape_cast %get3A_79 : vector<1x32768xf32> to vector<32768xf32>
    %broadcast_in_dim3A_81 = vector.shape_cast %get3A_80 : vector<32768xf32> to vector<1x32768xf32>
    %mul3A_82 = vector.broadcast %broadcast_in_dim3A_81 : vector<1x32768xf32> to vector<8x32768xf32>
    %mul3A_83 = arith.mulf %slice3A_76, %mul3A_82 : vector<8x32768xf32>
    %add3A_84 = arith.addf %add3A_75, %mul3A_83 : vector<8x32768xf32>
    %slice3A_85 = vector.extract_strided_slice %concatenate3A {offsets = [7, 0], sizes = [8, 32768], strides = [1, 1]} : vector<20x32768xf32> to vector<8x32768xf32>
    %get3A_86 = arith.constant 7 : index
    %get3A_87 = arith.constant 0 : index
    %get3A_88 = vector.load %arg5[%get3A_86, %get3A_87] : memref<13x32768xf32, #tpu.memory_space<vmem>>, vector<1x32768xf32>
    %get3A_89 = vector.shape_cast %get3A_88 : vector<1x32768xf32> to vector<32768xf32>
    %broadcast_in_dim3A_90 = vector.shape_cast %get3A_89 : vector<32768xf32> to vector<1x32768xf32>
    %mul3A_91 = vector.broadcast %broadcast_in_dim3A_90 : vector<1x32768xf32> to vector<8x32768xf32>
    %mul3A_92 = arith.mulf %slice3A_85, %mul3A_91 : vector<8x32768xf32>
    %add3A_93 = arith.addf %add3A_84, %mul3A_92 : vector<8x32768xf32>
    %slice3A_94 = vector.extract_strided_slice %concatenate3A {offsets = [8, 0], sizes = [8, 32768], strides = [1, 1]} : vector<20x32768xf32> to vector<8x32768xf32>
    %get3A_95 = arith.constant 8 : index
    %get3A_96 = arith.constant 0 : index
    %get3A_97 = vector.load %arg5[%get3A_95, %get3A_96] : memref<13x32768xf32, #tpu.memory_space<vmem>>, vector<1x32768xf32>
    %get3A_98 = vector.shape_cast %get3A_97 : vector<1x32768xf32> to vector<32768xf32>
    %broadcast_in_dim3A_99 = vector.shape_cast %get3A_98 : vector<32768xf32> to vector<1x32768xf32>
    %mul3A_100 = vector.broadcast %broadcast_in_dim3A_99 : vector<1x32768xf32> to vector<8x32768xf32>
    %mul3A_101 = arith.mulf %slice3A_94, %mul3A_100 : vector<8x32768xf32>
    %add3A_102 = arith.addf %add3A_93, %mul3A_101 : vector<8x32768xf32>
    %slice3A_103 = vector.extract_strided_slice %concatenate3A {offsets = [9, 0], sizes = [8, 32768], strides = [1, 1]} : vector<20x32768xf32> to vector<8x32768xf32>
    %get3A_104 = arith.constant 9 : index
    %get3A_105 = arith.constant 0 : index
    %get3A_106 = vector.load %arg5[%get3A_104, %get3A_105] : memref<13x32768xf32, #tpu.memory_space<vmem>>, vector<1x32768xf32>
    %get3A_107 = vector.shape_cast %get3A_106 : vector<1x32768xf32> to vector<32768xf32>
    %broadcast_in_dim3A_108 = vector.shape_cast %get3A_107 : vector<32768xf32> to vector<1x32768xf32>
    %mul3A_109 = vector.broadcast %broadcast_in_dim3A_108 : vector<1x32768xf32> to vector<8x32768xf32>
    %mul3A_110 = arith.mulf %slice3A_103, %mul3A_109 : vector<8x32768xf32>
    %add3A_111 = arith.addf %add3A_102, %mul3A_110 : vector<8x32768xf32>
    %slice3A_112 = vector.extract_strided_slice %concatenate3A {offsets = [10, 0], sizes = [8, 32768], strides = [1, 1]} : vector<20x32768xf32> to vector<8x32768xf32>
    %get3A_113 = arith.constant 10 : index
    %get3A_114 = arith.constant 0 : index
    %get3A_115 = vector.load %arg5[%get3A_113, %get3A_114] : memref<13x32768xf32, #tpu.memory_space<vmem>>, vector<1x32768xf32>
    %get3A_116 = vector.shape_cast %get3A_115 : vector<1x32768xf32> to vector<32768xf32>
    %broadcast_in_dim3A_117 = vector.shape_cast %get3A_116 : vector<32768xf32> to vector<1x32768xf32>
    %mul3A_118 = vector.broadcast %broadcast_in_dim3A_117 : vector<1x32768xf32> to vector<8x32768xf32>
    %mul3A_119 = arith.mulf %slice3A_112, %mul3A_118 : vector<8x32768xf32>
    %add3A_120 = arith.addf %add3A_111, %mul3A_119 : vector<8x32768xf32>
    %slice3A_121 = vector.extract_strided_slice %concatenate3A {offsets = [11, 0], sizes = [8, 32768], strides = [1, 1]} : vector<20x32768xf32> to vector<8x32768xf32>
    %get3A_122 = arith.constant 11 : index
    %get3A_123 = arith.constant 0 : index
    %get3A_124 = vector.load %arg5[%get3A_122, %get3A_123] : memref<13x32768xf32, #tpu.memory_space<vmem>>, vector<1x32768xf32>
    %get3A_125 = vector.shape_cast %get3A_124 : vector<1x32768xf32> to vector<32768xf32>
    %broadcast_in_dim3A_126 = vector.shape_cast %get3A_125 : vector<32768xf32> to vector<1x32768xf32>
    %mul3A_127 = vector.broadcast %broadcast_in_dim3A_126 : vector<1x32768xf32> to vector<8x32768xf32>
    %mul3A_128 = arith.mulf %slice3A_121, %mul3A_127 : vector<8x32768xf32>
    %add3A_129 = arith.addf %add3A_120, %mul3A_128 : vector<8x32768xf32>
    %slice3A_130 = vector.extract_strided_slice %concatenate3A {offsets = [12, 0], sizes = [8, 32768], strides = [1, 1]} : vector<20x32768xf32> to vector<8x32768xf32>
    %get3A_131 = arith.constant 12 : index
    %get3A_132 = arith.constant 0 : index
    %get3A_133 = vector.load %arg5[%get3A_131, %get3A_132] : memref<13x32768xf32, #tpu.memory_space<vmem>>, vector<1x32768xf32>
    %get3A_134 = vector.shape_cast %get3A_133 : vector<1x32768xf32> to vector<32768xf32>
    %broadcast_in_dim3A_135 = vector.shape_cast %get3A_134 : vector<32768xf32> to vector<1x32768xf32>
    %mul3A_136 = vector.broadcast %broadcast_in_dim3A_135 : vector<1x32768xf32> to vector<8x32768xf32>
    %mul3A_137 = arith.mulf %slice3A_130, %mul3A_136 : vector<8x32768xf32>
    %add3A_138 = arith.addf %add3A_129, %mul3A_137 : vector<8x32768xf32>
    %swap3A = arith.constant 0 : index
    %swap3A_139 = arith.constant 0 : index
    %swap3A_140 = arith.constant 0 : index
    %swap3A_141 = vector.load %arg7[%swap3A, %swap3A_139, %swap3A_140] : memref<1x8x32768xf32, #tpu.memory_space<vmem>>, vector<1x8x32768xf32>
    %swap3A_142 = vector.shape_cast %swap3A_141 : vector<1x8x32768xf32> to vector<8x32768xf32>
    %swap3A_143 = vector.shape_cast %add3A_138 : vector<8x32768xf32> to vector<1x8x32768xf32>
    tpu.vector_store %arg7[%swap3A, %swap3A_139, %swap3A_140], %swap3A_143 {strides = array<i32>} : memref<1x8x32768xf32, #tpu.memory_space<vmem>>, vector<1x8x32768xf32>,
    return
  }
  func.func @transform_0(%arg0: i32, %arg1: i32) -> (i32, i32, i32) {
    %sub3A = arith.constant 1 : i32
    %sub3A_0 = arith.subi %arg1, %sub3A : i32
    %max3A = arith.constant 0 : i32
    %max3A_1 = arith.maxsi %sub3A_0, %max3A : i32
    %c0_i32 = arith.constant 0 : i32
    %c0_i32_2 = arith.constant 0 : i32
    return %arg0, %max3A_1, %c0_i32 : i32, i32, i32
  }
  func.func @transform_1(%arg0: i32, %arg1: i32) -> (i32, i32, i32) {
    %c0_i32 = arith.constant 0 : i32
    %c0_i32_0 = arith.constant 0 : i32
    return %arg0, %arg1, %c0_i32 : i32, i32, i32
  }
  func.func @transform_2(%arg0: i32, %arg1: i32) -> (i32, i32, i32) {
    %add3A = arith.constant 1 : i32
    %add3A_0 = arith.addi %arg1, %add3A : i32
    %min3A = arith.constant 31 : i32
    %min3A_1 = arith.minsi %add3A_0, %min3A : i32
    %c0_i32 = arith.constant 0 : i32
    %c0_i32_2 = arith.constant 0 : i32
    return %arg0, %min3A_1, %c0_i32 : i32, i32, i32
  }
  func.func @transform_3(%arg0: i32, %arg1: i32) -> (i32, i32) {
    %c0_i32 = arith.constant 0 : i32
    %c0_i32_0 = arith.constant 0 : i32
    %c0_i32_1 = arith.constant 0 : i32
    return %c0_i32, %c0_i32_0 : i32, i32
  }
  func.func @transform_4(%arg0: i32, %arg1: i32) -> (i32, i32) {
    %c0_i32 = arith.constant 0 : i32
    %c0_i32_0 = arith.constant 0 : i32
    %c0_i32_1 = arith.constant 0 : i32
    return %c0_i32, %c0_i32_0 : i32, i32
  }
  func.func @transform_5(%arg0: i32, %arg1: i32) -> (i32, i32, i32) {
    %c0_i32 = arith.constant 0 : i32
    %c0_i32_0 = arith.constant 0 : i32
    return %arg0, %arg1, %c0_i32 : i32, i32, i32
  }
}

module attributes {stable_mosaic.version = 14 : i64} {
  func.func @_final_kernel(%arg0: i32, %arg1: memref<256x256xf32, #tpu.memory_space<vmem>>, %arg2: memref<256x128xf32, #tpu.memory_space<vmem>>, %arg3: memref<256x128xf32, #tpu.memory_space<vmem>>, %arg4: memref<1x256xf32, #tpu.memory_space<vmem>>, %arg5: memref<1x256xf32, #tpu.memory_space<vmem>>, %arg6: memref<256x512xf32, #tpu.memory_space<vmem>>, %arg7: memref<1x512xf32, #tpu.memory_space<vmem>>, %arg8: memref<512x256xf32, #tpu.memory_space<vmem>>, %arg9: memref<1x256xf32, #tpu.memory_space<vmem>>, %arg10: memref<1x256xf32, #tpu.memory_space<vmem>>, %arg11: memref<1x256xf32, #tpu.memory_space<vmem>>, %arg12: memref<256x256xf32, #tpu.memory_space<vmem>>) attributes {dimension_semantics = [#tpu.dimension_semantics<arbitrary>], iteration_bounds = array<i64: 80>, scalar_prefetch = 0 : i64, scratch_operands = 0 : i64, tpu.core_type = #tpu.core_type<tc>, window_params = [{transform_indices = @transform_0, window_bounds = array<i64: 256, 256>}, {transform_indices = @transform_1, window_bounds = array<i64: 256, 128>}, {transform_indices = @transform_2, window_bounds = array<i64: 256, 128>}, {pipeline_mode = #tpu.pipeline_mode<synchronous>, transform_indices = @transform_3, window_bounds = array<i64: 1, 256>}, {pipeline_mode = #tpu.pipeline_mode<synchronous>, transform_indices = @transform_4, window_bounds = array<i64: 1, 256>}, {pipeline_mode = #tpu.pipeline_mode<synchronous>, transform_indices = @transform_5, window_bounds = array<i64: 256, 512>}, {pipeline_mode = #tpu.pipeline_mode<synchronous>, transform_indices = @transform_6, window_bounds = array<i64: 1, 512>}, {pipeline_mode = #tpu.pipeline_mode<synchronous>, transform_indices = @transform_7, window_bounds = array<i64: 512, 256>}, {pipeline_mode = #tpu.pipeline_mode<synchronous>, transform_indices = @transform_8, window_bounds = array<i64: 1, 256>}, {pipeline_mode = #tpu.pipeline_mode<synchronous>, transform_indices = @transform_9, window_bounds = array<i64: 1, 256>}, {pipeline_mode = #tpu.pipeline_mode<synchronous>, transform_indices = @transform_10, window_bounds = array<i64: 1, 256>}, {transform_indices = @transform_11, window_bounds = array<i64: 256, 256>}]} {
    %get3A = arith.constant 0 : index
    %get3A_0 = arith.constant 0 : index
    %get3A_1 = vector.load %arg1[%get3A, %get3A_0] : memref<256x256xf32, #tpu.memory_space<vmem>>, vector<256x256xf32>
    %slice3A = vector.extract_strided_slice %get3A_1 {offsets = [0, 0], sizes = [256, 64], strides = [1, 1]} : vector<256x256xf32> to vector<256x64xf32>
    %get3A_2 = arith.constant 0 : index
    %get3A_3 = arith.constant 0 : index
    %get3A_4 = vector.load %arg2[%get3A_2, %get3A_3] : memref<256x128xf32, #tpu.memory_space<vmem>>, vector<256x128xf32>
    %get3A_5 = arith.constant 0 : index
    %get3A_6 = arith.constant 0 : index
    %get3A_7 = vector.load %arg3[%get3A_5, %get3A_6] : memref<256x128xf32, #tpu.memory_space<vmem>>, vector<256x128xf32>
    %slice3A_8 = vector.extract_strided_slice %get3A_7 {offsets = [0, 0], sizes = [256, 64], strides = [1, 1]} : vector<256x128xf32> to vector<256x64xf32>
    %concatenate3A = tpu.concatenate %slice3A, %get3A_4, %slice3A_8 in 1 : vector<256x64xf32>, vector<256x128xf32>, vector<256x64xf32> -> vector<256x256xf32>
    %get3A_9 = arith.constant 0 : index
    %get3A_10 = arith.constant 0 : index
    %get3A_11 = vector.load %arg4[%get3A_9, %get3A_10] : memref<1x256xf32, #tpu.memory_space<vmem>>, vector<1x256xf32>
    %get3A_12 = arith.constant 0 : index
    %get3A_13 = arith.constant 0 : index
    %get3A_14 = vector.load %arg5[%get3A_12, %get3A_13] : memref<1x256xf32, #tpu.memory_space<vmem>>, vector<1x256xf32>
    %reduce_sum3A = arith.constant dense<0.000000e+00> : vector<256xf32>
    %reduce_sum3A_15 = vector.multi_reduction <add>, %concatenate3A, %reduce_sum3A [1] : vector<256x256xf32> to vector<256xf32>
    %broadcast_in_dim3A = vector.shape_cast %reduce_sum3A_15 : vector<256xf32> to vector<256x1xf32>
    %div3A = arith.constant 2.560000e+02 : f32
    %div3A_16 = vector.broadcast %div3A : f32 to vector<256x1xf32>
    %div3A_17 = arith.divf %broadcast_in_dim3A, %div3A_16 : vector<256x1xf32>
    %sub3A = vector.broadcast %div3A_17 : vector<256x1xf32> to vector<256x256xf32>
    %sub3A_18 = arith.subf %concatenate3A, %sub3A : vector<256x256xf32>
    %integer_pow3A = arith.mulf %sub3A_18, %sub3A_18 : vector<256x256xf32>
    %reduce_sum3A_19 = arith.constant dense<0.000000e+00> : vector<256xf32>
    %reduce_sum3A_20 = vector.multi_reduction <add>, %integer_pow3A, %reduce_sum3A_19 [1] : vector<256x256xf32> to vector<256xf32>
    %broadcast_in_dim3A_21 = vector.shape_cast %reduce_sum3A_20 : vector<256xf32> to vector<256x1xf32>
    %div3A_22 = arith.constant 2.560000e+02 : f32
    %div3A_23 = vector.broadcast %div3A_22 : f32 to vector<256x1xf32>
    %div3A_24 = arith.divf %broadcast_in_dim3A_21, %div3A_23 : vector<256x1xf32>
    %sub3A_25 = vector.broadcast %div3A_17 : vector<256x1xf32> to vector<256x256xf32>
    %sub3A_26 = arith.subf %concatenate3A, %sub3A_25 : vector<256x256xf32>
    %add3A = arith.constant 9.99999974E-6 : f32
    %add3A_27 = vector.broadcast %add3A : f32 to vector<256x1xf32>
    %add3A_28 = arith.addf %div3A_24, %add3A_27 : vector<256x1xf32>
    %sqrt3A = math.sqrt %add3A_28 : vector<256x1xf32>
    %div3A_29 = vector.broadcast %sqrt3A : vector<256x1xf32> to vector<256x256xf32>
    %div3A_30 = arith.divf %sub3A_26, %div3A_29 : vector<256x256xf32>
    %mul3A = vector.broadcast %get3A_11 : vector<1x256xf32> to vector<256x256xf32>
    %mul3A_31 = arith.mulf %div3A_30, %mul3A : vector<256x256xf32>
    %add3A_32 = vector.broadcast %get3A_14 : vector<1x256xf32> to vector<256x256xf32>
    %add3A_33 = arith.addf %mul3A_31, %add3A_32 : vector<256x256xf32>
    %get3A_34 = arith.constant 0 : index
    %get3A_35 = arith.constant 0 : index
    %get3A_36 = vector.load %arg6[%get3A_34, %get3A_35] : memref<256x512xf32, #tpu.memory_space<vmem>>, vector<256x512xf32>
    %dot_general3A = arith.constant dense<0.000000e+00> : vector<256x512xf32>
    %dot_general3A_37 = tpu.matmul %add3A_33, %get3A_36, %dot_general3A {dimension_numbers = #tpu.dot_dimension_numbers<[1], [0], [0], [1], [0, 0, 1, 1], [], []>, transpose_lhs_hint = false} : vector<256x256xf32>, vector<256x512xf32>, vector<256x512xf32> -> vector<256x512xf32>
    %get3A_38 = arith.constant 0 : index
    %get3A_39 = arith.constant 0 : index
    %get3A_40 = vector.load %arg7[%get3A_38, %get3A_39] : memref<1x512xf32, #tpu.memory_space<vmem>>, vector<1x512xf32>
    %add3A_41 = vector.broadcast %get3A_40 : vector<1x512xf32> to vector<256x512xf32>
    %add3A_42 = arith.addf %dot_general3A_37, %add3A_41 : vector<256x512xf32>
    %mul3A_43 = arith.constant 5.000000e-01 : f32
    %mul3A_44 = vector.broadcast %mul3A_43 : f32 to vector<256x512xf32>
    %mul3A_45 = arith.mulf %mul3A_44, %add3A_42 : vector<256x512xf32>
    %sqrt3A_46 = arith.constant 2.000000e+00 : f32
    %sqrt3A_47 = math.sqrt %sqrt3A_46 : f32
    %div3A_48 = vector.broadcast %sqrt3A_47 : f32 to vector<256x512xf32>
    %div3A_49 = arith.divf %add3A_42, %div3A_48 : vector<256x512xf32>
    %erf3A = math.erf %div3A_49 : vector<256x512xf32>
    %add3A_50 = arith.constant 1.000000e+00 : f32
    %add3A_51 = vector.broadcast %add3A_50 : f32 to vector<256x512xf32>
    %add3A_52 = arith.addf %add3A_51, %erf3A : vector<256x512xf32>
    %mul3A_53 = arith.mulf %mul3A_45, %add3A_52 : vector<256x512xf32>
    %get3A_54 = arith.constant 0 : index
    %get3A_55 = arith.constant 0 : index
    %get3A_56 = vector.load %arg8[%get3A_54, %get3A_55] : memref<512x256xf32, #tpu.memory_space<vmem>>, vector<512x256xf32>
    %dot_general3A_57 = arith.constant dense<0.000000e+00> : vector<256x256xf32>
    %dot_general3A_58 = tpu.matmul %mul3A_53, %get3A_56, %dot_general3A_57 {dimension_numbers = #tpu.dot_dimension_numbers<[1], [0], [0], [1], [0, 0, 1, 1], [], []>, transpose_lhs_hint = false} : vector<256x512xf32>, vector<512x256xf32>, vector<256x256xf32> -> vector<256x256xf32>
    %get3A_59 = arith.constant 0 : index
    %get3A_60 = arith.constant 0 : index
    %get3A_61 = vector.load %arg9[%get3A_59, %get3A_60] : memref<1x256xf32, #tpu.memory_space<vmem>>, vector<1x256xf32>
    %add3A_62 = vector.broadcast %get3A_61 : vector<1x256xf32> to vector<256x256xf32>
    %add3A_63 = arith.addf %dot_general3A_58, %add3A_62 : vector<256x256xf32>
    %add3A_64 = arith.addf %get3A_1, %add3A_63 : vector<256x256xf32>
    %get3A_65 = arith.constant 0 : index
    %get3A_66 = arith.constant 0 : index
    %get3A_67 = vector.load %arg10[%get3A_65, %get3A_66] : memref<1x256xf32, #tpu.memory_space<vmem>>, vector<1x256xf32>
    %get3A_68 = arith.constant 0 : index
    %get3A_69 = arith.constant 0 : index
    %get3A_70 = vector.load %arg11[%get3A_68, %get3A_69] : memref<1x256xf32, #tpu.memory_space<vmem>>, vector<1x256xf32>
    %reduce_sum3A_71 = arith.constant dense<0.000000e+00> : vector<256xf32>
    %reduce_sum3A_72 = vector.multi_reduction <add>, %add3A_64, %reduce_sum3A_71 [1] : vector<256x256xf32> to vector<256xf32>
    %broadcast_in_dim3A_73 = vector.shape_cast %reduce_sum3A_72 : vector<256xf32> to vector<256x1xf32>
    %div3A_74 = arith.constant 2.560000e+02 : f32
    %div3A_75 = vector.broadcast %div3A_74 : f32 to vector<256x1xf32>
    %div3A_76 = arith.divf %broadcast_in_dim3A_73, %div3A_75 : vector<256x1xf32>
    %sub3A_77 = vector.broadcast %div3A_76 : vector<256x1xf32> to vector<256x256xf32>
    %sub3A_78 = arith.subf %add3A_64, %sub3A_77 : vector<256x256xf32>
    %integer_pow3A_79 = arith.mulf %sub3A_78, %sub3A_78 : vector<256x256xf32>
    %reduce_sum3A_80 = arith.constant dense<0.000000e+00> : vector<256xf32>
    %reduce_sum3A_81 = vector.multi_reduction <add>, %integer_pow3A_79, %reduce_sum3A_80 [1] : vector<256x256xf32> to vector<256xf32>
    %broadcast_in_dim3A_82 = vector.shape_cast %reduce_sum3A_81 : vector<256xf32> to vector<256x1xf32>
    %div3A_83 = arith.constant 2.560000e+02 : f32
    %div3A_84 = vector.broadcast %div3A_83 : f32 to vector<256x1xf32>
    %div3A_85 = arith.divf %broadcast_in_dim3A_82, %div3A_84 : vector<256x1xf32>
    %sub3A_86 = vector.broadcast %div3A_76 : vector<256x1xf32> to vector<256x256xf32>
    %sub3A_87 = arith.subf %add3A_64, %sub3A_86 : vector<256x256xf32>
    %add3A_88 = arith.constant 9.99999974E-6 : f32
    %add3A_89 = vector.broadcast %add3A_88 : f32 to vector<256x1xf32>
    %add3A_90 = arith.addf %div3A_85, %add3A_89 : vector<256x1xf32>
    %sqrt3A_91 = math.sqrt %add3A_90 : vector<256x1xf32>
    %div3A_92 = vector.broadcast %sqrt3A_91 : vector<256x1xf32> to vector<256x256xf32>
    %div3A_93 = arith.divf %sub3A_87, %div3A_92 : vector<256x256xf32>
    %mul3A_94 = vector.broadcast %get3A_67 : vector<1x256xf32> to vector<256x256xf32>
    %mul3A_95 = arith.mulf %div3A_93, %mul3A_94 : vector<256x256xf32>
    %add3A_96 = vector.broadcast %get3A_70 : vector<1x256xf32> to vector<256x256xf32>
    %add3A_97 = arith.addf %mul3A_95, %add3A_96 : vector<256x256xf32>
    %swap3A = arith.constant 0 : index
    %swap3A_98 = arith.constant 0 : index
    %swap3A_99 = vector.load %arg12[%swap3A, %swap3A_98] : memref<256x256xf32, #tpu.memory_space<vmem>>, vector<256x256xf32>
    tpu.vector_store %arg12[%swap3A, %swap3A_98], %add3A_97 {strides = array<i32>} : memref<256x256xf32, #tpu.memory_space<vmem>>, vector<256x256xf32>,
    return
  }
  func.func @transform_0(%arg0: i32) -> (i32, i32) {
    %c0_i32 = arith.constant 0 : i32
    %c0_i32_0 = arith.constant 0 : i32
    return %arg0, %c0_i32 : i32, i32
  }
  func.func @transform_1(%arg0: i32) -> (i32, i32) {
    %c0_i32 = arith.constant 0 : i32
    %c0_i32_0 = arith.constant 0 : i32
    return %arg0, %c0_i32 : i32, i32
  }
  func.func @transform_2(%arg0: i32) -> (i32, i32) {
    %c0_i32 = arith.constant 0 : i32
    %c0_i32_0 = arith.constant 0 : i32
    return %arg0, %c0_i32 : i32, i32
  }
  func.func @transform_3(%arg0: i32) -> (i32, i32) {
    %c0_i32 = arith.constant 0 : i32
    %c0_i32_0 = arith.constant 0 : i32
    %c0_i32_1 = arith.constant 0 : i32
    return %c0_i32, %c0_i32_0 : i32, i32
  }
  func.func @transform_4(%arg0: i32) -> (i32, i32) {
    %c0_i32 = arith.constant 0 : i32
    %c0_i32_0 = arith.constant 0 : i32
    %c0_i32_1 = arith.constant 0 : i32
    return %c0_i32, %c0_i32_0 : i32, i32
  }
  func.func @transform_5(%arg0: i32) -> (i32, i32) {
    %c0_i32 = arith.constant 0 : i32
    %c0_i32_0 = arith.constant 0 : i32
    %c0_i32_1 = arith.constant 0 : i32
    return %c0_i32, %c0_i32_0 : i32, i32
  }
  func.func @transform_6(%arg0: i32) -> (i32, i32) {
    %c0_i32 = arith.constant 0 : i32
    %c0_i32_0 = arith.constant 0 : i32
    %c0_i32_1 = arith.constant 0 : i32
    return %c0_i32, %c0_i32_0 : i32, i32
  }
  func.func @transform_7(%arg0: i32) -> (i32, i32) {
    %c0_i32 = arith.constant 0 : i32
    %c0_i32_0 = arith.constant 0 : i32
    %c0_i32_1 = arith.constant 0 : i32
    return %c0_i32, %c0_i32_0 : i32, i32
  }
  func.func @transform_8(%arg0: i32) -> (i32, i32) {
    %c0_i32 = arith.constant 0 : i32
    %c0_i32_0 = arith.constant 0 : i32
    %c0_i32_1 = arith.constant 0 : i32
    return %c0_i32, %c0_i32_0 : i32, i32
  }
  func.func @transform_9(%arg0: i32) -> (i32, i32) {
    %c0_i32 = arith.constant 0 : i32
    %c0_i32_0 = arith.constant 0 : i32
    %c0_i32_1 = arith.constant 0 : i32
    return %c0_i32, %c0_i32_0 : i32, i32
  }
  func.func @transform_10(%arg0: i32) -> (i32, i32) {
    %c0_i32 = arith.constant 0 : i32
    %c0_i32_0 = arith.constant 0 : i32
    %c0_i32_1 = arith.constant 0 : i32
    return %c0_i32, %c0_i32_0 : i32, i32
  }
  func.func @transform_11(%arg0: i32) -> (i32, i32) {
    %c0_i32 = arith.constant 0 : i32
    %c0_i32_0 = arith.constant 0 : i32
    return %arg0, %c0_i32 : i32, i32
  }
}

</mosaic_0001>

<sc_bundles>
// kernel: kernel.10.cloned.1.call-start
scs
__scs_entry_jumppad:
0x0: {  	(pc) =	sbr.rel $0x88, $3  }
0x1: {  	(tag) =	ssettag $0x0;
	lr =	simm.s32 $0x1  }
0x2: {  	[smem:$0x3F82] =	sst lr;
	_ =	strace $0xD0000000  }
0x3: {  	_ = 	snop  }
0x4: {  	_ = 	snop  }
0x5: {  	_ = 	snop  }
0x6: {  	_ = 	snop  }
0x7: {  	_ = 	snop  }
__scs_overlays_trampoline_lowered:
0x8: {  	[smem:$0x3F91] =	sst s0  }
0x9: {  	[smem:$0x3F92] =	sst s1  }
0xa: {  	[smem:$0x3F93] =	sst s2  }
0xb: {  	[smem:$0x3F94] =	sst s3  }
0xc: {  	[smem:$0x3F95] =	sst s4  }
0xd: {  	[smem:$0x3F96] =	sst s5  }
0xe: {  	[smem:$0x3F97] =	sst s6  }
0xf: {  	[smem:$0x3F98] =	sst s7  }
0x10: {  	[smem:$0x3F99] =	sst s8  }
0x11: {  	[smem:$0x3F9A] =	sst s9;
	s0 =	simm.s32 @!p0 $0x0  }
0x12: {  	s1 =	sld [smem:$0x3F80];
	s0 =	simm.s32 @p0 $0x1  }
0x13: {  	[smem:$0x3F9B] =	sst s0;
	s0 =	simm.s32 @!p1 $0x0  }
0x14: {  	s2 =	sld [smem:$0x3F7F];
	s0 =	simm.s32 @p1 $0x1  }
0x15: {  	[smem:$0x3F9C] =	sst s0;
	s0 =	simm.s32 @!p2 $0x0  }
0x16: {  	s3 =	sld [smem:$0x3FDB];
	s0 =	simm.s32 @p2 $0x1  }
0x17: {  	s4 =	simm.s32 $0x1BF5;
	[smem:$0x3F9E] =	sst s0  }
0x18: {  	s0 =	sld [smem:$0x3F81];
	_ =	swait.ge [sflag:s4], $0x0  }
0x19: {  	s7 =	sld [smem:$0x3F82]  }
0x1a: {  	s8 =	sadd.s32 $0xFFFFE003, lr  }
0x1b: {  	s9 =	sadd.s32 $0xFFFFFEF7, lr;
	s5 =	simm.s32 $0xFFFFFFFF;
	p2 =	slt.u32 s8, $0xFFFFF086  }
0x1c: {  	p1 =	slt.u32 s9, $0xF7A;
	s5 =	simm.s32 @!p2 $0x0  }
0x1d: {  	s5 =	simm.s32 @p1 $0x1;
	p0 =	seq.s32 s7, s2  }
0x1e: {  	s7 =	smul.u32 @!p0 $0xF7A, s2;
	p2 =	seq.s32 @!p0 s5, $0x0  }
0x1f: {  	s9 =	smul.u32 $0xF7A, s1;
	s8 =	simm.s32 @!p0 $0x1BF5;
	p2 =	por !p2, p0  }
0x20: {  	[sflag:s8] =	ssyncset.s32 @!p0 $0xFFFFF086;
	s6 =	sadd.s32 @!p0 s3, s7;
	s7 =	simm.s32 @!p0 $0x108  }
0x21: {  	s3 =	sadd.s32 s3, s9;
	s6 =	sadd.s32 @!p0 $0x88, s6;
	s7 =	simm.s32 @p2 $0x1082  }
0x22: {  	[simem:s7], [sflag:s8] =	dma.local @!p0 [hbm:s6], $0xF7A  }
0x23: {  	s9 =	sor.u32 $0xD0000000, s2;
	s6 =	simm.s32 $0x108;
	_ =	swait.ge @!p0 [sflag:s8], $0x0  }
0x24: {  	s3 =	sadd.s32 $0x88, s3;
	s6 =	simm.s32 @!p1 $0x1082;
	[sflag:s4] =	ssyncset.s32 $0xFFFFF086  }
0x25: {  	[simem:s6], [sflag:s4] =	dma.local [hbm:s3], $0xF7A  }
0x26: {  	[smem:$0x3F82] =	sst s1;
	(tag) =	ssettag s2;
	_ =	strace s9  }
0x27: {  	s1 =	sld [smem:$0x3F92]  }
0x28: {  	s2 =	sld [smem:$0x3F93]  }
0x29: {  	s4 =	sld [smem:$0x3F95]  }
0x2a: {  	p0 =	seq.s32 s5, $0x0;
	s5 =	sld [smem:$0x3F96]  }
0x2b: {  	s6 =	sld [smem:$0x3F97]  }
0x2c: {  	s7 =	sld [smem:$0x3F98]  }
0x2d: {  	s3 =	simm.s32 $0x108;
	s8 =	sld [smem:$0x3F99]  }
0x2e: {  	s3 =	simm.s32 @!p0 $0x1082;
	s9 =	sld [smem:$0x3F9A]  }
0x2f: {  	lr =	sadd.s32 s0, s3;
	s0 =	sld [smem:$0x3F91]  }
0x30: {  	s3 =	sld [smem:$0x3F94]  }
0x31: {  	[smem:$0x3F9D] =	sst s10  }
0x32: {  	s10 =	sld [smem:$0x3F9B];
	_ =	sdelay $0x3  }
0x33: {  	p0 =	seq.s32 s10, $0x1;
	s10 =	sld [smem:$0x3F9D];
	_ =	sdelay $0x3  }
0x34: {  	[smem:$0x3F9D] =	sst s10  }
0x35: {  	s10 =	sld [smem:$0x3F9C];
	_ =	sdelay $0x3  }
0x36: {  	p1 =	seq.s32 s10, $0x1;
	s10 =	sld [smem:$0x3F9D];
	_ =	sdelay $0x3  }
0x37: {  	[smem:$0x3F9D] =	sst s10  }
0x38: {  	s10 =	sld [smem:$0x3F9E]  }
0x39: {  	_ = 	snop;
	(pc) =	sbr.ind lr, $3  }
0x3a: {  	_ = 	snop  }
0x3b: {  	_ = 	snop  }
0x3c: {  	p2 =	seq.s32 s10, $0x1;
	s10 =	sld [smem:$0x3F9D]  }
0x3d: {  	_ =	shalt  }
0x3e: {  	_ =	shalt  }
0x3f: {  	_ =	shalt  }
0x40: {  	_ =	shalt  }
0x41: {  	_ =	shalt  }
0x42: {  	_ =	shalt  }
0x43: {  	_ =	shalt  }
0x44: {  	_ =	shalt  }
0x45: {  	_ =	shalt  }
0x46: {  	_ =	shalt  }
0x47: {  	_ =	shalt  }
0x48: {  	_ =	shalt  }
0x49: {  	_ =	shalt  }
0x4a: {  	_ =	shalt  }
0x4b: {  	_ =	shalt  }
0x4c: {  	_ =	shalt  }
0x4d: {  	_ =	shalt  }
0x4e: {  	_ =	shalt  }
0x4f: {  	_ =	shalt  }
0x50: {  	_ =	shalt  }
0x51: {  	_ =	shalt  }
0x52: {  	_ =	shalt  }
0x53: {  	_ =	shalt  }
0x54: {  	_ =	shalt  }
0x55: {  	_ =	shalt  }
0x56: {  	_ =	shalt  }
0x57: {  	_ =	shalt  }
0x58: {  	_ =	shalt  }
0x59: {  	_ =	shalt  }
0x5a: {  	_ =	shalt  }
0x5b: {  	_ =	shalt  }
0x5c: {  	_ =	shalt  }
0x5d: {  	_ =	shalt  }
0x5e: {  	_ =	shalt  }
0x5f: {  	_ =	shalt  }
0x60: {  	_ =	shalt  }
0x61: {  	_ =	shalt  }
0x62: {  	_ =	shalt  }
0x63: {  	_ =	shalt  }
0x64: {  	_ =	shalt  }
0x65: {  	_ =	shalt  }
0x66: {  	_ =	shalt  }
0x67: {  	_ =	shalt  }
0x68: {  	_ =	shalt  }
0x69: {  	_ =	shalt  }
0x6a: {  	_ =	shalt  }
0x6b: {  	_ =	shalt  }
0x6c: {  	_ =	shalt  }
0x6d: {  	_ =	shalt  }
0x6e: {  	_ =	shalt  }
0x6f: {  	_ =	shalt  }
0x70: {  	_ =	shalt  }
0x71: {  	_ =	shalt  }
0x72: {  	_ =	shalt  }
0x73: {  	_ =	shalt  }
0x74: {  	_ =	shalt  }
0x75: {  	_ =	shalt  }
0x76: {  	_ =	shalt  }
0x77: {  	_ =	shalt  }
0x78: {  	_ =	shalt  }
0x79: {  	_ =	shalt  }
0x7a: {  	_ =	shalt  }
0x7b: {  	_ =	shalt  }
0x7c: {  	_ =	shalt  }
0x7d: {  	_ =	shalt  }
0x7e: {  	_ =	shalt  }
0x7f: {  	_ =	shalt  }
0x80: {  	_ =	shalt  }
0x81: {  	_ =	shalt  }
0x82: {  	_ =	shalt  }
0x83: {  	_ =	shalt  }
0x84: {  	_ =	shalt  }
0x85: {  	_ =	shalt  }
0x86: {  	_ =	shalt  }
0x87: {  	_ =	shalt  }
.Lfunc_end0:
.L_simem_size_0:
called_computation.1_lowered:
.L_overlay_start_0:
0x88: {  	s2 =	sld [smem:$0x3FD9]  }
0x89: {  	s3 =	sld [smem:$0x3FFE];
	_ =	sdelay $0x1  }
0x8a: {  	s1 =	srdreg.scid  }
0x8b: {  	s0 =	sand.u32 $0x1, s1  }
0x8c: {  	s17 =	sshll.u32 s0, $0xA;
	s2 =	sadd.s32 s3, s2  }
0x8d: {  	s2 =	sadd.s32 s2, s17  }
0x8e: {  	[smem:$0x3FA9] =	sst s2  }
0x8f: {  	_ = 	snop  }
0x90: {  	s2 =	sld [smem:$0x3FD0];
	(tm) =	ssettm $0x1  }
0x91: {  	s18 =	sld [smem:$0x3FFB];
	_ =	sdelay $0x3  }
0x92: {  	_ =	strace s18  }
0x93: {  	s3 =	sld [smem:$0x3FFC];
	_ =	sdelay $0x3  }
0x94: {  	_ =	strace s3  }
0x95: {  	s3 =	sld [smem:$0x3FFD];
	_ =	sdelay $0x3  }
0x96: {  	_ =	strace s3  }
0x97: {  	_ =	strace $0x8FFFFFFF  }
0x98: {  	s19 =	sld [smem:$0x3FDB];
	_ =	sdelay $0x1  }
0x99: {  	s4 =	simm.s32 $_scs_section_size  }
0x9a: {  	s5 =	simm.s32 $_size__tile_overlayer_lowered;
	s6 =	simm.s32 $_tile_overlayer_lowered  }
0x9b: {  	s22 =	simm.s32 $0x1BFF;
	s21 =	sshll.u32 s6, $0x1;
	s3 =	sadd.s32 s4, s19  }
0x9c: {  	s7 =	simm.s32 $0x0;
	s20 =	sshll.u32 s5, $0x1;
	s5 =	sadd.s32 s21, s3  }
0x9d: {  	[timem:s7], [sflag:s22] =	dma.local [hbm:s5], s20  }
0x9e: {  	_ =	swait.ge [sflag:s22], s20  }
0x9f: {  	s4 =	ssub.s32 $0x0, s20;
	[sflag:s22] =	ssyncset.done $0x0  }
0xa0: {  	[sflag:s22] =	ssyncadd.s32 s4;
	_ =	sdelay $0x1  }
0xa1: {  	s23 =	simm.s32 $0x1B8B  }
0xa2: {  	_ =	swait.ge [sflag:s23], $0x1  }
0xa3: {  	[sflag:s23] =	ssyncset.done $0x0  }
0xa4: {  	s25 =	simm.s32 $0x1B8E;
	s24 =	sld [smem:$0x3FFE];
	[sflag:s23] =	ssyncadd.s32 $0xFFFFFFFF  }
0xa5: {  	s26 =	simm.s32 $execute0_lowered;
	[smem:$0x3FD2] =	sst s25  }
0xa6: {  	s5 =	sshll.u32 s26, $0x1;
	_ =	strace $0x80000049;
	[dreg:$0x1] =	wrdreg $0xFFFFFFFF  }
0xa7: {  	s28 =	simm.s32 $_size_execute0_lowered;
	s3 =	sadd.s32 s3, s5;
	[dreg:$0x0] =	wrdreg $0x0  }
0xa8: {  	s5 =	sshll.u32 s28, $0x1;
	[dreg:$0x2] =	wrdreg s3  }
0xa9: {  	[dreg:$0x3] =	wrdreg s5  }
0xaa: {  	[dreg:$0x4] =	wrdreg $0xC0  }
0xab: {  	_ =	task [dreg:s7], $0x5FFFF  }
0xac: {  	[dreg:$0x1] =	wrdreg $0xFFFFFFFF  }
0xad: {  	[dreg:$0x0] =	wrdreg $0x60  }
0xae: {  	[dreg:$0x2] =	wrdreg s2  }
0xaf: {  	[dreg:$0x3] =	wrdreg s24  }
0xb0: {  	[dreg:$0x4] =	wrdreg $0x9  }
0xb1: {  	_ =	task.clear_ibuf [dreg:s7], $0x5FFFF;
	_ =	strace $0x90000049  }
0xb2: {  	s29 =	simm.s32 $0x9;
	_ =	strace $0x8000004B  }
0xb3: {  	_ =	swait.ge [sflag:s29], $0x1  }
0xb4: {  	[sflag:s29] =	ssyncadd.s32 $0xFFFFFFFF  }
0xb5: {  	_ =	strace $0x9000004B  }
0xb6: {  	_ =	sfence  }
0xb7: {  	s30 =	sld [smem:$0x0];
	_ =	sdelay $0x2  }
0xb8: {  	s31 =	sshll.u32 s1, $0xD;
	s1 =	sshrl.u32 s1, $0x2  }
0xb9: {  	s3 =	sand.u32 $0x4000, s31;
	s1 =	sadd.s32 s1, s30  }
0xba: {  	s0 =	sor.u32 s3, s0;
	s1 =	sshll.u32 s1, $0x11  }
0xbb: {  	s0 =	sor.u32 s1, s0  }
0xbc: {  	s0 =	sadd.s32 $0x8F2B, s0  }
0xbd: {  	[sflag:s0] =	ssyncadd.remote.s32 $0x1  }
0xbe: {  	_ =	sfence.sel $0xFFFF  }
0xbf: {  	[dreg:$0x0] =	wrdreg $0xFFFFFFFF;
	(pc) =	sbr.abs _section_cstart, $3  }
0xc0: {  	[dreg:$0x1] =	wrdreg $0xFFFFFFFF  }
0xc1: {  	_ =	task.clear_ibuf [dreg:s7], $0x2FFFF;
	_ =	strace $0x9FFFFFFF  }
0xc2: {  	(tm) =	ssettm $0x7FFFFFFF  }
0xc3: {  	_ =	shalt  }
tec
execute0_lowered:
.L_overlay_start_1:
0x0: {  	(tag) =	ssettag $0x1  }
0x1: {  	s2 =	rddreg [dreg:$0x0]  }
0x2: {  	s5 =	rddreg [dreg:$0x1];
	s3 =	simm.s32 $0x0  }
0x3: {  	[smem:$0x7FF] =	sst s3;
	s7 =	sadd.s32 $0xD0200, s5  }
0x4: {  	s25 =	simm.s32 $0x880;
	_ =	strace $0x8000004A;
	[dreg:$0x3] =	wrdreg s7  }
0x5: {  	s9 =	simm.s32 $0x1080;
	[dreg:$0x5] =	wrdreg s25  }
0x6: {  	s0 =	stileid.u32;
	s26 =	simm.s32 $0x1880;
	[dreg:$0x6] =	wrdreg s9  }
0x7: {  	s29 =	simm.s32 $0x2080;
	s30 =	simm.s32 $0x2880;
	[dreg:$0x7] =	wrdreg s26  }
0x8: {  	s23 =	sshll.u32 s0, $0x1;
	s24 =	smul.u32 $0x500000, s0;
	[dreg:$0x8] =	wrdreg s29  }
0x9: {  	s31 =	smul.u32 $0x50000, s0;
	s0 =	simm.s32 $0x3080;
	[dreg:$0x9] =	wrdreg s30  }
0xa: {  	s1 =	simm.s32 $0x3880;
	[dreg:$0xa] =	wrdreg s0  }
0xb: {  	s12 =	simm.s32 $0x4880;
	[dreg:$0xb] =	wrdreg s1  }
0xc: {  	s4 =	srdreg.scid;
	s13 =	simm.s32 $0x5080;
	[dreg:$0xd] =	wrdreg s12  }
0xd: {  	s14 =	simm.s32 $0x5880;
	s15 =	simm.s32 $0x6080;
	[dreg:$0xe] =	wrdreg s13  }
0xe: {  	s17 =	simm.s32 $0x6880;
	s18 =	simm.s32 $0x7080;
	[dreg:$0xf] =	wrdreg s14  }
0xf: {  	s19 =	simm.s32 $0x7880;
	s6 =	sand.u32 $0x1, s4;
	[dreg:$0x10] =	wrdreg s15  }
0x10: {  	s28 =	simm.s32 $0x0;
	s8 =	smul.u32 $0x280000, s6;
	[dreg:$0x11] =	wrdreg s17  }
0x11: {  	s4 =	sor.u32 s6, s23;
	s10 =	smul.u32 $0x28000, s6;
	[dreg:$0x12] =	wrdreg s18  }
0x12: {  	s6 =	ssub.s32 $0x2, s6;
	[dreg:$0x13] =	wrdreg s19;
	s23 =	simm.s32 $0x8080  }
0x13: {  	s25 =	simm.s32 $0x9080;
	s9 =	sadd.s32 $0x500, s2;
	[dreg:$0x14] =	wrdreg s23  }
0x14: {  	s12 =	simm.s32 $0xA080;
	s13 =	simm.s32 $0xA880;
	[dreg:$0x16] =	wrdreg s25  }
0x15: {  	s14 =	simm.s32 $0xB080;
	s15 =	simm.s32 $0xB880;
	[dreg:$0x18] =	wrdreg s12  }
0x16: {  	s17 =	simm.s32 $0xC880;
	s18 =	simm.s32 $0xD080;
	[dreg:$0x19] =	wrdreg s13  }
0x17: {  	s19 =	simm.s32 $0xD880;
	s26 =	simm.s32 $0xE880;
	[dreg:$0x1a] =	wrdreg s14  }
0x18: {  	s30 =	simm.s32 $0xF080;
	s4 =	smul.u32 $0x1400, s4;
	[dreg:$0x1b] =	wrdreg s15  }
0x19: {  	s16 =	sshrl.u32 s6, $0x1;
	s12 =	sadd.s32 $0x800, s2;
	[dreg:$0x1d] =	wrdreg s17  }
0x1a: {  	s13 =	sadd.s32 $0x900, s2;
	s14 =	sadd.s32 $0xA00, s2;
	[dreg:$0x1e] =	wrdreg s18  }
0x1b: {  	s15 =	sadd.s32 $0xB00, s2;
	s17 =	sadd.s32 $0xD00, s2;
	[dreg:$0x1f] =	wrdreg s19  }
0x1c: {  	s18 =	sadd.s32 $0xE00, s2;
	s23 =	simm.s32 $0xE080;
	[smem:$0x7FA] =	sst s26  }
0x1d: {  	s19 =	sadd.s32 $0xF00, s2;
	[smem:$0x7FB] =	sst s30;
	s25 =	simm.s32 $0x10880  }
0x1e: {  	s26 =	simm.s32 $0x10080;
	s7 =	sadd.s32 s8, s24;
	s8 =	simm.s32 $0x4080  }
0x1f: {  	s11 =	sadd.s32 s10, s31;
	s20 =	ssub.s32 s6, s16;
	s6 =	sadd.s32 $0x200, s2  }
0x20: {  	s24 =	simm.s32 $0x8880;
	s10 =	sadd.s32 $0x600, s2;
	[smem:$0x7F8] =	sst s23  }
0x21: {  	s16 =	simm.s32 $0xC080;
	s31 =	simm.s32 $0xF880;
	[smem:$0x7FD] =	sst s25  }
0x22: {  	s23 =	simm.s32 $0x2;
	s25 =	simm.s32 $0x1;
	[dreg:$0x4] =	wrdreg s4  }
0x23: {  	s4 =	sadd.s32 $0xC8200, s5;
	s7 =	sshrl.u32 s7, $0x3;
	[dreg:$0xc] =	wrdreg s8  }
0x24: {  	s8 =	sshrl.u32 s11, $0x3;
	[dreg:$0x15] =	wrdreg s24;
	s11 =	simm.s32 $0x9880  }
0x25: {  	[dreg:$0x1c] =	wrdreg s16;
	s16 =	sadd.s32 $0xC00, s2;
	s29 =	smax.u32 s20, $0x1  }
0x26: {  	[smem:$0x7FC] =	sst s31;
	s24 =	simm.s32 $0x80;
	s22 =	sadd.s32 s7, s5  }
0x27: {  	v2 =	vlaneseq.u32;
	s21 =	sadd.s32 s8, s5;
	s5 =	sadd.s32 $0x100, s2;
	s7 =	sadd.s32 $0x300, s2  }
0x28: {  	vm0 =	vmmov $0xffff;
	v1 =	vshrl.u32 v2, $0x3;
	s8 =	sadd.s32 $0x400, s2;
	[dreg:$0x17] =	wrdreg s11;
	s11 =	sadd.s32 $0x700, s2  }
0x29: {  	v0 =	vand.u32 $0x7, v2;
	v2 =	vor.u32 $0x8, v2;
	v1 =	vmul.u32 $0x8, v1;
	[smem:$0x7F9] =	sst s29;
	s21 =	sadd.s32 $0xAD5200, s21;
	s22 =	sadd.s32 $0xD5200, s22  }
.LBB2_1:
0x2a: {  	s29 =	simm.s32 $0x0;
	s30 =	smov.u32 s22;
	s31 =	smov.u32 s21  }
.LBB2_2:
0x2b: {  	s0 =	rddreg [dreg:$0x4];
	s1 =	sand.u32 $0x1C00, s29  }
0x2c: {  	s0 =	sadd.s32 s0, s1;
	s1 =	sand.u32 $0x380, s29  }
0x2d: {  	s0 =	sor.u32 s1, s0  }
0x2e: {  	s20 =	rddreg [dreg:$0x3];
	s0 =	sshrl.u32 s0, $0x3  }
0x2f: {  	s0 =	sadd.s32 s20, s0  }
0x30: {  	[tilespmem:s3], [sflag:$0x2] =	stream.linear.gather [hbm4b:s0+s3], $0x80, $0x38;
	[tilespmem:$0x11080] =	vst v63  }
0x31: {  	_ =	swait.ge [sflag:s23], $0x80  }
0x32: {  	[sflag:s23] =	ssyncset.done $0x0  }
0x33: {  	[sflag:s23] =	ssyncadd.s32 $0xFFFFFF80  }
0x34: {  	v3 =	vld [tilespmem:$0x0];
	_ =	sdelay $0x4  }
0x35: {  	v4 =	vshll.u32 v3, $0x5  }
0x36: {  	v3 =	vand.u32 $0x7, v3;
	v4 =	vand.u32 $0xFFFFFF00, v4  }
0x37: {  	v3 =	vor.u32 v3, v4  }
0x38: {  	v4 =	vperm.xlane v3, v0;
	_ =	sdelay $0x1  }
0x39: {  	v4 =	vadd.s32 v1, v4;
	_ =	sdelay $0x3  }
0x3a: {  	s20 =	rddreg [dreg:$0x5]  }
0x3b: {  	[tilespmem:s24], [sflag:$0x1] =	stream.indirect_vreg.gather [hbm4b:s2+s3], $0x80, v4, vm0, $0xb8;
	[tilespmem:$0x11080] =	vst v63  }
0x3c: {  	s1 =	rddreg [dreg:$0x6]  }
0x3d: {  	[tilespmem:s20], [sflag:$0x1] =	stream.indirect_vreg.gather [hbm4b:s5+s3], $0x80, v4, vm0, $0xb8;
	[tilespmem:$0x11080] =	vst v63  }
0x3e: {  	s20 =	rddreg [dreg:$0x7]  }
0x3f: {  	[tilespmem:s1], [sflag:$0x1] =	stream.indirect_vreg.gather [hbm4b:s6+s3], $0x80, v4, vm0, $0xb8;
	[tilespmem:$0x11080] =	vst v63  }
0x40: {  	s1 =	rddreg [dreg:$0x8]  }
0x41: {  	[tilespmem:s20], [sflag:$0x1] =	stream.indirect_vreg.gather [hbm4b:s7+s3], $0x80, v4, vm0, $0xb8;
	[tilespmem:$0x11080] =	vst v63  }
0x42: {  	s20 =	rddreg [dreg:$0x9]  }
0x43: {  	[tilespmem:s1], [sflag:$0x1] =	stream.indirect_vreg.gather [hbm4b:s8+s3], $0x80, v4, vm0, $0xb8;
	[tilespmem:$0x11080] =	vst v63  }
0x44: {  	s1 =	rddreg [dreg:$0xa]  }
0x45: {  	[tilespmem:s20], [sflag:$0x1] =	stream.indirect_vreg.gather [hbm4b:s9+s3], $0x80, v4, vm0, $0xb8;
	[tilespmem:$0x11080] =	vst v63  }
0x46: {  	s20 =	rddreg [dreg:$0xb]  }
0x47: {  	[tilespmem:s1], [sflag:$0x1] =	stream.indirect_vreg.gather [hbm4b:s10+s3], $0x80, v4, vm0, $0xb8;
	[tilespmem:$0x11080] =	vst v63  }
0x48: {  	s1 =	rddreg [dreg:$0xc]  }
0x49: {  	[tilespmem:s20], [sflag:$0x1] =	stream.indirect_vreg.gather [hbm4b:s11+s3], $0x80, v4, vm0, $0xb8;
	[tilespmem:$0x11080] =	vst v63  }
0x4a: {  	s20 =	rddreg [dreg:$0xd]  }
0x4b: {  	[tilespmem:s1], [sflag:$0x1] =	stream.indirect_vreg.gather [hbm4b:s12+s3], $0x80, v4, vm0, $0xb8;
	[tilespmem:$0x11080] =	vst v63  }
0x4c: {  	s1 =	rddreg [dreg:$0xe]  }
0x4d: {  	[tilespmem:s20], [sflag:$0x1] =	stream.indirect_vreg.gather [hbm4b:s13+s3], $0x80, v4, vm0, $0xb8;
	[tilespmem:$0x11080] =	vst v63  }
0x4e: {  	s20 =	rddreg [dreg:$0xf]  }
0x4f: {  	[tilespmem:s1], [sflag:$0x1] =	stream.indirect_vreg.gather [hbm4b:s14+s3], $0x80, v4, vm0, $0xb8;
	[tilespmem:$0x11080] =	vst v63  }
0x50: {  	s1 =	rddreg [dreg:$0x10]  }
0x51: {  	[tilespmem:s20], [sflag:$0x1] =	stream.indirect_vreg.gather [hbm4b:s15+s3], $0x80, v4, vm0, $0xb8;
	[tilespmem:$0x11080] =	vst v63  }
0x52: {  	s20 =	rddreg [dreg:$0x11]  }
0x53: {  	[tilespmem:s1], [sflag:$0x1] =	stream.indirect_vreg.gather [hbm4b:s16+s3], $0x80, v4, vm0, $0xb8;
	[tilespmem:$0x11080] =	vst v63  }
0x54: {  	v3 =	vperm.xlane v3, v2;
	s1 =	rddreg [dreg:$0x12]  }
0x55: {  	[tilespmem:s20], [sflag:$0x1] =	stream.indirect_vreg.gather [hbm4b:s17+s3], $0x80, v4, vm0, $0xb8;
	[tilespmem:$0x11080] =	vst v63  }
0x56: {  	v3 =	vadd.s32 v1, v3;
	s20 =	rddreg [dreg:$0x13]  }
0x57: {  	[tilespmem:s1], [sflag:$0x1] =	stream.indirect_vreg.gather [hbm4b:s18+s3], $0x80, v4, vm0, $0xb8;
	[tilespmem:$0x11080] =	vst v63  }
0x58: {  	s1 =	rddreg [dreg:$0x14]  }
0x59: {  	[tilespmem:s20], [sflag:$0x1] =	stream.indirect_vreg.gather [hbm4b:s19+s3], $0x80, v4, vm0, $0xb8;
	[tilespmem:$0x11080] =	vst v63  }
0x5a: {  	s20 =	rddreg [dreg:$0x15]  }
0x5b: {  	[tilespmem:s1], [sflag:$0x1] =	stream.indirect_vreg.gather [hbm4b:s2+s3], $0x80, v3, vm0, $0xb8;
	[tilespmem:$0x11080] =	vst v63  }
0x5c: {  	s1 =	rddreg [dreg:$0x16]  }
0x5d: {  	[tilespmem:s20], [sflag:$0x1] =	stream.indirect_vreg.gather [hbm4b:s5+s3], $0x80, v3, vm0, $0xb8;
	[tilespmem:$0x11080] =	vst v63  }
0x5e: {  	s20 =	rddreg [dreg:$0x17]  }
0x5f: {  	[tilespmem:s1], [sflag:$0x1] =	stream.indirect_vreg.gather [hbm4b:s6+s3], $0x80, v3, vm0, $0xb8;
	[tilespmem:$0x11080] =	vst v63  }
0x60: {  	s1 =	rddreg [dreg:$0x18]  }
0x61: {  	[tilespmem:s20], [sflag:$0x1] =	stream.indirect_vreg.gather [hbm4b:s7+s3], $0x80, v3, vm0, $0xb8;
	[tilespmem:$0x11080] =	vst v63  }
0x62: {  	s20 =	rddreg [dreg:$0x19]  }
0x63: {  	[tilespmem:s1], [sflag:$0x1] =	stream.indirect_vreg.gather [hbm4b:s8+s3], $0x80, v3, vm0, $0xb8;
	[tilespmem:$0x11080] =	vst v63  }
0x64: {  	s1 =	rddreg [dreg:$0x1a]  }
0x65: {  	[tilespmem:s20], [sflag:$0x1] =	stream.indirect_vreg.gather [hbm4b:s9+s3], $0x80, v3, vm0, $0xb8;
	[tilespmem:$0x11080] =	vst v63  }
0x66: {  	s20 =	rddreg [dreg:$0x1b]  }
0x67: {  	[tilespmem:s1], [sflag:$0x1] =	stream.indirect_vreg.gather [hbm4b:s10+s3], $0x80, v3, vm0, $0xb8;
	[tilespmem:$0x11080] =	vst v63  }
0x68: {  	s1 =	rddreg [dreg:$0x1c]  }
0x69: {  	[tilespmem:s20], [sflag:$0x1] =	stream.indirect_vreg.gather [hbm4b:s11+s3], $0x80, v3, vm0, $0xb8;
	[tilespmem:$0x11080] =	vst v63  }
0x6a: {  	s20 =	rddreg [dreg:$0x1d]  }
0x6b: {  	[tilespmem:s1], [sflag:$0x1] =	stream.indirect_vreg.gather [hbm4b:s12+s3], $0x80, v3, vm0, $0xb8;
	[tilespmem:$0x11080] =	vst v63  }
0x6c: {  	s1 =	rddreg [dreg:$0x1e]  }
0x6d: {  	[tilespmem:s20], [sflag:$0x1] =	stream.indirect_vreg.gather [hbm4b:s13+s3], $0x80, v3, vm0, $0xb8;
	[tilespmem:$0x11080] =	vst v63  }
0x6e: {  	s20 =	rddreg [dreg:$0x1f]  }
0x6f: {  	[tilespmem:s1], [sflag:$0x1] =	stream.indirect_vreg.gather [hbm4b:s14+s3], $0x80, v3, vm0, $0xb8;
	[tilespmem:$0x11080] =	vst v63  }
0x70: {  	s1 =	sld [smem:$0x7F8]  }
0x71: {  	[tilespmem:s20], [sflag:$0x1] =	stream.indirect_vreg.gather [hbm4b:s15+s3], $0x80, v3, vm0, $0xb8;
	[tilespmem:$0x11080] =	vst v63  }
0x72: {  	s20 =	sld [smem:$0x7FA]  }
0x73: {  	[tilespmem:s1], [sflag:$0x1] =	stream.indirect_vreg.gather [hbm4b:s16+s3], $0x80, v3, vm0, $0xb8;
	[tilespmem:$0x11080] =	vst v63  }
0x74: {  	s1 =	sld [smem:$0x7FB]  }
0x75: {  	[tilespmem:s20], [sflag:$0x1] =	stream.indirect_vreg.gather [hbm4b:s17+s3], $0x80, v3, vm0, $0xb8;
	[tilespmem:$0x11080] =	vst v63  }
0x76: {  	s20 =	sld [smem:$0x7FC]  }
0x77: {  	[tilespmem:s1], [sflag:$0x1] =	stream.indirect_vreg.gather [hbm4b:s18+s3], $0x80, v3, vm0, $0xb8;
	[tilespmem:$0x11080] =	vst v63  }
0x78: {  	_ = 	snop  }
0x79: {  	[tilespmem:s20], [sflag:$0x1] =	stream.indirect_vreg.gather [hbm4b:s19+s3], $0x80, v3, vm0, $0xb8;
	[tilespmem:$0x11080] =	vst v63  }
0x7a: {  	_ =	swait.ge [sflag:s25], $0x10000  }
0x7b: {  	[sflag:s25] =	ssyncset.done $0x0  }
0x7c: {  	[sflag:s25] =	ssyncadd.s32 $0xFFFF0000  }
0x7d: {  	[hbm4b:s30+s3] =	stream.linear.scatter [tilespmem:s24], [sflag:$0x2], $0x10000, $0x38;
	[tilespmem:$0x11080] =	vst v63  }
0x7e: {  	_ =	swait.ge [sflag:s23], $0x10000  }
0x7f: {  	[sflag:s23] =	ssyncset.done $0x0  }
0x80: {  	[sflag:s23] =	ssyncadd.s32 $0xFFFF0000  }
0x81: {  	v3 =	vld [tilespmem:$0x0];
	_ =	sdelay $0x4  }
0x82: {  	v63 =	vshll.u32 v3, $0x1  }
0x83: {  	v3 =	vand.u32 $0x7, v3;
	v4 =	vand.u32 $0xFFFFFFF0, v63  }
0x84: {  	v3 =	vor.u32 v3, v4  }
0x85: {  	v4 =	vperm.xlane v3, v0;
	_ =	sdelay $0x1  }
0x86: {  	v3 =	vperm.xlane v3, v2;
	v4 =	vadd.s32 v1, v4;
	_ =	sdelay $0x1  }
0x87: {  	v3 =	vadd.s32 v1, v3;
	_ =	sdelay $0x1  }
0x88: {  	s20 =	sld [smem:$0x7FD]  }
0x89: {  	[tilespmem:s26], [sflag:$0x1] =	stream.indirect_vreg.gather [hbm4b:s4+s3], $0x80, v4, vm0, $0xb8;
	[tilespmem:$0x11080] =	vst v63  }
0x8a: {  	_ = 	snop  }
0x8b: {  	[tilespmem:s20], [sflag:$0x1] =	stream.indirect_vreg.gather [hbm4b:s4+s3], $0x80, v3, vm0, $0xb8;
	[tilespmem:$0x11080] =	vst v63  }
0x8c: {  	_ =	swait.ge [sflag:s25], $0x1000  }
0x8d: {  	p0 =	sne.s32 s29, $0x1380;
	[sflag:s25] =	ssyncset.done $0x0  }
.Ltmp0:
0x8e: {  	[sflag:s25] =	ssyncadd.s32 $0xFFFFF000;
	(pc) =	sbr.rel @p0 .LBB2_2-.Ltmp0, $4  }
0x8f: {  	[hbm4b:s31+s3] =	stream.linear.scatter [tilespmem:s26], [sflag:$0x2], $0x1000, $0x38;
	[tilespmem:$0x11080] =	vst v63  }
0x90: {  	_ =	swait.ge [sflag:s23], $0x1000  }
0x91: {  	s29 =	sadd.s32 $0x80, s29;
	[sflag:s23] =	ssyncset.done $0x0  }
0x92: {  	s30 =	sadd.s32 $0x2000, s30;
	s31 =	sadd.s32 $0x200, s31;
	[sflag:s23] =	ssyncadd.s32 $0xFFFFF000  }
0x93: {  	s0 =	sld [smem:$0x7F9];
	_ =	sdelay $0x1  }
0x94: {  	s28 =	sadd.s32 $0x1, s28  }
0x95: {  	p0 =	sne.s32 s28, s0  }
.Ltmp1:
0x96: {  	_ = 	snop;
	(pc) =	sbr.rel @p0 .LBB2_1-.Ltmp1, $1  }
0x97: {  	_ =	sdelay $0x3  }
0x98: {  	_ =	sfence.sel $0x180000  }
0x99: {  	[bflag:$0x0] =	sbarrier.arrive $0xFFFF  }
0x9a: {  	_ =	strace $0x9000004A  }
0x9b: {  	s0 =	stileid.u32;
	[bflag:$0x2] =	sbarrier.arrive $0xFFFF  }
0x9c: {  	p0 =	sne.s32 s0, $0x0;
	s0 =	rddreg [dreg:$0x2]  }
0x9d: {  	s0 =	sadd.s32 @!p0 $0x100000, s0  }
0x9e: {  	[sflag:s0] =	ssyncadd.tile.s32 @!p0 $0x1;
	_ =	shalt  }
.Lfunc_end2:
_tile_overlayer_lowered:
.L_overlay_start_2:
0x9f: {  	(tag) =	ssettag $0x2  }
0xa0: {  	s0 =	rddreg [dreg:$0x0];
	s2 =	stileid.u32  }
0xa1: {  	s1 =	rddreg [dreg:$0x1];
	p0 =	sne.s32 s2, $0x0  }
0xa2: {  	s3 =	rddreg [dreg:$0x2];
	[bflag:$0x3] =	sbarrier.arrive $0xFFFF;
	s2 =	simm.s32 @!p0 $0x1C02  }
0xa3: {  	[timem:s3], [sflag:s2] =	dma.local @!p0 [hbm:s0], s1  }
0xa4: {  	s0 =	simm.s32 @!p0 $0x2  }
0xa5: {  	_ =	swait.ge @!p0 [sflag:s0], s1  }
0xa6: {  	s1 =	ssub.s32 @!p0 $0x0, s1;
	[sflag:s0] =	ssyncset.done @!p0 $0x0  }
0xa7: {  	[sflag:s0] =	ssyncadd.s32 @!p0 s1  }
0xa8: {  	[bflag:$0x3] =	sbarrier.arrive $0xFFFF  }
0xa9: {  	_ =	shalt  }

// kernel: kernel.13.cloned.1.call-start
scs
__scs_entry_jumppad:
0x0: {  	(pc) =	sbr.rel $0x88, $3  }
0x1: {  	(tag) =	ssettag $0x0;
	lr =	simm.s32 $0x1  }
0x2: {  	[smem:$0x3F82] =	sst lr;
	_ =	strace $0xD0000000  }
0x3: {  	_ = 	snop  }
0x4: {  	_ = 	snop  }
0x5: {  	_ = 	snop  }
0x6: {  	_ = 	snop  }
0x7: {  	_ = 	snop  }
__scs_overlays_trampoline_lowered:
0x8: {  	[smem:$0x3F91] =	sst s0  }
0x9: {  	[smem:$0x3F92] =	sst s1  }
0xa: {  	[smem:$0x3F93] =	sst s2  }
0xb: {  	[smem:$0x3F94] =	sst s3  }
0xc: {  	[smem:$0x3F95] =	sst s4  }
0xd: {  	[smem:$0x3F96] =	sst s5  }
0xe: {  	[smem:$0x3F97] =	sst s6  }
0xf: {  	[smem:$0x3F98] =	sst s7  }
0x10: {  	[smem:$0x3F99] =	sst s8  }
0x11: {  	[smem:$0x3F9A] =	sst s9;
	s0 =	simm.s32 @!p0 $0x0  }
0x12: {  	s1 =	sld [smem:$0x3F80];
	s0 =	simm.s32 @p0 $0x1  }
0x13: {  	[smem:$0x3F9B] =	sst s0;
	s0 =	simm.s32 @!p1 $0x0  }
0x14: {  	s2 =	sld [smem:$0x3F7F];
	s0 =	simm.s32 @p1 $0x1  }
0x15: {  	[smem:$0x3F9C] =	sst s0;
	s0 =	simm.s32 @!p2 $0x0  }
0x16: {  	s3 =	sld [smem:$0x3FDB];
	s0 =	simm.s32 @p2 $0x1  }
0x17: {  	s4 =	simm.s32 $0x1BF5;
	[smem:$0x3F9E] =	sst s0  }
0x18: {  	s0 =	sld [smem:$0x3F81];
	_ =	swait.ge [sflag:s4], $0x0  }
0x19: {  	s7 =	sld [smem:$0x3F82]  }
0x1a: {  	s8 =	sadd.s32 $0xFFFFE003, lr  }
0x1b: {  	s9 =	sadd.s32 $0xFFFFFEF7, lr;
	s5 =	simm.s32 $0xFFFFFFFF;
	p2 =	slt.u32 s8, $0xFFFFF086  }
0x1c: {  	p1 =	slt.u32 s9, $0xF7A;
	s5 =	simm.s32 @!p2 $0x0  }
0x1d: {  	s5 =	simm.s32 @p1 $0x1;
	p0 =	seq.s32 s7, s2  }
0x1e: {  	s7 =	smul.u32 @!p0 $0xF7A, s2;
	p2 =	seq.s32 @!p0 s5, $0x0  }
0x1f: {  	s9 =	smul.u32 $0xF7A, s1;
	s8 =	simm.s32 @!p0 $0x1BF5;
	p2 =	por !p2, p0  }
0x20: {  	[sflag:s8] =	ssyncset.s32 @!p0 $0xFFFFF086;
	s6 =	sadd.s32 @!p0 s3, s7;
	s7 =	simm.s32 @!p0 $0x108  }
0x21: {  	s3 =	sadd.s32 s3, s9;
	s6 =	sadd.s32 @!p0 $0x88, s6;
	s7 =	simm.s32 @p2 $0x1082  }
0x22: {  	[simem:s7], [sflag:s8] =	dma.local @!p0 [hbm:s6], $0xF7A  }
0x23: {  	s9 =	sor.u32 $0xD0000000, s2;
	s6 =	simm.s32 $0x108;
	_ =	swait.ge @!p0 [sflag:s8], $0x0  }
0x24: {  	s3 =	sadd.s32 $0x88, s3;
	s6 =	simm.s32 @!p1 $0x1082;
	[sflag:s4] =	ssyncset.s32 $0xFFFFF086  }
0x25: {  	[simem:s6], [sflag:s4] =	dma.local [hbm:s3], $0xF7A  }
0x26: {  	[smem:$0x3F82] =	sst s1;
	(tag) =	ssettag s2;
	_ =	strace s9  }
0x27: {  	s1 =	sld [smem:$0x3F92]  }
0x28: {  	s2 =	sld [smem:$0x3F93]  }
0x29: {  	s4 =	sld [smem:$0x3F95]  }
0x2a: {  	p0 =	seq.s32 s5, $0x0;
	s5 =	sld [smem:$0x3F96]  }
0x2b: {  	s6 =	sld [smem:$0x3F97]  }
0x2c: {  	s7 =	sld [smem:$0x3F98]  }
0x2d: {  	s3 =	simm.s32 $0x108;
	s8 =	sld [smem:$0x3F99]  }
0x2e: {  	s3 =	simm.s32 @!p0 $0x1082;
	s9 =	sld [smem:$0x3F9A]  }
0x2f: {  	lr =	sadd.s32 s0, s3;
	s0 =	sld [smem:$0x3F91]  }
0x30: {  	s3 =	sld [smem:$0x3F94]  }
0x31: {  	[smem:$0x3F9D] =	sst s10  }
0x32: {  	s10 =	sld [smem:$0x3F9B];
	_ =	sdelay $0x3  }
0x33: {  	p0 =	seq.s32 s10, $0x1;
	s10 =	sld [smem:$0x3F9D];
	_ =	sdelay $0x3  }
0x34: {  	[smem:$0x3F9D] =	sst s10  }
0x35: {  	s10 =	sld [smem:$0x3F9C];
	_ =	sdelay $0x3  }
0x36: {  	p1 =	seq.s32 s10, $0x1;
	s10 =	sld [smem:$0x3F9D];
	_ =	sdelay $0x3  }
0x37: {  	[smem:$0x3F9D] =	sst s10  }
0x38: {  	s10 =	sld [smem:$0x3F9E]  }
0x39: {  	_ = 	snop;
	(pc) =	sbr.ind lr, $3  }
0x3a: {  	_ = 	snop  }
0x3b: {  	_ = 	snop  }
0x3c: {  	p2 =	seq.s32 s10, $0x1;
	s10 =	sld [smem:$0x3F9D]  }
0x3d: {  	_ =	shalt  }
0x3e: {  	_ =	shalt  }
0x3f: {  	_ =	shalt  }
0x40: {  	_ =	shalt  }
0x41: {  	_ =	shalt  }
0x42: {  	_ =	shalt  }
0x43: {  	_ =	shalt  }
0x44: {  	_ =	shalt  }
0x45: {  	_ =	shalt  }
0x46: {  	_ =	shalt  }
0x47: {  	_ =	shalt  }
0x48: {  	_ =	shalt  }
0x49: {  	_ =	shalt  }
0x4a: {  	_ =	shalt  }
0x4b: {  	_ =	shalt  }
0x4c: {  	_ =	shalt  }
0x4d: {  	_ =	shalt  }
0x4e: {  	_ =	shalt  }
0x4f: {  	_ =	shalt  }
0x50: {  	_ =	shalt  }
0x51: {  	_ =	shalt  }
0x52: {  	_ =	shalt  }
0x53: {  	_ =	shalt  }
0x54: {  	_ =	shalt  }
0x55: {  	_ =	shalt  }
0x56: {  	_ =	shalt  }
0x57: {  	_ =	shalt  }
0x58: {  	_ =	shalt  }
0x59: {  	_ =	shalt  }
0x5a: {  	_ =	shalt  }
0x5b: {  	_ =	shalt  }
0x5c: {  	_ =	shalt  }
0x5d: {  	_ =	shalt  }
0x5e: {  	_ =	shalt  }
0x5f: {  	_ =	shalt  }
0x60: {  	_ =	shalt  }
0x61: {  	_ =	shalt  }
0x62: {  	_ =	shalt  }
0x63: {  	_ =	shalt  }
0x64: {  	_ =	shalt  }
0x65: {  	_ =	shalt  }
0x66: {  	_ =	shalt  }
0x67: {  	_ =	shalt  }
0x68: {  	_ =	shalt  }
0x69: {  	_ =	shalt  }
0x6a: {  	_ =	shalt  }
0x6b: {  	_ =	shalt  }
0x6c: {  	_ =	shalt  }
0x6d: {  	_ =	shalt  }
0x6e: {  	_ =	shalt  }
0x6f: {  	_ =	shalt  }
0x70: {  	_ =	shalt  }
0x71: {  	_ =	shalt  }
0x72: {  	_ =	shalt  }
0x73: {  	_ =	shalt  }
0x74: {  	_ =	shalt  }
0x75: {  	_ =	shalt  }
0x76: {  	_ =	shalt  }
0x77: {  	_ =	shalt  }
0x78: {  	_ =	shalt  }
0x79: {  	_ =	shalt  }
0x7a: {  	_ =	shalt  }
0x7b: {  	_ =	shalt  }
0x7c: {  	_ =	shalt  }
0x7d: {  	_ =	shalt  }
0x7e: {  	_ =	shalt  }
0x7f: {  	_ =	shalt  }
0x80: {  	_ =	shalt  }
0x81: {  	_ =	shalt  }
0x82: {  	_ =	shalt  }
0x83: {  	_ =	shalt  }
0x84: {  	_ =	shalt  }
0x85: {  	_ =	shalt  }
0x86: {  	_ =	shalt  }
0x87: {  	_ =	shalt  }
.Lfunc_end0:
.L_simem_size_0:
called_computation.2_lowered:
.L_overlay_start_0:
0x88: {  	s0 =	sld [smem:$0x3FD9]  }
0x89: {  	s1 =	sld [smem:$0x3FFE];
	_ =	sdelay $0x3  }
0x8a: {  	s0 =	sadd.s32 s1, s0  }
0x8b: {  	[smem:$0x3FA9] =	sst s0  }
0x8c: {  	_ = 	snop  }
0x8d: {  	s0 =	sld [smem:$0x3FD0];
	(tm) =	ssettm $0x1  }
0x8e: {  	s16 =	sld [smem:$0x3FFB];
	_ =	sdelay $0x3  }
0x8f: {  	_ =	strace s16  }
0x90: {  	s1 =	sld [smem:$0x3FFC];
	_ =	sdelay $0x3  }
0x91: {  	_ =	strace s1  }
0x92: {  	s1 =	sld [smem:$0x3FFD];
	_ =	sdelay $0x3  }
0x93: {  	_ =	strace s1  }
0x94: {  	_ =	strace $0x8FFFFFFF  }
0x95: {  	s17 =	sld [smem:$0x3FDB];
	_ =	sdelay $0x1  }
0x96: {  	s2 =	simm.s32 $_scs_section_size  }
0x97: {  	s3 =	simm.s32 $_size__tile_overlayer_lowered;
	s4 =	simm.s32 $_tile_overlayer_lowered  }
0x98: {  	s20 =	simm.s32 $0x1BFF;
	s19 =	sshll.u32 s4, $0x1;
	s1 =	sadd.s32 s2, s17  }
0x99: {  	s5 =	simm.s32 $0x0;
	s18 =	sshll.u32 s3, $0x1;
	s3 =	sadd.s32 s19, s1  }
0x9a: {  	[timem:s5], [sflag:s20] =	dma.local [hbm:s3], s18  }
0x9b: {  	_ =	swait.ge [sflag:s20], s18  }
0x9c: {  	s2 =	ssub.s32 $0x0, s18;
	[sflag:s20] =	ssyncset.done $0x0  }
0x9d: {  	[sflag:s20] =	ssyncadd.s32 s2;
	_ =	sdelay $0x1  }
0x9e: {  	s21 =	simm.s32 $0x1B8B  }
0x9f: {  	_ =	swait.ge [sflag:s21], $0x1  }
0xa0: {  	[sflag:s21] =	ssyncset.done $0x0  }
0xa1: {  	s23 =	simm.s32 $0x1B8E;
	s22 =	sld [smem:$0x3FFE];
	[sflag:s21] =	ssyncadd.s32 $0xFFFFFFFF  }
0xa2: {  	s24 =	simm.s32 $execute0_lowered;
	[smem:$0x3FD2] =	sst s23  }
0xa3: {  	s3 =	sshll.u32 s24, $0x1;
	_ =	strace $0x8000004C;
	[dreg:$0x1] =	wrdreg $0xFFFFFFFF  }
0xa4: {  	s25 =	simm.s32 $_size_execute0_lowered;
	s1 =	sadd.s32 s1, s3;
	[dreg:$0x0] =	wrdreg $0x0  }
0xa5: {  	s3 =	sshll.u32 s25, $0x1;
	[dreg:$0x2] =	wrdreg s1  }
0xa6: {  	[dreg:$0x3] =	wrdreg s3  }
0xa7: {  	[dreg:$0x4] =	wrdreg $0xC0  }
0xa8: {  	_ =	task [dreg:s5], $0x5FFFF  }
0xa9: {  	[dreg:$0x1] =	wrdreg $0xFFFFFFFF  }
0xaa: {  	[dreg:$0x0] =	wrdreg $0x60  }
0xab: {  	[dreg:$0x2] =	wrdreg s0  }
0xac: {  	[dreg:$0x3] =	wrdreg s22  }
0xad: {  	[dreg:$0x4] =	wrdreg $0x9  }
0xae: {  	_ =	task.clear_ibuf [dreg:s5], $0x5FFFF;
	_ =	strace $0x9000004C  }
0xaf: {  	s26 =	simm.s32 $0x9;
	_ =	strace $0x8000004E  }
0xb0: {  	_ =	swait.ge [sflag:s26], $0x1  }
0xb1: {  	[sflag:s26] =	ssyncadd.s32 $0xFFFFFFFF  }
0xb2: {  	_ =	strace $0x9000004E  }
0xb3: {  	_ =	sfence  }
0xb4: {  	s28 =	sld [smem:$0x0];
	_ =	sdelay $0x1  }
0xb5: {  	s29 =	srdreg.scid  }
0xb6: {  	s30 =	sshll.u32 s29, $0xD;
	s31 =	sshrl.u32 s29, $0x2  }
0xb7: {  	s2 =	sand.u32 $0x4000, s30;
	s1 =	sand.u32 $0x1, s29;
	s0 =	sadd.s32 s31, s28  }
0xb8: {  	s1 =	sor.u32 s2, s1;
	s0 =	sshll.u32 s0, $0x11  }
0xb9: {  	s0 =	sor.u32 s0, s1  }
0xba: {  	s0 =	sadd.s32 $0x8F2B, s0  }
0xbb: {  	[sflag:s0] =	ssyncadd.remote.s32 $0x1  }
0xbc: {  	_ =	sfence.sel $0xFFFF  }
0xbd: {  	[dreg:$0x0] =	wrdreg $0xFFFFFFFF;
	(pc) =	sbr.abs _section_cstart, $3  }
0xbe: {  	[dreg:$0x1] =	wrdreg $0xFFFFFFFF  }
0xbf: {  	_ =	task.clear_ibuf [dreg:s5], $0x2FFFF;
	_ =	strace $0x9FFFFFFF  }
0xc0: {  	(tm) =	ssettm $0x7FFFFFFF  }
0xc1: {  	_ =	shalt  }
tec
execute0_lowered:
.L_overlay_start_1:
0x0: {  	(tag) =	ssettag $0x1  }
0x1: {  	s5 =	rddreg [dreg:$0x0]  }
0x2: {  	s1 =	rddreg [dreg:$0x1]  }
0x3: {  	s0 =	rddreg [dreg:$0x2];
	s2 =	simm.s32 $0x0  }
0x4: {  	s7 =	simm.s32 $0x0;
	s8 =	simm.s32 $0x200;
	[smem:$0x7FF] =	sst s2  }
0x5: {  	s6 =	sadd.s32 $0xB75200, s1;
	s4 =	sadd.s32 $0x6E00, s1;
	s3 =	sadd.s32 $0xC7A00, s1  }
0x6: {  	v0 =	vimm.f32 $0.0e+00;
	s2 =	sadd.s32 $0x2C7A00, s1;
	s1 =	stileid.u32;
	_ =	strace $0x8000004D  }
.LBB2_1:
0x7: {  	p0 =	sne.s32 s8, $0x7E00;
	[tilespmem:s7+$0x70] =	vst v0  }
0x8: {  	[tilespmem:s7+$0x0] =	vst v0  }
0x9: {  	[tilespmem:s7+$0x10] =	vst v0  }
.Ltmp0:
0xa: {  	[tilespmem:s7+$0x20] =	vst v0;
	(pc) =	sbr.rel @p0 .LBB2_1-.Ltmp0, $4  }
0xb: {  	[tilespmem:s7+$0x30] =	vst v0  }
0xc: {  	[tilespmem:s7+$0x40] =	vst v0  }
0xd: {  	[tilespmem:s7+$0x50] =	vst v0  }
0xe: {  	[tilespmem:s7+$0x60] =	vst v0;
	s7 =	sshra.s32 s8, $0x2;
	s8 =	sadd.s32 $0x200, s8  }
0xf: {  	[tilespmem:s7+$0x70] =	vst v0  }
0x10: {  	[tilespmem:s7+$0x0] =	vst v0  }
0x11: {  	[tilespmem:s7+$0x10] =	vst v0  }
0x12: {  	[tilespmem:s7+$0x20] =	vst v0  }
0x13: {  	[tilespmem:s7+$0x30] =	vst v0  }
0x14: {  	[tilespmem:s7+$0x40] =	vst v0;
	s10 =	sshll.u32 s1, $0x11  }
0x15: {  	[tilespmem:s7+$0x50] =	vst v0;
	s9 =	sadd.s32 s10, s3  }
0x16: {  	[tilespmem:s7+$0x60] =	vst v0;
	s8 =	simm.s32 $0x0;
	s7 =	simm.s32 $0x1;
	s11 =	sadd.s32 $0x0, s9  }
0x17: {  	[hbm4b:s11+s8] =	stream.linear.scatter [tilespmem:s8], [sflag:$0x1], $0x2000, $0x38;
	[tilespmem:$0x6800] =	vst v63  }
0x18: {  	_ =	swait.ge [sflag:s7], $0x2000  }
0x19: {  	s10 =	sadd.s32 s10, s2;
	[sflag:s7] =	ssyncset.done $0x0  }
0x1a: {  	s31 =	sadd.s32 $0x0, s10;
	[sflag:s7] =	ssyncadd.s32 $0xFFFFE000  }
0x1b: {  	[hbm4b:s31+s8] =	stream.linear.scatter [tilespmem:s8], [sflag:$0x1], $0x2000, $0x38;
	[tilespmem:$0x6800] =	vst v63  }
0x1c: {  	_ =	swait.ge [sflag:s7], $0x2000  }
0x1d: {  	s12 =	simm.s32 $0x800;
	s11 =	simm.s32 $0x400;
	[sflag:s7] =	ssyncset.done $0x0  }
.LBB2_3:
0x1e: {  	s13 =	sadd.s32 s11, s9  }
0x1f: {  	[sflag:s7] =	ssyncadd.s32 $0xFFFFE000;
	s14 =	smov.u32 s12;
	s15 =	sadd.s32 $0x400, s12  }
0x20: {  	[hbm4b:s13+s8] =	stream.linear.scatter [tilespmem:s8], [sflag:$0x1], $0x2000, $0x38;
	[tilespmem:$0x6800] =	vst v63  }
0x21: {  	p0 =	sne.s32 s12, $0x1FC00;
	_ =	swait.ge [sflag:s7], $0x2000  }
.Ltmp1:
0x22: {  	[sflag:s7] =	ssyncset.done $0x0;
	(pc) =	sbr.rel @p0 .LBB2_3-.Ltmp1, $4  }
0x23: {  	s12 =	sadd.s32 s11, s10;
	s11 =	smov.u32 s14;
	[sflag:s7] =	ssyncadd.s32 $0xFFFFE000  }
0x24: {  	[hbm4b:s12+s8] =	stream.linear.scatter [tilespmem:s8], [sflag:$0x1], $0x2000, $0x38;
	[tilespmem:$0x6800] =	vst v63  }
0x25: {  	_ =	swait.ge [sflag:s7], $0x2000  }
0x26: {  	s12 =	smov.u32 s15;
	[sflag:s7] =	ssyncset.done $0x0  }
0x27: {  	s9 =	sadd.s32 s11, s9;
	[sflag:s7] =	ssyncadd.s32 $0xFFFFE000  }
0x28: {  	[hbm4b:s9+s8] =	stream.linear.scatter [tilespmem:s8], [sflag:$0x1], $0x2000, $0x38;
	[tilespmem:$0x6800] =	vst v63  }
0x29: {  	_ =	swait.ge [sflag:s7], $0x2000  }
0x2a: {  	[sflag:s7] =	ssyncset.done $0x0  }
0x2b: {  	s26 =	sadd.s32 s11, s10;
	[sflag:s7] =	ssyncadd.s32 $0xFFFFE000  }
0x2c: {  	[hbm4b:s26+s8] =	stream.linear.scatter [tilespmem:s8], [sflag:$0x1], $0x2000, $0x38;
	[tilespmem:$0x6800] =	vst v63  }
0x2d: {  	_ =	swait.ge [sflag:s7], $0x2000  }
0x2e: {  	[sflag:s7] =	ssyncset.done $0x0  }
0x2f: {  	s28 =	sshll.u32 s1, $0x8;
	s29 =	simm.s32 $0x2000;
	[sflag:s7] =	ssyncadd.s32 $0xFFFFE000  }
0x30: {  	s6 =	sadd.s32 s6, s28;
	s7 =	simm.s32 $0x0;
	[bflag:$0x0] =	sbarrier.arrive $0xFFFF  }
0x31: {  	[tilespmem:s29], [sflag:$0x1] =	stream.linear.gather [hbm4b:s6+s7], $0x500, $0x38;
	[tilespmem:$0x6800] =	vst v63  }
0x32: {  	s30 =	smul.u32 $0x5000, s1;
	s6 =	simm.s32 $0x1  }
0x33: {  	_ =	swait.ge [sflag:s6], $0x500  }
0x34: {  	s9 =	sadd.s32 s30, s5;
	[sflag:s6] =	ssyncset.done $0x0  }
0x35: {  	s5 =	simm.s32 $0x2800;
	s31 =	sadd.s32 $0x0, s9;
	[sflag:s6] =	ssyncadd.s32 $0xFFFFFB00  }
0x36: {  	[tilespmem:s5], [sflag:$0x1] =	stream.linear.gather [hbm4b:s31+s7], $0x4000, $0x38;
	[tilespmem:$0x6800] =	vst v63  }
0x37: {  	_ =	swait.ge [sflag:s6], $0x4000  }
0x38: {  	[sflag:s6] =	ssyncset.done $0x0  }
0x39: {  	s8 =	simm.s32 $0x80;
	[sflag:s6] =	ssyncadd.s32 $0xFFFFC000  }
0x3a: {  	[hbm4b:s3+s8] =	stream.indirect.scatter [tilespmem:s5], [sflag:$0x1], $0x80, s29, s8, $0xb8;
	[tilespmem:$0x6800] =	vst v63  }
0x3b: {  	_ =	swait.ge [sflag:s6], $0x4000  }
0x3c: {  	s4 =	sadd.s32 s30, s4;
	[sflag:s6] =	ssyncset.done $0x0  }
0x3d: {  	s11 =	sadd.s32 $0x0, s4;
	[sflag:s6] =	ssyncadd.s32 $0xFFFFC000  }
0x3e: {  	[tilespmem:s5], [sflag:$0x1] =	stream.linear.gather [hbm4b:s11+s7], $0x4000, $0x38;
	[tilespmem:$0x6800] =	vst v63  }
0x3f: {  	_ =	swait.ge [sflag:s6], $0x4000  }
0x40: {  	[sflag:s6] =	ssyncset.done $0x0  }
0x41: {  	[sflag:s6] =	ssyncadd.s32 $0xFFFFC000  }
0x42: {  	[hbm4b:s2+s8] =	stream.indirect.scatter [tilespmem:s5], [sflag:$0x1], $0x80, s29, s8, $0xb8;
	[tilespmem:$0x6800] =	vst v63  }
0x43: {  	s12 =	simm.s32 $0x1000;
	_ =	swait.ge [sflag:s6], $0x4000  }
0x44: {  	s10 =	simm.s32 $0x2080;
	s11 =	simm.s32 $0x800;
	[sflag:s6] =	ssyncset.done $0x0  }
.LBB2_5:
0x45: {  	s13 =	sadd.s32 s11, s9  }
0x46: {  	[sflag:s6] =	ssyncadd.s32 $0xFFFFC000;
	s14 =	smov.u32 s12;
	s15 =	sadd.s32 $0x800, s12  }
0x47: {  	[tilespmem:s5], [sflag:$0x1] =	stream.linear.gather [hbm4b:s13+s7], $0x4000, $0x38;
	[tilespmem:$0x6800] =	vst v63  }
0x48: {  	p0 =	sne.s32 s12, $0x4800;
	_ =	swait.ge [sflag:s6], $0x4000  }
0x49: {  	[sflag:s6] =	ssyncset.done $0x0  }
0x4a: {  	[sflag:s6] =	ssyncadd.s32 $0xFFFFC000  }
0x4b: {  	[hbm4b:s3+s8] =	stream.indirect.scatter [tilespmem:s5], [sflag:$0x1], $0x80, s10, s8, $0xb8;
	[tilespmem:$0x6800] =	vst v63  }
0x4c: {  	_ =	swait.ge [sflag:s6], $0x4000  }
0x4d: {  	[sflag:s6] =	ssyncset.done $0x0  }
0x4e: {  	s12 =	sadd.s32 s11, s4;
	s11 =	smov.u32 s14;
	[sflag:s6] =	ssyncadd.s32 $0xFFFFC000  }
0x4f: {  	[tilespmem:s5], [sflag:$0x1] =	stream.linear.gather [hbm4b:s12+s7], $0x4000, $0x38;
	[tilespmem:$0x6800] =	vst v63  }
0x50: {  	_ =	swait.ge [sflag:s6], $0x4000  }
.Ltmp2:
0x51: {  	[sflag:s6] =	ssyncset.done $0x0;
	(pc) =	sbr.rel @p0 .LBB2_5-.Ltmp2, $4  }
0x52: {  	[sflag:s6] =	ssyncadd.s32 $0xFFFFC000  }
0x53: {  	[hbm4b:s2+s8] =	stream.indirect.scatter [tilespmem:s5], [sflag:$0x1], $0x80, s10, s8, $0xb8;
	[tilespmem:$0x6800] =	vst v63  }
0x54: {  	_ =	swait.ge [sflag:s6], $0x4000  }
0x55: {  	s12 =	smov.u32 s15;
	s10 =	sadd.s32 $0x80, s10;
	[sflag:s6] =	ssyncset.done $0x0  }
0x56: {  	s9 =	sadd.s32 s11, s9;
	[sflag:s6] =	ssyncadd.s32 $0xFFFFC000  }
0x57: {  	[tilespmem:s5], [sflag:$0x1] =	stream.linear.gather [hbm4b:s9+s7], $0x4000, $0x38;
	[tilespmem:$0x6800] =	vst v63  }
0x58: {  	_ =	swait.ge [sflag:s6], $0x4000  }
0x59: {  	[sflag:s6] =	ssyncset.done $0x0  }
0x5a: {  	[sflag:s6] =	ssyncadd.s32 $0xFFFFC000  }
0x5b: {  	[hbm4b:s3+s8] =	stream.indirect.scatter [tilespmem:s5], [sflag:$0x1], $0x80, s10, s8, $0xb8;
	[tilespmem:$0x6800] =	vst v63  }
0x5c: {  	_ =	swait.ge [sflag:s6], $0x4000  }
0x5d: {  	[sflag:s6] =	ssyncset.done $0x0  }
0x5e: {  	s31 =	sadd.s32 s11, s4;
	[sflag:s6] =	ssyncadd.s32 $0xFFFFC000  }
0x5f: {  	[tilespmem:s5], [sflag:$0x1] =	stream.linear.gather [hbm4b:s31+s7], $0x4000, $0x38;
	[tilespmem:$0x6800] =	vst v63  }
0x60: {  	_ =	swait.ge [sflag:s6], $0x4000  }
0x61: {  	[sflag:s6] =	ssyncset.done $0x0  }
0x62: {  	[sflag:s6] =	ssyncadd.s32 $0xFFFFC000  }
0x63: {  	[hbm4b:s2+s8] =	stream.indirect.scatter [tilespmem:s5], [sflag:$0x1], $0x80, s10, s8, $0xb8;
	[tilespmem:$0x6800] =	vst v63  }
0x64: {  	_ =	swait.ge [sflag:s6], $0x4000  }
0x65: {  	[sflag:s6] =	ssyncset.done $0x0  }
0x66: {  	[sflag:s6] =	ssyncadd.s32 $0xFFFFC000  }
0x67: {  	_ =	sfence.sel $0x180000  }
0x68: {  	[bflag:$0x0] =	sbarrier.arrive $0xFFFF  }
0x69: {  	p0 =	sne.s32 s1, $0x0;
	_ =	strace $0x9000004D  }
0x6a: {  	s0 =	sadd.s32 @!p0 $0x100000, s0;
	[bflag:$0x2] =	sbarrier.arrive $0xFFFF  }
0x6b: {  	[sflag:s0] =	ssyncadd.tile.s32 @!p0 $0x1;
	_ =	shalt  }
.Lfunc_end2:
_tile_overlayer_lowered:
.L_overlay_start_2:
0x6c: {  	(tag) =	ssettag $0x2  }
0x6d: {  	s0 =	rddreg [dreg:$0x0];
	s2 =	stileid.u32  }
0x6e: {  	s1 =	rddreg [dreg:$0x1];
	p0 =	sne.s32 s2, $0x0  }
0x6f: {  	s3 =	rddreg [dreg:$0x2];
	[bflag:$0x3] =	sbarrier.arrive $0xFFFF;
	s2 =	simm.s32 @!p0 $0x1C01  }
0x70: {  	[timem:s3], [sflag:s2] =	dma.local @!p0 [hbm:s0], s1  }
0x71: {  	s0 =	simm.s32 @!p0 $0x1  }
0x72: {  	_ =	swait.ge @!p0 [sflag:s0], s1  }
0x73: {  	s1 =	ssub.s32 @!p0 $0x0, s1;
	[sflag:s0] =	ssyncset.done @!p0 $0x0  }
0x74: {  	[sflag:s0] =	ssyncadd.s32 @!p0 s1  }
0x75: {  	[bflag:$0x3] =	sbarrier.arrive $0xFFFF  }
0x76: {  	_ =	shalt  }

// kernel: kernel.16.cloned.1.call-start
scs
__scs_entry_jumppad:
0x0: {  	(pc) =	sbr.rel $0x88, $3  }
0x1: {  	(tag) =	ssettag $0x0;
	lr =	simm.s32 $0x1  }
0x2: {  	[smem:$0x3F82] =	sst lr;
	_ =	strace $0xD0000000  }
0x3: {  	_ = 	snop  }
0x4: {  	_ = 	snop  }
0x5: {  	_ = 	snop  }
0x6: {  	_ = 	snop  }
0x7: {  	_ = 	snop  }
__scs_overlays_trampoline_lowered:
0x8: {  	[smem:$0x3F91] =	sst s0  }
0x9: {  	[smem:$0x3F92] =	sst s1  }
0xa: {  	[smem:$0x3F93] =	sst s2  }
0xb: {  	[smem:$0x3F94] =	sst s3  }
0xc: {  	[smem:$0x3F95] =	sst s4  }
0xd: {  	[smem:$0x3F96] =	sst s5  }
0xe: {  	[smem:$0x3F97] =	sst s6  }
0xf: {  	[smem:$0x3F98] =	sst s7  }
0x10: {  	[smem:$0x3F99] =	sst s8  }
0x11: {  	[smem:$0x3F9A] =	sst s9;
	s0 =	simm.s32 @!p0 $0x0  }
0x12: {  	s1 =	sld [smem:$0x3F80];
	s0 =	simm.s32 @p0 $0x1  }
0x13: {  	[smem:$0x3F9B] =	sst s0;
	s0 =	simm.s32 @!p1 $0x0  }
0x14: {  	s2 =	sld [smem:$0x3F7F];
	s0 =	simm.s32 @p1 $0x1  }
0x15: {  	[smem:$0x3F9C] =	sst s0;
	s0 =	simm.s32 @!p2 $0x0  }
0x16: {  	s3 =	sld [smem:$0x3FDB];
	s0 =	simm.s32 @p2 $0x1  }
0x17: {  	s4 =	simm.s32 $0x1BF5;
	[smem:$0x3F9E] =	sst s0  }
0x18: {  	s0 =	sld [smem:$0x3F81];
	_ =	swait.ge [sflag:s4], $0x0  }
0x19: {  	s7 =	sld [smem:$0x3F82]  }
0x1a: {  	s8 =	sadd.s32 $0xFFFFE003, lr  }
0x1b: {  	s9 =	sadd.s32 $0xFFFFFEF7, lr;
	s5 =	simm.s32 $0xFFFFFFFF;
	p2 =	slt.u32 s8, $0xFFFFF086  }
0x1c: {  	p1 =	slt.u32 s9, $0xF7A;
	s5 =	simm.s32 @!p2 $0x0  }
0x1d: {  	s5 =	simm.s32 @p1 $0x1;
	p0 =	seq.s32 s7, s2  }
0x1e: {  	s7 =	smul.u32 @!p0 $0xF7A, s2;
	p2 =	seq.s32 @!p0 s5, $0x0  }
0x1f: {  	s9 =	smul.u32 $0xF7A, s1;
	s8 =	simm.s32 @!p0 $0x1BF5;
	p2 =	por !p2, p0  }
0x20: {  	[sflag:s8] =	ssyncset.s32 @!p0 $0xFFFFF086;
	s6 =	sadd.s32 @!p0 s3, s7;
	s7 =	simm.s32 @!p0 $0x108  }
0x21: {  	s3 =	sadd.s32 s3, s9;
	s6 =	sadd.s32 @!p0 $0x88, s6;
	s7 =	simm.s32 @p2 $0x1082  }
0x22: {  	[simem:s7], [sflag:s8] =	dma.local @!p0 [hbm:s6], $0xF7A  }
0x23: {  	s9 =	sor.u32 $0xD0000000, s2;
	s6 =	simm.s32 $0x108;
	_ =	swait.ge @!p0 [sflag:s8], $0x0  }
0x24: {  	s3 =	sadd.s32 $0x88, s3;
	s6 =	simm.s32 @!p1 $0x1082;
	[sflag:s4] =	ssyncset.s32 $0xFFFFF086  }
0x25: {  	[simem:s6], [sflag:s4] =	dma.local [hbm:s3], $0xF7A  }
0x26: {  	[smem:$0x3F82] =	sst s1;
	(tag) =	ssettag s2;
	_ =	strace s9  }
0x27: {  	s1 =	sld [smem:$0x3F92]  }
0x28: {  	s2 =	sld [smem:$0x3F93]  }
0x29: {  	s4 =	sld [smem:$0x3F95]  }
0x2a: {  	p0 =	seq.s32 s5, $0x0;
	s5 =	sld [smem:$0x3F96]  }
0x2b: {  	s6 =	sld [smem:$0x3F97]  }
0x2c: {  	s7 =	sld [smem:$0x3F98]  }
0x2d: {  	s3 =	simm.s32 $0x108;
	s8 =	sld [smem:$0x3F99]  }
0x2e: {  	s3 =	simm.s32 @!p0 $0x1082;
	s9 =	sld [smem:$0x3F9A]  }
0x2f: {  	lr =	sadd.s32 s0, s3;
	s0 =	sld [smem:$0x3F91]  }
0x30: {  	s3 =	sld [smem:$0x3F94]  }
0x31: {  	[smem:$0x3F9D] =	sst s10  }
0x32: {  	s10 =	sld [smem:$0x3F9B];
	_ =	sdelay $0x3  }
0x33: {  	p0 =	seq.s32 s10, $0x1;
	s10 =	sld [smem:$0x3F9D];
	_ =	sdelay $0x3  }
0x34: {  	[smem:$0x3F9D] =	sst s10  }
0x35: {  	s10 =	sld [smem:$0x3F9C];
	_ =	sdelay $0x3  }
0x36: {  	p1 =	seq.s32 s10, $0x1;
	s10 =	sld [smem:$0x3F9D];
	_ =	sdelay $0x3  }
0x37: {  	[smem:$0x3F9D] =	sst s10  }
0x38: {  	s10 =	sld [smem:$0x3F9E]  }
0x39: {  	_ = 	snop;
	(pc) =	sbr.ind lr, $3  }
0x3a: {  	_ = 	snop  }
0x3b: {  	_ = 	snop  }
0x3c: {  	p2 =	seq.s32 s10, $0x1;
	s10 =	sld [smem:$0x3F9D]  }
0x3d: {  	_ =	shalt  }
0x3e: {  	_ =	shalt  }
0x3f: {  	_ =	shalt  }
0x40: {  	_ =	shalt  }
0x41: {  	_ =	shalt  }
0x42: {  	_ =	shalt  }
0x43: {  	_ =	shalt  }
0x44: {  	_ =	shalt  }
0x45: {  	_ =	shalt  }
0x46: {  	_ =	shalt  }
0x47: {  	_ =	shalt  }
0x48: {  	_ =	shalt  }
0x49: {  	_ =	shalt  }
0x4a: {  	_ =	shalt  }
0x4b: {  	_ =	shalt  }
0x4c: {  	_ =	shalt  }
0x4d: {  	_ =	shalt  }
0x4e: {  	_ =	shalt  }
0x4f: {  	_ =	shalt  }
0x50: {  	_ =	shalt  }
0x51: {  	_ =	shalt  }
0x52: {  	_ =	shalt  }
0x53: {  	_ =	shalt  }
0x54: {  	_ =	shalt  }
0x55: {  	_ =	shalt  }
0x56: {  	_ =	shalt  }
0x57: {  	_ =	shalt  }
0x58: {  	_ =	shalt  }
0x59: {  	_ =	shalt  }
0x5a: {  	_ =	shalt  }
0x5b: {  	_ =	shalt  }
0x5c: {  	_ =	shalt  }
0x5d: {  	_ =	shalt  }
0x5e: {  	_ =	shalt  }
0x5f: {  	_ =	shalt  }
0x60: {  	_ =	shalt  }
0x61: {  	_ =	shalt  }
0x62: {  	_ =	shalt  }
0x63: {  	_ =	shalt  }
0x64: {  	_ =	shalt  }
0x65: {  	_ =	shalt  }
0x66: {  	_ =	shalt  }
0x67: {  	_ =	shalt  }
0x68: {  	_ =	shalt  }
0x69: {  	_ =	shalt  }
0x6a: {  	_ =	shalt  }
0x6b: {  	_ =	shalt  }
0x6c: {  	_ =	shalt  }
0x6d: {  	_ =	shalt  }
0x6e: {  	_ =	shalt  }
0x6f: {  	_ =	shalt  }
0x70: {  	_ =	shalt  }
0x71: {  	_ =	shalt  }
0x72: {  	_ =	shalt  }
0x73: {  	_ =	shalt  }
0x74: {  	_ =	shalt  }
0x75: {  	_ =	shalt  }
0x76: {  	_ =	shalt  }
0x77: {  	_ =	shalt  }
0x78: {  	_ =	shalt  }
0x79: {  	_ =	shalt  }
0x7a: {  	_ =	shalt  }
0x7b: {  	_ =	shalt  }
0x7c: {  	_ =	shalt  }
0x7d: {  	_ =	shalt  }
0x7e: {  	_ =	shalt  }
0x7f: {  	_ =	shalt  }
0x80: {  	_ =	shalt  }
0x81: {  	_ =	shalt  }
0x82: {  	_ =	shalt  }
0x83: {  	_ =	shalt  }
0x84: {  	_ =	shalt  }
0x85: {  	_ =	shalt  }
0x86: {  	_ =	shalt  }
0x87: {  	_ =	shalt  }
.Lfunc_end0:
.L_simem_size_0:
called_computation.3_lowered:
.L_overlay_start_0:
0x88: {  	s2 =	sld [smem:$0x3FD9]  }
0x89: {  	s3 =	sld [smem:$0x3FFE];
	_ =	sdelay $0x1  }
0x8a: {  	s1 =	srdreg.scid  }
0x8b: {  	s0 =	sand.u32 $0x1, s1  }
0x8c: {  	s17 =	sshll.u32 s0, $0xA;
	s2 =	sadd.s32 s3, s2  }
0x8d: {  	s2 =	sadd.s32 s2, s17  }
0x8e: {  	[smem:$0x3FA9] =	sst s2  }
0x8f: {  	_ = 	snop  }
0x90: {  	s2 =	sld [smem:$0x3FD0];
	(tm) =	ssettm $0x1  }
0x91: {  	s18 =	sld [smem:$0x3FFB];
	_ =	sdelay $0x3  }
0x92: {  	_ =	strace s18  }
0x93: {  	s3 =	sld [smem:$0x3FFC];
	_ =	sdelay $0x3  }
0x94: {  	_ =	strace s3  }
0x95: {  	s3 =	sld [smem:$0x3FFD];
	_ =	sdelay $0x3  }
0x96: {  	_ =	strace s3  }
0x97: {  	_ =	strace $0x8FFFFFFF  }
0x98: {  	s19 =	sld [smem:$0x3FDB];
	_ =	sdelay $0x1  }
0x99: {  	s4 =	simm.s32 $_scs_section_size  }
0x9a: {  	s5 =	simm.s32 $_size__tile_overlayer_lowered;
	s6 =	simm.s32 $_tile_overlayer_lowered  }
0x9b: {  	s22 =	simm.s32 $0x1BFF;
	s21 =	sshll.u32 s6, $0x1;
	s3 =	sadd.s32 s4, s19  }
0x9c: {  	s7 =	simm.s32 $0x0;
	s20 =	sshll.u32 s5, $0x1;
	s5 =	sadd.s32 s21, s3  }
0x9d: {  	[timem:s7], [sflag:s22] =	dma.local [hbm:s5], s20  }
0x9e: {  	_ =	swait.ge [sflag:s22], s20  }
0x9f: {  	s4 =	ssub.s32 $0x0, s20;
	[sflag:s22] =	ssyncset.done $0x0  }
0xa0: {  	[sflag:s22] =	ssyncadd.s32 s4;
	_ =	sdelay $0x1  }
0xa1: {  	s23 =	simm.s32 $0x1B8B  }
0xa2: {  	_ =	swait.ge [sflag:s23], $0x1  }
0xa3: {  	[sflag:s23] =	ssyncset.done $0x0  }
0xa4: {  	s25 =	simm.s32 $0x1B8E;
	s24 =	sld [smem:$0x3FFE];
	[sflag:s23] =	ssyncadd.s32 $0xFFFFFFFF  }
0xa5: {  	s26 =	simm.s32 $execute0_lowered;
	[smem:$0x3FD2] =	sst s25  }
0xa6: {  	s5 =	sshll.u32 s26, $0x1;
	_ =	strace $0x8000004F;
	[dreg:$0x1] =	wrdreg $0xFFFFFFFF  }
0xa7: {  	s28 =	simm.s32 $_size_execute0_lowered;
	s3 =	sadd.s32 s3, s5;
	[dreg:$0x0] =	wrdreg $0x0  }
0xa8: {  	s5 =	sshll.u32 s28, $0x1;
	[dreg:$0x2] =	wrdreg s3  }
0xa9: {  	[dreg:$0x3] =	wrdreg s5  }
0xaa: {  	[dreg:$0x4] =	wrdreg $0xC0  }
0xab: {  	_ =	task [dreg:s7], $0x5FFFF  }
0xac: {  	[dreg:$0x1] =	wrdreg $0xFFFFFFFF  }
0xad: {  	[dreg:$0x0] =	wrdreg $0x60  }
0xae: {  	[dreg:$0x2] =	wrdreg s24  }
0xaf: {  	[dreg:$0x3] =	wrdreg s2  }
0xb0: {  	[dreg:$0x4] =	wrdreg $0x9  }
0xb1: {  	_ =	task.clear_ibuf [dreg:s7], $0x5FFFF;
	_ =	strace $0x9000004F  }
0xb2: {  	s29 =	simm.s32 $0x9;
	_ =	strace $0x80000051  }
0xb3: {  	_ =	swait.ge [sflag:s29], $0x1  }
0xb4: {  	[sflag:s29] =	ssyncadd.s32 $0xFFFFFFFF  }
0xb5: {  	_ =	strace $0x90000051  }
0xb6: {  	_ =	sfence  }
0xb7: {  	s30 =	sld [smem:$0x0];
	_ =	sdelay $0x2  }
0xb8: {  	s31 =	sshll.u32 s1, $0xD;
	s1 =	sshrl.u32 s1, $0x2  }
0xb9: {  	s3 =	sand.u32 $0x4000, s31;
	s1 =	sadd.s32 s1, s30  }
0xba: {  	s0 =	sor.u32 s3, s0;
	s1 =	sshll.u32 s1, $0x11  }
0xbb: {  	s0 =	sor.u32 s1, s0  }
0xbc: {  	s0 =	sadd.s32 $0x8F2B, s0  }
0xbd: {  	[sflag:s0] =	ssyncadd.remote.s32 $0x1  }
0xbe: {  	_ =	sfence.sel $0xFFFF  }
0xbf: {  	[dreg:$0x0] =	wrdreg $0xFFFFFFFF;
	(pc) =	sbr.abs _section_cstart, $3  }
0xc0: {  	[dreg:$0x1] =	wrdreg $0xFFFFFFFF  }
0xc1: {  	_ =	task.clear_ibuf [dreg:s7], $0x2FFFF;
	_ =	strace $0x9FFFFFFF  }
0xc2: {  	(tm) =	ssettm $0x7FFFFFFF  }
0xc3: {  	_ =	shalt  }
tec
execute0_lowered:
.L_overlay_start_1:
0x0: {  	(tag) =	ssettag $0x1  }
0x1: {  	s1 =	srdreg.scid;
	s0 =	stileid.u32  }
0x2: {  	s18 =	rddreg [dreg:$0x0];
	s22 =	sand.u32 $0x1, s1;
	s30 =	sshll.u32 s0, $0x1  }
0x3: {  	s16 =	rddreg [dreg:$0x1];
	s6 =	sor.u32 s22, s30  }
0x4: {  	s2 =	simm.s32 $0x0;
	s1 =	rddreg [dreg:$0x2];
	s3 =	sshll.u32 s6, $0x7  }
0x5: {  	[smem:$0x7FF] =	sst s2;
	s3 =	sadd.s32 s3, s18  }
0x6: {  	_ =	strace $0x80000050;
	s4 =	sadd.s32 $0x67000, s3;
	s3 =	simm.s32 $0x2  }
0x7: {  	[tilespmem:s2], [sflag:$0x2] =	stream.linear.gather [hbm4b:s4+s2], $0x280, $0x38;
	[tilespmem:$0x4400] =	vst v63  }
0x8: {  	s7 =	simm.s32 $0x400;
	_ =	swait.ge [sflag:s3], $0x280  }
0x9: {  	s8 =	simm.s32 $0x1;
	s5 =	sadd.s32 $0x4C7A00, s18;
	[sflag:s3] =	ssyncset.done $0x0  }
0xa: {  	s9 =	smul.u32 $0x14000, s6;
	s6 =	simm.s32 $0x80;
	[sflag:s3] =	ssyncadd.s32 $0xFFFFFD80  }
0xb: {  	[tilespmem:s7], [sflag:$0x1] =	stream.indirect.gather [hbm4b:s5+s6], $0x80, s2, s6, $0xb8;
	[tilespmem:$0x4400] =	vst v63  }
0xc: {  	_ =	swait.ge [sflag:s8], $0x4000  }
0xd: {  	s19 =	sshrl.u32 s9, $0x3;
	[sflag:s8] =	ssyncset.done $0x0  }
0xe: {  	s9 =	sadd.s32 s16, s19;
	[sflag:s8] =	ssyncadd.s32 $0xFFFFC000  }
0xf: {  	[hbm4b:s9+s2] =	stream.linear.scatter [tilespmem:s7], [sflag:$0x2], $0x4000, $0x38;
	[tilespmem:$0x4400] =	vst v63  }
0x10: {  	_ =	swait.ge [sflag:s3], $0x4000  }
0x11: {  	[sflag:s3] =	ssyncset.done $0x0  }
0x12: {  	[sflag:s3] =	ssyncadd.s32 $0xFFFFC000  }
0x13: {  	[tilespmem:s7], [sflag:$0x1] =	stream.indirect.gather [hbm4b:s5+s6], $0x80, s6, s6, $0xb8;
	[tilespmem:$0x4400] =	vst v63  }
0x14: {  	_ =	swait.ge [sflag:s8], $0x4000  }
0x15: {  	s20 =	sadd.s32 $0x800, s19;
	[sflag:s8] =	ssyncset.done $0x0  }
0x16: {  	s10 =	sadd.s32 s16, s20;
	[sflag:s8] =	ssyncadd.s32 $0xFFFFC000  }
0x17: {  	[hbm4b:s10+s2] =	stream.linear.scatter [tilespmem:s7], [sflag:$0x2], $0x4000, $0x38;
	[tilespmem:$0x4400] =	vst v63  }
0x18: {  	_ =	swait.ge [sflag:s3], $0x4000  }
0x19: {  	[sflag:s3] =	ssyncset.done $0x0  }
0x1a: {  	s11 =	simm.s32 $0x100;
	[sflag:s3] =	ssyncadd.s32 $0xFFFFC000  }
0x1b: {  	[tilespmem:s7], [sflag:$0x1] =	stream.indirect.gather [hbm4b:s5+s6], $0x80, s11, s6, $0xb8;
	[tilespmem:$0x4400] =	vst v63  }
0x1c: {  	_ =	swait.ge [sflag:s8], $0x4000  }
0x1d: {  	s21 =	sadd.s32 $0x1000, s19;
	[sflag:s8] =	ssyncset.done $0x0  }
0x1e: {  	s12 =	sadd.s32 s16, s21;
	[sflag:s8] =	ssyncadd.s32 $0xFFFFC000  }
0x1f: {  	[hbm4b:s12+s2] =	stream.linear.scatter [tilespmem:s7], [sflag:$0x2], $0x4000, $0x38;
	[tilespmem:$0x4400] =	vst v63  }
0x20: {  	_ =	swait.ge [sflag:s3], $0x4000  }
0x21: {  	[sflag:s3] =	ssyncset.done $0x0  }
0x22: {  	s13 =	simm.s32 $0x180;
	[sflag:s3] =	ssyncadd.s32 $0xFFFFC000  }
0x23: {  	[tilespmem:s7], [sflag:$0x1] =	stream.indirect.gather [hbm4b:s5+s6], $0x80, s13, s6, $0xb8;
	[tilespmem:$0x4400] =	vst v63  }
0x24: {  	_ =	swait.ge [sflag:s8], $0x4000  }
0x25: {  	s23 =	sadd.s32 $0x1800, s19;
	[sflag:s8] =	ssyncset.done $0x0  }
0x26: {  	s14 =	sadd.s32 s16, s23;
	[sflag:s8] =	ssyncadd.s32 $0xFFFFC000  }
0x27: {  	[hbm4b:s14+s2] =	stream.linear.scatter [tilespmem:s7], [sflag:$0x2], $0x4000, $0x38;
	[tilespmem:$0x4400] =	vst v63  }
0x28: {  	_ =	swait.ge [sflag:s3], $0x4000  }
0x29: {  	[sflag:s3] =	ssyncset.done $0x0  }
0x2a: {  	s15 =	simm.s32 $0x200;
	[sflag:s3] =	ssyncadd.s32 $0xFFFFC000  }
0x2b: {  	[tilespmem:s7], [sflag:$0x1] =	stream.indirect.gather [hbm4b:s5+s6], $0x80, s15, s6, $0xb8;
	[tilespmem:$0x4400] =	vst v63  }
0x2c: {  	_ =	swait.ge [sflag:s8], $0x4000  }
0x2d: {  	s24 =	sadd.s32 $0x2000, s19;
	[sflag:s8] =	ssyncset.done $0x0  }
0x2e: {  	s16 =	sadd.s32 s16, s24;
	[sflag:s8] =	ssyncadd.s32 $0xFFFFC000  }
0x2f: {  	[hbm4b:s16+s2] =	stream.linear.scatter [tilespmem:s7], [sflag:$0x2], $0x4000, $0x38;
	[tilespmem:$0x4400] =	vst v63  }
0x30: {  	_ =	swait.ge [sflag:s3], $0x4000  }
0x31: {  	[sflag:s3] =	ssyncset.done $0x0  }
0x32: {  	s17 =	sadd.s32 $0x68000, s18;
	[sflag:s3] =	ssyncadd.s32 $0xFFFFC000  }
0x33: {  	[tilespmem:s7], [sflag:$0x1] =	stream.indirect.gather [hbm4b:s17+s6], $0x80, s2, s6, $0xb8;
	[tilespmem:$0x4400] =	vst v63  }
0x34: {  	_ =	swait.ge [sflag:s8], $0x4000  }
0x35: {  	s25 =	sadd.s32 $0x6E00, s18;
	[sflag:s8] =	ssyncset.done $0x0  }
0x36: {  	s18 =	sadd.s32 s25, s19;
	[sflag:s8] =	ssyncadd.s32 $0xFFFFC000  }
0x37: {  	[hbm4b:s18+s2] =	stream.linear.scatter [tilespmem:s7], [sflag:$0x2], $0x4000, $0x38;
	[tilespmem:$0x4400] =	vst v63  }
0x38: {  	_ =	swait.ge [sflag:s3], $0x4000  }
0x39: {  	[sflag:s3] =	ssyncset.done $0x0  }
0x3a: {  	[sflag:s3] =	ssyncadd.s32 $0xFFFFC000  }
0x3b: {  	[tilespmem:s7], [sflag:$0x1] =	stream.indirect.gather [hbm4b:s17+s6], $0x80, s6, s6, $0xb8;
	[tilespmem:$0x4400] =	vst v63  }
0x3c: {  	_ =	swait.ge [sflag:s8], $0x4000  }
0x3d: {  	[sflag:s8] =	ssyncset.done $0x0  }
0x3e: {  	s19 =	sadd.s32 s25, s20;
	[sflag:s8] =	ssyncadd.s32 $0xFFFFC000  }
0x3f: {  	[hbm4b:s19+s2] =	stream.linear.scatter [tilespmem:s7], [sflag:$0x2], $0x4000, $0x38;
	[tilespmem:$0x4400] =	vst v63  }
0x40: {  	_ =	swait.ge [sflag:s3], $0x4000  }
0x41: {  	[sflag:s3] =	ssyncset.done $0x0  }
0x42: {  	[sflag:s3] =	ssyncadd.s32 $0xFFFFC000  }
0x43: {  	[tilespmem:s7], [sflag:$0x1] =	stream.indirect.gather [hbm4b:s17+s6], $0x80, s11, s6, $0xb8;
	[tilespmem:$0x4400] =	vst v63  }
0x44: {  	_ =	swait.ge [sflag:s8], $0x4000  }
0x45: {  	[sflag:s8] =	ssyncset.done $0x0  }
0x46: {  	s20 =	sadd.s32 s25, s21;
	[sflag:s8] =	ssyncadd.s32 $0xFFFFC000  }
0x47: {  	[hbm4b:s20+s2] =	stream.linear.scatter [tilespmem:s7], [sflag:$0x2], $0x4000, $0x38;
	[tilespmem:$0x4400] =	vst v63  }
0x48: {  	_ =	swait.ge [sflag:s3], $0x4000  }
0x49: {  	[sflag:s3] =	ssyncset.done $0x0  }
0x4a: {  	[sflag:s3] =	ssyncadd.s32 $0xFFFFC000  }
0x4b: {  	[tilespmem:s7], [sflag:$0x1] =	stream.indirect.gather [hbm4b:s17+s6], $0x80, s13, s6, $0xb8;
	[tilespmem:$0x4400] =	vst v63  }
0x4c: {  	_ =	swait.ge [sflag:s8], $0x4000  }
0x4d: {  	[sflag:s8] =	ssyncset.done $0x0  }
0x4e: {  	s22 =	ssub.s32 $0x2, s22;
	s21 =	sadd.s32 s25, s23;
	[sflag:s8] =	ssyncadd.s32 $0xFFFFC000  }
0x4f: {  	[hbm4b:s21+s2] =	stream.linear.scatter [tilespmem:s7], [sflag:$0x2], $0x4000, $0x38;
	[tilespmem:$0x4400] =	vst v63  }
0x50: {  	s31 =	sshrl.u32 s22, $0x1;
	_ =	swait.ge [sflag:s3], $0x4000  }
0x51: {  	s23 =	ssub.s32 s22, s31;
	[sflag:s3] =	ssyncset.done $0x0  }
0x52: {  	s23 =	smax.u32 s23, $0x1;
	[sflag:s3] =	ssyncadd.s32 $0xFFFFC000  }
0x53: {  	[tilespmem:s7], [sflag:$0x1] =	stream.indirect.gather [hbm4b:s17+s6], $0x80, s15, s6, $0xb8;
	[tilespmem:$0x4400] =	vst v63  }
0x54: {  	p0 =	sne.s32 s23, $0x1;
	_ =	swait.ge [sflag:s8], $0x4000  }
.Ltmp0:
0x55: {  	[sflag:s8] =	ssyncset.done $0x0;
	(pc) =	sbr.rel @!p0 .LBB2_2-.Ltmp0, $4  }
0x56: {  	s22 =	sadd.s32 s25, s24;
	[sflag:s8] =	ssyncadd.s32 $0xFFFFC000  }
0x57: {  	[hbm4b:s22+s2] =	stream.linear.scatter [tilespmem:s7], [sflag:$0x2], $0x4000, $0x38;
	[tilespmem:$0x4400] =	vst v63  }
0x58: {  	_ =	swait.ge [sflag:s3], $0x4000  }
0x59: {  	s23 =	sadd.s32 $0xFFFFFFFF, s23;
	[sflag:s3] =	ssyncset.done $0x0  }
.LBB2_1:
0x5a: {  	p0 =	sne.s32 s23, $0x1;
	s23 =	sadd.s32 $0xFFFFFFFF, s23;
	[sflag:s3] =	ssyncadd.s32 $0xFFFFC000  }
0x5b: {  	[tilespmem:s2], [sflag:$0x2] =	stream.linear.gather [hbm4b:s4+s2], $0x280, $0x38;
	[tilespmem:$0x4400] =	vst v63  }
0x5c: {  	_ =	swait.ge [sflag:s3], $0x280  }
0x5d: {  	[sflag:s3] =	ssyncset.done $0x0  }
0x5e: {  	[sflag:s3] =	ssyncadd.s32 $0xFFFFFD80  }
0x5f: {  	[tilespmem:s7], [sflag:$0x1] =	stream.indirect.gather [hbm4b:s5+s6], $0x80, s2, s6, $0xb8;
	[tilespmem:$0x4400] =	vst v63  }
0x60: {  	_ =	swait.ge [sflag:s8], $0x4000  }
0x61: {  	[sflag:s8] =	ssyncset.done $0x0  }
0x62: {  	[sflag:s8] =	ssyncadd.s32 $0xFFFFC000  }
0x63: {  	[hbm4b:s9+s2] =	stream.linear.scatter [tilespmem:s7], [sflag:$0x2], $0x4000, $0x38;
	[tilespmem:$0x4400] =	vst v63  }
0x64: {  	_ =	swait.ge [sflag:s3], $0x4000  }
0x65: {  	[sflag:s3] =	ssyncset.done $0x0  }
0x66: {  	[sflag:s3] =	ssyncadd.s32 $0xFFFFC000  }
0x67: {  	[tilespmem:s7], [sflag:$0x1] =	stream.indirect.gather [hbm4b:s5+s6], $0x80, s6, s6, $0xb8;
	[tilespmem:$0x4400] =	vst v63  }
0x68: {  	_ =	swait.ge [sflag:s8], $0x4000  }
0x69: {  	[sflag:s8] =	ssyncset.done $0x0  }
0x6a: {  	[sflag:s8] =	ssyncadd.s32 $0xFFFFC000  }
0x6b: {  	[hbm4b:s10+s2] =	stream.linear.scatter [tilespmem:s7], [sflag:$0x2], $0x4000, $0x38;
	[tilespmem:$0x4400] =	vst v63  }
0x6c: {  	_ =	swait.ge [sflag:s3], $0x4000  }
0x6d: {  	[sflag:s3] =	ssyncset.done $0x0  }
0x6e: {  	[sflag:s3] =	ssyncadd.s32 $0xFFFFC000  }
0x6f: {  	[tilespmem:s7], [sflag:$0x1] =	stream.indirect.gather [hbm4b:s5+s6], $0x80, s11, s6, $0xb8;
	[tilespmem:$0x4400] =	vst v63  }
0x70: {  	_ =	swait.ge [sflag:s8], $0x4000  }
0x71: {  	[sflag:s8] =	ssyncset.done $0x0  }
0x72: {  	[sflag:s8] =	ssyncadd.s32 $0xFFFFC000  }
0x73: {  	[hbm4b:s12+s2] =	stream.linear.scatter [tilespmem:s7], [sflag:$0x2], $0x4000, $0x38;
	[tilespmem:$0x4400] =	vst v63  }
0x74: {  	_ =	swait.ge [sflag:s3], $0x4000  }
0x75: {  	[sflag:s3] =	ssyncset.done $0x0  }
0x76: {  	[sflag:s3] =	ssyncadd.s32 $0xFFFFC000  }
0x77: {  	[tilespmem:s7], [sflag:$0x1] =	stream.indirect.gather [hbm4b:s5+s6], $0x80, s13, s6, $0xb8;
	[tilespmem:$0x4400] =	vst v63  }
0x78: {  	_ =	swait.ge [sflag:s8], $0x4000  }
0x79: {  	[sflag:s8] =	ssyncset.done $0x0  }
0x7a: {  	[sflag:s8] =	ssyncadd.s32 $0xFFFFC000  }
0x7b: {  	[hbm4b:s14+s2] =	stream.linear.scatter [tilespmem:s7], [sflag:$0x2], $0x4000, $0x38;
	[tilespmem:$0x4400] =	vst v63  }
0x7c: {  	_ =	swait.ge [sflag:s3], $0x4000  }
0x7d: {  	[sflag:s3] =	ssyncset.done $0x0  }
0x7e: {  	[sflag:s3] =	ssyncadd.s32 $0xFFFFC000  }
0x7f: {  	[tilespmem:s7], [sflag:$0x1] =	stream.indirect.gather [hbm4b:s5+s6], $0x80, s15, s6, $0xb8;
	[tilespmem:$0x4400] =	vst v63  }
0x80: {  	_ =	swait.ge [sflag:s8], $0x4000  }
0x81: {  	[sflag:s8] =	ssyncset.done $0x0  }
0x82: {  	[sflag:s8] =	ssyncadd.s32 $0xFFFFC000  }
0x83: {  	[hbm4b:s16+s2] =	stream.linear.scatter [tilespmem:s7], [sflag:$0x2], $0x4000, $0x38;
	[tilespmem:$0x4400] =	vst v63  }
0x84: {  	_ =	swait.ge [sflag:s3], $0x4000  }
0x85: {  	[sflag:s3] =	ssyncset.done $0x0  }
0x86: {  	[sflag:s3] =	ssyncadd.s32 $0xFFFFC000  }
0x87: {  	[tilespmem:s7], [sflag:$0x1] =	stream.indirect.gather [hbm4b:s17+s6], $0x80, s2, s6, $0xb8;
	[tilespmem:$0x4400] =	vst v63  }
0x88: {  	_ =	swait.ge [sflag:s8], $0x4000  }
0x89: {  	[sflag:s8] =	ssyncset.done $0x0  }
0x8a: {  	[sflag:s8] =	ssyncadd.s32 $0xFFFFC000  }
0x8b: {  	[hbm4b:s18+s2] =	stream.linear.scatter [tilespmem:s7], [sflag:$0x2], $0x4000, $0x38;
	[tilespmem:$0x4400] =	vst v63  }
0x8c: {  	_ =	swait.ge [sflag:s3], $0x4000  }
0x8d: {  	[sflag:s3] =	ssyncset.done $0x0  }
0x8e: {  	[sflag:s3] =	ssyncadd.s32 $0xFFFFC000  }
0x8f: {  	[tilespmem:s7], [sflag:$0x1] =	stream.indirect.gather [hbm4b:s17+s6], $0x80, s6, s6, $0xb8;
	[tilespmem:$0x4400] =	vst v63  }
0x90: {  	_ =	swait.ge [sflag:s8], $0x4000  }
0x91: {  	[sflag:s8] =	ssyncset.done $0x0  }
0x92: {  	[sflag:s8] =	ssyncadd.s32 $0xFFFFC000  }
0x93: {  	[hbm4b:s19+s2] =	stream.linear.scatter [tilespmem:s7], [sflag:$0x2], $0x4000, $0x38;
	[tilespmem:$0x4400] =	vst v63  }
0x94: {  	_ =	swait.ge [sflag:s3], $0x4000  }
0x95: {  	[sflag:s3] =	ssyncset.done $0x0  }
0x96: {  	[sflag:s3] =	ssyncadd.s32 $0xFFFFC000  }
0x97: {  	[tilespmem:s7], [sflag:$0x1] =	stream.indirect.gather [hbm4b:s17+s6], $0x80, s11, s6, $0xb8;
	[tilespmem:$0x4400] =	vst v63  }
0x98: {  	_ =	swait.ge [sflag:s8], $0x4000  }
0x99: {  	[sflag:s8] =	ssyncset.done $0x0  }
0x9a: {  	[sflag:s8] =	ssyncadd.s32 $0xFFFFC000  }
0x9b: {  	[hbm4b:s20+s2] =	stream.linear.scatter [tilespmem:s7], [sflag:$0x2], $0x4000, $0x38;
	[tilespmem:$0x4400] =	vst v63  }
0x9c: {  	_ =	swait.ge [sflag:s3], $0x4000  }
0x9d: {  	[sflag:s3] =	ssyncset.done $0x0  }
0x9e: {  	[sflag:s3] =	ssyncadd.s32 $0xFFFFC000  }
0x9f: {  	[tilespmem:s7], [sflag:$0x1] =	stream.indirect.gather [hbm4b:s17+s6], $0x80, s13, s6, $0xb8;
	[tilespmem:$0x4400] =	vst v63  }
0xa0: {  	_ =	swait.ge [sflag:s8], $0x4000  }
0xa1: {  	[sflag:s8] =	ssyncset.done $0x0  }
0xa2: {  	[sflag:s8] =	ssyncadd.s32 $0xFFFFC000  }
0xa3: {  	[hbm4b:s21+s2] =	stream.linear.scatter [tilespmem:s7], [sflag:$0x2], $0x4000, $0x38;
	[tilespmem:$0x4400] =	vst v63  }
0xa4: {  	_ =	swait.ge [sflag:s3], $0x4000  }
0xa5: {  	[sflag:s3] =	ssyncset.done $0x0  }
0xa6: {  	[sflag:s3] =	ssyncadd.s32 $0xFFFFC000  }
0xa7: {  	[tilespmem:s7], [sflag:$0x1] =	stream.indirect.gather [hbm4b:s17+s6], $0x80, s15, s6, $0xb8;
	[tilespmem:$0x4400] =	vst v63  }
0xa8: {  	_ =	swait.ge [sflag:s8], $0x4000  }
.Ltmp1:
0xa9: {  	[sflag:s8] =	ssyncset.done $0x0;
	(pc) =	sbr.rel @p0 .LBB2_1-.Ltmp1, $4  }
0xaa: {  	[sflag:s8] =	ssyncadd.s32 $0xFFFFC000  }
0xab: {  	[hbm4b:s22+s2] =	stream.linear.scatter [tilespmem:s7], [sflag:$0x2], $0x4000, $0x38;
	[tilespmem:$0x4400] =	vst v63  }
0xac: {  	_ =	swait.ge [sflag:s3], $0x4000  }
0xad: {  	[sflag:s3] =	ssyncset.done $0x0  }
.LBB2_2:
0xae: {  	[sflag:s3] =	ssyncadd.s32 $0xFFFFC000  }
0xaf: {  	_ =	sfence.sel $0x180000  }
0xb0: {  	[bflag:$0x0] =	sbarrier.arrive $0xFFFF  }
0xb1: {  	p0 =	sne.s32 s0, $0x0;
	_ =	strace $0x90000050  }
0xb2: {  	s0 =	sadd.s32 @!p0 $0x100000, s1;
	[bflag:$0x2] =	sbarrier.arrive $0xFFFF  }
0xb3: {  	[sflag:s0] =	ssyncadd.tile.s32 @!p0 $0x1;
	_ =	shalt  }
.Lfunc_end2:
_tile_overlayer_lowered:
.L_overlay_start_2:
0xb4: {  	(tag) =	ssettag $0x2  }
0xb5: {  	s0 =	rddreg [dreg:$0x0];
	s2 =	stileid.u32  }
0xb6: {  	s1 =	rddreg [dreg:$0x1];
	p0 =	sne.s32 s2, $0x0  }
0xb7: {  	s3 =	rddreg [dreg:$0x2];
	[bflag:$0x3] =	sbarrier.arrive $0xFFFF;
	s2 =	simm.s32 @!p0 $0x1C02  }
0xb8: {  	[timem:s3], [sflag:s2] =	dma.local @!p0 [hbm:s0], s1  }
0xb9: {  	s0 =	simm.s32 @!p0 $0x2  }
0xba: {  	_ =	swait.ge @!p0 [sflag:s0], s1  }
0xbb: {  	s1 =	ssub.s32 @!p0 $0x0, s1;
	[sflag:s0] =	ssyncset.done @!p0 $0x0  }
0xbc: {  	[sflag:s0] =	ssyncadd.s32 @!p0 s1  }
0xbd: {  	[bflag:$0x3] =	sbarrier.arrive $0xFFFF  }
0xbe: {  	_ =	shalt  }

// kernel: scatter_offload_async_start
scs
__scs_entry_jumppad:
0x0: {  	(pc) =	sbr.rel $0x88, $3  }
0x1: {  	(tag) =	ssettag $0x0;
	lr =	simm.s32 $0x1  }
0x2: {  	[smem:$0x3F82] =	sst lr;
	_ =	strace $0xD0000000  }
0x3: {  	_ = 	snop  }
0x4: {  	_ = 	snop  }
0x5: {  	_ = 	snop  }
0x6: {  	_ = 	snop  }
0x7: {  	_ = 	snop  }
__scs_overlays_trampoline_lowered:
0x8: {  	[smem:$0x3F91] =	sst s0  }
0x9: {  	[smem:$0x3F92] =	sst s1  }
0xa: {  	[smem:$0x3F93] =	sst s2  }
0xb: {  	[smem:$0x3F94] =	sst s3  }
0xc: {  	[smem:$0x3F95] =	sst s4  }
0xd: {  	[smem:$0x3F96] =	sst s5  }
0xe: {  	[smem:$0x3F97] =	sst s6  }
0xf: {  	[smem:$0x3F98] =	sst s7  }
0x10: {  	[smem:$0x3F99] =	sst s8  }
0x11: {  	[smem:$0x3F9A] =	sst s9;
	s0 =	simm.s32 @!p0 $0x0  }
0x12: {  	s1 =	sld [smem:$0x3F80];
	s0 =	simm.s32 @p0 $0x1  }
0x13: {  	[smem:$0x3F9B] =	sst s0;
	s0 =	simm.s32 @!p1 $0x0  }
0x14: {  	s2 =	sld [smem:$0x3F7F];
	s0 =	simm.s32 @p1 $0x1  }
0x15: {  	[smem:$0x3F9C] =	sst s0;
	s0 =	simm.s32 @!p2 $0x0  }
0x16: {  	s3 =	sld [smem:$0x3FDB];
	s0 =	simm.s32 @p2 $0x1  }
0x17: {  	s4 =	simm.s32 $0x1BF5;
	[smem:$0x3F9E] =	sst s0  }
0x18: {  	s0 =	sld [smem:$0x3F81];
	_ =	swait.ge [sflag:s4], $0x0  }
0x19: {  	s7 =	sld [smem:$0x3F82]  }
0x1a: {  	s8 =	sadd.s32 $0xFFFFE003, lr  }
0x1b: {  	s9 =	sadd.s32 $0xFFFFFEF7, lr;
	s5 =	simm.s32 $0xFFFFFFFF;
	p2 =	slt.u32 s8, $0xFFFFF086  }
0x1c: {  	p1 =	slt.u32 s9, $0xF7A;
	s5 =	simm.s32 @!p2 $0x0  }
0x1d: {  	s5 =	simm.s32 @p1 $0x1;
	p0 =	seq.s32 s7, s2  }
0x1e: {  	s7 =	smul.u32 @!p0 $0xF7A, s2;
	p2 =	seq.s32 @!p0 s5, $0x0  }
0x1f: {  	s9 =	smul.u32 $0xF7A, s1;
	s8 =	simm.s32 @!p0 $0x1BF5;
	p2 =	por !p2, p0  }
0x20: {  	[sflag:s8] =	ssyncset.s32 @!p0 $0xFFFFF086;
	s6 =	sadd.s32 @!p0 s3, s7;
	s7 =	simm.s32 @!p0 $0x108  }
0x21: {  	s3 =	sadd.s32 s3, s9;
	s6 =	sadd.s32 @!p0 $0x88, s6;
	s7 =	simm.s32 @p2 $0x1082  }
0x22: {  	[simem:s7], [sflag:s8] =	dma.local @!p0 [hbm:s6], $0xF7A  }
0x23: {  	s9 =	sor.u32 $0xD0000000, s2;
	s6 =	simm.s32 $0x108;
	_ =	swait.ge @!p0 [sflag:s8], $0x0  }
0x24: {  	s3 =	sadd.s32 $0x88, s3;
	s6 =	simm.s32 @!p1 $0x1082;
	[sflag:s4] =	ssyncset.s32 $0xFFFFF086  }
0x25: {  	[simem:s6], [sflag:s4] =	dma.local [hbm:s3], $0xF7A  }
0x26: {  	[smem:$0x3F82] =	sst s1;
	(tag) =	ssettag s2;
	_ =	strace s9  }
0x27: {  	s1 =	sld [smem:$0x3F92]  }
0x28: {  	s2 =	sld [smem:$0x3F93]  }
0x29: {  	s4 =	sld [smem:$0x3F95]  }
0x2a: {  	p0 =	seq.s32 s5, $0x0;
	s5 =	sld [smem:$0x3F96]  }
0x2b: {  	s6 =	sld [smem:$0x3F97]  }
0x2c: {  	s7 =	sld [smem:$0x3F98]  }
0x2d: {  	s3 =	simm.s32 $0x108;
	s8 =	sld [smem:$0x3F99]  }
0x2e: {  	s3 =	simm.s32 @!p0 $0x1082;
	s9 =	sld [smem:$0x3F9A]  }
0x2f: {  	lr =	sadd.s32 s0, s3;
	s0 =	sld [smem:$0x3F91]  }
0x30: {  	s3 =	sld [smem:$0x3F94]  }
0x31: {  	[smem:$0x3F9D] =	sst s10  }
0x32: {  	s10 =	sld [smem:$0x3F9B];
	_ =	sdelay $0x3  }
0x33: {  	p0 =	seq.s32 s10, $0x1;
	s10 =	sld [smem:$0x3F9D];
	_ =	sdelay $0x3  }
0x34: {  	[smem:$0x3F9D] =	sst s10  }
0x35: {  	s10 =	sld [smem:$0x3F9C];
	_ =	sdelay $0x3  }
0x36: {  	p1 =	seq.s32 s10, $0x1;
	s10 =	sld [smem:$0x3F9D];
	_ =	sdelay $0x3  }
0x37: {  	[smem:$0x3F9D] =	sst s10  }
0x38: {  	s10 =	sld [smem:$0x3F9E]  }
0x39: {  	_ = 	snop;
	(pc) =	sbr.ind lr, $3  }
0x3a: {  	_ = 	snop  }
0x3b: {  	_ = 	snop  }
0x3c: {  	p2 =	seq.s32 s10, $0x1;
	s10 =	sld [smem:$0x3F9D]  }
0x3d: {  	_ =	shalt  }
0x3e: {  	_ =	shalt  }
0x3f: {  	_ =	shalt  }
0x40: {  	_ =	shalt  }
0x41: {  	_ =	shalt  }
0x42: {  	_ =	shalt  }
0x43: {  	_ =	shalt  }
0x44: {  	_ =	shalt  }
0x45: {  	_ =	shalt  }
0x46: {  	_ =	shalt  }
0x47: {  	_ =	shalt  }
0x48: {  	_ =	shalt  }
0x49: {  	_ =	shalt  }
0x4a: {  	_ =	shalt  }
0x4b: {  	_ =	shalt  }
0x4c: {  	_ =	shalt  }
0x4d: {  	_ =	shalt  }
0x4e: {  	_ =	shalt  }
0x4f: {  	_ =	shalt  }
0x50: {  	_ =	shalt  }
0x51: {  	_ =	shalt  }
0x52: {  	_ =	shalt  }
0x53: {  	_ =	shalt  }
0x54: {  	_ =	shalt  }
0x55: {  	_ =	shalt  }
0x56: {  	_ =	shalt  }
0x57: {  	_ =	shalt  }
0x58: {  	_ =	shalt  }
0x59: {  	_ =	shalt  }
0x5a: {  	_ =	shalt  }
0x5b: {  	_ =	shalt  }
0x5c: {  	_ =	shalt  }
0x5d: {  	_ =	shalt  }
0x5e: {  	_ =	shalt  }
0x5f: {  	_ =	shalt  }
0x60: {  	_ =	shalt  }
0x61: {  	_ =	shalt  }
0x62: {  	_ =	shalt  }
0x63: {  	_ =	shalt  }
0x64: {  	_ =	shalt  }
0x65: {  	_ =	shalt  }
0x66: {  	_ =	shalt  }
0x67: {  	_ =	shalt  }
0x68: {  	_ =	shalt  }
0x69: {  	_ =	shalt  }
0x6a: {  	_ =	shalt  }
0x6b: {  	_ =	shalt  }
0x6c: {  	_ =	shalt  }
0x6d: {  	_ =	shalt  }
0x6e: {  	_ =	shalt  }
0x6f: {  	_ =	shalt  }
0x70: {  	_ =	shalt  }
0x71: {  	_ =	shalt  }
0x72: {  	_ =	shalt  }
0x73: {  	_ =	shalt  }
0x74: {  	_ =	shalt  }
0x75: {  	_ =	shalt  }
0x76: {  	_ =	shalt  }
0x77: {  	_ =	shalt  }
0x78: {  	_ =	shalt  }
0x79: {  	_ =	shalt  }
0x7a: {  	_ =	shalt  }
0x7b: {  	_ =	shalt  }
0x7c: {  	_ =	shalt  }
0x7d: {  	_ =	shalt  }
0x7e: {  	_ =	shalt  }
0x7f: {  	_ =	shalt  }
0x80: {  	_ =	shalt  }
0x81: {  	_ =	shalt  }
0x82: {  	_ =	shalt  }
0x83: {  	_ =	shalt  }
0x84: {  	_ =	shalt  }
0x85: {  	_ =	shalt  }
0x86: {  	_ =	shalt  }
0x87: {  	_ =	shalt  }
.Lfunc_end0:
.L_simem_size_0:
called_computation_lowered:
.L_overlay_start_0:
0x88: {  	s2 =	sld [smem:$0x3FD9]  }
0x89: {  	s3 =	sld [smem:$0x3FFE];
	_ =	sdelay $0x1  }
0x8a: {  	s1 =	srdreg.scid  }
0x8b: {  	s0 =	sand.u32 $0x1, s1  }
0x8c: {  	s15 =	sshll.u32 s0, $0xA;
	s2 =	sadd.s32 s3, s2  }
0x8d: {  	s2 =	sadd.s32 s2, s15  }
0x8e: {  	[smem:$0x3FA9] =	sst s2  }
0x8f: {  	_ = 	snop  }
0x90: {  	(tm) =	ssettm $0x1  }
0x91: {  	s16 =	sld [smem:$0x3FFB];
	_ =	sdelay $0x3  }
0x92: {  	_ =	strace s16  }
0x93: {  	s2 =	sld [smem:$0x3FFC];
	_ =	sdelay $0x3  }
0x94: {  	_ =	strace s2  }
0x95: {  	s2 =	sld [smem:$0x3FFD];
	_ =	sdelay $0x3  }
0x96: {  	_ =	strace s2  }
0x97: {  	_ =	strace $0x8FFFFFFF  }
0x98: {  	s17 =	sld [smem:$0x3FDB];
	_ =	sdelay $0x1  }
0x99: {  	s18 =	simm.s32 $_scs_section_size  }
0x9a: {  	s4 =	simm.s32 $_size__tile_overlayer_lowered;
	s5 =	simm.s32 $_tile_overlayer_lowered  }
0x9b: {  	s21 =	simm.s32 $0x1BFF;
	s20 =	sshll.u32 s5, $0x1;
	s2 =	sadd.s32 s18, s17  }
0x9c: {  	s6 =	simm.s32 $0x0;
	s19 =	sshll.u32 s4, $0x1;
	s4 =	sadd.s32 s20, s2  }
0x9d: {  	[timem:s6], [sflag:s21] =	dma.local [hbm:s4], s19  }
0x9e: {  	_ =	swait.ge [sflag:s21], s19  }
0x9f: {  	s3 =	ssub.s32 $0x0, s19;
	[sflag:s21] =	ssyncset.done $0x0  }
0xa0: {  	[sflag:s21] =	ssyncadd.s32 s3;
	_ =	sdelay $0x1  }
0xa1: {  	s22 =	simm.s32 $0x1B8B  }
0xa2: {  	_ =	swait.ge [sflag:s22], $0x1  }
0xa3: {  	[sflag:s22] =	ssyncset.done $0x0  }
0xa4: {  	s23 =	sld [smem:$0x3FFE];
	[sflag:s22] =	ssyncadd.s32 $0xFFFFFFFF  }
0xa5: {  	s25 =	simm.s32 $0x1B8E;
	s24 =	sld [smem:$0x0]  }
0xa6: {  	s26 =	simm.s32 $execute0_lowered;
	[smem:$0x3FD2] =	sst s25  }
0xa7: {  	s5 =	sshll.u32 s26, $0x1;
	_ =	strace $0x80000046;
	[dreg:$0x1] =	wrdreg $0xFFFFFFFF  }
0xa8: {  	s28 =	simm.s32 $_size_execute0_lowered;
	s2 =	sadd.s32 s2, s5;
	[dreg:$0x0] =	wrdreg $0x0  }
0xa9: {  	s5 =	sshll.u32 s28, $0x1;
	[dreg:$0x2] =	wrdreg s2  }
0xaa: {  	[dreg:$0x3] =	wrdreg s5  }
0xab: {  	[dreg:$0x4] =	wrdreg $0xC0  }
0xac: {  	_ =	task [dreg:s6], $0x5FFFF  }
0xad: {  	[dreg:$0x1] =	wrdreg $0xFFFFFFFF  }
0xae: {  	[dreg:$0x0] =	wrdreg $0x60  }
0xaf: {  	[dreg:$0x2] =	wrdreg s23  }
0xb0: {  	[dreg:$0x3] =	wrdreg s1  }
0xb1: {  	[dreg:$0x4] =	wrdreg s24  }
0xb2: {  	[dreg:$0x5] =	wrdreg $0x9  }
0xb3: {  	_ =	task.clear_ibuf [dreg:s6], $0x6FFFF;
	_ =	strace $0x90000046  }
0xb4: {  	s29 =	simm.s32 $0x9;
	_ =	strace $0x80000048  }
0xb5: {  	_ =	swait.ge [sflag:s29], $0x1  }
0xb6: {  	[sflag:s29] =	ssyncadd.s32 $0xFFFFFFFF  }
0xb7: {  	_ =	strace $0x90000048  }
0xb8: {  	_ =	sfence  }
0xb9: {  	s30 =	sld [smem:$0x0];
	_ =	sdelay $0x2  }
0xba: {  	s31 =	sshll.u32 s1, $0xD;
	s1 =	sshrl.u32 s1, $0x2  }
0xbb: {  	s3 =	sand.u32 $0x4000, s31;
	s1 =	sadd.s32 s1, s30  }
0xbc: {  	s0 =	sor.u32 s3, s0;
	s1 =	sshll.u32 s1, $0x11  }
0xbd: {  	s0 =	sor.u32 s1, s0  }
0xbe: {  	s0 =	sadd.s32 $0x8F2B, s0  }
0xbf: {  	[sflag:s0] =	ssyncadd.remote.s32 $0x1  }
0xc0: {  	_ =	sfence.sel $0xFFFF  }
0xc1: {  	[dreg:$0x0] =	wrdreg $0xFFFFFFFF;
	(pc) =	sbr.abs _section_cstart, $3  }
0xc2: {  	[dreg:$0x1] =	wrdreg $0xFFFFFFFF  }
0xc3: {  	_ =	task.clear_ibuf [dreg:s6], $0x2FFFF;
	_ =	strace $0x9FFFFFFF  }
0xc4: {  	(tm) =	ssettm $0x7FFFFFFF  }
0xc5: {  	_ =	shalt  }
tec
execute0_lowered:
.L_overlay_start_1:
0x0: {  	(tag) =	ssettag $0x1  }
0x1: {  	s2 =	rddreg [dreg:$0x0]  }
0x2: {  	s3 =	rddreg [dreg:$0x1];
	_ =	strace $0x80000047;
	s0 =	simm.s32 $0x1  }
0x3: {  	s5 =	simm.s32 $0x208;
	v0 =	vimm.s32 $0x0;
	[sflag:s0] =	ssyncpa.u1 $0x0  }
0x4: {  	[tilespmem:s5+$0x70] =	vst v0  }
0x5: {  	[tilespmem:s5+$0x60] =	vst v0  }
0x6: {  	[tilespmem:s5+$0x50] =	vst v0  }
0x7: {  	[tilespmem:s5+$0x40] =	vst v0  }
0x8: {  	[tilespmem:s5+$0x30] =	vst v0  }
0x9: {  	s1 =	sadd.s32 $0xC8200, s2;
	s0 =	sadd.s32 $0xC6E00, s2;
	s6 =	sadd.s32 $0xB68200, s2;
	[tilespmem:s5+$0x20] =	vst v0  }
0xa: {  	s4 =	sadd.s32 $0xC7800, s2;
	s10 =	sand.u32 $0x1, s3;
	s2 =	simm.s32 $0x40;
	[tilespmem:s5+$0x10] =	vst v0  }
.LBB2_1:
0xb: {  	s2 =	sadd.s32 $0x40, s2;
	[tilespmem:s5+$0x0] =	vst v0;
	s5 =	sadd.s32 $0x80, s5  }
0xc: {  	p0 =	slt.u32 s2, $0x3880;
	[tilespmem:s5+$0x70] =	vst v0  }
0xd: {  	[tilespmem:s5+$0x60] =	vst v0  }
.Ltmp0:
0xe: {  	[tilespmem:s5+$0x50] =	vst v0;
	(pc) =	sbr.rel @p0 .LBB2_1-.Ltmp0, $4  }
0xf: {  	[tilespmem:s5+$0x40] =	vst v0  }
0x10: {  	[tilespmem:s5+$0x30] =	vst v0  }
0x11: {  	[tilespmem:s5+$0x20] =	vst v0  }
0x12: {  	[tilespmem:s5+$0x10] =	vst v0  }
0x13: {  	s11 =	stileid.u32  }
0x14: {  	s2 =	smul.u32 $0x5, s11  }
0x15: {  	s3 =	smin.u32 s11, $0xC  }
0x16: {  	s2 =	sadd.s32 s3, s2  }
0x17: {  	p0 =	slt.u32 s11, $0xC;
	s20 =	smul.u32 $0x70, s2;
	s2 =	simm.s32 $0x2A0  }
0x18: {  	s2 =	simm.s32 @!p0 $0x230  }
0x19: {  	s2 =	sadd.s32 s2, s20  }
0x1a: {  	s8 =	smin.u32 s2, $0x2800  }
0x1b: {  	s2 =	ssub.s32 s8, s20  }
0x1c: {  	p0 =	sgt.s32 s2, $0x0  }
0x1d: {  	s26 =	simm.s32 $0x2;
	s2 =	simm.s32 @!p0 $0x0  }
0x1e: {  	s9 =	simm.s32 $0x9;
	s29 =	simm.s32 $0xA;
	s25 =	sand.u32 $0xFFF0, s2  }
0x1f: {  	s30 =	simm.s32 $0xB;
	s31 =	smul.u32 $0x500, s10;
	s3 =	sshrl.u32 s25, $0x4  }
0x20: {  	[dreg:$0x4] =	wrdreg s10;
	s12 =	simm.s32 $0x1;
	s3 =	smul.u32 $0x2493, s3  }
0x21: {  	s24 =	simm.s32 $0x0;
	p1 =	por $0x0, $0x0;
	s18 =	simm.s32 $0x80  }
0x22: {  	s19 =	simm.s32 $0x400;
	s17 =	simm.s32 $0xC;
	s3 =	sshrl.u32 s3, $0x10  }
0x23: {  	s21 =	simm.s32 $0x0;
	s23 =	simm.s32 $0x0;
	s28 =	smul.u32 $0x70, s3  }
.Ltmp1:
0x24: {  	[tilespmem:s5+$0x0] =	vst v0;
	v0 =	vimm.s32 $0xFFFFFFFF;
	[sflag:s26] =	ssyncpa.u1 $0x0;
	s16 =	sshll.u32 s11, $0x9;
	(pc) =	sbr.rel .LBB2_3-.Ltmp1, $4  }
0x25: {  	[tilespmem:$0xE408] =	vst v0;
	[sflag:s9] =	ssyncpa.u1 $0x0;
	p0 =	sne.s32 s2, s28;
	s2 =	simm.s32 $0x1  }
0x26: {  	s14 =	sadd.s32 s31, s4;
	[sflag:s29] =	ssyncpa.u1 $0x0;
	s2 =	simm.s32 @!p0 $0x0  }
0x27: {  	s15 =	sadd.s32 s31, s0;
	[sflag:s30] =	ssyncpa.u1 $0x0;
	s13 =	sadd.s32 s3, s2  }
0x28: {  	v0 =	vlaneseq.u32;
	s22 =	smov.u32 s20;
	p0 =	por $0x1, $0x1;
	s11 =	sadd.s32 $0x1, s13  }
.LBB2_24:
0x29: {  	s2 =	sshrl.u32 s4, $0x2  }
.LBB2_26:
0x2a: {  	_ =	swait.ge [sflag:s17], s2  }
0x2b: {  	s31 =	ssub.s32 $0x0, s2;
	v1 =	vmov s26;
	vm0 =	veq.s32 v0, $0x0;
	[sflag:s17] =	ssyncset.done $0x0  }
0x2c: {  	vm15 =	veq.s32 v0, $0x2;
	v1 =	vsel vm0, s0, v1;
	[sflag:s17] =	ssyncadd.s32 s31  }
0x2d: {  	v1 =	vsel vm15, s24, v1;
	[sflag:s17] =	ssyncpa.u1 $0x1  }
0x2e: {  	[tilespmem:$0xE408] =	vst v1  }
.LBB2_27:
0x2f: {  	s0 =	sadd.s32 $0x70, s22  }
0x30: {  	s2 =	smov.u32 s20;
	p2 =	slt.s32 s0, s8  }
0x31: {  	s2 =	smov.u32 @p2 s0;
	p2 =	sne.s32 s23, s11  }
.Ltmp2:
0x32: {  	_ = 	snop;
	(pc) =	sbr.rel @!p2 .LBB2_28-.Ltmp2, $4  }
0x33: {  	_ = 	snop  }
0x34: {  	s24 =	smov.u32 s21  }
0x35: {  	s31 =	sadd.s32 $0x1, s23;
	s21 =	smov.u32 s22;
	p0 =	por !p0, !p0  }
0x36: {  	p1 =	por !p1, !p1;
	s23 =	smov.u32 s31;
	s22 =	smov.u32 s2  }
.LBB2_3:
0x37: {  	p2 =	sge.u32 s23, s13  }
0x38: {  	s0 =	smulhi.u32 @!p2 $0xAAAAAAAB, s23  }
0x39: {  	s2 =	smov.u32 s22;
	p3 =	sgt.s32 @!p2 s22, $0x2790  }
0x3a: {  	s3 =	sshra.s32 @!p2 s22, $0x1F;
	p3 =	por !p3, p2;
	s0 =	sshrl.u32 @!p2 s0, $0x1  }
0x3b: {  	s3 =	sand.u32 @!p2 s3, s22;
	s2 =	simm.s32 @p3 $0x2790;
	s0 =	smul.u32 @!p2 $0x3, s0  }
0x3c: {  	s2 =	ssub.s32 @!p2 s2, s3  }
0x3d: {  	s2 =	sadd.s32 @!p2 $0xFFFFD870, s2;
	s0 =	ssub.s32 @!p2 s23, s0  }
0x3e: {  	s3 =	sshll.u32 @!p2 s2, $0x2;
	p3 =	sgt.s32 @!p2 s2, $0x6F;
	s0 =	smul.u32 @!p2 $0x1C0, s0  }
0x3f: {  	s4 =	sand.u32 @!p2 $0x7, s22;
	s2 =	ssub.s32 @!p2 $0x1C0, s3;
	p3 =	por !p3, p2  }
0x40: {  	s3 =	sshrl.u32 @!p2 s22, $0x3;
	s2 =	sshrl.u32 @!p2 s2, $0x2;
	s0 =	sshrl.u32 @!p2 s0, $0x2  }
0x41: {  	s3 =	sadd.s32 @!p2 s3, s14;
	s2 =	simm.s32 @!p3 $0x0;
	s0 =	sadd.s32 @!p2 $0x10448, s0  }
0x42: {  	[tilespmem:s0], [sflag:$0xA] =	stream.linear.gather @!p2 [hbm4b:s3+s4], s2, $0x38;
	[tilespmem:$0x1E678] =	vst v63  }
0x43: {  	s2 =	sadd.s32 $0xFFFFFFFF, s23  }
0x44: {  	p2 =	sge.u32 s2, s13  }
0x45: {  	p3 =	sgt.s32 @!p2 s21, $0x2790  }
0x46: {  	s0 =	smov.u32 s21;
	s3 =	sshra.s32 @!p2 s21, $0x1F;
	p3 =	por !p3, p2  }
0x47: {  	s3 =	sand.u32 @!p2 s3, s21;
	s0 =	simm.s32 @p3 $0x2790  }
0x48: {  	s0 =	ssub.s32 @!p2 s0, s3  }
0x49: {  	s0 =	sadd.s32 @!p2 $0xFFFFD870, s0  }
0x4a: {  	s3 =	sshll.u32 @!p2 s0, $0x2  }
0x4b: {  	p3 =	sgt.s32 @!p2 s0, $0x6F;
	s0 =	ssub.s32 @!p2 $0x1C0, s3  }
0x4c: {  	p3 =	por !p3, p2;
	s0 =	sshrl.u32 @!p2 s0, $0x2  }
0x4d: {  	s4 =	simm.s32 @!p2 $0xA;
	s3 =	sand.u32 @!p2 $0x1, s2;
	s0 =	simm.s32 @!p3 $0x0  }
0x4e: {  	s3 =	smul.u32 @!p2 $0x1C0, s3;
	_ =	swait.ge @!p2 [sflag:s4], s0  }
0x4f: {  	s5 =	ssub.s32 @!p2 $0x0, s0;
	[sflag:s4] =	ssyncset.done @!p2 $0x0  }
0x50: {  	s3 =	sshrl.u32 @!p2 s3, $0x2;
	[sflag:s4] =	ssyncadd.s32 @!p2 s5;
	s4 =	sshrl.u32 @!p2 s21, $0x3  }
0x51: {  	s3 =	sadd.s32 @!p2 $0x10598, s3;
	s5 =	sand.u32 @!p2 $0x7, s21;
	s4 =	sadd.s32 @!p2 s4, s15  }
0x52: {  	[tilespmem:s3], [sflag:$0xB] =	stream.linear.gather @!p2 [hbm4b:s4+s5], s0, $0x38;
	[tilespmem:$0x1E678] =	vst v63  }
0x53: {  	s0 =	ssub.s32 @!p2 $0x2800, s21  }
0x54: {  	p3 =	slt.s32 @!p2 s0, $0x1  }
0x55: {  	p3 =	por p2, p3  }
.Ltmp3:
0x56: {  	_ = 	snop;
	(pc) =	sbr.rel @p3 .LBB2_9-.Ltmp3, $1  }
0x57: {  	_ =	sdelay $0x3  }
0x58: {  	s3 =	smulhi.u32 $0xAAAAAAAB, s2;
	_ =	sdelay $0x1  }
0x59: {  	s3 =	sshrl.u32 s3, $0x1  }
0x5a: {  	s3 =	smul.u32 $0x3, s3;
	_ =	sdelay $0x1  }
0x5b: {  	s30 =	ssub.s32 s2, s3  }
0x5c: {  	s4 =	simm.s32 $0x1;
	s2 =	smul.u32 $0x1C0, s30  }
.Ltmp4:
0x5d: {  	s4 =	simm.s32 @!p0 $0x0;
	(pc) =	sbr.rel .LBB2_6-.Ltmp4, $4  }
0x5e: {  	s31 =	smul.u32 $0x1C000, s4  }
0x5f: {  	p3 =	slt.s32 @!p2 s0, $0x70;
	s2 =	sshrl.u32 s2, $0x2  }
0x60: {  	p2 =	por !p3, p2;
	s3 =	sshrl.u32 s31, $0x2;
	s5 =	sadd.s32 $0x10448, s2  }
0x61: {  	s0 =	simm.s32 @p2 $0x70;
	s4 =	sor.u32 $0x10678, s3;
	s2 =	simm.s32 $0x0;
	v1 =	vmov s5  }
.LBB2_5:
0x62: {  	p2 =	sge.s32 s2, s0  }
.Ltmp5:
0x63: {  	_ = 	snop;
	(pc) =	sbr.rel @p2 .LBB2_9-.Ltmp5, $2  }
0x64: {  	_ =	sdelay $0x2  }
0x65: {  	s4 =	sadd.s32 $0x1000, s4  }
.LBB2_6:
0x66: {  	p2 =	sle.s32 s0, s2  }
.Ltmp6:
0x67: {  	_ = 	snop;
	(pc) =	sbr.rel @p2 .LBB2_5-.Ltmp6, $2  }
0x68: {  	_ =	sdelay $0x2  }
0x69: {  	s5 =	smov.u32 s2;
	s2 =	sadd.s32 $0x10, s2  }
0x6a: {  	s3 =	ssub.s32 s0, s5  }
0x6b: {  	p2 =	slt.s32 s3, $0x10  }
0x6c: {  	s3 =	simm.s32 @!p2 $0x10  }
0x6d: {  	v2 =	vmov s3  }
0x6e: {  	vm0 =	vgt.s32 v2, v0;
	_ =	sdelay $0x5  }
0x6f: {  	v2 =	vld.idx.msk [tilespmem:v1+s5+$0x0 ss:$0x1], vm0;
	_ =	sdelay $0x2  }
0x70: {  	p2 =	slt.s32 s2, s0;
	s3 =	smov.u32 s0  }
0x71: {  	s9 =	smov.u32 s4;
	s25 =	simm.s32 $0x0;
	s3 =	smov.u32 @p2 s2  }
.LBB2_8:
0x72: {  	(v2sf) =	vpush v2, s25;
	_ =	sdelay $0xe  }
0x73: {  	s25 =	sadd.s32 $0x1, s25;
	s10 =	spop (v2sf)  }
0x74: {  	s31 =	sadd.s32 s25, s5;
	s26 =	sshll.u32 s10, $0x8;
	s10 =	sshll.u32 s10, $0x7  }
0x75: {  	p2 =	slt.s32 s31, s3;
	s26 =	sand.u32 $0xFFFFF800, s26;
	s10 =	sand.u32 $0x380, s10  }
.Ltmp7:
0x76: {  	s10 =	sor.u32 s10, s26;
	(pc) =	sbr.rel @p2 .LBB2_8-.Ltmp7, $4  }
0x77: {  	s10 =	sshrl.u32 s10, $0x3  }
0x78: {  	s10 =	sadd.s32 s6, s10  }
0x79: {  	[tilespmem:s9], [sflag:$0x9] =	stream.strided.gather [hbm4b:s10+s18], $0x100, s19, s18, $0x38;
	[tilespmem:$0x1E678] =	vst v63  }
0x7a: {  	s9 =	sadd.s32 $0x100, s9  }
.Ltmp8:
0x7b: {  	_ = 	snop;
	(pc) =	sbr.rel .LBB2_5-.Ltmp8, $1  }
0x7c: {  	_ =	sdelay $0x3  }
.LBB2_9:
0x7d: {  	p2 =	slt.u32 s23, $0x2  }
.Ltmp9:
0x7e: {  	_ = 	snop;
	(pc) =	sbr.rel @p2 .LBB2_27-.Ltmp9, $1  }
0x7f: {  	_ =	sdelay $0x3  }
0x80: {  	p2 =	sgt.s32 s24, $0x2790  }
0x81: {  	s0 =	smov.u32 s24;
	s2 =	sshra.s32 s24, $0x1F;
	s3 =	ssub.s32 $0x2800, s24  }
0x82: {  	s0 =	simm.s32 @!p2 $0x2790;
	s2 =	sand.u32 s2, s24;
	p2 =	slt.s32 s3, $0x70  }
0x83: {  	s0 =	ssub.s32 s0, s2;
	s3 =	simm.s32 @!p2 $0x70  }
0x84: {  	s0 =	sadd.s32 $0xFFFFD870, s0;
	s9 =	sshll.u32 s3, $0x8  }
0x85: {  	s26 =	simm.s32 $0x9;
	s10 =	sshll.u32 s0, $0x2;
	s2 =	sand.u32 $0x3FFFFF00, s9  }
0x86: {  	p2 =	sgt.s32 s0, $0x6F;
	s25 =	ssub.s32 $0x1C0, s10;
	_ =	swait.ge [sflag:s26], s2  }
0x87: {  	s2 =	ssub.s32 $0x0, s2;
	[sflag:s26] =	ssyncset.done $0x0;
	s0 =	sshrl.u32 s25, $0x2  }
0x88: {  	s29 =	simm.s32 $0xB;
	[sflag:s26] =	ssyncadd.s32 s2;
	s0 =	simm.s32 @p2 $0x0  }
0x89: {  	_ =	swait.ge [sflag:s29], s0  }
0x8a: {  	s0 =	ssub.s32 $0x0, s0;
	[sflag:s29] =	ssyncset.done $0x0  }
0x8b: {  	[sflag:s29] =	ssyncadd.s32 s0  }
0x8c: {  	v1 =	vld [tilespmem:$0xE408];
	_ =	sdelay $0x4  }
0x8d: {  	(v2sf) =	vpush v1, $0x0  }
0x8e: {  	(v2sf) =	vpush v1, $0x1  }
0x8f: {  	(v2sf) =	vpush v1, $0x2;
	_ =	sdelay $0x3  }
0x90: {  	s0 =	sadd.s32 $0x70, s24  }
0x91: {  	s2 =	ssub.s32 $0x5000, s24;
	p2 =	slt.s32 s8, s0  }
0x92: {  	s0 =	smov.u32 @p2 s8;
	p2 =	sgt.s32 s2, $0x0  }
0x93: {  	s0 =	ssub.s32 s0, s24;
	s2 =	simm.s32 @!p2 $0x0  }
0x94: {  	p2 =	slt.s32 s2, s0  }
0x95: {  	s0 =	smov.u32 @p2 s2  }
0x96: {  	s4 =	simm.s32 $0x1;
	p2 =	slt.s32 s0, $0x1  }
.Ltmp10:
0x97: {  	s4 =	simm.s32 @!p1 $0x0;
	(pc) =	sbr.rel @p2 .LBB2_14-.Ltmp10, $4  }
0x98: {  	s30 =	smul.u32 $0x1C0, s4  }
0x99: {  	s5 =	spop (v2sf)  }
0x9a: {  	s31 =	sshrl.u32 s30, $0x2;
	s28 =	spop (v2sf)  }
0x9b: {  	s25 =	sadd.s32 $0x10598, s31;
	s24 =	spop (v2sf)  }
0x9c: {  	s2 =	smin.u32 s0, $0x10  }
0x9d: {  	v1 =	vmov s2  }
0x9e: {  	vm1 =	vgt.u32 v1, v0  }
0x9f: {  	p3 =	sgt.s32 s0, $0x10  }
.Ltmp11:
0xa0: {  	_ = 	snop;
	(pc) =	sbr.rel @!p3 .LBB2_13-.Ltmp11, $2  }
0xa1: {  	_ =	sdelay $0x2  }
0xa2: {  	s26 =	simm.s32 $0x10;
	s29 =	sadd.s32 $0xFFFFFFF0, s0;
	s2 =	smov.u32 s25;
	vm0 =	vmmov vm1;
	v1 =	vld.msk [tilespmem:s25+$0x0 ss:$0x1], vm1  }
.LBB2_12:
0xa3: {  	s3 =	smin.u32 s29, $0x10;
	s26 =	sadd.s32 $0x10, s26  }
0xa4: {  	v2 =	vmov s3;
	p3 =	slt.s32 s26, s0  }
0xa5: {  	vm1 =	vgt.u32 v2, v0;
	_ =	sdelay $0x1  }
0xa6: {  	v2 =	vshll.u32 v1, $0x5;
	v1 =	vshll.u32 v1, $0x4  }
.Ltmp12:
0xa7: {  	v2 =	vand.u32 $0xFFFFFF00, v2;
	v1 =	vand.u32 $0x70, v1;
	(pc) =	sbr.rel @p3 .LBB2_12-.Ltmp12, $4  }
0xa8: {  	v1 =	vor.u32 v1, v2  }
0xa9: {  	[tilespmem:s2+$0x0] =	vst.msk vm0, v1;
	s2 =	sadd.s32 $0x10, s2;
	vm0 =	vmmov vm1  }
0xaa: {  	v1 =	vld.msk [tilespmem:s2+$0x0 ss:$0x1], vm1  }
0xab: {  	s29 =	sadd.s32 $0xFFFFFFF0, s29  }
.LBB2_13:
0xac: {  	_ =	sdelay $0x3  }
0xad: {  	v2 =	vshll.u32 v1, $0x5;
	v1 =	vshll.u32 v1, $0x4  }
0xae: {  	v2 =	vand.u32 $0xFFFFFF00, v2;
	v1 =	vand.u32 $0x70, v1  }
0xaf: {  	v1 =	vor.u32 v1, v2  }
0xb0: {  	[tilespmem:s2+$0x0] =	vst.msk vm0, v1  }
.LBB2_14:
0xb1: {  	s2 =	sand.u32 $0x1, s23  }
0xb2: {  	s2 =	smul.u32 $0x70, s2  }
0xb3: {  	p3 =	sne.s32 s28, $0xFFFFFFFF  }
0xb4: {  	v1 =	vld.msk @!p3 [tilespmem:s2+$0x10598], $0x1;
	_ =	sdelay $0x4  }
0xb5: {  	(v2sf) =	vpush @!p3 v1, $0x0;
	_ =	sdelay $0xc  }
.Ltmp13:
0xb6: {  	_ = 	snop;
	(pc) =	sbr.rel @p2 .LBB2_25-.Ltmp13, $4  }
0xb7: {  	_ = 	snop  }
0xb8: {  	s31 =	spop @!p3 (v2sf)  }
0xb9: {  	s24 =	simm.s32 @!p3 $0x0;
	s26 =	smov.u32 s31  }
0xba: {  	[sflag:s17] =	ssyncpa.u1 $0x0;
	s31 =	smov.u32 @p3 s5;
	s26 =	smov.u32 @p3 s28  }
0xbb: {  	v1 =	vld.msk [tilespmem:s25+$0x0], $0x1;
	_ =	sdelay $0x4  }
0xbc: {  	(v2sf) =	vpush v1, $0x0;
	_ =	sdelay $0xe  }
0xbd: {  	s7 =	smov.u32 s11;
	s5 =	spop (v2sf)  }
0xbe: {  	s17 =	smov.u32 s15;
	s2 =	smul.u32 $0x1C000, s4;
	p2 =	seq.s32 s31, s5  }
0xbf: {  	s3 =	smov.u32 s31;
	s29 =	ssub.s32 $0x0, s0;
	p3 =	sgt.s32 @!p2 s31, $0x0  }
0xc0: {  	s30 =	simm.s32 $0x0;
	s2 =	sshrl.u32 s2, $0x2;
	p3 =	por !p3, p2  }
0xc1: {  	s0 =	sadd.s32 $0x1, s29;
	s28 =	sor.u32 $0x106F8, s2;
	s3 =	simm.s32 @p3 $0x0  }
0xc2: {  	s2 =	simm.s32 @!p2 $0x1;
	p3 =	seq.s32 s0, $0x0;
	s3 =	smin.u32 @!p2 s3, $0x7F70  }
.Ltmp14:
0xc3: {  	s4 =	simm.s32 @!p2 $0x7308;
	s9 =	sand.u32 @!p2 $0x7FF8, s3;
	(pc) =	sbr.rel @p3 .LBB2_17-.Ltmp14, $4  }
0xc4: {  	s10 =	sadd.s32 @!p2 $0x80, s3;
	s11 =	sadd.s32 @!p2 s1, s9;
	s9 =	sand.u32 @!p2 $0x7, s3  }
0xc5: {  	[tilespmem:s4], [sflag:$0x2] =	stream.linear.gather @!p2 [hbm4b:s11+s9], $0x80, $0x38;
	[tilespmem:$0x1E678] =	vst v63  }
0xc6: {  	s15 =	smov.u32 s14;
	s2 =	smov.u32 @p2 s30;
	s4 =	sand.u32 @!p2 $0xFFF8, s10  }
0xc7: {  	s3 =	simm.s32 @!p2 $0x7388;
	s10 =	sadd.s32 @!p2 s1, s4;
	s4 =	sadd.s32 $0x1, s25  }
.LBB2_16:
0xc8: {  	s11 =	smov.u32 s2  }
0xc9: {  	[tilespmem:s3], [sflag:$0x2] =	stream.linear.gather @!p2 [hbm4b:s10+s9], $0x80, $0x38;
	[tilespmem:$0x1E678] =	vst v63  }
0xca: {  	s0 =	sadd.s32 $0x1, s0;
	s9 =	smov.u32 s5;
	v1 =	vld.msk [tilespmem:s4+$0x0], $0x1  }
0xcb: {  	p3 =	seq.s32 s0, $0x0;
	_ =	sdelay $0x3  }
0xcc: {  	(v2sf) =	vpush v1, $0x0;
	_ =	sdelay $0xe  }
0xcd: {  	s5 =	spop (v2sf)  }
0xce: {  	p2 =	seq.s32 s9, s5  }
0xcf: {  	p4 =	sgt.s32 @!p2 s9, $0x0;
	s3 =	sshll.u32 @!p2 s2, $0xA;
	s2 =	sadd.s32 @!p2 $0x1, s2  }
0xd0: {  	p4 =	por !p4, p2;
	s3 =	sshra.s32 @!p2 s3, $0x2;
	s2 =	smov.u32 @p2 s11  }
0xd1: {  	s9 =	simm.s32 @p4 $0x0;
	s10 =	sadd.s32 @!p2 $0x7308, s3;
	s3 =	sadd.s32 @!p2 $0x7388, s3  }
.Ltmp15:
0xd2: {  	s9 =	smin.u32 @!p2 s9, $0x7F70;
	(pc) =	sbr.rel @!p3 .LBB2_16-.Ltmp15, $4  }
0xd3: {  	s11 =	sand.u32 @!p2 $0x7FF8, s9;
	s14 =	sadd.s32 @!p2 $0x80, s9  }
0xd4: {  	s9 =	sand.u32 @!p2 $0x7, s9;
	s11 =	sadd.s32 @!p2 s1, s11;
	s14 =	sand.u32 @!p2 $0xFFF8, s14  }
0xd5: {  	[tilespmem:s10], [sflag:$0x2] =	stream.linear.gather @!p2 [hbm4b:s11+s9], $0x80, $0x38;
	[tilespmem:$0x1E678] =	vst v63  }
0xd6: {  	s4 =	sadd.s32 $0x1, s4;
	s10 =	sadd.s32 @!p2 s1, s14  }
.LBB2_17:
0xd7: {  	[tilespmem:s3], [sflag:$0x2] =	stream.linear.gather @!p2 [hbm4b:s10+s9], $0x80, $0x38;
	[tilespmem:$0x1E678] =	vst v63  }
0xd8: {  	s0 =	sshll.u32 s2, $0x8  }
.Ltmp16:
0xd9: {  	s14 =	simm.s32 $0x2;
	s0 =	sand.u32 $0x3FFFFF00, s0;
	(pc) =	sbr.rel .LBB2_18-.Ltmp16, $4  }
0xda: {  	_ =	swait.ge [sflag:s14], s0  }
0xdb: {  	s0 =	ssub.s32 $0x0, s0;
	[sflag:s14] =	ssyncset.done $0x0  }
0xdc: {  	s4 =	simm.s32 $0x0;
	s11 =	smov.u32 s7;
	[sflag:s14] =	ssyncadd.s32 s0  }
0xdd: {  	s14 =	smov.u32 s15;
	s15 =	smov.u32 s17;
	s17 =	simm.s32 $0xC  }
.LBB2_19:
0xde: {  	v1 =	vld [tilespmem:s28+$0xFFFFFF80];
	_ =	sdelay $0x4  }
0xdf: {  	[tilespmem:s5+$0x208] =	vst.add.f32.msk $0xffff, v1  }
0xe0: {  	v1 =	vld [tilespmem:s28+$0xFFFFFF90];
	_ =	sdelay $0x4  }
0xe1: {  	[tilespmem:s5+$0x218] =	vst.add.f32.msk $0xffff, v1  }
0xe2: {  	v1 =	vld [tilespmem:s28+$0xFFFFFFA0];
	_ =	sdelay $0x4  }
0xe3: {  	[tilespmem:s5+$0x228] =	vst.add.f32.msk $0xffff, v1  }
0xe4: {  	v1 =	vld [tilespmem:s28+$0xFFFFFFB0];
	_ =	sdelay $0x4  }
0xe5: {  	[tilespmem:s5+$0x238] =	vst.add.f32.msk $0xffff, v1  }
0xe6: {  	v1 =	vld [tilespmem:s28+$0xFFFFFFC0];
	_ =	sdelay $0x4  }
0xe7: {  	[tilespmem:s5+$0x248] =	vst.add.f32.msk $0xffff, v1  }
0xe8: {  	v1 =	vld [tilespmem:s28+$0xFFFFFFD0];
	_ =	sdelay $0x4  }
0xe9: {  	[tilespmem:s5+$0x258] =	vst.add.f32.msk $0xffff, v1  }
0xea: {  	v1 =	vld [tilespmem:s28+$0xFFFFFFE0];
	_ =	sdelay $0x4  }
0xeb: {  	[tilespmem:s5+$0x268] =	vst.add.f32.msk $0xffff, v1  }
0xec: {  	v1 =	vld [tilespmem:s28+$0xFFFFFFF0];
	_ =	sdelay $0x4  }
0xed: {  	[tilespmem:s5+$0x278] =	vst.add.f32.msk $0xffff, v1  }
0xee: {  	v1 =	vld [tilespmem:s28+$0x0];
	_ =	sdelay $0x4  }
0xef: {  	[tilespmem:s5+$0x288] =	vst.add.f32.msk $0xffff, v1  }
0xf0: {  	v1 =	vld [tilespmem:s28+$0x10];
	_ =	sdelay $0x4  }
0xf1: {  	[tilespmem:s5+$0x298] =	vst.add.f32.msk $0xffff, v1  }
0xf2: {  	v1 =	vld [tilespmem:s28+$0x20];
	_ =	sdelay $0x4  }
0xf3: {  	[tilespmem:s5+$0x2A8] =	vst.add.f32.msk $0xffff, v1  }
0xf4: {  	v1 =	vld [tilespmem:s28+$0x30];
	_ =	sdelay $0x4  }
0xf5: {  	[tilespmem:s5+$0x2B8] =	vst.add.f32.msk $0xffff, v1  }
0xf6: {  	v1 =	vld [tilespmem:s28+$0x40];
	_ =	sdelay $0x4  }
0xf7: {  	[tilespmem:s5+$0x2C8] =	vst.add.f32.msk $0xffff, v1  }
0xf8: {  	v1 =	vld [tilespmem:s28+$0x50];
	_ =	sdelay $0x4  }
0xf9: {  	[tilespmem:s5+$0x2D8] =	vst.add.f32.msk $0xffff, v1  }
0xfa: {  	v1 =	vld [tilespmem:s28+$0x60];
	_ =	sdelay $0x4  }
0xfb: {  	[tilespmem:s5+$0x2E8] =	vst.add.f32.msk $0xffff, v1  }
0xfc: {  	v1 =	vld [tilespmem:s28+$0x70];
	_ =	sdelay $0x4  }
0xfd: {  	[tilespmem:s5+$0x2F8] =	vst.add.f32.msk $0xffff, v1  }
.LBB2_23:
0xfe: {  	s29 =	sadd.s32 $0x1, s29  }
0xff: {  	p2 =	seq.s32 s29, $0x0  }
.Ltmp17:
0x100: {  	_ = 	snop;
	(pc) =	sbr.rel @p2 .LBB2_24-.Ltmp17, $2  }
0x101: {  	_ =	sdelay $0x2  }
0x102: {  	s25 =	sadd.s32 $0x1, s25;
	s28 =	sadd.s32 $0x100, s28;
	s31 =	smov.u32 s0  }
.LBB2_18:
0x103: {  	v1 =	vld.msk [tilespmem:s25+$0x0], $0x1;
	_ =	sdelay $0x4  }
0x104: {  	(v2sf) =	vpush v1, $0x0;
	_ =	sdelay $0xe  }
0x105: {  	s0 =	spop (v2sf)  }
0x106: {  	p2 =	sne.s32 s31, s0  }
.Ltmp18:
0x107: {  	_ = 	snop;
	(pc) =	sbr.rel @!p2 .LBB2_19-.Ltmp18, $3  }
0x108: {  	_ =	sdelay $0x1  }
0x109: {  	s2 =	sshll.u32 s24, $0xA  }
0x10a: {  	s5 =	sshra.s32 s2, $0x2  }
0x10b: {  	p2 =	seq.s32 s31, s26  }
.Ltmp19:
0x10c: {  	_ = 	snop;
	(pc) =	sbr.rel @!p2 .LBB2_21-.Ltmp19, $1  }
0x10d: {  	_ =	sdelay $0x3  }
.Ltmp20:
0x10e: {  	s2 =	sadd.s32 $0x208, s5;
	(pc) =	sbr.rel .LBB2_22-.Ltmp20, $4  }
0x10f: {  	[spmem:s16] =	stream.linear.scatter [tilespmem:s2], [sflag:$0x1], $0x100, $0x38;
	[tilespmem:$0x1E678] =	vst v63  }
0x110: {  	_ =	swait.ge [sflag:s12], $0x100  }
0x111: {  	[sflag:s12] =	ssyncset.done $0x0  }
0x112: {  	[sflag:s12] =	ssyncadd.s32 $0xFFFFFF00  }
.LBB2_21:
0x113: {  	s2 =	sshll.u32 s30, $0xA  }
0x114: {  	s2 =	sshra.s32 s2, $0x2  }
0x115: {  	v1 =	vld [tilespmem:s2+$0x7308];
	_ =	sdelay $0x4  }
0x116: {  	[tilespmem:s5+$0x208] =	vst.add.f32.msk $0xffff, v1  }
0x117: {  	v1 =	vld [tilespmem:s2+$0x7318];
	_ =	sdelay $0x4  }
0x118: {  	[tilespmem:s5+$0x218] =	vst.add.f32.msk $0xffff, v1  }
0x119: {  	v1 =	vld [tilespmem:s2+$0x7328];
	_ =	sdelay $0x4  }
0x11a: {  	[tilespmem:s5+$0x228] =	vst.add.f32.msk $0xffff, v1  }
0x11b: {  	v1 =	vld [tilespmem:s2+$0x7338];
	_ =	sdelay $0x4  }
0x11c: {  	[tilespmem:s5+$0x238] =	vst.add.f32.msk $0xffff, v1  }
0x11d: {  	v1 =	vld [tilespmem:s2+$0x7348];
	_ =	sdelay $0x4  }
0x11e: {  	[tilespmem:s5+$0x248] =	vst.add.f32.msk $0xffff, v1  }
0x11f: {  	v1 =	vld [tilespmem:s2+$0x7358];
	_ =	sdelay $0x4  }
0x120: {  	[tilespmem:s5+$0x258] =	vst.add.f32.msk $0xffff, v1  }
0x121: {  	v1 =	vld [tilespmem:s2+$0x7368];
	_ =	sdelay $0x4  }
0x122: {  	[tilespmem:s5+$0x268] =	vst.add.f32.msk $0xffff, v1  }
0x123: {  	v1 =	vld [tilespmem:s2+$0x7378];
	_ =	sdelay $0x4  }
0x124: {  	[tilespmem:s5+$0x278] =	vst.add.f32.msk $0xffff, v1  }
0x125: {  	v1 =	vld [tilespmem:s2+$0x7388];
	_ =	sdelay $0x4  }
0x126: {  	[tilespmem:s5+$0x288] =	vst.add.f32.msk $0xffff, v1  }
0x127: {  	v1 =	vld [tilespmem:s2+$0x7398];
	_ =	sdelay $0x4  }
0x128: {  	[tilespmem:s5+$0x298] =	vst.add.f32.msk $0xffff, v1  }
0x129: {  	v1 =	vld [tilespmem:s2+$0x73A8];
	_ =	sdelay $0x4  }
0x12a: {  	[tilespmem:s5+$0x2A8] =	vst.add.f32.msk $0xffff, v1  }
0x12b: {  	v1 =	vld [tilespmem:s2+$0x73B8];
	_ =	sdelay $0x4  }
0x12c: {  	[tilespmem:s5+$0x2B8] =	vst.add.f32.msk $0xffff, v1  }
0x12d: {  	v1 =	vld [tilespmem:s2+$0x73C8];
	_ =	sdelay $0x4  }
0x12e: {  	[tilespmem:s5+$0x2C8] =	vst.add.f32.msk $0xffff, v1  }
0x12f: {  	v1 =	vld [tilespmem:s2+$0x73D8];
	_ =	sdelay $0x4  }
0x130: {  	[tilespmem:s5+$0x2D8] =	vst.add.f32.msk $0xffff, v1  }
0x131: {  	v1 =	vld [tilespmem:s2+$0x73E8];
	_ =	sdelay $0x4  }
0x132: {  	[tilespmem:s5+$0x2E8] =	vst.add.f32.msk $0xffff, v1  }
0x133: {  	v1 =	vld [tilespmem:s2+$0x73F8];
	_ =	sdelay $0x2  }
0x134: {  	p2 =	sgt.u32 s31, $0x7F70  }
0x135: {  	s2 =	sand.u32 @!p2 $0x7FF8, s31  }
0x136: {  	s3 =	sadd.s32 $0x208, s5;
	s9 =	sand.u32 @!p2 $0x7, s31;
	s2 =	sadd.s32 @!p2 s1, s2;
	[tilespmem:s5+$0x2F8] =	vst.add.f32.msk $0xffff, v1  }
0x137: {  	[hbm4b:s2+s9] =	stream.linear.scatter @!p2 [tilespmem:s3], [sflag:$0xC], $0x80, $0x38;
	[tilespmem:$0x1E678] =	vst v63  }
0x138: {  	s2 =	sadd.s32 @!p2 $0x80, s31  }
0x139: {  	s2 =	sand.u32 @!p2 $0xFFF8, s2  }
0x13a: {  	s3 =	sadd.s32 $0x288, s5;
	s2 =	sadd.s32 @!p2 s1, s2  }
0x13b: {  	[hbm4b:s2+s9] =	stream.linear.scatter @!p2 [tilespmem:s3], [sflag:$0xC], $0x80, $0x38;
	[tilespmem:$0x1E678] =	vst v63  }
0x13c: {  	s2 =	simm.s32 $0x0  }
0x13d: {  	s2 =	simm.s32 @!p2 $0x400  }
0x13e: {  	s4 =	sadd.s32 s2, s4  }
.LBB2_22:
0x13f: {  	s2 =	sadd.s32 $0x1, s24  }
0x140: {  	s3 =	sshrl.u32 s2, $0x4  }
0x141: {  	s3 =	smulhi.u32 $0x24924925, s3  }
0x142: {  	v1 =	vld [tilespmem:s28+$0xFFFFFF80]  }
0x143: {  	s3 =	smul.u32 $0x70, s3;
	_ =	sdelay $0x1  }
0x144: {  	s24 =	ssub.s32 s2, s3  }
0x145: {  	s2 =	sshll.u32 s24, $0x8  }
0x146: {  	[tilespmem:s2+$0x208] =	vst v1  }
0x147: {  	v1 =	vld [tilespmem:s28+$0xFFFFFF90];
	_ =	sdelay $0x4  }
0x148: {  	[tilespmem:s2+$0x218] =	vst v1  }
0x149: {  	v1 =	vld [tilespmem:s28+$0xFFFFFFA0];
	_ =	sdelay $0x4  }
0x14a: {  	[tilespmem:s2+$0x228] =	vst v1  }
0x14b: {  	v1 =	vld [tilespmem:s28+$0xFFFFFFB0];
	_ =	sdelay $0x4  }
0x14c: {  	[tilespmem:s2+$0x238] =	vst v1  }
0x14d: {  	v1 =	vld [tilespmem:s28+$0xFFFFFFC0];
	_ =	sdelay $0x4  }
0x14e: {  	[tilespmem:s2+$0x248] =	vst v1  }
0x14f: {  	v1 =	vld [tilespmem:s28+$0xFFFFFFD0];
	_ =	sdelay $0x4  }
0x150: {  	[tilespmem:s2+$0x258] =	vst v1  }
0x151: {  	v1 =	vld [tilespmem:s28+$0xFFFFFFE0];
	_ =	sdelay $0x4  }
0x152: {  	[tilespmem:s2+$0x268] =	vst v1  }
0x153: {  	v1 =	vld [tilespmem:s28+$0xFFFFFFF0];
	_ =	sdelay $0x4  }
0x154: {  	[tilespmem:s2+$0x278] =	vst v1  }
0x155: {  	v1 =	vld [tilespmem:s28+$0x0];
	_ =	sdelay $0x4  }
0x156: {  	[tilespmem:s2+$0x288] =	vst v1  }
0x157: {  	v1 =	vld [tilespmem:s28+$0x10];
	_ =	sdelay $0x4  }
0x158: {  	[tilespmem:s2+$0x298] =	vst v1  }
0x159: {  	v1 =	vld [tilespmem:s28+$0x20];
	_ =	sdelay $0x4  }
0x15a: {  	[tilespmem:s2+$0x2A8] =	vst v1  }
0x15b: {  	v1 =	vld [tilespmem:s28+$0x30];
	_ =	sdelay $0x4  }
0x15c: {  	[tilespmem:s2+$0x2B8] =	vst v1  }
0x15d: {  	v1 =	vld [tilespmem:s28+$0x40];
	_ =	sdelay $0x4  }
0x15e: {  	[tilespmem:s2+$0x2C8] =	vst v1  }
0x15f: {  	v1 =	vld [tilespmem:s28+$0x50];
	_ =	sdelay $0x4  }
0x160: {  	[tilespmem:s2+$0x2D8] =	vst v1  }
0x161: {  	v1 =	vld [tilespmem:s28+$0x60];
	_ =	sdelay $0x4  }
0x162: {  	[tilespmem:s2+$0x2E8] =	vst v1  }
0x163: {  	v1 =	vld [tilespmem:s28+$0x70]  }
.Ltmp21:
0x164: {  	_ = 	snop;
	(pc) =	sbr.rel .LBB2_23-.Ltmp21, $2  }
0x165: {  	_ =	sdelay $0x2  }
0x166: {  	s30 =	sadd.s32 $0x1, s30;
	[tilespmem:s2+$0x2F8] =	vst v1  }
.LBB2_25:
.Ltmp22:
0x167: {  	(pc) =	sbr.rel .LBB2_26-.Ltmp22, $4  }
0x168: {  	_ = 	snop  }
0x169: {  	s0 =	simm.s32 $0x2  }
0x16a: {  	_ =	swait.ge [sflag:s0], $0x0  }
0x16b: {  	s2 =	simm.s32 $0x0;
	[sflag:s0] =	ssyncset.done $0x0;
	s0 =	smov.u32 s31  }
.LBB2_28:
0x16c: {  	_ =	sfence.sel $0x180000  }
0x16d: {  	s0 =	simm.s32 $0x9;
	[bflag:$0x0] =	sbarrier.arrive $0xFFFF  }
0x16e: {  	s24 =	simm.s32 $0xA;
	[sflag:s0] =	ssyncpa.u1 $0x1  }
0x16f: {  	s25 =	simm.s32 $0xB;
	[sflag:s24] =	ssyncpa.u1 $0x1  }
0x170: {  	s26 =	simm.s32 $0x2;
	[sflag:s25] =	ssyncpa.u1 $0x1  }
0x171: {  	[sflag:s26] =	ssyncpa.u1 $0x1  }
0x172: {  	v0 =	vld [tilespmem:$0xE408];
	_ =	sdelay $0x4  }
0x173: {  	(v2sf) =	vpush v0, $0x0  }
0x174: {  	(v2sf) =	vpush v0, $0x1;
	_ =	sdelay $0x1  }
0x175: {  	(v2sf) =	vpush v0, $0x2;
	_ =	sdelay $0xb  }
0x176: {  	s0 =	spop (v2sf)  }
0x177: {  	s2 =	spop (v2sf)  }
0x178: {  	s3 =	smov.u32 s0;
	p0 =	sne.s32 s0, s2  }
0x179: {  	s4 =	spop (v2sf);
	s3 =	simm.s32 @!p0 $0xFFFFFFFF  }
0x17a: {  	v2 =	vimm.s32 $0x1;
	v3 =	vlaneseq.u32;
	p0 =	seq.s32 s4, $0xFFFFFFFF;
	v1 =	vmov s3  }
0x17b: {  	s15 =	stileid.u32;
	v0 =	vperm.xlane v0, v2;
	p1 =	sne.s32 @!p0 s0, s2;
	v1 =	vperm.xlane v1, v3  }
0x17c: {  	vm0 =	vcmask $0x3F04;
	s6 =	simm.s32 $0xE408;
	s0 =	simm.s32 @!p0 $0x1;
	p1 =	por !p1, p0  }
0x17d: {  	s3 =	sshll.u32 s15, $0x1;
	s2 =	sshll.u32 @!p0 s4, $0xA;
	s0 =	simm.s32 @p1 $0x0;
	v0 =	vsel vm0, v1, v0  }
0x17e: {  	s5 =	sor.u32 $0x2000, s3;
	s2 =	sshra.s32 @!p0 s2, $0x2;
	s0 =	sor.u32 @!p0 s0, s3;
	[tilespmem:$0xE408] =	vst v0  }
0x17f: {  	[spmem:s5] =	stream.linear.scatter [tilespmem:s6], [sflag:$0x1], $0x2, $0x38;
	[tilespmem:$0x1E678] =	vst v63  }
0x180: {  	s2 =	sadd.s32 @!p0 $0x208, s2;
	s0 =	sshll.u32 @!p0 s0, $0x8  }
0x181: {  	[spmem:s0] =	stream.linear.scatter @!p0 [tilespmem:s2], [sflag:$0x1], $0x100, $0x38;
	[tilespmem:$0x1E678] =	vst v63  }
0x182: {  	s0 =	simm.s32 @!p0 $0x102  }
0x183: {  	s28 =	simm.s32 $0x1;
	s0 =	simm.s32 @p0 $0x2  }
0x184: {  	_ =	swait.ge [sflag:s28], s0  }
0x185: {  	s0 =	ssub.s32 $0x0, s0;
	[sflag:s28] =	ssyncset.done $0x0  }
0x186: {  	p0 =	sne.s32 s15, $0x0;
	[sflag:s28] =	ssyncadd.s32 s0  }
.Ltmp23:
0x187: {  	_ =	sfence.stream.spmem;
	(pc) =	sbr.rel @p0 .LBB2_45-.Ltmp23, $4  }
0x188: {  	s29 =	simm.s32 $0x3;
	[bflag:$0x0] =	sbarrier.arrive $0xFFFF  }
0x189: {  	s30 =	simm.s32 $0x4;
	[sflag:s29] =	ssyncpa.u1 $0x1  }
0x18a: {  	s31 =	simm.s32 $0x3C;
	[sflag:s30] =	ssyncpa.u1 $0x1  }
0x18b: {  	s14 =	rddreg [dreg:$0x4];
	[sflag:s31] =	ssyncpa.u1 $0x1  }
0x18c: {  	_ =	sfence.stream.spmem;
	s0 =	simm.s32 $0x5  }
0x18d: {  	s2 =	simm.s32 $0x2000;
	s3 =	simm.s32 $0xE418;
	[sflag:s0] =	ssyncpa.u1 $0x0  }
0x18e: {  	[tilespmem:s3], [sflag:$0x5] =	stream.linear.gather [spmem:s2], $0x20, $0x38;
	[tilespmem:$0x1E678] =	vst v63  }
0x18f: {  	s26 =	simm.s32 $0x0;
	s28 =	simm.s32 $0xE438  }
0x190: {  	[tilespmem:s28], [sflag:$0x5] =	stream.linear.gather [spmem:s26], $0x2000, $0x38;
	[tilespmem:$0x1E678] =	vst v63  }
0x191: {  	_ =	swait.ge [sflag:s0], $0x2020  }
0x192: {  	[sflag:s0] =	ssyncset.done $0x0  }
0x193: {  	s29 =	simm.s32 $0x0;
	[sflag:s0] =	ssyncadd.s32 $0xFFFFDFE0  }
0x194: {  	v0 =	vld.msk [tilespmem:s29+$0xE418], $0x1;
	_ =	sdelay $0x1  }
0x195: {  	s30 =	simm.s32 $0x1  }
0x196: {  	v1 =	vld.msk [tilespmem:s30+$0xE418], $0x1;
	_ =	sdelay $0x1  }
0x197: {  	(v2sf) =	vpush v0, $0x0;
	_ =	sdelay $0x2  }
0x198: {  	(v2sf) =	vpush v1, $0x0;
	_ =	sdelay $0x2  }
0x199: {  	s31 =	simm.s32 $0x2  }
0x19a: {  	v0 =	vld.msk [tilespmem:s31+$0xE418], $0x1;
	_ =	sdelay $0x2  }
0x19b: {  	s2 =	simm.s32 $0xFFFFFFFF;
	s3 =	simm.s32 $0xFFFFFFFF;
	s0 =	simm.s32 $0xC  }
.LBB2_30:
0x19c: {  	s4 =	smov.u32 s3;
	s5 =	smov.u32 s2  }
0x19d: {  	s2 =	sshra.s32 s0, $0x2;
	p1 =	sne.s32 s0, $0x7C;
	s0 =	sadd.s32 $0x4, s0;
	(v2sf) =	vpush v0, $0x0  }
0x19e: {  	v0 =	vld.msk [tilespmem:s2+$0xE418], $0x1  }
.Ltmp24:
0x19f: {  	(pc) =	sbr.rel @p1 .LBB2_30-.Ltmp24, $4  }
0x1a0: {  	s3 =	spop (v2sf)  }
0x1a1: {  	p2 =	sne.s32 s5, $0xFFFFFFFF;
	s2 =	smov.u32 s3  }
0x1a2: {  	p3 =	seq.s32 s3, $0xFFFFFFFF;
	s2 =	smov.u32 @p2 s5  }
0x1a3: {  	s3 =	smov.u32 @p3 s4;
	s2 =	smov.u32 @p3 s5  }
0x1a4: {  	(v2sf) =	vpush v0, $0x0;
	_ =	sdelay $0x8  }
0x1a5: {  	s0 =	spop (v2sf)  }
0x1a6: {  	p1 =	sne.s32 s2, $0xFFFFFFFF;
	s9 =	simm.s32 $0x6;
	s4 =	smov.u32 s0  }
0x1a7: {  	s6 =	simm.s32 $0x0;
	p2 =	seq.s32 s0, $0xFFFFFFFF;
	s4 =	smov.u32 @p1 s2  }
0x1a8: {  	s10 =	simm.s32 $0xE308;
	s4 =	smov.u32 @p2 s2;
	s2 =	spop (v2sf)  }
0x1a9: {  	s0 =	smov.u32 @p2 s3;
	p1 =	sne.s32 s4, $0xFFFFFFFF;
	s5 =	smov.u32 s2  }
.Ltmp25:
0x1aa: {  	p2 =	seq.s32 s2, $0xFFFFFFFF;
	s5 =	smov.u32 @p1 s4;
	(pc) =	sbr.rel .LBB2_32-.Ltmp25, $4  }
0x1ab: {  	s11 =	simm.s32 $0xE388;
	s5 =	smov.u32 @p2 s4;
	s7 =	spop (v2sf)  }
0x1ac: {  	s12 =	simm.s32 $0x0;
	p1 =	sne.s32 s5, $0xFFFFFFFF;
	s8 =	smov.u32 s7  }
0x1ad: {  	s2 =	smov.u32 @p2 s0;
	p2 =	seq.s32 s7, $0xFFFFFFFF;
	s8 =	smov.u32 @p1 s5  }
0x1ae: {  	[sflag:s9] =	ssyncpa.u1 $0x0;
	s7 =	smov.u32 @p2 s2;
	s8 =	smov.u32 @p2 s5  }
.LBB2_38:
0x1af: {  	p1 =	sgt.u32 s0, $0x7F70  }
0x1b0: {  	p2 =	seq.s32 @!p1 s0, s8  }
0x1b1: {  	p1 =	por p1, p2  }
0x1b2: {  	p2 =	sne.s32 @!p1 s0, s7  }
0x1b3: {  	p1 =	por p1, !p2  }
0x1b4: {  	s0 =	sshll.u32 @p1 s12, $0xA  }
0x1b5: {  	s2 =	sand.u32 @!p1 $0x7FF8, s0;
	s3 =	sand.u32 @!p1 $0x7, s0;
	s0 =	sadd.s32 @!p1 $0x80, s0  }
0x1b6: {  	s2 =	sadd.s32 @!p1 s1, s2;
	s0 =	sand.u32 @!p1 $0xFFF8, s0  }
0x1b7: {  	[tilespmem:s10], [sflag:$0x6] =	stream.linear.gather @!p1 [hbm4b:s2+s3], $0x80, $0x38;
	[tilespmem:$0x1E678] =	vst v63  }
0x1b8: {  	s0 =	sadd.s32 @!p1 s1, s0  }
0x1b9: {  	[tilespmem:s11], [sflag:$0x6] =	stream.linear.gather @!p1 [hbm4b:s0+s3], $0x80, $0x38;
	[tilespmem:$0x1E678] =	vst v63  }
0x1ba: {  	_ =	swait.ge @!p1 [sflag:s9], $0x100  }
0x1bb: {  	[sflag:s9] =	ssyncset.done @!p1 $0x0  }
0x1bc: {  	[sflag:s9] =	ssyncadd.s32 @!p1 $0xFFFFFF00  }
0x1bd: {  	v1 =	vld @!p1 [tilespmem:$0xE308];
	_ =	sdelay $0x2  }
0x1be: {  	s0 =	sshll.u32 @!p1 s12, $0xA  }
0x1bf: {  	s2 =	sshrl.u32 @!p1 s0, $0x2  }
0x1c0: {  	[tilespmem:s2+$0xE438] =	vst.add.f32.msk @!p1 $0xffff, v1  }
0x1c1: {  	v1 =	vld @!p1 [tilespmem:$0xE318];
	_ =	sdelay $0x4  }
0x1c2: {  	[tilespmem:s2+$0xE448] =	vst.add.f32.msk @!p1 $0xffff, v1  }
0x1c3: {  	v1 =	vld @!p1 [tilespmem:$0xE328];
	_ =	sdelay $0x4  }
0x1c4: {  	[tilespmem:s2+$0xE458] =	vst.add.f32.msk @!p1 $0xffff, v1  }
0x1c5: {  	v1 =	vld @!p1 [tilespmem:$0xE338];
	_ =	sdelay $0x4  }
0x1c6: {  	[tilespmem:s2+$0xE468] =	vst.add.f32.msk @!p1 $0xffff, v1  }
0x1c7: {  	v1 =	vld @!p1 [tilespmem:$0xE348];
	_ =	sdelay $0x4  }
0x1c8: {  	[tilespmem:s2+$0xE478] =	vst.add.f32.msk @!p1 $0xffff, v1  }
0x1c9: {  	v1 =	vld @!p1 [tilespmem:$0xE358];
	_ =	sdelay $0x4  }
0x1ca: {  	[tilespmem:s2+$0xE488] =	vst.add.f32.msk @!p1 $0xffff, v1  }
0x1cb: {  	v1 =	vld @!p1 [tilespmem:$0xE368];
	_ =	sdelay $0x4  }
0x1cc: {  	[tilespmem:s2+$0xE498] =	vst.add.f32.msk @!p1 $0xffff, v1  }
0x1cd: {  	v1 =	vld @!p1 [tilespmem:$0xE378];
	_ =	sdelay $0x4  }
0x1ce: {  	[tilespmem:s2+$0xE4A8] =	vst.add.f32.msk @!p1 $0xffff, v1  }
0x1cf: {  	v1 =	vld @!p1 [tilespmem:$0xE388];
	_ =	sdelay $0x4  }
0x1d0: {  	[tilespmem:s2+$0xE4B8] =	vst.add.f32.msk @!p1 $0xffff, v1  }
0x1d1: {  	v1 =	vld @!p1 [tilespmem:$0xE398];
	_ =	sdelay $0x4  }
0x1d2: {  	[tilespmem:s2+$0xE4C8] =	vst.add.f32.msk @!p1 $0xffff, v1  }
0x1d3: {  	v1 =	vld @!p1 [tilespmem:$0xE3A8];
	_ =	sdelay $0x4  }
0x1d4: {  	[tilespmem:s2+$0xE4D8] =	vst.add.f32.msk @!p1 $0xffff, v1  }
0x1d5: {  	v1 =	vld @!p1 [tilespmem:$0xE3B8];
	_ =	sdelay $0x4  }
0x1d6: {  	[tilespmem:s2+$0xE4E8] =	vst.add.f32.msk @!p1 $0xffff, v1  }
0x1d7: {  	v1 =	vld @!p1 [tilespmem:$0xE3C8];
	_ =	sdelay $0x4  }
0x1d8: {  	[tilespmem:s2+$0xE4F8] =	vst.add.f32.msk @!p1 $0xffff, v1  }
0x1d9: {  	v1 =	vld @!p1 [tilespmem:$0xE3D8];
	_ =	sdelay $0x4  }
0x1da: {  	[tilespmem:s2+$0xE508] =	vst.add.f32.msk @!p1 $0xffff, v1  }
0x1db: {  	v1 =	vld @!p1 [tilespmem:$0xE3E8];
	_ =	sdelay $0x4  }
0x1dc: {  	[tilespmem:s2+$0xE518] =	vst.add.f32.msk @!p1 $0xffff, v1  }
0x1dd: {  	v1 =	vld @!p1 [tilespmem:$0xE3F8];
	_ =	sdelay $0x4  }
0x1de: {  	[tilespmem:s2+$0xE528] =	vst.add.f32.msk @!p1 $0xffff, v1  }
0x1df: {  	s0 =	sshrl.u32 s0, $0x2;
	[tilespmem:s6+$0xE418] =	vst.msk $0x1, v0  }
0x1e0: {  	v0 =	vld [tilespmem:s0+$0xE438];
	_ =	sdelay $0x2  }
0x1e1: {  	s31 =	sshll.u32 s6, $0xA  }
0x1e2: {  	s2 =	sshra.s32 s31, $0x2  }
0x1e3: {  	[tilespmem:s2+$0xE438] =	vst v0  }
0x1e4: {  	v0 =	vld [tilespmem:s0+$0xE448];
	_ =	sdelay $0x4  }
0x1e5: {  	[tilespmem:s2+$0xE448] =	vst v0  }
0x1e6: {  	v0 =	vld [tilespmem:s0+$0xE458];
	_ =	sdelay $0x4  }
0x1e7: {  	[tilespmem:s2+$0xE458] =	vst v0  }
0x1e8: {  	v0 =	vld [tilespmem:s0+$0xE468];
	_ =	sdelay $0x4  }
0x1e9: {  	[tilespmem:s2+$0xE468] =	vst v0  }
0x1ea: {  	v0 =	vld [tilespmem:s0+$0xE478];
	_ =	sdelay $0x4  }
0x1eb: {  	[tilespmem:s2+$0xE478] =	vst v0  }
0x1ec: {  	v0 =	vld [tilespmem:s0+$0xE488];
	_ =	sdelay $0x4  }
0x1ed: {  	[tilespmem:s2+$0xE488] =	vst v0  }
0x1ee: {  	v0 =	vld [tilespmem:s0+$0xE498];
	_ =	sdelay $0x4  }
0x1ef: {  	[tilespmem:s2+$0xE498] =	vst v0  }
0x1f0: {  	v0 =	vld [tilespmem:s0+$0xE4A8];
	_ =	sdelay $0x4  }
0x1f1: {  	[tilespmem:s2+$0xE4A8] =	vst v0  }
0x1f2: {  	v0 =	vld [tilespmem:s0+$0xE4B8];
	_ =	sdelay $0x4  }
0x1f3: {  	[tilespmem:s2+$0xE4B8] =	vst v0  }
0x1f4: {  	v0 =	vld [tilespmem:s0+$0xE4C8];
	_ =	sdelay $0x4  }
0x1f5: {  	[tilespmem:s2+$0xE4C8] =	vst v0  }
0x1f6: {  	v0 =	vld [tilespmem:s0+$0xE4D8];
	_ =	sdelay $0x4  }
0x1f7: {  	[tilespmem:s2+$0xE4D8] =	vst v0  }
0x1f8: {  	v0 =	vld [tilespmem:s0+$0xE4E8];
	_ =	sdelay $0x4  }
0x1f9: {  	[tilespmem:s2+$0xE4E8] =	vst v0  }
0x1fa: {  	v0 =	vld [tilespmem:s0+$0xE4F8];
	_ =	sdelay $0x4  }
0x1fb: {  	[tilespmem:s2+$0xE4F8] =	vst v0  }
0x1fc: {  	v0 =	vld [tilespmem:s0+$0xE508];
	_ =	sdelay $0x4  }
0x1fd: {  	[tilespmem:s2+$0xE508] =	vst v0  }
0x1fe: {  	v0 =	vld [tilespmem:s0+$0xE518];
	_ =	sdelay $0x4  }
0x1ff: {  	[tilespmem:s2+$0xE518] =	vst v0  }
0x200: {  	v0 =	vld [tilespmem:s0+$0xE528];
	_ =	sdelay $0x4  }
0x201: {  	s6 =	sadd.s32 $0x1, s6;
	[tilespmem:s2+$0xE528] =	vst v0  }
.LBB2_39:
0x202: {  	s12 =	sadd.s32 $0x1, s12  }
0x203: {  	p1 =	sne.s32 s12, $0x20  }
.Ltmp26:
0x204: {  	_ = 	snop;
	(pc) =	sbr.rel @!p1 .LBB2_40-.Ltmp26, $1  }
0x205: {  	_ =	sdelay $0x3  }
.LBB2_32:
0x206: {  	v0 =	vld.msk [tilespmem:s12+$0xE418], $0x1;
	_ =	sdelay $0x4  }
0x207: {  	(v2sf) =	vpush v0, $0x0;
	_ =	sdelay $0xe  }
0x208: {  	s0 =	spop (v2sf)  }
0x209: {  	p1 =	seq.s32 s0, $0xFFFFFFFF  }
.Ltmp27:
0x20a: {  	_ = 	snop;
	(pc) =	sbr.rel @p1 .LBB2_39-.Ltmp27, $1  }
0x20b: {  	_ =	sdelay $0x3  }
0x20c: {  	p1 =	slt.s32 s6, $0x1  }
.Ltmp28:
0x20d: {  	_ = 	snop;
	(pc) =	sbr.rel @p1 .LBB2_38-.Ltmp28, $1  }
0x20e: {  	_ =	sdelay $0x3  }
0x20f: {  	s4 =	simm.s32 $0xE418;
	p1 =	por $0x0, $0x0  }
0x210: {  	v1 =	vld.msk @!p1 [tilespmem:s4+$0x0], $0x1;
	_ =	sdelay $0x4  }
0x211: {  	(v2sf) =	vpush @!p1 v1, $0x0;
	_ =	sdelay $0xd  }
0x212: {  	p3 =	sne.s32 s6, $0x1  }
.Ltmp29:
0x213: {  	s2 =	spop @!p1 (v2sf);
	(pc) =	sbr.rel @!p3 .LBB2_36-.Ltmp29, $4  }
0x214: {  	p2 =	seq.s32 @!p1 s0, s2  }
0x215: {  	s5 =	simm.s32 $0x0;
	p2 =	por !p2, p1  }
0x216: {  	s2 =	simm.s32 $0xFFFFFFFF;
	s5 =	simm.s32 @p2 $0xFFFFFFFF  }
0x217: {  	s13 =	simm.s32 $0x1;
	s5 =	smov.u32 @p1 s2  }
.LBB2_35:
0x218: {  	s2 =	smov.u32 s5;
	p1 =	sne.s32 s5, $0xFFFFFFFF  }
0x219: {  	s4 =	sadd.s32 $0x1, s4;
	s5 =	smov.u32 s13;
	s13 =	sadd.s32 $0x1, s13  }
0x21a: {  	p2 =	sne.s32 s6, s13;
	v1 =	vld.msk @!p1 [tilespmem:s4+$0x0], $0x1;
	_ =	sdelay $0x4  }
0x21b: {  	(v2sf) =	vpush @!p1 v1, $0x0;
	_ =	sdelay $0xe  }
.Ltmp30:
0x21c: {  	s3 =	spop @!p1 (v2sf);
	(pc) =	sbr.rel @p2 .LBB2_35-.Ltmp30, $4  }
0x21d: {  	p3 =	seq.s32 @!p1 s0, s3  }
0x21e: {  	p3 =	por !p3, p1  }
0x21f: {  	s5 =	simm.s32 @p3 $0xFFFFFFFF  }
0x220: {  	s5 =	smov.u32 @p1 s2  }
.LBB2_36:
0x221: {  	p1 =	seq.s32 s5, $0xFFFFFFFF  }
.Ltmp31:
0x222: {  	_ = 	snop;
	(pc) =	sbr.rel @p1 .LBB2_38-.Ltmp31, $1  }
0x223: {  	_ =	sdelay $0x3  }
0x224: {  	s0 =	sshll.u32 s12, $0x8  }
0x225: {  	s0 =	sand.u32 $0x3FFFFF00, s0  }
0x226: {  	v0 =	vld [tilespmem:s0+$0xE438];
	_ =	sdelay $0x2  }
0x227: {  	s2 =	sshll.u32 s5, $0xA  }
0x228: {  	s2 =	sshra.s32 s2, $0x2  }
0x229: {  	[tilespmem:s2+$0xE438] =	vst.add.f32.msk $0xffff, v0  }
0x22a: {  	v0 =	vld [tilespmem:s0+$0xE448];
	_ =	sdelay $0x4  }
0x22b: {  	[tilespmem:s2+$0xE448] =	vst.add.f32.msk $0xffff, v0  }
0x22c: {  	v0 =	vld [tilespmem:s0+$0xE458];
	_ =	sdelay $0x4  }
0x22d: {  	[tilespmem:s2+$0xE458] =	vst.add.f32.msk $0xffff, v0  }
0x22e: {  	v0 =	vld [tilespmem:s0+$0xE468];
	_ =	sdelay $0x4  }
0x22f: {  	[tilespmem:s2+$0xE468] =	vst.add.f32.msk $0xffff, v0  }
0x230: {  	v0 =	vld [tilespmem:s0+$0xE478];
	_ =	sdelay $0x4  }
0x231: {  	[tilespmem:s2+$0xE478] =	vst.add.f32.msk $0xffff, v0  }
0x232: {  	v0 =	vld [tilespmem:s0+$0xE488];
	_ =	sdelay $0x4  }
0x233: {  	[tilespmem:s2+$0xE488] =	vst.add.f32.msk $0xffff, v0  }
0x234: {  	v0 =	vld [tilespmem:s0+$0xE498];
	_ =	sdelay $0x4  }
0x235: {  	[tilespmem:s2+$0xE498] =	vst.add.f32.msk $0xffff, v0  }
0x236: {  	v0 =	vld [tilespmem:s0+$0xE4A8];
	_ =	sdelay $0x4  }
0x237: {  	[tilespmem:s2+$0xE4A8] =	vst.add.f32.msk $0xffff, v0  }
0x238: {  	v0 =	vld [tilespmem:s0+$0xE4B8];
	_ =	sdelay $0x4  }
0x239: {  	[tilespmem:s2+$0xE4B8] =	vst.add.f32.msk $0xffff, v0  }
0x23a: {  	v0 =	vld [tilespmem:s0+$0xE4C8];
	_ =	sdelay $0x4  }
0x23b: {  	[tilespmem:s2+$0xE4C8] =	vst.add.f32.msk $0xffff, v0  }
0x23c: {  	v0 =	vld [tilespmem:s0+$0xE4D8];
	_ =	sdelay $0x4  }
0x23d: {  	[tilespmem:s2+$0xE4D8] =	vst.add.f32.msk $0xffff, v0  }
0x23e: {  	v0 =	vld [tilespmem:s0+$0xE4E8];
	_ =	sdelay $0x4  }
0x23f: {  	[tilespmem:s2+$0xE4E8] =	vst.add.f32.msk $0xffff, v0  }
0x240: {  	v0 =	vld [tilespmem:s0+$0xE4F8];
	_ =	sdelay $0x4  }
0x241: {  	[tilespmem:s2+$0xE4F8] =	vst.add.f32.msk $0xffff, v0  }
0x242: {  	v0 =	vld [tilespmem:s0+$0xE508];
	_ =	sdelay $0x4  }
0x243: {  	[tilespmem:s2+$0xE508] =	vst.add.f32.msk $0xffff, v0  }
0x244: {  	v0 =	vld [tilespmem:s0+$0xE518];
	_ =	sdelay $0x4  }
0x245: {  	[tilespmem:s2+$0xE518] =	vst.add.f32.msk $0xffff, v0  }
0x246: {  	v0 =	vld [tilespmem:s0+$0xE528]  }
.Ltmp32:
0x247: {  	_ = 	snop;
	(pc) =	sbr.rel .LBB2_39-.Ltmp32, $2  }
0x248: {  	_ =	sdelay $0x2  }
0x249: {  	[tilespmem:s2+$0xE528] =	vst.add.f32.msk $0xffff, v0  }
.LBB2_40:
0x24a: {  	s0 =	simm.s32 $0x6;
	p1 =	seq.s32 s6, $0x0  }
0x24b: {  	[sflag:s0] =	ssyncpa.u1 $0x1;
	v0 =	vimm.s32 @p1 $0xFFFFFFFF  }
0x24c: {  	s0 =	sadd.s32 $0xFFFFFFFF, s6;
	[tilespmem:$0x10438] =	vst @p1 v0  }
0x24d: {  	v0 =	vld.msk @!p1 [tilespmem:s0+$0xE418], $0x1;
	_ =	sdelay $0x1  }
0x24e: {  	v1 =	vld.msk @!p1 [tilespmem:$0xE418], $0x1;
	_ =	sdelay $0x2  }
0x24f: {  	p2 =	seq.s32 @!p1 s0, $0x0;
	v0 =	vbroadcast @!p1 v0, $0x0  }
0x250: {  	vm0 =	vmmov @!p1 $0x1;
	p2 =	por !p2, p1  }
0x251: {  	v1 =	vnsel @!p1 vm0, $0xFFFFFFFF, v1;
	vm0 =	vcmask @!p1 $0x308;
	v0 =	vpsel !p2, $0xFFFFFFFF, v0  }
0x252: {  	p2 =	sne.s32 @!p1 s8, s7;
	v0 =	vsel @!p1 vm0, v1, v0  }
0x253: {  	s2 =	simm.s32 @!p1 $0xE438;
	s3 =	simm.s32 @!p1 $0x0;
	p3 =	por !p2, p1;
	[tilespmem:$0x10438] =	vst @!p1 v0  }
0x254: {  	[spmem:s3] =	stream.linear.scatter @!p1 [tilespmem:s2], [sflag:$0x1], $0x100, $0x38;
	[tilespmem:$0x1E678] =	vst v63  }
0x255: {  	s2 =	sshll.u32 @!p3 s0, $0xA  }
0x256: {  	s2 =	sshra.s32 @!p3 s2, $0x2  }
0x257: {  	s3 =	simm.s32 @!p3 $0x100;
	s2 =	sadd.s32 @!p3 $0xE438, s2  }
0x258: {  	[spmem:s3] =	stream.linear.scatter @!p3 [tilespmem:s2], [sflag:$0x1], $0x100, $0x38;
	[tilespmem:$0x1E678] =	vst v63  }
0x259: {  	s2 =	simm.s32 @!p3 $0x1  }
0x25a: {  	_ =	swait.ge @!p3 [sflag:s2], $0x200  }
0x25b: {  	p1 =	por p2, p1;
	[sflag:s2] =	ssyncset.done @!p3 $0x0  }
0x25c: {  	[sflag:s2] =	ssyncadd.s32 @!p3 $0xFFFFFE00;
	s2 =	simm.s32 @!p1 $0x1  }
0x25d: {  	_ =	swait.ge @!p1 [sflag:s2], $0x100  }
0x25e: {  	s29 =	simm.s32 $0x10438;
	[sflag:s2] =	ssyncset.done @!p1 $0x0  }
0x25f: {  	s30 =	simm.s32 $0x2000;
	s31 =	simm.s32 $0x1;
	[sflag:s2] =	ssyncadd.s32 @!p1 $0xFFFFFF00  }
0x260: {  	[spmem:s30] =	stream.linear.scatter [tilespmem:s29], [sflag:$0x1], $0x10, $0x38;
	[tilespmem:$0x1E678] =	vst v63  }
0x261: {  	_ =	swait.ge [sflag:s31], $0x10  }
0x262: {  	[sflag:s31] =	ssyncset.done $0x0  }
0x263: {  	p1 =	seq.s32 s14, $0x0;
	s9 =	rddreg [dreg:$0x1];
	[sflag:s31] =	ssyncadd.s32 $0xFFFFFFF0  }
0x264: {  	s3 =	sshll.u32 @p1 s9, $0xE;
	s8 =	rddreg [dreg:$0x2]  }
0x265: {  	s2 =	sadd.s32 @p1 $0x15C3C, s3;
	s3 =	sshll.u32 @p1 s8, $0x11  }
0x266: {  	_ =	sfence.stream.spmem;
	s2 =	sor.u32 @p1 s3, s2  }
0x267: {  	[sflag:s2] =	ssyncadd.remote.s32 @p1 $0x1;
	s2 =	simm.s32 @p1 $0x4  }
0x268: {  	s4 =	simm.s32 @!p1 $0x3C;
	s3 =	sand.u32 $0xFFFFFFFE, s9;
	_ =	swait.ge @p1 [sflag:s2], $0x42  }
0x269: {  	s5 =	simm.s32 @!p1 $0x0;
	s3 =	sadd.s32 @!p1 $0x4, s3;
	[sflag:s2] =	ssyncset.done @p1 $0x0  }
0x26a: {  	s7 =	simm.s32 @!p1 $0x200;
	[sflag:s2] =	ssyncadd.s32 @p1 $0xFFFFFFBE;
	s2 =	sshll.u32 @!p1 s3, $0x1A  }
0x26b: {  	s3 =	sshll.u32 @!p1 s3, $0xD;
	s2 =	sor.u32 @!p1 s2, s8;
	_ =	swait.eq @!p1 [sflag:s4], $0x1  }
0x26c: {  	s3 =	sor.u32 @!p1 $0x1C04, s3;
	s4 =	simm.s32 @!p1 $0x1C03;
	s2 =	sor.u32 @!p1 $0x80004000, s2  }
0x26d: {  	[spmem:s7], [sflag:s3] =	dma.general @!p1 [spmem:s5], [sflag:s4], length:$0x40, [dreg:$0x0], stride_count:$0x0, ici_dest:s2, dma_misc:DstOpCode:WRITE  }
0x26e: {  	p2 =	slt.s32 s0, $0x2;
	s5 =	simm.s32 @!p1 $0x400;
	s7 =	simm.s32 @!p1 $0x402  }
0x26f: {  	[spmem:s7], [sflag:s3] =	dma.general @!p1 [spmem:s5], [sflag:s4], length:$0x2, [dreg:$0x0], stride_count:$0x0, ici_dest:s2, dma_misc:DstOpCode:WRITE  }
.Ltmp33:
0x270: {  	s2 =	simm.s32 @!p1 $0x3;
	(pc) =	sbr.rel @p2 .LBB2_44-.Ltmp33, $4  }
0x271: {  	s3 =	sshll.u32 @!p1 s9, $0xE;
	_ =	swait.ge @!p1 [sflag:s2], $0x42  }
0x272: {  	s4 =	sshll.u32 @!p1 s8, $0x11;
	s3 =	sadd.s32 @!p1 $0x11C3C, s3;
	[sflag:s2] =	ssyncset.done @!p1 $0x0  }
0x273: {  	[sflag:s2] =	ssyncadd.s32 @!p1 $0xFFFFFFBE;
	s2 =	sor.u32 @!p1 s4, s3  }
0x274: {  	s0 =	simm.s32 $0x0;
	[sflag:s2] =	ssyncadd.remote.s32 @!p1 $0xFFFFFFFF  }
0x275: {  	s0 =	simm.s32 $0xE419  }
0x276: {  	v0 =	vld.msk [tilespmem:s0+$0x0], $0x1;
	_ =	sdelay $0x4  }
0x277: {  	(v2sf) =	vpush v0, $0x0;
	_ =	sdelay $0xd  }
0x278: {  	s31 =	sadd.s32 $0xFFFFFFFE, s6  }
0x279: {  	s6 =	simm.s32 $0x0;
	s0 =	sadd.s32 $0xFFFFFFFF, s31;
	s2 =	spop (v2sf)  }
0x27a: {  	s3 =	simm.s32 $0xE538;
	p1 =	sne.s32 s0, $0x0;
	p2 =	sgt.u32 s2, $0x7F70  }
.Ltmp34:
0x27b: {  	s4 =	simm.s32 $0xE638;
	s5 =	sand.u32 @!p2 $0x7FF8, s2;
	(pc) =	sbr.rel @!p1 .LBB2_43-.Ltmp34, $4  }
0x27c: {  	s7 =	sadd.s32 @!p2 $0x80, s2;
	s2 =	sand.u32 @!p2 $0x7, s2;
	s6 =	simm.s32 @!p2 $0x400  }
0x27d: {  	s5 =	sadd.s32 @!p2 s1, s5;
	s7 =	sand.u32 @!p2 $0xFFF8, s7;
	s6 =	sadd.s32 $0x0, s6  }
0x27e: {  	[hbm4b:s5+s2] =	stream.linear.scatter @!p2 [tilespmem:s3], [sflag:$0x5], $0x80, $0x38;
	[tilespmem:$0x1E678] =	vst v63  }
0x27f: {  	s5 =	simm.s32 $0xE41A;
	s3 =	simm.s32 @!p2 $0xE5B8;
	s7 =	sadd.s32 @!p2 s1, s7  }
.LBB2_42:
0x280: {  	[hbm4b:s7+s2] =	stream.linear.scatter @!p2 [tilespmem:s3], [sflag:$0x5], $0x80, $0x38;
	[tilespmem:$0x1E678] =	vst v63  }
0x281: {  	s0 =	sadd.s32 $0xFFFFFFFF, s0;
	s3 =	smov.u32 s4;
	v0 =	vld.msk [tilespmem:s5+$0x0], $0x1  }
0x282: {  	p1 =	sne.s32 s0, $0x0;
	_ =	sdelay $0x3  }
0x283: {  	(v2sf) =	vpush v0, $0x0;
	_ =	sdelay $0xe  }
0x284: {  	s4 =	sadd.s32 $0x100, s4;
	s8 =	simm.s32 $0x0;
	s2 =	spop (v2sf)  }
.Ltmp35:
0x285: {  	s5 =	sadd.s32 $0x1, s5;
	p2 =	sgt.u32 s2, $0x7F70;
	(pc) =	sbr.rel @p1 .LBB2_42-.Ltmp35, $4  }
0x286: {  	s8 =	simm.s32 @!p2 $0x400;
	s7 =	sand.u32 @!p2 $0x7FF8, s2;
	s9 =	sadd.s32 @!p2 $0x80, s2  }
0x287: {  	s2 =	sand.u32 @!p2 $0x7, s2;
	s7 =	sadd.s32 @!p2 s1, s7;
	s9 =	sand.u32 @!p2 $0xFFF8, s9  }
0x288: {  	[hbm4b:s7+s2] =	stream.linear.scatter @!p2 [tilespmem:s3], [sflag:$0x5], $0x80, $0x38;
	[tilespmem:$0x1E678] =	vst v63  }
0x289: {  	s6 =	sadd.s32 s6, s8;
	s3 =	sadd.s32 @!p2 $0x80, s3;
	s7 =	sadd.s32 @!p2 s1, s9  }
.LBB2_43:
0x28a: {  	[hbm4b:s7+s2] =	stream.linear.scatter @!p2 [tilespmem:s3], [sflag:$0x5], $0x80, $0x38;
	[tilespmem:$0x1E678] =	vst v63  }
0x28b: {  	s0 =	sshrl.u32 s6, $0x2  }
.LBB2_44:
0x28c: {  	s2 =	simm.s32 $0x5  }
0x28d: {  	_ =	swait.ge [sflag:s2], s0  }
0x28e: {  	s31 =	ssub.s32 $0x0, s0;
	[sflag:s2] =	ssyncset.done $0x0  }
0x28f: {  	[sflag:s2] =	ssyncadd.s32 s31  }
0x290: {  	[sflag:s2] =	ssyncpa.u1 $0x1  }
.LBB2_45:
0x291: {  	s0 =	sor.u32 s14, s15  }
0x292: {  	p1 =	sne.s32 s0, $0x0  }
.Ltmp36:
0x293: {  	_ = 	snop;
	(pc) =	sbr.rel @p1 .LBB2_60-.Ltmp36, $3  }
0x294: {  	_ =	sdelay $0x1  }
0x295: {  	[bflag:$0x0] =	sbarrier.arrive $0xFFFF  }
0x296: {  	_ =	sfence  }
0x297: {  	s0 =	simm.s32 $0x7  }
0x298: {  	s2 =	simm.s32 $0x2000;
	s3 =	simm.s32 $0xE418;
	[sflag:s0] =	ssyncpa.u1 $0x0  }
0x299: {  	[tilespmem:s3], [sflag:$0x7] =	stream.linear.gather [spmem:s2], $0x20, $0x38;
	[tilespmem:$0x1E678] =	vst v63  }
0x29a: {  	s30 =	simm.s32 $0xE438;
	s2 =	simm.s32 $0x0  }
0x29b: {  	[tilespmem:s30], [sflag:$0x7] =	stream.linear.gather [spmem:s2], $0x2000, $0x38;
	[tilespmem:$0x1E678] =	vst v63  }
.Ltmp37:
0x29c: {  	_ = 	snop;
	(pc) =	sbr.rel .LBB2_47-.Ltmp37, $4  }
0x29d: {  	_ =	swait.ge [sflag:s0], $0x2020  }
0x29e: {  	[sflag:s0] =	ssyncset.done $0x0  }
0x29f: {  	s31 =	simm.s32 $0x8;
	[sflag:s0] =	ssyncadd.s32 $0xFFFFDFE0  }
0x2a0: {  	s3 =	simm.s32 $0x0;
	[sflag:s31] =	ssyncpa.u1 $0x0  }
.LBB2_53:
0x2a1: {  	p1 =	slt.u32 s0, $0x7F71  }
0x2a2: {  	s4 =	sand.u32 @p1 $0x7FF8, s0;
	s5 =	sand.u32 @p1 $0x7, s0;
	s0 =	sadd.s32 @p1 $0x80, s0  }
0x2a3: {  	s6 =	simm.s32 @p1 $0xE308;
	s4 =	sadd.s32 @p1 s1, s4;
	s0 =	sand.u32 @p1 $0xFFF8, s0  }
0x2a4: {  	[tilespmem:s6], [sflag:$0x8] =	stream.linear.gather @p1 [hbm4b:s4+s5], $0x80, $0x38;
	[tilespmem:$0x1E678] =	vst v63  }
0x2a5: {  	s0 =	sadd.s32 @p1 s1, s0;
	s4 =	simm.s32 @p1 $0xE388  }
0x2a6: {  	[tilespmem:s4], [sflag:$0x8] =	stream.linear.gather @p1 [hbm4b:s0+s5], $0x80, $0x38;
	[tilespmem:$0x1E678] =	vst v63  }
0x2a7: {  	s0 =	simm.s32 @p1 $0x8  }
0x2a8: {  	_ =	swait.ge @p1 [sflag:s0], $0x100  }
0x2a9: {  	[sflag:s0] =	ssyncset.done @p1 $0x0  }
0x2aa: {  	[sflag:s0] =	ssyncadd.s32 @p1 $0xFFFFFF00  }
0x2ab: {  	v1 =	vld @p1 [tilespmem:$0xE308];
	_ =	sdelay $0x2  }
0x2ac: {  	s0 =	sshll.u32 @p1 s3, $0xA  }
0x2ad: {  	s4 =	sshrl.u32 @p1 s0, $0x2  }
0x2ae: {  	[tilespmem:s4+$0xE438] =	vst.add.f32.msk @p1 $0xffff, v1  }
0x2af: {  	v1 =	vld @p1 [tilespmem:$0xE318];
	_ =	sdelay $0x4  }
0x2b0: {  	[tilespmem:s4+$0xE448] =	vst.add.f32.msk @p1 $0xffff, v1  }
0x2b1: {  	v1 =	vld @p1 [tilespmem:$0xE328];
	_ =	sdelay $0x4  }
0x2b2: {  	[tilespmem:s4+$0xE458] =	vst.add.f32.msk @p1 $0xffff, v1  }
0x2b3: {  	v1 =	vld @p1 [tilespmem:$0xE338];
	_ =	sdelay $0x4  }
0x2b4: {  	[tilespmem:s4+$0xE468] =	vst.add.f32.msk @p1 $0xffff, v1  }
0x2b5: {  	v1 =	vld @p1 [tilespmem:$0xE348];
	_ =	sdelay $0x4  }
0x2b6: {  	[tilespmem:s4+$0xE478] =	vst.add.f32.msk @p1 $0xffff, v1  }
0x2b7: {  	v1 =	vld @p1 [tilespmem:$0xE358];
	_ =	sdelay $0x4  }
0x2b8: {  	[tilespmem:s4+$0xE488] =	vst.add.f32.msk @p1 $0xffff, v1  }
0x2b9: {  	v1 =	vld @p1 [tilespmem:$0xE368];
	_ =	sdelay $0x4  }
0x2ba: {  	[tilespmem:s4+$0xE498] =	vst.add.f32.msk @p1 $0xffff, v1  }
0x2bb: {  	v1 =	vld @p1 [tilespmem:$0xE378];
	_ =	sdelay $0x4  }
0x2bc: {  	[tilespmem:s4+$0xE4A8] =	vst.add.f32.msk @p1 $0xffff, v1  }
0x2bd: {  	v1 =	vld @p1 [tilespmem:$0xE388];
	_ =	sdelay $0x4  }
0x2be: {  	[tilespmem:s4+$0xE4B8] =	vst.add.f32.msk @p1 $0xffff, v1  }
0x2bf: {  	v1 =	vld @p1 [tilespmem:$0xE398];
	_ =	sdelay $0x4  }
0x2c0: {  	[tilespmem:s4+$0xE4C8] =	vst.add.f32.msk @p1 $0xffff, v1  }
0x2c1: {  	v1 =	vld @p1 [tilespmem:$0xE3A8];
	_ =	sdelay $0x4  }
0x2c2: {  	[tilespmem:s4+$0xE4D8] =	vst.add.f32.msk @p1 $0xffff, v1  }
0x2c3: {  	v1 =	vld @p1 [tilespmem:$0xE3B8];
	_ =	sdelay $0x4  }
0x2c4: {  	[tilespmem:s4+$0xE4E8] =	vst.add.f32.msk @p1 $0xffff, v1  }
0x2c5: {  	v1 =	vld @p1 [tilespmem:$0xE3C8];
	_ =	sdelay $0x4  }
0x2c6: {  	[tilespmem:s4+$0xE4F8] =	vst.add.f32.msk @p1 $0xffff, v1  }
0x2c7: {  	v1 =	vld @p1 [tilespmem:$0xE3D8];
	_ =	sdelay $0x4  }
0x2c8: {  	[tilespmem:s4+$0xE508] =	vst.add.f32.msk @p1 $0xffff, v1  }
0x2c9: {  	v1 =	vld @p1 [tilespmem:$0xE3E8];
	_ =	sdelay $0x4  }
0x2ca: {  	[tilespmem:s4+$0xE518] =	vst.add.f32.msk @p1 $0xffff, v1  }
0x2cb: {  	v1 =	vld @p1 [tilespmem:$0xE3F8];
	_ =	sdelay $0x3  }
0x2cc: {  	s5 =	sshll.u32 @!p1 s3, $0xA  }
0x2cd: {  	s5 =	smov.u32 @p1 s0;
	[tilespmem:s4+$0xE528] =	vst.add.f32.msk @p1 $0xffff, v1  }
0x2ce: {  	s0 =	sshrl.u32 s5, $0x2;
	[tilespmem:s2+$0xE418] =	vst.msk $0x1, v0  }
0x2cf: {  	v0 =	vld [tilespmem:s0+$0xE438];
	_ =	sdelay $0x2  }
0x2d0: {  	s31 =	sshll.u32 s2, $0xA  }
0x2d1: {  	s4 =	sshra.s32 s31, $0x2  }
0x2d2: {  	[tilespmem:s4+$0xE438] =	vst v0  }
0x2d3: {  	v0 =	vld [tilespmem:s0+$0xE448];
	_ =	sdelay $0x4  }
0x2d4: {  	[tilespmem:s4+$0xE448] =	vst v0  }
0x2d5: {  	v0 =	vld [tilespmem:s0+$0xE458];
	_ =	sdelay $0x4  }
0x2d6: {  	[tilespmem:s4+$0xE458] =	vst v0  }
0x2d7: {  	v0 =	vld [tilespmem:s0+$0xE468];
	_ =	sdelay $0x4  }
0x2d8: {  	[tilespmem:s4+$0xE468] =	vst v0  }
0x2d9: {  	v0 =	vld [tilespmem:s0+$0xE478];
	_ =	sdelay $0x4  }
0x2da: {  	[tilespmem:s4+$0xE478] =	vst v0  }
0x2db: {  	v0 =	vld [tilespmem:s0+$0xE488];
	_ =	sdelay $0x4  }
0x2dc: {  	[tilespmem:s4+$0xE488] =	vst v0  }
0x2dd: {  	v0 =	vld [tilespmem:s0+$0xE498];
	_ =	sdelay $0x4  }
0x2de: {  	[tilespmem:s4+$0xE498] =	vst v0  }
0x2df: {  	v0 =	vld [tilespmem:s0+$0xE4A8];
	_ =	sdelay $0x4  }
0x2e0: {  	[tilespmem:s4+$0xE4A8] =	vst v0  }
0x2e1: {  	v0 =	vld [tilespmem:s0+$0xE4B8];
	_ =	sdelay $0x4  }
0x2e2: {  	[tilespmem:s4+$0xE4B8] =	vst v0  }
0x2e3: {  	v0 =	vld [tilespmem:s0+$0xE4C8];
	_ =	sdelay $0x4  }
0x2e4: {  	[tilespmem:s4+$0xE4C8] =	vst v0  }
0x2e5: {  	v0 =	vld [tilespmem:s0+$0xE4D8];
	_ =	sdelay $0x4  }
0x2e6: {  	[tilespmem:s4+$0xE4D8] =	vst v0  }
0x2e7: {  	v0 =	vld [tilespmem:s0+$0xE4E8];
	_ =	sdelay $0x4  }
0x2e8: {  	[tilespmem:s4+$0xE4E8] =	vst v0  }
0x2e9: {  	v0 =	vld [tilespmem:s0+$0xE4F8];
	_ =	sdelay $0x4  }
0x2ea: {  	[tilespmem:s4+$0xE4F8] =	vst v0  }
0x2eb: {  	v0 =	vld [tilespmem:s0+$0xE508];
	_ =	sdelay $0x4  }
0x2ec: {  	[tilespmem:s4+$0xE508] =	vst v0  }
0x2ed: {  	v0 =	vld [tilespmem:s0+$0xE518];
	_ =	sdelay $0x4  }
0x2ee: {  	[tilespmem:s4+$0xE518] =	vst v0  }
0x2ef: {  	v0 =	vld [tilespmem:s0+$0xE528];
	_ =	sdelay $0x4  }
0x2f0: {  	s2 =	sadd.s32 $0x1, s2;
	[tilespmem:s4+$0xE528] =	vst v0  }
.LBB2_54:
0x2f1: {  	s3 =	sadd.s32 $0x1, s3  }
0x2f2: {  	p1 =	sne.s32 s3, $0x20  }
.Ltmp38:
0x2f3: {  	_ = 	snop;
	(pc) =	sbr.rel @!p1 .LBB2_55-.Ltmp38, $1  }
0x2f4: {  	_ =	sdelay $0x3  }
.LBB2_47:
0x2f5: {  	v0 =	vld.msk [tilespmem:s3+$0xE418], $0x1;
	_ =	sdelay $0x4  }
0x2f6: {  	(v2sf) =	vpush v0, $0x0;
	_ =	sdelay $0xe  }
0x2f7: {  	s0 =	spop (v2sf)  }
0x2f8: {  	p1 =	seq.s32 s0, $0xFFFFFFFF  }
.Ltmp39:
0x2f9: {  	_ = 	snop;
	(pc) =	sbr.rel @p1 .LBB2_54-.Ltmp39, $1  }
0x2fa: {  	_ =	sdelay $0x3  }
0x2fb: {  	p1 =	slt.s32 s2, $0x1  }
.Ltmp40:
0x2fc: {  	_ = 	snop;
	(pc) =	sbr.rel @p1 .LBB2_53-.Ltmp40, $1  }
0x2fd: {  	_ =	sdelay $0x3  }
0x2fe: {  	s4 =	simm.s32 $0xE418;
	p1 =	por $0x0, $0x0  }
0x2ff: {  	v1 =	vld.msk @!p1 [tilespmem:s4+$0x0], $0x1;
	_ =	sdelay $0x4  }
0x300: {  	(v2sf) =	vpush @!p1 v1, $0x0;
	_ =	sdelay $0xd  }
0x301: {  	p3 =	sne.s32 s2, $0x1  }
.Ltmp41:
0x302: {  	s5 =	spop @!p1 (v2sf);
	(pc) =	sbr.rel @!p3 .LBB2_51-.Ltmp41, $4  }
0x303: {  	p2 =	seq.s32 @!p1 s0, s5  }
0x304: {  	s5 =	simm.s32 $0x0;
	p2 =	por !p2, p1  }
0x305: {  	s7 =	simm.s32 $0xFFFFFFFF;
	s5 =	simm.s32 @p2 $0xFFFFFFFF  }
0x306: {  	s6 =	simm.s32 $0x1;
	s5 =	smov.u32 @p1 s7  }
.LBB2_50:
0x307: {  	s7 =	smov.u32 s5;
	p1 =	sne.s32 s5, $0xFFFFFFFF  }
0x308: {  	s4 =	sadd.s32 $0x1, s4;
	s5 =	smov.u32 s6;
	s6 =	sadd.s32 $0x1, s6  }
0x309: {  	p2 =	sne.s32 s2, s6;
	v1 =	vld.msk @!p1 [tilespmem:s4+$0x0], $0x1;
	_ =	sdelay $0x4  }
0x30a: {  	(v2sf) =	vpush @!p1 v1, $0x0;
	_ =	sdelay $0xe  }
.Ltmp42:
0x30b: {  	s8 =	spop @!p1 (v2sf);
	(pc) =	sbr.rel @p2 .LBB2_50-.Ltmp42, $4  }
0x30c: {  	p3 =	seq.s32 @!p1 s0, s8  }
0x30d: {  	p3 =	por !p3, p1  }
0x30e: {  	s5 =	simm.s32 @p3 $0xFFFFFFFF  }
0x30f: {  	s5 =	smov.u32 @p1 s7  }
.LBB2_51:
0x310: {  	p1 =	seq.s32 s5, $0xFFFFFFFF  }
.Ltmp43:
0x311: {  	_ = 	snop;
	(pc) =	sbr.rel @p1 .LBB2_53-.Ltmp43, $1  }
0x312: {  	_ =	sdelay $0x3  }
0x313: {  	s0 =	sshll.u32 s3, $0x8  }
0x314: {  	s0 =	sand.u32 $0x3FFFFF00, s0  }
0x315: {  	v0 =	vld [tilespmem:s0+$0xE438];
	_ =	sdelay $0x2  }
0x316: {  	s4 =	sshll.u32 s5, $0xA  }
0x317: {  	s4 =	sshra.s32 s4, $0x2  }
0x318: {  	[tilespmem:s4+$0xE438] =	vst.add.f32.msk $0xffff, v0  }
0x319: {  	v0 =	vld [tilespmem:s0+$0xE448];
	_ =	sdelay $0x4  }
0x31a: {  	[tilespmem:s4+$0xE448] =	vst.add.f32.msk $0xffff, v0  }
0x31b: {  	v0 =	vld [tilespmem:s0+$0xE458];
	_ =	sdelay $0x4  }
0x31c: {  	[tilespmem:s4+$0xE458] =	vst.add.f32.msk $0xffff, v0  }
0x31d: {  	v0 =	vld [tilespmem:s0+$0xE468];
	_ =	sdelay $0x4  }
0x31e: {  	[tilespmem:s4+$0xE468] =	vst.add.f32.msk $0xffff, v0  }
0x31f: {  	v0 =	vld [tilespmem:s0+$0xE478];
	_ =	sdelay $0x4  }
0x320: {  	[tilespmem:s4+$0xE478] =	vst.add.f32.msk $0xffff, v0  }
0x321: {  	v0 =	vld [tilespmem:s0+$0xE488];
	_ =	sdelay $0x4  }
0x322: {  	[tilespmem:s4+$0xE488] =	vst.add.f32.msk $0xffff, v0  }
0x323: {  	v0 =	vld [tilespmem:s0+$0xE498];
	_ =	sdelay $0x4  }
0x324: {  	[tilespmem:s4+$0xE498] =	vst.add.f32.msk $0xffff, v0  }
0x325: {  	v0 =	vld [tilespmem:s0+$0xE4A8];
	_ =	sdelay $0x4  }
0x326: {  	[tilespmem:s4+$0xE4A8] =	vst.add.f32.msk $0xffff, v0  }
0x327: {  	v0 =	vld [tilespmem:s0+$0xE4B8];
	_ =	sdelay $0x4  }
0x328: {  	[tilespmem:s4+$0xE4B8] =	vst.add.f32.msk $0xffff, v0  }
0x329: {  	v0 =	vld [tilespmem:s0+$0xE4C8];
	_ =	sdelay $0x4  }
0x32a: {  	[tilespmem:s4+$0xE4C8] =	vst.add.f32.msk $0xffff, v0  }
0x32b: {  	v0 =	vld [tilespmem:s0+$0xE4D8];
	_ =	sdelay $0x4  }
0x32c: {  	[tilespmem:s4+$0xE4D8] =	vst.add.f32.msk $0xffff, v0  }
0x32d: {  	v0 =	vld [tilespmem:s0+$0xE4E8];
	_ =	sdelay $0x4  }
0x32e: {  	[tilespmem:s4+$0xE4E8] =	vst.add.f32.msk $0xffff, v0  }
0x32f: {  	v0 =	vld [tilespmem:s0+$0xE4F8];
	_ =	sdelay $0x4  }
0x330: {  	[tilespmem:s4+$0xE4F8] =	vst.add.f32.msk $0xffff, v0  }
0x331: {  	v0 =	vld [tilespmem:s0+$0xE508];
	_ =	sdelay $0x4  }
0x332: {  	[tilespmem:s4+$0xE508] =	vst.add.f32.msk $0xffff, v0  }
0x333: {  	v0 =	vld [tilespmem:s0+$0xE518];
	_ =	sdelay $0x4  }
0x334: {  	[tilespmem:s4+$0xE518] =	vst.add.f32.msk $0xffff, v0  }
0x335: {  	v0 =	vld [tilespmem:s0+$0xE528]  }
.Ltmp44:
0x336: {  	_ = 	snop;
	(pc) =	sbr.rel .LBB2_54-.Ltmp44, $2  }
0x337: {  	_ =	sdelay $0x2  }
0x338: {  	[tilespmem:s4+$0xE528] =	vst.add.f32.msk $0xffff, v0  }
.LBB2_55:
0x339: {  	p1 =	slt.s32 s2, $0x1  }
.Ltmp45:
0x33a: {  	_ = 	snop;
	(pc) =	sbr.rel @p1 .LBB2_59-.Ltmp45, $3  }
0x33b: {  	_ =	sdelay $0x1  }
0x33c: {  	s0 =	simm.s32 $0x8  }
0x33d: {  	s4 =	simm.s32 $0x0;
	[sflag:s0] =	ssyncpa.u1 $0x1  }
0x33e: {  	s0 =	simm.s32 $0xE418  }
0x33f: {  	v0 =	vld.msk [tilespmem:s0+$0x0], $0x1;
	_ =	sdelay $0x4  }
0x340: {  	(v2sf) =	vpush v0, $0x0;
	_ =	sdelay $0xe  }
0x341: {  	s0 =	sadd.s32 $0xFFFFFFFF, s2;
	s3 =	spop (v2sf)  }
0x342: {  	s6 =	simm.s32 $0xE438;
	p1 =	sne.s32 s0, $0x0;
	p2 =	sgt.u32 s3, $0x7F70  }
.Ltmp46:
0x343: {  	s2 =	simm.s32 $0xE538;
	s5 =	sand.u32 @!p2 $0x7FF8, s3;
	(pc) =	sbr.rel @!p1 .LBB2_58-.Ltmp46, $4  }
0x344: {  	s7 =	sadd.s32 @!p2 $0x80, s3;
	s4 =	simm.s32 @!p2 $0x400;
	s8 =	sadd.s32 @!p2 s1, s5  }
0x345: {  	s5 =	sand.u32 @!p2 $0x7, s3;
	s3 =	simm.s32 $0xE419;
	s7 =	sand.u32 @!p2 $0xFFF8, s7  }
0x346: {  	[hbm4b:s8+s5] =	stream.linear.scatter @!p2 [tilespmem:s6], [sflag:$0x7], $0x80, $0x38;
	[tilespmem:$0x1E678] =	vst v63  }
0x347: {  	s4 =	sadd.s32 $0x0, s4;
	s6 =	simm.s32 @!p2 $0xE4B8;
	s7 =	sadd.s32 @!p2 s1, s7  }
.LBB2_57:
0x348: {  	[hbm4b:s7+s5] =	stream.linear.scatter @!p2 [tilespmem:s6], [sflag:$0x7], $0x80, $0x38;
	[tilespmem:$0x1E678] =	vst v63  }
0x349: {  	s0 =	sadd.s32 $0xFFFFFFFF, s0;
	s6 =	smov.u32 s2;
	v0 =	vld.msk [tilespmem:s3+$0x0], $0x1  }
0x34a: {  	p1 =	sne.s32 s0, $0x0;
	_ =	sdelay $0x3  }
0x34b: {  	(v2sf) =	vpush v0, $0x0;
	_ =	sdelay $0xe  }
0x34c: {  	s2 =	sadd.s32 $0x100, s2;
	s8 =	simm.s32 $0x0;
	s5 =	spop (v2sf)  }
.Ltmp47:
0x34d: {  	s3 =	sadd.s32 $0x1, s3;
	p2 =	sgt.u32 s5, $0x7F70;
	(pc) =	sbr.rel @p1 .LBB2_57-.Ltmp47, $4  }
0x34e: {  	s8 =	simm.s32 @!p2 $0x400;
	s7 =	sand.u32 @!p2 $0x7FF8, s5;
	s9 =	sadd.s32 @!p2 $0x80, s5  }
0x34f: {  	s5 =	sand.u32 @!p2 $0x7, s5;
	s7 =	sadd.s32 @!p2 s1, s7;
	s9 =	sand.u32 @!p2 $0xFFF8, s9  }
0x350: {  	[hbm4b:s7+s5] =	stream.linear.scatter @!p2 [tilespmem:s6], [sflag:$0x7], $0x80, $0x38;
	[tilespmem:$0x1E678] =	vst v63  }
0x351: {  	s4 =	sadd.s32 s4, s8;
	s6 =	sadd.s32 @!p2 $0x80, s6;
	s7 =	sadd.s32 @!p2 s1, s9  }
.LBB2_58:
0x352: {  	[hbm4b:s7+s5] =	stream.linear.scatter @!p2 [tilespmem:s6], [sflag:$0x7], $0x80, $0x38;
	[tilespmem:$0x1E678] =	vst v63  }
0x353: {  	s4 =	sshrl.u32 s4, $0x2  }
.LBB2_59:
0x354: {  	s0 =	simm.s32 $0x7  }
0x355: {  	_ =	swait.ge [sflag:s0], s4  }
0x356: {  	s1 =	ssub.s32 $0x0, s4;
	[sflag:s0] =	ssyncset.done $0x0  }
0x357: {  	[sflag:s0] =	ssyncadd.s32 s1  }
0x358: {  	[sflag:s0] =	ssyncpa.u1 $0x1  }
.LBB2_60:
0x359: {  	_ =	sfence;
	s0 =	simm.s32 $0x1  }
0x35a: {  	[sflag:s0] =	ssyncpa.u1 $0x1  }
0x35b: {  	_ =	strace $0x90000047  }
0x35c: {  	[bflag:$0x2] =	sbarrier.arrive $0xFFFF  }
0x35d: {  	s0 =	rddreg [dreg:$0x3]  }
0x35e: {  	s0 =	sadd.s32 @!p0 $0x100000, s0  }
0x35f: {  	[sflag:s0] =	ssyncadd.tile.s32 @!p0 $0x1;
	_ =	shalt  }
.Lfunc_end2:
_tile_overlayer_lowered:
.L_overlay_start_2:
0x360: {  	(tag) =	ssettag $0x2  }
0x361: {  	s0 =	rddreg [dreg:$0x0];
	s2 =	stileid.u32  }
0x362: {  	s1 =	rddreg [dreg:$0x1];
	p0 =	sne.s32 s2, $0x0  }
0x363: {  	s3 =	rddreg [dreg:$0x2];
	[bflag:$0x3] =	sbarrier.arrive $0xFFFF;
	s2 =	simm.s32 @!p0 $0x1C01  }
0x364: {  	[timem:s3], [sflag:s2] =	dma.local @!p0 [hbm:s0], s1  }
0x365: {  	s0 =	simm.s32 @!p0 $0x1  }
0x366: {  	_ =	swait.ge @!p0 [sflag:s0], s1  }
0x367: {  	s1 =	ssub.s32 @!p0 $0x0, s1;
	[sflag:s0] =	ssyncset.done @!p0 $0x0  }
0x368: {  	[sflag:s0] =	ssyncadd.s32 @!p0 s1  }
0x369: {  	[bflag:$0x3] =	sbarrier.arrive $0xFFFF  }
0x36a: {  	_ =	shalt  }

</sc_bundles>
